<compile_context>
chip_gen: v7x
topology: tpu7x:2x2x1
jax: 0.10.2.dev20260603
libtpu: 0.0.44.dev20260713+nightly
codegen_flags: <defaults>
</compile_context>

<pallas_src>
import jax
import jax.numpy as jnp
from jax import lax
from jax.experimental import pallas as pl
from jax.experimental.pallas import tpu as pltpu
from jax.experimental.pallas import tpu_sc as plsc

N = 10000
E = 320000
NC = 2
NS = 16
NW = NC * NS
EPW = E // NW
NBUF = 5
DEG_CHUNK = 80


def _chunk_for(din):
    return (40, 5) if din >= 128 else (80, 5)
ROW_STRIDE = 624
ROWS_PT = 640
DEG_W = 16

_MESH = plsc.VectorSubcoreMesh(core_axis_name="c", subcore_axis_name="s")
_SC_PARAMS_LINEAR = pltpu.CompilerParams(use_tc_tiling_on_sc=False)

BLK = 2000
GRID = N // BLK



def _spmm_call(din):
    chunk, nbuf = _chunk_for(din)
    nchunk = EPW // chunk

    def body(src_hbm, dst_hbm, xn_hbm, zeros_hbm, out_hbm,
             src_v, dst_v, rows_v, acc, *sems):
        gsem, ssem = sems[:nbuf], sems[nbuf]
        c = lax.axis_index("c")
        s = lax.axis_index("s")
        wid = s * NC + c
        pltpu.sync_copy(zeros_hbm, acc.at[pl.ds(s * ROW_STRIDE, ROWS_PT), :])
        pltpu.sync_copy(src_hbm.at[wid], src_v)
        pltpu.sync_copy(dst_hbm.at[wid], dst_v)
        plsc.subcore_barrier()

        for b in range(nbuf):
            pltpu.async_copy(xn_hbm.at[src_v.at[b]], rows_v.at[b], gsem[b])

        def outer(i, carry):
            for b in range(nbuf):
                j = i * nbuf + b
                pltpu.make_async_copy(
                    xn_hbm.at[src_v.at[j]], rows_v.at[b], gsem[b]).wait()
                pltpu.async_copy(
                    rows_v.at[b], acc.at[dst_v.at[j]], ssem, add=True).wait()
                nxt = j + nbuf

                @pl.when(nxt < nchunk)
                def _():
                    pltpu.async_copy(
                        xn_hbm.at[src_v.at[nxt]], rows_v.at[b], gsem[b])
            return carry

        lax.fori_loop(0, nchunk // nbuf, outer, 0)
        for j in range((nchunk // nbuf) * nbuf, nchunk):
            b = j % nbuf
            pltpu.make_async_copy(
                xn_hbm.at[src_v.at[j]], rows_v.at[b], gsem[b]).wait()
            pltpu.async_copy(
                rows_v.at[b], acc.at[dst_v.at[j]], ssem, add=True).wait()
        plsc.subcore_barrier()
        row0 = s * ROW_STRIDE
        pltpu.sync_copy(acc.at[pl.ds(row0, ROWS_PT), :],
                        out_hbm.at[pl.ds(c * N + row0, ROWS_PT), :])

    return pl.kernel(
        body,
        out_type=jax.ShapeDtypeStruct((NC * N, din), jnp.float32),
        mesh=_MESH,
        compiler_params=_SC_PARAMS_LINEAR,
        scratch_types=[
            pltpu.VMEM((nchunk, chunk), jnp.int32),
            pltpu.VMEM((nchunk, chunk), jnp.int32),
            pltpu.VMEM((nbuf, chunk, din), jnp.float32),
            pltpu.VMEM_SHARED((N, din), jnp.float32),
        ] + [pltpu.SemaphoreType.DMA] * (nbuf + 1),
    )


def _degree_call():

    def body(dst_hbm, ones_hbm, zeros_hbm, out_hbm, dst_v, ones_v, acc, sem):
        c = lax.axis_index("c")
        s = lax.axis_index("s")
        wid = s * NC + c
        pltpu.sync_copy(zeros_hbm, acc.at[pl.ds(s * ROW_STRIDE, ROWS_PT), :])
        pltpu.sync_copy(ones_hbm, ones_v)
        pltpu.sync_copy(dst_hbm.at[wid], dst_v)
        plsc.subcore_barrier()

        def step(i, carry):
            for b in range(NBUF):
                pltpu.async_copy(ones_v, acc.at[dst_v.at[i * NBUF + b]], sem,
                                 add=True)
            for b in range(NBUF):
                pltpu.make_async_copy(
                    ones_v, acc.at[dst_v.at[i * NBUF + b]], sem).wait()
            return carry

        lax.fori_loop(0, (EPW // DEG_CHUNK) // NBUF, step, 0)
        plsc.subcore_barrier()
        row0 = s * ROW_STRIDE
        pltpu.sync_copy(acc.at[pl.ds(row0, ROWS_PT), :],
                        out_hbm.at[pl.ds(c * N + row0, ROWS_PT), :])

    return pl.kernel(
        body,
        out_type=jax.ShapeDtypeStruct((NC * N, DEG_W), jnp.float32),
        mesh=_MESH,
        compiler_params=_SC_PARAMS_LINEAR,
        scratch_types=[
            pltpu.VMEM((EPW // DEG_CHUNK, DEG_CHUNK), jnp.int32),
            pltpu.VMEM((DEG_CHUNK, DEG_W), jnp.float32),
            pltpu.VMEM_SHARED((N, DEG_W), jnp.float32),
            pltpu.SemaphoreType.DMA,
        ],
    )



def _stage0_body(dp0_ref, dp1_ref, feat_ref, norm_ref, xn_ref):
    deg = dp0_ref[:, :1] + dp1_ref[:, :1]
    nrm = lax.rsqrt(jnp.maximum(deg, 1.0))
    norm_ref[:] = nrm
    xn_ref[:] = feat_ref[:] * nrm


def _stage0(dp, features):
    return pl.pallas_call(
        _stage0_body,
        grid=(GRID,),
        in_specs=[
            pl.BlockSpec((BLK, DEG_W), lambda i: (i, 0)),
            pl.BlockSpec((BLK, DEG_W), lambda i: (i + GRID, 0)),
            pl.BlockSpec((BLK, features.shape[1]), lambda i: (i, 0)),
        ],
        out_specs=[
            pl.BlockSpec((BLK, 1), lambda i: (i, 0)),
            pl.BlockSpec((BLK, features.shape[1]), lambda i: (i, 0)),
        ],
        out_shape=[
            jax.ShapeDtypeStruct((N, 1), jnp.float32),
            jax.ShapeDtypeStruct((N, features.shape[1]), jnp.float32),
        ],
    )(dp, dp, features)


def _mid_body(p1a_ref, p1b_ref, norm_ref, xn_ref):
    nrm = norm_ref[:]
    xn_ref[:] = -(nrm * nrm) * (p1a_ref[:] + p1b_ref[:])


def _mid(p1, norm, din):
    return pl.pallas_call(
        _mid_body,
        grid=(GRID,),
        in_specs=[
            pl.BlockSpec((BLK, din), lambda i: (i, 0)),
            pl.BlockSpec((BLK, din), lambda i: (i + GRID, 0)),
            pl.BlockSpec((BLK, 1), lambda i: (i, 0)),
        ],
        out_specs=pl.BlockSpec((BLK, din), lambda i: (i, 0)),
        out_shape=jax.ShapeDtypeStruct((N, din), jnp.float32),
    )(p1, p1, norm)


def _layer_body(x_ref, p1a_ref, p1b_ref, p2a_ref, p2b_ref, norm_ref,
                wa_ref, wb_ref, wc_ref, y_ref, xn_ref=None):
    nrm = norm_ref[:]
    x = x_ref[:]
    x1 = -(nrm * (p1a_ref[:] + p1b_ref[:]))
    x2 = -2.0 * (nrm * (p2a_ref[:] + p2b_ref[:])) - x
    acc = jnp.dot(x, wa_ref[:], preferred_element_type=jnp.float32)
    acc = acc + jnp.dot(x1, wb_ref[:], preferred_element_type=jnp.float32)
    acc = acc + jnp.dot(x2, wc_ref[:], preferred_element_type=jnp.float32)
    y = jnp.maximum(acc, 0.0)
    y_ref[:] = y
    if xn_ref is not None:
        xn_ref[:] = y * nrm


def _layer(x, p1, p2, norm, W, last):
    din = x.shape[1]
    dout = W.shape[1]
    wa, wb, wc = W[:din], W[din:2 * din], W[2 * din:]
    dcol = lambda i: (i, 0)
    dcol2 = lambda i: (i + GRID, 0)
    in_specs = [
        pl.BlockSpec((BLK, din), dcol),
        pl.BlockSpec((BLK, din), dcol),
        pl.BlockSpec((BLK, din), dcol2),
        pl.BlockSpec((BLK, din), dcol),
        pl.BlockSpec((BLK, din), dcol2),
        pl.BlockSpec((BLK, 1), dcol),
        pl.BlockSpec((din, dout), lambda i: (0, 0)),
        pl.BlockSpec((din, dout), lambda i: (0, 0)),
        pl.BlockSpec((din, dout), lambda i: (0, 0)),
    ]
    if last:
        out_specs = pl.BlockSpec((BLK, dout), dcol)
        out_shape = jax.ShapeDtypeStruct((N, dout), jnp.float32)
        fn = _layer_body
    else:
        out_specs = [pl.BlockSpec((BLK, dout), dcol)] * 2
        out_shape = [jax.ShapeDtypeStruct((N, dout), jnp.float32)] * 2
        fn = lambda *refs: _layer_body(*refs[:-1], xn_ref=refs[-1])
    return pl.pallas_call(
        fn,
        grid=(GRID,),
        in_specs=in_specs,
        out_specs=out_specs,
        out_shape=out_shape,
    )(x, p1, p1, p2, p2, norm, wa, wb, wc)



@jax.jit
def kernel(edge_index, features, W0, W1, W2):
    src_flat = edge_index[0].astype(jnp.int32)
    dst_flat = edge_index[1].astype(jnp.int32)
    dst_deg = dst_flat.reshape(NW, EPW // DEG_CHUNK, DEG_CHUNK)
    features = features.astype(jnp.float32)

    ones_rows = jnp.ones((DEG_CHUNK, DEG_W), jnp.float32)
    zeros_deg = jnp.zeros((ROWS_PT, DEG_W), jnp.float32)

    dp = _degree_call()(dst_deg, ones_rows, zeros_deg)
    norm, xn = _stage0(dp, features)

    x = features
    for W, last in ((W0, False), (W1, False), (W2, True)):
        din = x.shape[1]
        zeros_blk = jnp.zeros((ROWS_PT, din), jnp.float32)
        chunk, _ = _chunk_for(din)
        src = src_flat.reshape(NW, EPW // chunk, chunk)
        dst = dst_flat.reshape(NW, EPW // chunk, chunk)
        spmm = _spmm_call(din)
        p1 = spmm(src, dst, xn, zeros_blk)
        xn1 = _mid(p1, norm, din)
        p2 = spmm(src, dst, xn1, zeros_blk)
        if last:
            return _layer(x, p1, p2, norm, W, last=True)
        x, xn = _layer(x, p1, p2, norm, W, last=False)

# --- scband reference (transcript-rebuilt; emitter-appended) ---
"""Pipeline reference for scband-cheb-net-54193897341475 (READ-ONLY COPY).

The authoritative reference and input builder live on the scoring server;
editing this copy changes nothing except your own understanding.
"""

import jax, jax.numpy as jnp
import numpy as np

N = 10000
E = 320000
IN_FEATS = 128
N_HIDDEN = 64
N_CLASSES = 40
N_LAYERS = 2
K = 3


def cheb_conv(edge_index, feat, W, k):
    # DGL ChebConv with lambda_max=[2.0] (so re_norm = 2/lambda_max = 1.0),
    # bias=False, activation=relu (DGL default).
    src, dst = edge_index[0], edge_index[1]
    n = feat.shape[0]
    deg = jnp.zeros((n,), feat.dtype).at[dst].add(1.0)  # in-degrees
    norm = jnp.power(jnp.clip(deg, 1.0, None), -0.5)[:, None]
    re_norm = 2.0 / 2.0  # lambda_max = 2
    X0 = feat
    Xt = [X0]
    X_prev2, X_prev1 = X0, X0
    if k > 1:
        h = norm * jax.ops.segment_sum((X0 * norm)[src], dst, num_segments=n)
        X1 = -re_norm * h + X0 * (re_norm - 1.0)
        Xt.append(X1)
        X_prev2, X_prev1 = X0, X1
    for _ in range(2, k):
        h = norm * jax.ops.segment_sum((X_prev1 * norm)[src], dst, num_segments=n)
        Xi = -2.0 * re_norm * h + X_prev1 * 2.0 * (re_norm - 1.0) - X_prev2
        Xt.append(Xi)
        X_prev2, X_prev1 = X_prev1, Xi
    Xcat = jnp.concatenate(Xt, axis=1)
    return jax.nn.relu(Xcat @ W)


def setup_inputs(seed: int = 0) -> dict:
    key = jax.random.key(seed)
    k1, k2, k3 = jax.random.split(key, 3)
    edge_index = jax.random.randint(k1, (2, E), 0, N)
    features = jax.random.normal(k2, (N, IN_FEATS), dtype=jnp.float32)
    dims = [(IN_FEATS, N_HIDDEN)] + [(N_HIDDEN, N_HIDDEN)] * (N_LAYERS - 1) + [(N_HIDDEN, N_CLASSES)]
    Ws = {}
    for i, (din, dout) in enumerate(dims):
        kk = jax.random.fold_in(k3, i)
        Ws["W%d" % i] = jax.random.normal(kk, (K * din, dout), dtype=jnp.float32) * (1.0 / np.sqrt(K * din))
    return {"edge_index": edge_index, "features": features, **Ws}


def reference(edge_index, features, W0, W1, W2):
    h = features
    for W in (W0, W1):
        h = cheb_conv(edge_index, h, W, K)
        # dropout p=0.5 is a no-op in eval mode
    h = cheb_conv(edge_index, h, W2, K)
    return h

if __name__ == "__main__":
    import jax
    _d = setup_inputs()
    print(jax.jit(kernel)(*tuple(_d.values())))

</pallas_src>

<mosaic_0001>
#map = affine_map<(d0, d1) -> (0, 0, 0)>
#map1 = affine_map<(d0, d1) -> (0, 0)>
module attributes {stable_mosaic.version = 14 : i64} {
  func.func @body(%arg0: i32, %arg1: i32, %arg2: memref<32x125x80xi32, #tpu.memory_space<hbm>>, %arg3: memref<32x125x80xi32, #tpu.memory_space<hbm>>, %arg4: memref<10000x64xf32, #tpu.memory_space<hbm>>, %arg5: memref<640x64xf32, #tpu.memory_space<hbm>>, %arg6: memref<20000x64xf32, #tpu.memory_space<hbm>>, %arg7: memref<125x80xi32, #tpu.memory_space<vmem>>, %arg8: memref<125x80xi32, #tpu.memory_space<vmem>>, %arg9: memref<5x80x64xf32, #tpu.memory_space<vmem>>, %arg10: memref<10000x64xf32, #tpu.memory_space<vmem_shared>>, %arg11: memref<!tpu.dma_semaphore, #tpu.memory_space<semaphore_mem>>, %arg12: memref<!tpu.dma_semaphore, #tpu.memory_space<semaphore_mem>>, %arg13: memref<!tpu.dma_semaphore, #tpu.memory_space<semaphore_mem>>, %arg14: memref<!tpu.dma_semaphore, #tpu.memory_space<semaphore_mem>>, %arg15: memref<!tpu.dma_semaphore, #tpu.memory_space<semaphore_mem>>, %arg16: memref<!tpu.dma_semaphore, #tpu.memory_space<semaphore_mem>>) attributes {dimension_semantics = [#tpu.dimension_semantics<core_parallel>, #tpu.dimension_semantics<subcore_parallel>], iteration_bounds = array<i64: 2, 16>, scalar_prefetch = 0 : i64, scratch_operands = 10 : i64, tpu.core_type = #tpu.core_type<sc_vector_subcore>, window_params = [{transform_indices = #map}, {transform_indices = #map}, {transform_indices = #map1}, {transform_indices = #map1}, {transform_indices = #map1}]} {
    %mul3A = arith.constant 2 : i32
    %mul3A_0 = arith.muli %arg1, %mul3A : i32
    %add3A = arith.addi %mul3A_0, %arg0 : i32
    %mul3A_1 = arith.constant 624 : i32
    %mul3A_2 = arith.muli %arg1, %mul3A_1 : i32
    "tpu.region"() ({
      %run_scoped3A = tpu.sem_alloc : memref<!tpu.dma_semaphore, #tpu.memory_space<semaphore_mem>>
      %dma_start3A_73 = arith.constant 0 : i32
      %dma_start3A_74 = tpu.memref_slice %arg10[%mul3A_2, %dma_start3A_73] : memref<10000x64xf32, #tpu.memory_space<vmem_shared>> -> memref<640x64xf32, #tpu.memory_space<vmem_shared>>
      tpu.enqueue_dma source(%arg5 : memref<640x64xf32, #tpu.memory_space<hbm>>) target(%dma_start3A_74 : memref<640x64xf32, #tpu.memory_space<vmem_shared>>) target_semaphore(%run_scoped3A : memref<!tpu.dma_semaphore, #tpu.memory_space<semaphore_mem>>)
      %dma_wait3A = arith.constant 0 : i32
      %dma_wait3A_75 = tpu.memref_slice %arg10[%mul3A_2, %dma_wait3A] : memref<10000x64xf32, #tpu.memory_space<vmem_shared>> -> memref<640x64xf32, #tpu.memory_space<vmem_shared>>
      tpu.wait_dma2 semaphore(%run_scoped3A : memref<!tpu.dma_semaphore, #tpu.memory_space<semaphore_mem>>) src(%arg5 : memref<640x64xf32, #tpu.memory_space<hbm>>) dst(%dma_wait3A_75 : memref<640x64xf32, #tpu.memory_space<vmem_shared>>)
      tpu.yield
    }) : () -> ()
    "tpu.region"() ({
      %run_scoped3A = tpu.sem_alloc : memref<!tpu.dma_semaphore, #tpu.memory_space<semaphore_mem>>
      %dma_start3A_73 = arith.constant 0 : i32
      %dma_start3A_74 = arith.constant 0 : i32
      %dma_start3A_75 = tpu.memref_slice %arg2[%add3A, %dma_start3A_73, %dma_start3A_74] : memref<32x125x80xi32, #tpu.memory_space<hbm>> -> memref<1x125x80xi32, #tpu.memory_space<hbm>>
      %dma_start3A_76 = tpu.memref_squeeze %dma_start3A_75 : memref<1x125x80xi32, #tpu.memory_space<hbm>> -> memref<125x80xi32, #tpu.memory_space<hbm>>
      %dma_start3A_77 = arith.constant 0 : i32
      %dma_start3A_78 = arith.constant 0 : i32
      %dma_start3A_79 = tpu.memref_slice %arg2[%add3A, %dma_start3A_77, %dma_start3A_78] : memref<32x125x80xi32, #tpu.memory_space<hbm>> -> memref<1x125x80xi32, #tpu.memory_space<hbm>>
      %dma_start3A_80 = tpu.memref_squeeze %dma_start3A_79 : memref<1x125x80xi32, #tpu.memory_space<hbm>> -> memref<125x80xi32, #tpu.memory_space<hbm>>
      tpu.enqueue_dma source(%dma_start3A_80 : memref<125x80xi32, #tpu.memory_space<hbm>>) target(%arg7 : memref<125x80xi32, #tpu.memory_space<vmem>>) target_semaphore(%run_scoped3A : memref<!tpu.dma_semaphore, #tpu.memory_space<semaphore_mem>>)
      %dma_wait3A = arith.constant 0 : i32
      %dma_wait3A_81 = arith.constant 0 : i32
      %dma_wait3A_82 = tpu.memref_slice %arg2[%add3A, %dma_wait3A, %dma_wait3A_81] : memref<32x125x80xi32, #tpu.memory_space<hbm>> -> memref<1x125x80xi32, #tpu.memory_space<hbm>>
      %dma_wait3A_83 = tpu.memref_squeeze %dma_wait3A_82 : memref<1x125x80xi32, #tpu.memory_space<hbm>> -> memref<125x80xi32, #tpu.memory_space<hbm>>
      %dma_wait3A_84 = arith.constant 0 : i32
      %dma_wait3A_85 = arith.constant 0 : i32
      %dma_wait3A_86 = tpu.memref_slice %arg2[%add3A, %dma_wait3A_84, %dma_wait3A_85] : memref<32x125x80xi32, #tpu.memory_space<hbm>> -> memref<1x125x80xi32, #tpu.memory_space<hbm>>
      %dma_wait3A_87 = tpu.memref_squeeze %dma_wait3A_86 : memref<1x125x80xi32, #tpu.memory_space<hbm>> -> memref<125x80xi32, #tpu.memory_space<hbm>>
      tpu.wait_dma2 semaphore(%run_scoped3A : memref<!tpu.dma_semaphore, #tpu.memory_space<semaphore_mem>>) src(%dma_wait3A_87 : memref<125x80xi32, #tpu.memory_space<hbm>>) dst(%arg7 : memref<125x80xi32, #tpu.memory_space<vmem>>)
      tpu.yield
    }) : () -> ()
    "tpu.region"() ({
      %run_scoped3A = tpu.sem_alloc : memref<!tpu.dma_semaphore, #tpu.memory_space<semaphore_mem>>
      %dma_start3A_73 = arith.constant 0 : i32
      %dma_start3A_74 = arith.constant 0 : i32
      %dma_start3A_75 = tpu.memref_slice %arg3[%add3A, %dma_start3A_73, %dma_start3A_74] : memref<32x125x80xi32, #tpu.memory_space<hbm>> -> memref<1x125x80xi32, #tpu.memory_space<hbm>>
      %dma_start3A_76 = tpu.memref_squeeze %dma_start3A_75 : memref<1x125x80xi32, #tpu.memory_space<hbm>> -> memref<125x80xi32, #tpu.memory_space<hbm>>
      %dma_start3A_77 = arith.constant 0 : i32
      %dma_start3A_78 = arith.constant 0 : i32
      %dma_start3A_79 = tpu.memref_slice %arg3[%add3A, %dma_start3A_77, %dma_start3A_78] : memref<32x125x80xi32, #tpu.memory_space<hbm>> -> memref<1x125x80xi32, #tpu.memory_space<hbm>>
      %dma_start3A_80 = tpu.memref_squeeze %dma_start3A_79 : memref<1x125x80xi32, #tpu.memory_space<hbm>> -> memref<125x80xi32, #tpu.memory_space<hbm>>
      tpu.enqueue_dma source(%dma_start3A_80 : memref<125x80xi32, #tpu.memory_space<hbm>>) target(%arg8 : memref<125x80xi32, #tpu.memory_space<vmem>>) target_semaphore(%run_scoped3A : memref<!tpu.dma_semaphore, #tpu.memory_space<semaphore_mem>>)
      %dma_wait3A = arith.constant 0 : i32
      %dma_wait3A_81 = arith.constant 0 : i32
      %dma_wait3A_82 = tpu.memref_slice %arg3[%add3A, %dma_wait3A, %dma_wait3A_81] : memref<32x125x80xi32, #tpu.memory_space<hbm>> -> memref<1x125x80xi32, #tpu.memory_space<hbm>>
      %dma_wait3A_83 = tpu.memref_squeeze %dma_wait3A_82 : memref<1x125x80xi32, #tpu.memory_space<hbm>> -> memref<125x80xi32, #tpu.memory_space<hbm>>
      %dma_wait3A_84 = arith.constant 0 : i32
      %dma_wait3A_85 = arith.constant 0 : i32
      %dma_wait3A_86 = tpu.memref_slice %arg3[%add3A, %dma_wait3A_84, %dma_wait3A_85] : memref<32x125x80xi32, #tpu.memory_space<hbm>> -> memref<1x125x80xi32, #tpu.memory_space<hbm>>
      %dma_wait3A_87 = tpu.memref_squeeze %dma_wait3A_86 : memref<1x125x80xi32, #tpu.memory_space<hbm>> -> memref<125x80xi32, #tpu.memory_space<hbm>>
      tpu.wait_dma2 semaphore(%run_scoped3A : memref<!tpu.dma_semaphore, #tpu.memory_space<semaphore_mem>>) src(%dma_wait3A_87 : memref<125x80xi32, #tpu.memory_space<hbm>>) dst(%arg8 : memref<125x80xi32, #tpu.memory_space<vmem>>)
      tpu.yield
    }) : () -> ()
    %barrier3A = arith.constant 0 : index
    tpu.barrier barrier_id(%barrier3A)
    %dma_start3A = arith.constant 0 : i32
    %dma_start3A_3 = arith.constant 0 : i32
    %dma_start3A_4 = arith.constant 0 : i32
    %dma_start3A_5 = arith.constant 0 : i32
    %dma_start3A_6 = tpu.memref_slice %arg9[%dma_start3A_3, %dma_start3A_4, %dma_start3A_5] : memref<5x80x64xf32, #tpu.memory_space<vmem>> -> memref<1x80x64xf32, #tpu.memory_space<vmem>>
    %dma_start3A_7 = tpu.memref_squeeze %dma_start3A_6 : memref<1x80x64xf32, #tpu.memory_space<vmem>> -> memref<80x64xf32, #tpu.memory_space<vmem>>
    %dma_start3A_8 = arith.constant 0 : i32
    %dma_start3A_9 = tpu.memref_slice %arg7[%dma_start3A, %dma_start3A_8] : memref<125x80xi32, #tpu.memory_space<vmem>> -> memref<1x80xi32, #tpu.memory_space<vmem>>
    %dma_start3A_10 = tpu.memref_squeeze %dma_start3A_9 : memref<1x80xi32, #tpu.memory_space<vmem>> -> memref<80xi32, #tpu.memory_space<vmem>>
    %dma_start3A_11 = arith.constant 0 : i32
    %dma_start3A_12 = arith.constant 0 : i32
    %dma_start3A_13 = tpu.memref_slice %arg4[%dma_start3A_11, %dma_start3A_12] : memref<10000x64xf32, #tpu.memory_space<hbm>> -> memref<10000x64xf32, #tpu.memory_space<hbm>>
    tpu.enqueue_indirect_dma source(%dma_start3A_13 : memref<10000x64xf32, #tpu.memory_space<hbm>>) target(%dma_start3A_7 : memref<80x64xf32, #tpu.memory_space<vmem>>) offsets(%dma_start3A_10 : memref<80xi32, #tpu.memory_space<vmem>>) semaphore(%arg11 : memref<!tpu.dma_semaphore, #tpu.memory_space<semaphore_mem>>)
    %dma_start3A_14 = arith.constant 1 : i32
    %dma_start3A_15 = arith.constant 1 : i32
    %dma_start3A_16 = arith.constant 0 : i32
    %dma_start3A_17 = arith.constant 0 : i32
    %dma_start3A_18 = tpu.memref_slice %arg9[%dma_start3A_15, %dma_start3A_16, %dma_start3A_17] : memref<5x80x64xf32, #tpu.memory_space<vmem>> -> memref<1x80x64xf32, #tpu.memory_space<vmem>>
    %dma_start3A_19 = tpu.memref_squeeze %dma_start3A_18 : memref<1x80x64xf32, #tpu.memory_space<vmem>> -> memref<80x64xf32, #tpu.memory_space<vmem>>
    %dma_start3A_20 = arith.constant 0 : i32
    %dma_start3A_21 = tpu.memref_slice %arg7[%dma_start3A_14, %dma_start3A_20] : memref<125x80xi32, #tpu.memory_space<vmem>> -> memref<1x80xi32, #tpu.memory_space<vmem>>
    %dma_start3A_22 = tpu.memref_squeeze %dma_start3A_21 : memref<1x80xi32, #tpu.memory_space<vmem>> -> memref<80xi32, #tpu.memory_space<vmem>>
    %dma_start3A_23 = arith.constant 0 : i32
    %dma_start3A_24 = arith.constant 0 : i32
    %dma_start3A_25 = tpu.memref_slice %arg4[%dma_start3A_23, %dma_start3A_24] : memref<10000x64xf32, #tpu.memory_space<hbm>> -> memref<10000x64xf32, #tpu.memory_space<hbm>>
    tpu.enqueue_indirect_dma source(%dma_start3A_25 : memref<10000x64xf32, #tpu.memory_space<hbm>>) target(%dma_start3A_19 : memref<80x64xf32, #tpu.memory_space<vmem>>) offsets(%dma_start3A_22 : memref<80xi32, #tpu.memory_space<vmem>>) semaphore(%arg12 : memref<!tpu.dma_semaphore, #tpu.memory_space<semaphore_mem>>)
    %dma_start3A_26 = arith.constant 2 : i32
    %dma_start3A_27 = arith.constant 2 : i32
    %dma_start3A_28 = arith.constant 0 : i32
    %dma_start3A_29 = arith.constant 0 : i32
    %dma_start3A_30 = tpu.memref_slice %arg9[%dma_start3A_27, %dma_start3A_28, %dma_start3A_29] : memref<5x80x64xf32, #tpu.memory_space<vmem>> -> memref<1x80x64xf32, #tpu.memory_space<vmem>>
    %dma_start3A_31 = tpu.memref_squeeze %dma_start3A_30 : memref<1x80x64xf32, #tpu.memory_space<vmem>> -> memref<80x64xf32, #tpu.memory_space<vmem>>
    %dma_start3A_32 = arith.constant 0 : i32
    %dma_start3A_33 = tpu.memref_slice %arg7[%dma_start3A_26, %dma_start3A_32] : memref<125x80xi32, #tpu.memory_space<vmem>> -> memref<1x80xi32, #tpu.memory_space<vmem>>
    %dma_start3A_34 = tpu.memref_squeeze %dma_start3A_33 : memref<1x80xi32, #tpu.memory_space<vmem>> -> memref<80xi32, #tpu.memory_space<vmem>>
    %dma_start3A_35 = arith.constant 0 : i32
    %dma_start3A_36 = arith.constant 0 : i32
    %dma_start3A_37 = tpu.memref_slice %arg4[%dma_start3A_35, %dma_start3A_36] : memref<10000x64xf32, #tpu.memory_space<hbm>> -> memref<10000x64xf32, #tpu.memory_space<hbm>>
    tpu.enqueue_indirect_dma source(%dma_start3A_37 : memref<10000x64xf32, #tpu.memory_space<hbm>>) target(%dma_start3A_31 : memref<80x64xf32, #tpu.memory_space<vmem>>) offsets(%dma_start3A_34 : memref<80xi32, #tpu.memory_space<vmem>>) semaphore(%arg13 : memref<!tpu.dma_semaphore, #tpu.memory_space<semaphore_mem>>)
    %dma_start3A_38 = arith.constant 3 : i32
    %dma_start3A_39 = arith.constant 3 : i32
    %dma_start3A_40 = arith.constant 0 : i32
    %dma_start3A_41 = arith.constant 0 : i32
    %dma_start3A_42 = tpu.memref_slice %arg9[%dma_start3A_39, %dma_start3A_40, %dma_start3A_41] : memref<5x80x64xf32, #tpu.memory_space<vmem>> -> memref<1x80x64xf32, #tpu.memory_space<vmem>>
    %dma_start3A_43 = tpu.memref_squeeze %dma_start3A_42 : memref<1x80x64xf32, #tpu.memory_space<vmem>> -> memref<80x64xf32, #tpu.memory_space<vmem>>
    %dma_start3A_44 = arith.constant 0 : i32
    %dma_start3A_45 = tpu.memref_slice %arg7[%dma_start3A_38, %dma_start3A_44] : memref<125x80xi32, #tpu.memory_space<vmem>> -> memref<1x80xi32, #tpu.memory_space<vmem>>
    %dma_start3A_46 = tpu.memref_squeeze %dma_start3A_45 : memref<1x80xi32, #tpu.memory_space<vmem>> -> memref<80xi32, #tpu.memory_space<vmem>>
    %dma_start3A_47 = arith.constant 0 : i32
    %dma_start3A_48 = arith.constant 0 : i32
    %dma_start3A_49 = tpu.memref_slice %arg4[%dma_start3A_47, %dma_start3A_48] : memref<10000x64xf32, #tpu.memory_space<hbm>> -> memref<10000x64xf32, #tpu.memory_space<hbm>>
    tpu.enqueue_indirect_dma source(%dma_start3A_49 : memref<10000x64xf32, #tpu.memory_space<hbm>>) target(%dma_start3A_43 : memref<80x64xf32, #tpu.memory_space<vmem>>) offsets(%dma_start3A_46 : memref<80xi32, #tpu.memory_space<vmem>>) semaphore(%arg14 : memref<!tpu.dma_semaphore, #tpu.memory_space<semaphore_mem>>)
    %dma_start3A_50 = arith.constant 4 : i32
    %dma_start3A_51 = arith.constant 4 : i32
    %dma_start3A_52 = arith.constant 0 : i32
    %dma_start3A_53 = arith.constant 0 : i32
    %dma_start3A_54 = tpu.memref_slice %arg9[%dma_start3A_51, %dma_start3A_52, %dma_start3A_53] : memref<5x80x64xf32, #tpu.memory_space<vmem>> -> memref<1x80x64xf32, #tpu.memory_space<vmem>>
    %dma_start3A_55 = tpu.memref_squeeze %dma_start3A_54 : memref<1x80x64xf32, #tpu.memory_space<vmem>> -> memref<80x64xf32, #tpu.memory_space<vmem>>
    %dma_start3A_56 = arith.constant 0 : i32
    %dma_start3A_57 = tpu.memref_slice %arg7[%dma_start3A_50, %dma_start3A_56] : memref<125x80xi32, #tpu.memory_space<vmem>> -> memref<1x80xi32, #tpu.memory_space<vmem>>
    %dma_start3A_58 = tpu.memref_squeeze %dma_start3A_57 : memref<1x80xi32, #tpu.memory_space<vmem>> -> memref<80xi32, #tpu.memory_space<vmem>>
    %dma_start3A_59 = arith.constant 0 : i32
    %dma_start3A_60 = arith.constant 0 : i32
    %dma_start3A_61 = tpu.memref_slice %arg4[%dma_start3A_59, %dma_start3A_60] : memref<10000x64xf32, #tpu.memory_space<hbm>> -> memref<10000x64xf32, #tpu.memory_space<hbm>>
    tpu.enqueue_indirect_dma source(%dma_start3A_61 : memref<10000x64xf32, #tpu.memory_space<hbm>>) target(%dma_start3A_55 : memref<80x64xf32, #tpu.memory_space<vmem>>) offsets(%dma_start3A_58 : memref<80xi32, #tpu.memory_space<vmem>>) semaphore(%arg15 : memref<!tpu.dma_semaphore, #tpu.memory_space<semaphore_mem>>)
    %scan3A = arith.constant 0 : i32
    %scan3A_62 = arith.constant 0 : i32
    %scan3A_63 = arith.constant 25 : i32
    %scan3A_64 = arith.addi %scan3A_62, %scan3A_63 : i32
    %scan3A_65 = arith.constant 1 : i32
    scf.for %scan3A_73 = %scan3A_62 to %scan3A_64 step %scan3A_65  : i32 {
      %mul3A_74 = arith.constant 5 : i32
      %mul3A_75 = arith.muli %scan3A_73, %mul3A_74 : i32
      %add3A_76 = arith.constant 0 : i32
      %add3A_77 = arith.addi %mul3A_75, %add3A_76 : i32
      %dma_wait3A = arith.constant 0 : i32
      %dma_wait3A_78 = arith.constant 0 : i32
      %dma_wait3A_79 = arith.constant 0 : i32
      %dma_wait3A_80 = tpu.memref_slice %arg9[%dma_wait3A, %dma_wait3A_78, %dma_wait3A_79] : memref<5x80x64xf32, #tpu.memory_space<vmem>> -> memref<1x80x64xf32, #tpu.memory_space<vmem>>
      %dma_wait3A_81 = tpu.memref_squeeze %dma_wait3A_80 : memref<1x80x64xf32, #tpu.memory_space<vmem>> -> memref<80x64xf32, #tpu.memory_space<vmem>>
      %dma_wait3A_82 = arith.constant 0 : i32
      %dma_wait3A_83 = tpu.memref_slice %arg7[%add3A_77, %dma_wait3A_82] : memref<125x80xi32, #tpu.memory_space<vmem>> -> memref<1x80xi32, #tpu.memory_space<vmem>>
      %dma_wait3A_84 = tpu.memref_squeeze %dma_wait3A_83 : memref<1x80xi32, #tpu.memory_space<vmem>> -> memref<80xi32, #tpu.memory_space<vmem>>
      %dma_wait3A_85 = arith.constant 0 : i32
      %dma_wait3A_86 = arith.constant 0 : i32
      %dma_wait3A_87 = tpu.memref_slice %arg4[%dma_wait3A_85, %dma_wait3A_86] : memref<10000x64xf32, #tpu.memory_space<hbm>> -> memref<10000x64xf32, #tpu.memory_space<hbm>>
      tpu.wait_indirect_dma semaphore(%arg11 : memref<!tpu.dma_semaphore, #tpu.memory_space<semaphore_mem>>) src(%dma_wait3A_87 : memref<10000x64xf32, #tpu.memory_space<hbm>>) dst(%dma_wait3A_81 : memref<80x64xf32, #tpu.memory_space<vmem>>)
      %dma_start3A_88 = arith.constant 0 : i32
      %dma_start3A_89 = arith.constant 0 : i32
      %dma_start3A_90 = arith.constant 0 : i32
      %dma_start3A_91 = tpu.memref_slice %arg9[%dma_start3A_88, %dma_start3A_89, %dma_start3A_90] : memref<5x80x64xf32, #tpu.memory_space<vmem>> -> memref<1x80x64xf32, #tpu.memory_space<vmem>>
      %dma_start3A_92 = tpu.memref_squeeze %dma_start3A_91 : memref<1x80x64xf32, #tpu.memory_space<vmem>> -> memref<80x64xf32, #tpu.memory_space<vmem>>
      %dma_start3A_93 = arith.constant 0 : i32
      %dma_start3A_94 = tpu.memref_slice %arg8[%add3A_77, %dma_start3A_93] : memref<125x80xi32, #tpu.memory_space<vmem>> -> memref<1x80xi32, #tpu.memory_space<vmem>>
      %dma_start3A_95 = tpu.memref_squeeze %dma_start3A_94 : memref<1x80xi32, #tpu.memory_space<vmem>> -> memref<80xi32, #tpu.memory_space<vmem>>
      %dma_start3A_96 = arith.constant 0 : i32
      %dma_start3A_97 = arith.constant 0 : i32
      %dma_start3A_98 = tpu.memref_slice %arg10[%dma_start3A_96, %dma_start3A_97] : memref<10000x64xf32, #tpu.memory_space<vmem_shared>> -> memref<10000x64xf32, #tpu.memory_space<vmem_shared>>
      tpu.enqueue_indirect_dma source(%dma_start3A_92 : memref<80x64xf32, #tpu.memory_space<vmem>>) target(%dma_start3A_98 : memref<10000x64xf32, #tpu.memory_space<vmem_shared>>) offsets(%dma_start3A_95 : memref<80xi32, #tpu.memory_space<vmem>>) semaphore(%arg16 : memref<!tpu.dma_semaphore, #tpu.memory_space<semaphore_mem>>) {add = true}
      %dma_wait3A_99 = arith.constant 0 : i32
      %dma_wait3A_100 = arith.constant 0 : i32
      %dma_wait3A_101 = arith.constant 0 : i32
      %dma_wait3A_102 = tpu.memref_slice %arg9[%dma_wait3A_99, %dma_wait3A_100, %dma_wait3A_101] : memref<5x80x64xf32, #tpu.memory_space<vmem>> -> memref<1x80x64xf32, #tpu.memory_space<vmem>>
      %dma_wait3A_103 = tpu.memref_squeeze %dma_wait3A_102 : memref<1x80x64xf32, #tpu.memory_space<vmem>> -> memref<80x64xf32, #tpu.memory_space<vmem>>
      %dma_wait3A_104 = arith.constant 0 : i32
      %dma_wait3A_105 = tpu.memref_slice %arg8[%add3A_77, %dma_wait3A_104] : memref<125x80xi32, #tpu.memory_space<vmem>> -> memref<1x80xi32, #tpu.memory_space<vmem>>
      %dma_wait3A_106 = tpu.memref_squeeze %dma_wait3A_105 : memref<1x80xi32, #tpu.memory_space<vmem>> -> memref<80xi32, #tpu.memory_space<vmem>>
      %dma_wait3A_107 = arith.constant 0 : i32
      %dma_wait3A_108 = arith.constant 0 : i32
      %dma_wait3A_109 = tpu.memref_slice %arg10[%dma_wait3A_107, %dma_wait3A_108] : memref<10000x64xf32, #tpu.memory_space<vmem_shared>> -> memref<10000x64xf32, #tpu.memory_space<vmem_shared>>
      tpu.wait_indirect_dma semaphore(%arg16 : memref<!tpu.dma_semaphore, #tpu.memory_space<semaphore_mem>>) src(%dma_wait3A_103 : memref<80x64xf32, #tpu.memory_space<vmem>>) dst(%dma_wait3A_109 : memref<10000x64xf32, #tpu.memory_space<vmem_shared>>)
      %add3A_110 = arith.constant 5 : i32
      %add3A_111 = arith.addi %add3A_77, %add3A_110 : i32
      %lt3A = arith.constant 125 : i32
      %lt3A_112 = arith.cmpi slt, %add3A_111, %lt3A : i32
      %convert_element_type3A = arith.extui %lt3A_112 : i1 to i32
      %cond3A = arith.constant 0 : i32
      %cond3A_113 = arith.cmpi ne, %convert_element_type3A, %cond3A : i32
      scf.if %cond3A_113 {
        %dma_start3A_290 = arith.constant 0 : i32
        %dma_start3A_291 = arith.constant 0 : i32
        %dma_start3A_292 = arith.constant 0 : i32
        %dma_start3A_293 = tpu.memref_slice %arg9[%dma_start3A_290, %dma_start3A_291, %dma_start3A_292] : memref<5x80x64xf32, #tpu.memory_space<vmem>> -> memref<1x80x64xf32, #tpu.memory_space<vmem>>
        %dma_start3A_294 = tpu.memref_squeeze %dma_start3A_293 : memref<1x80x64xf32, #tpu.memory_space<vmem>> -> memref<80x64xf32, #tpu.memory_space<vmem>>
        %dma_start3A_295 = arith.constant 0 : i32
        %dma_start3A_296 = tpu.memref_slice %arg7[%add3A_111, %dma_start3A_295] : memref<125x80xi32, #tpu.memory_space<vmem>> -> memref<1x80xi32, #tpu.memory_space<vmem>>
        %dma_start3A_297 = tpu.memref_squeeze %dma_start3A_296 : memref<1x80xi32, #tpu.memory_space<vmem>> -> memref<80xi32, #tpu.memory_space<vmem>>
        %dma_start3A_298 = arith.constant 0 : i32
        %dma_start3A_299 = arith.constant 0 : i32
        %dma_start3A_300 = tpu.memref_slice %arg4[%dma_start3A_298, %dma_start3A_299] : memref<10000x64xf32, #tpu.memory_space<hbm>> -> memref<10000x64xf32, #tpu.memory_space<hbm>>
        tpu.enqueue_indirect_dma source(%dma_start3A_300 : memref<10000x64xf32, #tpu.memory_space<hbm>>) target(%dma_start3A_294 : memref<80x64xf32, #tpu.memory_space<vmem>>) offsets(%dma_start3A_297 : memref<80xi32, #tpu.memory_space<vmem>>) semaphore(%arg11 : memref<!tpu.dma_semaphore, #tpu.memory_space<semaphore_mem>>)
      } else {
      }
      %mul3A_114 = arith.constant 5 : i32
      %mul3A_115 = arith.muli %scan3A_73, %mul3A_114 : i32
      %add3A_116 = arith.constant 1 : i32
      %add3A_117 = arith.addi %mul3A_115, %add3A_116 : i32
      %dma_wait3A_118 = arith.constant 1 : i32
      %dma_wait3A_119 = arith.constant 0 : i32
      %dma_wait3A_120 = arith.constant 0 : i32
      %dma_wait3A_121 = tpu.memref_slice %arg9[%dma_wait3A_118, %dma_wait3A_119, %dma_wait3A_120] : memref<5x80x64xf32, #tpu.memory_space<vmem>> -> memref<1x80x64xf32, #tpu.memory_space<vmem>>
      %dma_wait3A_122 = tpu.memref_squeeze %dma_wait3A_121 : memref<1x80x64xf32, #tpu.memory_space<vmem>> -> memref<80x64xf32, #tpu.memory_space<vmem>>
      %dma_wait3A_123 = arith.constant 0 : i32
      %dma_wait3A_124 = tpu.memref_slice %arg7[%add3A_117, %dma_wait3A_123] : memref<125x80xi32, #tpu.memory_space<vmem>> -> memref<1x80xi32, #tpu.memory_space<vmem>>
      %dma_wait3A_125 = tpu.memref_squeeze %dma_wait3A_124 : memref<1x80xi32, #tpu.memory_space<vmem>> -> memref<80xi32, #tpu.memory_space<vmem>>
      %dma_wait3A_126 = arith.constant 0 : i32
      %dma_wait3A_127 = arith.constant 0 : i32
      %dma_wait3A_128 = tpu.memref_slice %arg4[%dma_wait3A_126, %dma_wait3A_127] : memref<10000x64xf32, #tpu.memory_space<hbm>> -> memref<10000x64xf32, #tpu.memory_space<hbm>>
      tpu.wait_indirect_dma semaphore(%arg12 : memref<!tpu.dma_semaphore, #tpu.memory_space<semaphore_mem>>) src(%dma_wait3A_128 : memref<10000x64xf32, #tpu.memory_space<hbm>>) dst(%dma_wait3A_122 : memref<80x64xf32, #tpu.memory_space<vmem>>)
      %dma_start3A_129 = arith.constant 1 : i32
      %dma_start3A_130 = arith.constant 0 : i32
      %dma_start3A_131 = arith.constant 0 : i32
      %dma_start3A_132 = tpu.memref_slice %arg9[%dma_start3A_129, %dma_start3A_130, %dma_start3A_131] : memref<5x80x64xf32, #tpu.memory_space<vmem>> -> memref<1x80x64xf32, #tpu.memory_space<vmem>>
      %dma_start3A_133 = tpu.memref_squeeze %dma_start3A_132 : memref<1x80x64xf32, #tpu.memory_space<vmem>> -> memref<80x64xf32, #tpu.memory_space<vmem>>
      %dma_start3A_134 = arith.constant 0 : i32
      %dma_start3A_135 = tpu.memref_slice %arg8[%add3A_117, %dma_start3A_134] : memref<125x80xi32, #tpu.memory_space<vmem>> -> memref<1x80xi32, #tpu.memory_space<vmem>>
      %dma_start3A_136 = tpu.memref_squeeze %dma_start3A_135 : memref<1x80xi32, #tpu.memory_space<vmem>> -> memref<80xi32, #tpu.memory_space<vmem>>
      %dma_start3A_137 = arith.constant 0 : i32
      %dma_start3A_138 = arith.constant 0 : i32
      %dma_start3A_139 = tpu.memref_slice %arg10[%dma_start3A_137, %dma_start3A_138] : memref<10000x64xf32, #tpu.memory_space<vmem_shared>> -> memref<10000x64xf32, #tpu.memory_space<vmem_shared>>
      tpu.enqueue_indirect_dma source(%dma_start3A_133 : memref<80x64xf32, #tpu.memory_space<vmem>>) target(%dma_start3A_139 : memref<10000x64xf32, #tpu.memory_space<vmem_shared>>) offsets(%dma_start3A_136 : memref<80xi32, #tpu.memory_space<vmem>>) semaphore(%arg16 : memref<!tpu.dma_semaphore, #tpu.memory_space<semaphore_mem>>) {add = true}
      %dma_wait3A_140 = arith.constant 1 : i32
      %dma_wait3A_141 = arith.constant 0 : i32
      %dma_wait3A_142 = arith.constant 0 : i32
      %dma_wait3A_143 = tpu.memref_slice %arg9[%dma_wait3A_140, %dma_wait3A_141, %dma_wait3A_142] : memref<5x80x64xf32, #tpu.memory_space<vmem>> -> memref<1x80x64xf32, #tpu.memory_space<vmem>>
      %dma_wait3A_144 = tpu.memref_squeeze %dma_wait3A_143 : memref<1x80x64xf32, #tpu.memory_space<vmem>> -> memref<80x64xf32, #tpu.memory_space<vmem>>
      %dma_wait3A_145 = arith.constant 0 : i32
      %dma_wait3A_146 = tpu.memref_slice %arg8[%add3A_117, %dma_wait3A_145] : memref<125x80xi32, #tpu.memory_space<vmem>> -> memref<1x80xi32, #tpu.memory_space<vmem>>
      %dma_wait3A_147 = tpu.memref_squeeze %dma_wait3A_146 : memref<1x80xi32, #tpu.memory_space<vmem>> -> memref<80xi32, #tpu.memory_space<vmem>>
      %dma_wait3A_148 = arith.constant 0 : i32
      %dma_wait3A_149 = arith.constant 0 : i32
      %dma_wait3A_150 = tpu.memref_slice %arg10[%dma_wait3A_148, %dma_wait3A_149] : memref<10000x64xf32, #tpu.memory_space<vmem_shared>> -> memref<10000x64xf32, #tpu.memory_space<vmem_shared>>
      tpu.wait_indirect_dma semaphore(%arg16 : memref<!tpu.dma_semaphore, #tpu.memory_space<semaphore_mem>>) src(%dma_wait3A_144 : memref<80x64xf32, #tpu.memory_space<vmem>>) dst(%dma_wait3A_150 : memref<10000x64xf32, #tpu.memory_space<vmem_shared>>)
      %add3A_151 = arith.constant 5 : i32
      %add3A_152 = arith.addi %add3A_117, %add3A_151 : i32
      %lt3A_153 = arith.constant 125 : i32
      %lt3A_154 = arith.cmpi slt, %add3A_152, %lt3A_153 : i32
      %convert_element_type3A_155 = arith.extui %lt3A_154 : i1 to i32
      %cond3A_156 = arith.constant 0 : i32
      %cond3A_157 = arith.cmpi ne, %convert_element_type3A_155, %cond3A_156 : i32
      scf.if %cond3A_157 {
        %dma_start3A_290 = arith.constant 1 : i32
        %dma_start3A_291 = arith.constant 0 : i32
        %dma_start3A_292 = arith.constant 0 : i32
        %dma_start3A_293 = tpu.memref_slice %arg9[%dma_start3A_290, %dma_start3A_291, %dma_start3A_292] : memref<5x80x64xf32, #tpu.memory_space<vmem>> -> memref<1x80x64xf32, #tpu.memory_space<vmem>>
        %dma_start3A_294 = tpu.memref_squeeze %dma_start3A_293 : memref<1x80x64xf32, #tpu.memory_space<vmem>> -> memref<80x64xf32, #tpu.memory_space<vmem>>
        %dma_start3A_295 = arith.constant 0 : i32
        %dma_start3A_296 = tpu.memref_slice %arg7[%add3A_152, %dma_start3A_295] : memref<125x80xi32, #tpu.memory_space<vmem>> -> memref<1x80xi32, #tpu.memory_space<vmem>>
        %dma_start3A_297 = tpu.memref_squeeze %dma_start3A_296 : memref<1x80xi32, #tpu.memory_space<vmem>> -> memref<80xi32, #tpu.memory_space<vmem>>
        %dma_start3A_298 = arith.constant 0 : i32
        %dma_start3A_299 = arith.constant 0 : i32
        %dma_start3A_300 = tpu.memref_slice %arg4[%dma_start3A_298, %dma_start3A_299] : memref<10000x64xf32, #tpu.memory_space<hbm>> -> memref<10000x64xf32, #tpu.memory_space<hbm>>
        tpu.enqueue_indirect_dma source(%dma_start3A_300 : memref<10000x64xf32, #tpu.memory_space<hbm>>) target(%dma_start3A_294 : memref<80x64xf32, #tpu.memory_space<vmem>>) offsets(%dma_start3A_297 : memref<80xi32, #tpu.memory_space<vmem>>) semaphore(%arg12 : memref<!tpu.dma_semaphore, #tpu.memory_space<semaphore_mem>>)
      } else {
      }
      %mul3A_158 = arith.constant 5 : i32
      %mul3A_159 = arith.muli %scan3A_73, %mul3A_158 : i32
      %add3A_160 = arith.constant 2 : i32
      %add3A_161 = arith.addi %mul3A_159, %add3A_160 : i32
      %dma_wait3A_162 = arith.constant 2 : i32
      %dma_wait3A_163 = arith.constant 0 : i32
      %dma_wait3A_164 = arith.constant 0 : i32
      %dma_wait3A_165 = tpu.memref_slice %arg9[%dma_wait3A_162, %dma_wait3A_163, %dma_wait3A_164] : memref<5x80x64xf32, #tpu.memory_space<vmem>> -> memref<1x80x64xf32, #tpu.memory_space<vmem>>
      %dma_wait3A_166 = tpu.memref_squeeze %dma_wait3A_165 : memref<1x80x64xf32, #tpu.memory_space<vmem>> -> memref<80x64xf32, #tpu.memory_space<vmem>>
      %dma_wait3A_167 = arith.constant 0 : i32
      %dma_wait3A_168 = tpu.memref_slice %arg7[%add3A_161, %dma_wait3A_167] : memref<125x80xi32, #tpu.memory_space<vmem>> -> memref<1x80xi32, #tpu.memory_space<vmem>>
      %dma_wait3A_169 = tpu.memref_squeeze %dma_wait3A_168 : memref<1x80xi32, #tpu.memory_space<vmem>> -> memref<80xi32, #tpu.memory_space<vmem>>
      %dma_wait3A_170 = arith.constant 0 : i32
      %dma_wait3A_171 = arith.constant 0 : i32
      %dma_wait3A_172 = tpu.memref_slice %arg4[%dma_wait3A_170, %dma_wait3A_171] : memref<10000x64xf32, #tpu.memory_space<hbm>> -> memref<10000x64xf32, #tpu.memory_space<hbm>>
      tpu.wait_indirect_dma semaphore(%arg13 : memref<!tpu.dma_semaphore, #tpu.memory_space<semaphore_mem>>) src(%dma_wait3A_172 : memref<10000x64xf32, #tpu.memory_space<hbm>>) dst(%dma_wait3A_166 : memref<80x64xf32, #tpu.memory_space<vmem>>)
      %dma_start3A_173 = arith.constant 2 : i32
      %dma_start3A_174 = arith.constant 0 : i32
      %dma_start3A_175 = arith.constant 0 : i32
      %dma_start3A_176 = tpu.memref_slice %arg9[%dma_start3A_173, %dma_start3A_174, %dma_start3A_175] : memref<5x80x64xf32, #tpu.memory_space<vmem>> -> memref<1x80x64xf32, #tpu.memory_space<vmem>>
      %dma_start3A_177 = tpu.memref_squeeze %dma_start3A_176 : memref<1x80x64xf32, #tpu.memory_space<vmem>> -> memref<80x64xf32, #tpu.memory_space<vmem>>
      %dma_start3A_178 = arith.constant 0 : i32
      %dma_start3A_179 = tpu.memref_slice %arg8[%add3A_161, %dma_start3A_178] : memref<125x80xi32, #tpu.memory_space<vmem>> -> memref<1x80xi32, #tpu.memory_space<vmem>>
      %dma_start3A_180 = tpu.memref_squeeze %dma_start3A_179 : memref<1x80xi32, #tpu.memory_space<vmem>> -> memref<80xi32, #tpu.memory_space<vmem>>
      %dma_start3A_181 = arith.constant 0 : i32
      %dma_start3A_182 = arith.constant 0 : i32
      %dma_start3A_183 = tpu.memref_slice %arg10[%dma_start3A_181, %dma_start3A_182] : memref<10000x64xf32, #tpu.memory_space<vmem_shared>> -> memref<10000x64xf32, #tpu.memory_space<vmem_shared>>
      tpu.enqueue_indirect_dma source(%dma_start3A_177 : memref<80x64xf32, #tpu.memory_space<vmem>>) target(%dma_start3A_183 : memref<10000x64xf32, #tpu.memory_space<vmem_shared>>) offsets(%dma_start3A_180 : memref<80xi32, #tpu.memory_space<vmem>>) semaphore(%arg16 : memref<!tpu.dma_semaphore, #tpu.memory_space<semaphore_mem>>) {add = true}
      %dma_wait3A_184 = arith.constant 2 : i32
      %dma_wait3A_185 = arith.constant 0 : i32
      %dma_wait3A_186 = arith.constant 0 : i32
      %dma_wait3A_187 = tpu.memref_slice %arg9[%dma_wait3A_184, %dma_wait3A_185, %dma_wait3A_186] : memref<5x80x64xf32, #tpu.memory_space<vmem>> -> memref<1x80x64xf32, #tpu.memory_space<vmem>>
      %dma_wait3A_188 = tpu.memref_squeeze %dma_wait3A_187 : memref<1x80x64xf32, #tpu.memory_space<vmem>> -> memref<80x64xf32, #tpu.memory_space<vmem>>
      %dma_wait3A_189 = arith.constant 0 : i32
      %dma_wait3A_190 = tpu.memref_slice %arg8[%add3A_161, %dma_wait3A_189] : memref<125x80xi32, #tpu.memory_space<vmem>> -> memref<1x80xi32, #tpu.memory_space<vmem>>
      %dma_wait3A_191 = tpu.memref_squeeze %dma_wait3A_190 : memref<1x80xi32, #tpu.memory_space<vmem>> -> memref<80xi32, #tpu.memory_space<vmem>>
      %dma_wait3A_192 = arith.constant 0 : i32
      %dma_wait3A_193 = arith.constant 0 : i32
      %dma_wait3A_194 = tpu.memref_slice %arg10[%dma_wait3A_192, %dma_wait3A_193] : memref<10000x64xf32, #tpu.memory_space<vmem_shared>> -> memref<10000x64xf32, #tpu.memory_space<vmem_shared>>
      tpu.wait_indirect_dma semaphore(%arg16 : memref<!tpu.dma_semaphore, #tpu.memory_space<semaphore_mem>>) src(%dma_wait3A_188 : memref<80x64xf32, #tpu.memory_space<vmem>>) dst(%dma_wait3A_194 : memref<10000x64xf32, #tpu.memory_space<vmem_shared>>)
      %add3A_195 = arith.constant 5 : i32
      %add3A_196 = arith.addi %add3A_161, %add3A_195 : i32
      %lt3A_197 = arith.constant 125 : i32
      %lt3A_198 = arith.cmpi slt, %add3A_196, %lt3A_197 : i32
      %convert_element_type3A_199 = arith.extui %lt3A_198 : i1 to i32
      %cond3A_200 = arith.constant 0 : i32
      %cond3A_201 = arith.cmpi ne, %convert_element_type3A_199, %cond3A_200 : i32
      scf.if %cond3A_201 {
        %dma_start3A_290 = arith.constant 2 : i32
        %dma_start3A_291 = arith.constant 0 : i32
        %dma_start3A_292 = arith.constant 0 : i32
        %dma_start3A_293 = tpu.memref_slice %arg9[%dma_start3A_290, %dma_start3A_291, %dma_start3A_292] : memref<5x80x64xf32, #tpu.memory_space<vmem>> -> memref<1x80x64xf32, #tpu.memory_space<vmem>>
        %dma_start3A_294 = tpu.memref_squeeze %dma_start3A_293 : memref<1x80x64xf32, #tpu.memory_space<vmem>> -> memref<80x64xf32, #tpu.memory_space<vmem>>
        %dma_start3A_295 = arith.constant 0 : i32
        %dma_start3A_296 = tpu.memref_slice %arg7[%add3A_196, %dma_start3A_295] : memref<125x80xi32, #tpu.memory_space<vmem>> -> memref<1x80xi32, #tpu.memory_space<vmem>>
        %dma_start3A_297 = tpu.memref_squeeze %dma_start3A_296 : memref<1x80xi32, #tpu.memory_space<vmem>> -> memref<80xi32, #tpu.memory_space<vmem>>
        %dma_start3A_298 = arith.constant 0 : i32
        %dma_start3A_299 = arith.constant 0 : i32
        %dma_start3A_300 = tpu.memref_slice %arg4[%dma_start3A_298, %dma_start3A_299] : memref<10000x64xf32, #tpu.memory_space<hbm>> -> memref<10000x64xf32, #tpu.memory_space<hbm>>
        tpu.enqueue_indirect_dma source(%dma_start3A_300 : memref<10000x64xf32, #tpu.memory_space<hbm>>) target(%dma_start3A_294 : memref<80x64xf32, #tpu.memory_space<vmem>>) offsets(%dma_start3A_297 : memref<80xi32, #tpu.memory_space<vmem>>) semaphore(%arg13 : memref<!tpu.dma_semaphore, #tpu.memory_space<semaphore_mem>>)
      } else {
      }
      %mul3A_202 = arith.constant 5 : i32
      %mul3A_203 = arith.muli %scan3A_73, %mul3A_202 : i32
      %add3A_204 = arith.constant 3 : i32
      %add3A_205 = arith.addi %mul3A_203, %add3A_204 : i32
      %dma_wait3A_206 = arith.constant 3 : i32
      %dma_wait3A_207 = arith.constant 0 : i32
      %dma_wait3A_208 = arith.constant 0 : i32
      %dma_wait3A_209 = tpu.memref_slice %arg9[%dma_wait3A_206, %dma_wait3A_207, %dma_wait3A_208] : memref<5x80x64xf32, #tpu.memory_space<vmem>> -> memref<1x80x64xf32, #tpu.memory_space<vmem>>
      %dma_wait3A_210 = tpu.memref_squeeze %dma_wait3A_209 : memref<1x80x64xf32, #tpu.memory_space<vmem>> -> memref<80x64xf32, #tpu.memory_space<vmem>>
      %dma_wait3A_211 = arith.constant 0 : i32
      %dma_wait3A_212 = tpu.memref_slice %arg7[%add3A_205, %dma_wait3A_211] : memref<125x80xi32, #tpu.memory_space<vmem>> -> memref<1x80xi32, #tpu.memory_space<vmem>>
      %dma_wait3A_213 = tpu.memref_squeeze %dma_wait3A_212 : memref<1x80xi32, #tpu.memory_space<vmem>> -> memref<80xi32, #tpu.memory_space<vmem>>
      %dma_wait3A_214 = arith.constant 0 : i32
      %dma_wait3A_215 = arith.constant 0 : i32
      %dma_wait3A_216 = tpu.memref_slice %arg4[%dma_wait3A_214, %dma_wait3A_215] : memref<10000x64xf32, #tpu.memory_space<hbm>> -> memref<10000x64xf32, #tpu.memory_space<hbm>>
      tpu.wait_indirect_dma semaphore(%arg14 : memref<!tpu.dma_semaphore, #tpu.memory_space<semaphore_mem>>) src(%dma_wait3A_216 : memref<10000x64xf32, #tpu.memory_space<hbm>>) dst(%dma_wait3A_210 : memref<80x64xf32, #tpu.memory_space<vmem>>)
      %dma_start3A_217 = arith.constant 3 : i32
      %dma_start3A_218 = arith.constant 0 : i32
      %dma_start3A_219 = arith.constant 0 : i32
      %dma_start3A_220 = tpu.memref_slice %arg9[%dma_start3A_217, %dma_start3A_218, %dma_start3A_219] : memref<5x80x64xf32, #tpu.memory_space<vmem>> -> memref<1x80x64xf32, #tpu.memory_space<vmem>>
      %dma_start3A_221 = tpu.memref_squeeze %dma_start3A_220 : memref<1x80x64xf32, #tpu.memory_space<vmem>> -> memref<80x64xf32, #tpu.memory_space<vmem>>
      %dma_start3A_222 = arith.constant 0 : i32
      %dma_start3A_223 = tpu.memref_slice %arg8[%add3A_205, %dma_start3A_222] : memref<125x80xi32, #tpu.memory_space<vmem>> -> memref<1x80xi32, #tpu.memory_space<vmem>>
      %dma_start3A_224 = tpu.memref_squeeze %dma_start3A_223 : memref<1x80xi32, #tpu.memory_space<vmem>> -> memref<80xi32, #tpu.memory_space<vmem>>
      %dma_start3A_225 = arith.constant 0 : i32
      %dma_start3A_226 = arith.constant 0 : i32
      %dma_start3A_227 = tpu.memref_slice %arg10[%dma_start3A_225, %dma_start3A_226] : memref<10000x64xf32, #tpu.memory_space<vmem_shared>> -> memref<10000x64xf32, #tpu.memory_space<vmem_shared>>
      tpu.enqueue_indirect_dma source(%dma_start3A_221 : memref<80x64xf32, #tpu.memory_space<vmem>>) target(%dma_start3A_227 : memref<10000x64xf32, #tpu.memory_space<vmem_shared>>) offsets(%dma_start3A_224 : memref<80xi32, #tpu.memory_space<vmem>>) semaphore(%arg16 : memref<!tpu.dma_semaphore, #tpu.memory_space<semaphore_mem>>) {add = true}
      %dma_wait3A_228 = arith.constant 3 : i32
      %dma_wait3A_229 = arith.constant 0 : i32
      %dma_wait3A_230 = arith.constant 0 : i32
      %dma_wait3A_231 = tpu.memref_slice %arg9[%dma_wait3A_228, %dma_wait3A_229, %dma_wait3A_230] : memref<5x80x64xf32, #tpu.memory_space<vmem>> -> memref<1x80x64xf32, #tpu.memory_space<vmem>>
      %dma_wait3A_232 = tpu.memref_squeeze %dma_wait3A_231 : memref<1x80x64xf32, #tpu.memory_space<vmem>> -> memref<80x64xf32, #tpu.memory_space<vmem>>
      %dma_wait3A_233 = arith.constant 0 : i32
      %dma_wait3A_234 = tpu.memref_slice %arg8[%add3A_205, %dma_wait3A_233] : memref<125x80xi32, #tpu.memory_space<vmem>> -> memref<1x80xi32, #tpu.memory_space<vmem>>
      %dma_wait3A_235 = tpu.memref_squeeze %dma_wait3A_234 : memref<1x80xi32, #tpu.memory_space<vmem>> -> memref<80xi32, #tpu.memory_space<vmem>>
      %dma_wait3A_236 = arith.constant 0 : i32
      %dma_wait3A_237 = arith.constant 0 : i32
      %dma_wait3A_238 = tpu.memref_slice %arg10[%dma_wait3A_236, %dma_wait3A_237] : memref<10000x64xf32, #tpu.memory_space<vmem_shared>> -> memref<10000x64xf32, #tpu.memory_space<vmem_shared>>
      tpu.wait_indirect_dma semaphore(%arg16 : memref<!tpu.dma_semaphore, #tpu.memory_space<semaphore_mem>>) src(%dma_wait3A_232 : memref<80x64xf32, #tpu.memory_space<vmem>>) dst(%dma_wait3A_238 : memref<10000x64xf32, #tpu.memory_space<vmem_shared>>)
      %add3A_239 = arith.constant 5 : i32
      %add3A_240 = arith.addi %add3A_205, %add3A_239 : i32
      %lt3A_241 = arith.constant 125 : i32
      %lt3A_242 = arith.cmpi slt, %add3A_240, %lt3A_241 : i32
      %convert_element_type3A_243 = arith.extui %lt3A_242 : i1 to i32
      %cond3A_244 = arith.constant 0 : i32
      %cond3A_245 = arith.cmpi ne, %convert_element_type3A_243, %cond3A_244 : i32
      scf.if %cond3A_245 {
        %dma_start3A_290 = arith.constant 3 : i32
        %dma_start3A_291 = arith.constant 0 : i32
        %dma_start3A_292 = arith.constant 0 : i32
        %dma_start3A_293 = tpu.memref_slice %arg9[%dma_start3A_290, %dma_start3A_291, %dma_start3A_292] : memref<5x80x64xf32, #tpu.memory_space<vmem>> -> memref<1x80x64xf32, #tpu.memory_space<vmem>>
        %dma_start3A_294 = tpu.memref_squeeze %dma_start3A_293 : memref<1x80x64xf32, #tpu.memory_space<vmem>> -> memref<80x64xf32, #tpu.memory_space<vmem>>
        %dma_start3A_295 = arith.constant 0 : i32
        %dma_start3A_296 = tpu.memref_slice %arg7[%add3A_240, %dma_start3A_295] : memref<125x80xi32, #tpu.memory_space<vmem>> -> memref<1x80xi32, #tpu.memory_space<vmem>>
        %dma_start3A_297 = tpu.memref_squeeze %dma_start3A_296 : memref<1x80xi32, #tpu.memory_space<vmem>> -> memref<80xi32, #tpu.memory_space<vmem>>
        %dma_start3A_298 = arith.constant 0 : i32
        %dma_start3A_299 = arith.constant 0 : i32
        %dma_start3A_300 = tpu.memref_slice %arg4[%dma_start3A_298, %dma_start3A_299] : memref<10000x64xf32, #tpu.memory_space<hbm>> -> memref<10000x64xf32, #tpu.memory_space<hbm>>
        tpu.enqueue_indirect_dma source(%dma_start3A_300 : memref<10000x64xf32, #tpu.memory_space<hbm>>) target(%dma_start3A_294 : memref<80x64xf32, #tpu.memory_space<vmem>>) offsets(%dma_start3A_297 : memref<80xi32, #tpu.memory_space<vmem>>) semaphore(%arg14 : memref<!tpu.dma_semaphore, #tpu.memory_space<semaphore_mem>>)
      } else {
      }
      %mul3A_246 = arith.constant 5 : i32
      %mul3A_247 = arith.muli %scan3A_73, %mul3A_246 : i32
      %add3A_248 = arith.constant 4 : i32
      %add3A_249 = arith.addi %mul3A_247, %add3A_248 : i32
      %dma_wait3A_250 = arith.constant 4 : i32
      %dma_wait3A_251 = arith.constant 0 : i32
      %dma_wait3A_252 = arith.constant 0 : i32
      %dma_wait3A_253 = tpu.memref_slice %arg9[%dma_wait3A_250, %dma_wait3A_251, %dma_wait3A_252] : memref<5x80x64xf32, #tpu.memory_space<vmem>> -> memref<1x80x64xf32, #tpu.memory_space<vmem>>
      %dma_wait3A_254 = tpu.memref_squeeze %dma_wait3A_253 : memref<1x80x64xf32, #tpu.memory_space<vmem>> -> memref<80x64xf32, #tpu.memory_space<vmem>>
      %dma_wait3A_255 = arith.constant 0 : i32
      %dma_wait3A_256 = tpu.memref_slice %arg7[%add3A_249, %dma_wait3A_255] : memref<125x80xi32, #tpu.memory_space<vmem>> -> memref<1x80xi32, #tpu.memory_space<vmem>>
      %dma_wait3A_257 = tpu.memref_squeeze %dma_wait3A_256 : memref<1x80xi32, #tpu.memory_space<vmem>> -> memref<80xi32, #tpu.memory_space<vmem>>
      %dma_wait3A_258 = arith.constant 0 : i32
      %dma_wait3A_259 = arith.constant 0 : i32
      %dma_wait3A_260 = tpu.memref_slice %arg4[%dma_wait3A_258, %dma_wait3A_259] : memref<10000x64xf32, #tpu.memory_space<hbm>> -> memref<10000x64xf32, #tpu.memory_space<hbm>>
      tpu.wait_indirect_dma semaphore(%arg15 : memref<!tpu.dma_semaphore, #tpu.memory_space<semaphore_mem>>) src(%dma_wait3A_260 : memref<10000x64xf32, #tpu.memory_space<hbm>>) dst(%dma_wait3A_254 : memref<80x64xf32, #tpu.memory_space<vmem>>)
      %dma_start3A_261 = arith.constant 4 : i32
      %dma_start3A_262 = arith.constant 0 : i32
      %dma_start3A_263 = arith.constant 0 : i32
      %dma_start3A_264 = tpu.memref_slice %arg9[%dma_start3A_261, %dma_start3A_262, %dma_start3A_263] : memref<5x80x64xf32, #tpu.memory_space<vmem>> -> memref<1x80x64xf32, #tpu.memory_space<vmem>>
      %dma_start3A_265 = tpu.memref_squeeze %dma_start3A_264 : memref<1x80x64xf32, #tpu.memory_space<vmem>> -> memref<80x64xf32, #tpu.memory_space<vmem>>
      %dma_start3A_266 = arith.constant 0 : i32
      %dma_start3A_267 = tpu.memref_slice %arg8[%add3A_249, %dma_start3A_266] : memref<125x80xi32, #tpu.memory_space<vmem>> -> memref<1x80xi32, #tpu.memory_space<vmem>>
      %dma_start3A_268 = tpu.memref_squeeze %dma_start3A_267 : memref<1x80xi32, #tpu.memory_space<vmem>> -> memref<80xi32, #tpu.memory_space<vmem>>
      %dma_start3A_269 = arith.constant 0 : i32
      %dma_start3A_270 = arith.constant 0 : i32
      %dma_start3A_271 = tpu.memref_slice %arg10[%dma_start3A_269, %dma_start3A_270] : memref<10000x64xf32, #tpu.memory_space<vmem_shared>> -> memref<10000x64xf32, #tpu.memory_space<vmem_shared>>
      tpu.enqueue_indirect_dma source(%dma_start3A_265 : memref<80x64xf32, #tpu.memory_space<vmem>>) target(%dma_start3A_271 : memref<10000x64xf32, #tpu.memory_space<vmem_shared>>) offsets(%dma_start3A_268 : memref<80xi32, #tpu.memory_space<vmem>>) semaphore(%arg16 : memref<!tpu.dma_semaphore, #tpu.memory_space<semaphore_mem>>) {add = true}
      %dma_wait3A_272 = arith.constant 4 : i32
      %dma_wait3A_273 = arith.constant 0 : i32
      %dma_wait3A_274 = arith.constant 0 : i32
      %dma_wait3A_275 = tpu.memref_slice %arg9[%dma_wait3A_272, %dma_wait3A_273, %dma_wait3A_274] : memref<5x80x64xf32, #tpu.memory_space<vmem>> -> memref<1x80x64xf32, #tpu.memory_space<vmem>>
      %dma_wait3A_276 = tpu.memref_squeeze %dma_wait3A_275 : memref<1x80x64xf32, #tpu.memory_space<vmem>> -> memref<80x64xf32, #tpu.memory_space<vmem>>
      %dma_wait3A_277 = arith.constant 0 : i32
      %dma_wait3A_278 = tpu.memref_slice %arg8[%add3A_249, %dma_wait3A_277] : memref<125x80xi32, #tpu.memory_space<vmem>> -> memref<1x80xi32, #tpu.memory_space<vmem>>
      %dma_wait3A_279 = tpu.memref_squeeze %dma_wait3A_278 : memref<1x80xi32, #tpu.memory_space<vmem>> -> memref<80xi32, #tpu.memory_space<vmem>>
      %dma_wait3A_280 = arith.constant 0 : i32
      %dma_wait3A_281 = arith.constant 0 : i32
      %dma_wait3A_282 = tpu.memref_slice %arg10[%dma_wait3A_280, %dma_wait3A_281] : memref<10000x64xf32, #tpu.memory_space<vmem_shared>> -> memref<10000x64xf32, #tpu.memory_space<vmem_shared>>
      tpu.wait_indirect_dma semaphore(%arg16 : memref<!tpu.dma_semaphore, #tpu.memory_space<semaphore_mem>>) src(%dma_wait3A_276 : memref<80x64xf32, #tpu.memory_space<vmem>>) dst(%dma_wait3A_282 : memref<10000x64xf32, #tpu.memory_space<vmem_shared>>)
      %add3A_283 = arith.constant 5 : i32
      %add3A_284 = arith.addi %add3A_249, %add3A_283 : i32
      %lt3A_285 = arith.constant 125 : i32
      %lt3A_286 = arith.cmpi slt, %add3A_284, %lt3A_285 : i32
      %convert_element_type3A_287 = arith.extui %lt3A_286 : i1 to i32
      %cond3A_288 = arith.constant 0 : i32
      %cond3A_289 = arith.cmpi ne, %convert_element_type3A_287, %cond3A_288 : i32
      scf.if %cond3A_289 {
        %dma_start3A_290 = arith.constant 4 : i32
        %dma_start3A_291 = arith.constant 0 : i32
        %dma_start3A_292 = arith.constant 0 : i32
        %dma_start3A_293 = tpu.memref_slice %arg9[%dma_start3A_290, %dma_start3A_291, %dma_start3A_292] : memref<5x80x64xf32, #tpu.memory_space<vmem>> -> memref<1x80x64xf32, #tpu.memory_space<vmem>>
        %dma_start3A_294 = tpu.memref_squeeze %dma_start3A_293 : memref<1x80x64xf32, #tpu.memory_space<vmem>> -> memref<80x64xf32, #tpu.memory_space<vmem>>
        %dma_start3A_295 = arith.constant 0 : i32
        %dma_start3A_296 = tpu.memref_slice %arg7[%add3A_284, %dma_start3A_295] : memref<125x80xi32, #tpu.memory_space<vmem>> -> memref<1x80xi32, #tpu.memory_space<vmem>>
        %dma_start3A_297 = tpu.memref_squeeze %dma_start3A_296 : memref<1x80xi32, #tpu.memory_space<vmem>> -> memref<80xi32, #tpu.memory_space<vmem>>
        %dma_start3A_298 = arith.constant 0 : i32
        %dma_start3A_299 = arith.constant 0 : i32
        %dma_start3A_300 = tpu.memref_slice %arg4[%dma_start3A_298, %dma_start3A_299] : memref<10000x64xf32, #tpu.memory_space<hbm>> -> memref<10000x64xf32, #tpu.memory_space<hbm>>
        tpu.enqueue_indirect_dma source(%dma_start3A_300 : memref<10000x64xf32, #tpu.memory_space<hbm>>) target(%dma_start3A_294 : memref<80x64xf32, #tpu.memory_space<vmem>>) offsets(%dma_start3A_297 : memref<80xi32, #tpu.memory_space<vmem>>) semaphore(%arg15 : memref<!tpu.dma_semaphore, #tpu.memory_space<semaphore_mem>>)
      } else {
      }
    }
    %scan3A_66 = arith.constant 25 : i32
    %barrier3A_67 = arith.constant 0 : index
    tpu.barrier barrier_id(%barrier3A_67)
    %mul3A_68 = arith.constant 624 : i32
    %mul3A_69 = arith.muli %arg1, %mul3A_68 : i32
    %mul3A_70 = arith.constant 10000 : i32
    %mul3A_71 = arith.muli %arg0, %mul3A_70 : i32
    %add3A_72 = arith.addi %mul3A_71, %mul3A_69 : i32
    "tpu.region"() ({
      %run_scoped3A = tpu.sem_alloc : memref<!tpu.dma_semaphore, #tpu.memory_space<semaphore_mem>>
      %dma_start3A_73 = arith.constant 0 : i32
      %dma_start3A_74 = tpu.memref_slice %arg6[%add3A_72, %dma_start3A_73] : memref<20000x64xf32, #tpu.memory_space<hbm>> -> memref<640x64xf32, #tpu.memory_space<hbm>>
      %dma_start3A_75 = arith.constant 0 : i32
      %dma_start3A_76 = tpu.memref_slice %arg10[%mul3A_69, %dma_start3A_75] : memref<10000x64xf32, #tpu.memory_space<vmem_shared>> -> memref<640x64xf32, #tpu.memory_space<vmem_shared>>
      tpu.enqueue_dma source(%dma_start3A_76 : memref<640x64xf32, #tpu.memory_space<vmem_shared>>) target(%dma_start3A_74 : memref<640x64xf32, #tpu.memory_space<hbm>>) target_semaphore(%run_scoped3A : memref<!tpu.dma_semaphore, #tpu.memory_space<semaphore_mem>>)
      %dma_wait3A = arith.constant 0 : i32
      %dma_wait3A_77 = tpu.memref_slice %arg6[%add3A_72, %dma_wait3A] : memref<20000x64xf32, #tpu.memory_space<hbm>> -> memref<640x64xf32, #tpu.memory_space<hbm>>
      %dma_wait3A_78 = arith.constant 0 : i32
      %dma_wait3A_79 = tpu.memref_slice %arg10[%mul3A_69, %dma_wait3A_78] : memref<10000x64xf32, #tpu.memory_space<vmem_shared>> -> memref<640x64xf32, #tpu.memory_space<vmem_shared>>
      tpu.wait_dma2 semaphore(%run_scoped3A : memref<!tpu.dma_semaphore, #tpu.memory_space<semaphore_mem>>) src(%dma_wait3A_79 : memref<640x64xf32, #tpu.memory_space<vmem_shared>>) dst(%dma_wait3A_77 : memref<640x64xf32, #tpu.memory_space<hbm>>)
      tpu.yield
    }) : () -> ()
    return
  }
}

#map = affine_map<(d0, d1) -> (0, 0, 0)>
#map1 = affine_map<(d0, d1) -> (0, 0)>
module attributes {stable_mosaic.version = 14 : i64} {
  func.func @body(%arg0: i32, %arg1: i32, %arg2: memref<32x250x40xi32, #tpu.memory_space<hbm>>, %arg3: memref<32x250x40xi32, #tpu.memory_space<hbm>>, %arg4: memref<10000x128xf32, #tpu.memory_space<hbm>>, %arg5: memref<640x128xf32, #tpu.memory_space<hbm>>, %arg6: memref<20000x128xf32, #tpu.memory_space<hbm>>, %arg7: memref<250x40xi32, #tpu.memory_space<vmem>>, %arg8: memref<250x40xi32, #tpu.memory_space<vmem>>, %arg9: memref<5x40x128xf32, #tpu.memory_space<vmem>>, %arg10: memref<10000x128xf32, #tpu.memory_space<vmem_shared>>, %arg11: memref<!tpu.dma_semaphore, #tpu.memory_space<semaphore_mem>>, %arg12: memref<!tpu.dma_semaphore, #tpu.memory_space<semaphore_mem>>, %arg13: memref<!tpu.dma_semaphore, #tpu.memory_space<semaphore_mem>>, %arg14: memref<!tpu.dma_semaphore, #tpu.memory_space<semaphore_mem>>, %arg15: memref<!tpu.dma_semaphore, #tpu.memory_space<semaphore_mem>>, %arg16: memref<!tpu.dma_semaphore, #tpu.memory_space<semaphore_mem>>) attributes {dimension_semantics = [#tpu.dimension_semantics<core_parallel>, #tpu.dimension_semantics<subcore_parallel>], iteration_bounds = array<i64: 2, 16>, scalar_prefetch = 0 : i64, scratch_operands = 10 : i64, tpu.core_type = #tpu.core_type<sc_vector_subcore>, window_params = [{transform_indices = #map}, {transform_indices = #map}, {transform_indices = #map1}, {transform_indices = #map1}, {transform_indices = #map1}]} {
    %mul3A = arith.constant 2 : i32
    %mul3A_0 = arith.muli %arg1, %mul3A : i32
    %add3A = arith.addi %mul3A_0, %arg0 : i32
    %mul3A_1 = arith.constant 624 : i32
    %mul3A_2 = arith.muli %arg1, %mul3A_1 : i32
    "tpu.region"() ({
      %run_scoped3A = tpu.sem_alloc : memref<!tpu.dma_semaphore, #tpu.memory_space<semaphore_mem>>
      %dma_start3A_73 = arith.constant 0 : i32
      %dma_start3A_74 = tpu.memref_slice %arg10[%mul3A_2, %dma_start3A_73] : memref<10000x128xf32, #tpu.memory_space<vmem_shared>> -> memref<640x128xf32, #tpu.memory_space<vmem_shared>>
      tpu.enqueue_dma source(%arg5 : memref<640x128xf32, #tpu.memory_space<hbm>>) target(%dma_start3A_74 : memref<640x128xf32, #tpu.memory_space<vmem_shared>>) target_semaphore(%run_scoped3A : memref<!tpu.dma_semaphore, #tpu.memory_space<semaphore_mem>>)
      %dma_wait3A = arith.constant 0 : i32
      %dma_wait3A_75 = tpu.memref_slice %arg10[%mul3A_2, %dma_wait3A] : memref<10000x128xf32, #tpu.memory_space<vmem_shared>> -> memref<640x128xf32, #tpu.memory_space<vmem_shared>>
      tpu.wait_dma2 semaphore(%run_scoped3A : memref<!tpu.dma_semaphore, #tpu.memory_space<semaphore_mem>>) src(%arg5 : memref<640x128xf32, #tpu.memory_space<hbm>>) dst(%dma_wait3A_75 : memref<640x128xf32, #tpu.memory_space<vmem_shared>>)
      tpu.yield
    }) : () -> ()
    "tpu.region"() ({
      %run_scoped3A = tpu.sem_alloc : memref<!tpu.dma_semaphore, #tpu.memory_space<semaphore_mem>>
      %dma_start3A_73 = arith.constant 0 : i32
      %dma_start3A_74 = arith.constant 0 : i32
      %dma_start3A_75 = tpu.memref_slice %arg2[%add3A, %dma_start3A_73, %dma_start3A_74] : memref<32x250x40xi32, #tpu.memory_space<hbm>> -> memref<1x250x40xi32, #tpu.memory_space<hbm>>
      %dma_start3A_76 = tpu.memref_squeeze %dma_start3A_75 : memref<1x250x40xi32, #tpu.memory_space<hbm>> -> memref<250x40xi32, #tpu.memory_space<hbm>>
      %dma_start3A_77 = arith.constant 0 : i32
      %dma_start3A_78 = arith.constant 0 : i32
      %dma_start3A_79 = tpu.memref_slice %arg2[%add3A, %dma_start3A_77, %dma_start3A_78] : memref<32x250x40xi32, #tpu.memory_space<hbm>> -> memref<1x250x40xi32, #tpu.memory_space<hbm>>
      %dma_start3A_80 = tpu.memref_squeeze %dma_start3A_79 : memref<1x250x40xi32, #tpu.memory_space<hbm>> -> memref<250x40xi32, #tpu.memory_space<hbm>>
      tpu.enqueue_dma source(%dma_start3A_80 : memref<250x40xi32, #tpu.memory_space<hbm>>) target(%arg7 : memref<250x40xi32, #tpu.memory_space<vmem>>) target_semaphore(%run_scoped3A : memref<!tpu.dma_semaphore, #tpu.memory_space<semaphore_mem>>)
      %dma_wait3A = arith.constant 0 : i32
      %dma_wait3A_81 = arith.constant 0 : i32
      %dma_wait3A_82 = tpu.memref_slice %arg2[%add3A, %dma_wait3A, %dma_wait3A_81] : memref<32x250x40xi32, #tpu.memory_space<hbm>> -> memref<1x250x40xi32, #tpu.memory_space<hbm>>
      %dma_wait3A_83 = tpu.memref_squeeze %dma_wait3A_82 : memref<1x250x40xi32, #tpu.memory_space<hbm>> -> memref<250x40xi32, #tpu.memory_space<hbm>>
      %dma_wait3A_84 = arith.constant 0 : i32
      %dma_wait3A_85 = arith.constant 0 : i32
      %dma_wait3A_86 = tpu.memref_slice %arg2[%add3A, %dma_wait3A_84, %dma_wait3A_85] : memref<32x250x40xi32, #tpu.memory_space<hbm>> -> memref<1x250x40xi32, #tpu.memory_space<hbm>>
      %dma_wait3A_87 = tpu.memref_squeeze %dma_wait3A_86 : memref<1x250x40xi32, #tpu.memory_space<hbm>> -> memref<250x40xi32, #tpu.memory_space<hbm>>
      tpu.wait_dma2 semaphore(%run_scoped3A : memref<!tpu.dma_semaphore, #tpu.memory_space<semaphore_mem>>) src(%dma_wait3A_87 : memref<250x40xi32, #tpu.memory_space<hbm>>) dst(%arg7 : memref<250x40xi32, #tpu.memory_space<vmem>>)
      tpu.yield
    }) : () -> ()
    "tpu.region"() ({
      %run_scoped3A = tpu.sem_alloc : memref<!tpu.dma_semaphore, #tpu.memory_space<semaphore_mem>>
      %dma_start3A_73 = arith.constant 0 : i32
      %dma_start3A_74 = arith.constant 0 : i32
      %dma_start3A_75 = tpu.memref_slice %arg3[%add3A, %dma_start3A_73, %dma_start3A_74] : memref<32x250x40xi32, #tpu.memory_space<hbm>> -> memref<1x250x40xi32, #tpu.memory_space<hbm>>
      %dma_start3A_76 = tpu.memref_squeeze %dma_start3A_75 : memref<1x250x40xi32, #tpu.memory_space<hbm>> -> memref<250x40xi32, #tpu.memory_space<hbm>>
      %dma_start3A_77 = arith.constant 0 : i32
      %dma_start3A_78 = arith.constant 0 : i32
      %dma_start3A_79 = tpu.memref_slice %arg3[%add3A, %dma_start3A_77, %dma_start3A_78] : memref<32x250x40xi32, #tpu.memory_space<hbm>> -> memref<1x250x40xi32, #tpu.memory_space<hbm>>
      %dma_start3A_80 = tpu.memref_squeeze %dma_start3A_79 : memref<1x250x40xi32, #tpu.memory_space<hbm>> -> memref<250x40xi32, #tpu.memory_space<hbm>>
      tpu.enqueue_dma source(%dma_start3A_80 : memref<250x40xi32, #tpu.memory_space<hbm>>) target(%arg8 : memref<250x40xi32, #tpu.memory_space<vmem>>) target_semaphore(%run_scoped3A : memref<!tpu.dma_semaphore, #tpu.memory_space<semaphore_mem>>)
      %dma_wait3A = arith.constant 0 : i32
      %dma_wait3A_81 = arith.constant 0 : i32
      %dma_wait3A_82 = tpu.memref_slice %arg3[%add3A, %dma_wait3A, %dma_wait3A_81] : memref<32x250x40xi32, #tpu.memory_space<hbm>> -> memref<1x250x40xi32, #tpu.memory_space<hbm>>
      %dma_wait3A_83 = tpu.memref_squeeze %dma_wait3A_82 : memref<1x250x40xi32, #tpu.memory_space<hbm>> -> memref<250x40xi32, #tpu.memory_space<hbm>>
      %dma_wait3A_84 = arith.constant 0 : i32
      %dma_wait3A_85 = arith.constant 0 : i32
      %dma_wait3A_86 = tpu.memref_slice %arg3[%add3A, %dma_wait3A_84, %dma_wait3A_85] : memref<32x250x40xi32, #tpu.memory_space<hbm>> -> memref<1x250x40xi32, #tpu.memory_space<hbm>>
      %dma_wait3A_87 = tpu.memref_squeeze %dma_wait3A_86 : memref<1x250x40xi32, #tpu.memory_space<hbm>> -> memref<250x40xi32, #tpu.memory_space<hbm>>
      tpu.wait_dma2 semaphore(%run_scoped3A : memref<!tpu.dma_semaphore, #tpu.memory_space<semaphore_mem>>) src(%dma_wait3A_87 : memref<250x40xi32, #tpu.memory_space<hbm>>) dst(%arg8 : memref<250x40xi32, #tpu.memory_space<vmem>>)
      tpu.yield
    }) : () -> ()
    %barrier3A = arith.constant 0 : index
    tpu.barrier barrier_id(%barrier3A)
    %dma_start3A = arith.constant 0 : i32
    %dma_start3A_3 = arith.constant 0 : i32
    %dma_start3A_4 = arith.constant 0 : i32
    %dma_start3A_5 = arith.constant 0 : i32
    %dma_start3A_6 = tpu.memref_slice %arg9[%dma_start3A_3, %dma_start3A_4, %dma_start3A_5] : memref<5x40x128xf32, #tpu.memory_space<vmem>> -> memref<1x40x128xf32, #tpu.memory_space<vmem>>
    %dma_start3A_7 = tpu.memref_squeeze %dma_start3A_6 : memref<1x40x128xf32, #tpu.memory_space<vmem>> -> memref<40x128xf32, #tpu.memory_space<vmem>>
    %dma_start3A_8 = arith.constant 0 : i32
    %dma_start3A_9 = tpu.memref_slice %arg7[%dma_start3A, %dma_start3A_8] : memref<250x40xi32, #tpu.memory_space<vmem>> -> memref<1x40xi32, #tpu.memory_space<vmem>>
    %dma_start3A_10 = tpu.memref_squeeze %dma_start3A_9 : memref<1x40xi32, #tpu.memory_space<vmem>> -> memref<40xi32, #tpu.memory_space<vmem>>
    %dma_start3A_11 = arith.constant 0 : i32
    %dma_start3A_12 = arith.constant 0 : i32
    %dma_start3A_13 = tpu.memref_slice %arg4[%dma_start3A_11, %dma_start3A_12] : memref<10000x128xf32, #tpu.memory_space<hbm>> -> memref<10000x128xf32, #tpu.memory_space<hbm>>
    tpu.enqueue_indirect_dma source(%dma_start3A_13 : memref<10000x128xf32, #tpu.memory_space<hbm>>) target(%dma_start3A_7 : memref<40x128xf32, #tpu.memory_space<vmem>>) offsets(%dma_start3A_10 : memref<40xi32, #tpu.memory_space<vmem>>) semaphore(%arg11 : memref<!tpu.dma_semaphore, #tpu.memory_space<semaphore_mem>>)
    %dma_start3A_14 = arith.constant 1 : i32
    %dma_start3A_15 = arith.constant 1 : i32
    %dma_start3A_16 = arith.constant 0 : i32
    %dma_start3A_17 = arith.constant 0 : i32
    %dma_start3A_18 = tpu.memref_slice %arg9[%dma_start3A_15, %dma_start3A_16, %dma_start3A_17] : memref<5x40x128xf32, #tpu.memory_space<vmem>> -> memref<1x40x128xf32, #tpu.memory_space<vmem>>
    %dma_start3A_19 = tpu.memref_squeeze %dma_start3A_18 : memref<1x40x128xf32, #tpu.memory_space<vmem>> -> memref<40x128xf32, #tpu.memory_space<vmem>>
    %dma_start3A_20 = arith.constant 0 : i32
    %dma_start3A_21 = tpu.memref_slice %arg7[%dma_start3A_14, %dma_start3A_20] : memref<250x40xi32, #tpu.memory_space<vmem>> -> memref<1x40xi32, #tpu.memory_space<vmem>>
    %dma_start3A_22 = tpu.memref_squeeze %dma_start3A_21 : memref<1x40xi32, #tpu.memory_space<vmem>> -> memref<40xi32, #tpu.memory_space<vmem>>
    %dma_start3A_23 = arith.constant 0 : i32
    %dma_start3A_24 = arith.constant 0 : i32
    %dma_start3A_25 = tpu.memref_slice %arg4[%dma_start3A_23, %dma_start3A_24] : memref<10000x128xf32, #tpu.memory_space<hbm>> -> memref<10000x128xf32, #tpu.memory_space<hbm>>
    tpu.enqueue_indirect_dma source(%dma_start3A_25 : memref<10000x128xf32, #tpu.memory_space<hbm>>) target(%dma_start3A_19 : memref<40x128xf32, #tpu.memory_space<vmem>>) offsets(%dma_start3A_22 : memref<40xi32, #tpu.memory_space<vmem>>) semaphore(%arg12 : memref<!tpu.dma_semaphore, #tpu.memory_space<semaphore_mem>>)
    %dma_start3A_26 = arith.constant 2 : i32
    %dma_start3A_27 = arith.constant 2 : i32
    %dma_start3A_28 = arith.constant 0 : i32
    %dma_start3A_29 = arith.constant 0 : i32
    %dma_start3A_30 = tpu.memref_slice %arg9[%dma_start3A_27, %dma_start3A_28, %dma_start3A_29] : memref<5x40x128xf32, #tpu.memory_space<vmem>> -> memref<1x40x128xf32, #tpu.memory_space<vmem>>
    %dma_start3A_31 = tpu.memref_squeeze %dma_start3A_30 : memref<1x40x128xf32, #tpu.memory_space<vmem>> -> memref<40x128xf32, #tpu.memory_space<vmem>>
    %dma_start3A_32 = arith.constant 0 : i32
    %dma_start3A_33 = tpu.memref_slice %arg7[%dma_start3A_26, %dma_start3A_32] : memref<250x40xi32, #tpu.memory_space<vmem>> -> memref<1x40xi32, #tpu.memory_space<vmem>>
    %dma_start3A_34 = tpu.memref_squeeze %dma_start3A_33 : memref<1x40xi32, #tpu.memory_space<vmem>> -> memref<40xi32, #tpu.memory_space<vmem>>
    %dma_start3A_35 = arith.constant 0 : i32
    %dma_start3A_36 = arith.constant 0 : i32
    %dma_start3A_37 = tpu.memref_slice %arg4[%dma_start3A_35, %dma_start3A_36] : memref<10000x128xf32, #tpu.memory_space<hbm>> -> memref<10000x128xf32, #tpu.memory_space<hbm>>
    tpu.enqueue_indirect_dma source(%dma_start3A_37 : memref<10000x128xf32, #tpu.memory_space<hbm>>) target(%dma_start3A_31 : memref<40x128xf32, #tpu.memory_space<vmem>>) offsets(%dma_start3A_34 : memref<40xi32, #tpu.memory_space<vmem>>) semaphore(%arg13 : memref<!tpu.dma_semaphore, #tpu.memory_space<semaphore_mem>>)
    %dma_start3A_38 = arith.constant 3 : i32
    %dma_start3A_39 = arith.constant 3 : i32
    %dma_start3A_40 = arith.constant 0 : i32
    %dma_start3A_41 = arith.constant 0 : i32
    %dma_start3A_42 = tpu.memref_slice %arg9[%dma_start3A_39, %dma_start3A_40, %dma_start3A_41] : memref<5x40x128xf32, #tpu.memory_space<vmem>> -> memref<1x40x128xf32, #tpu.memory_space<vmem>>
    %dma_start3A_43 = tpu.memref_squeeze %dma_start3A_42 : memref<1x40x128xf32, #tpu.memory_space<vmem>> -> memref<40x128xf32, #tpu.memory_space<vmem>>
    %dma_start3A_44 = arith.constant 0 : i32
    %dma_start3A_45 = tpu.memref_slice %arg7[%dma_start3A_38, %dma_start3A_44] : memref<250x40xi32, #tpu.memory_space<vmem>> -> memref<1x40xi32, #tpu.memory_space<vmem>>
    %dma_start3A_46 = tpu.memref_squeeze %dma_start3A_45 : memref<1x40xi32, #tpu.memory_space<vmem>> -> memref<40xi32, #tpu.memory_space<vmem>>
    %dma_start3A_47 = arith.constant 0 : i32
    %dma_start3A_48 = arith.constant 0 : i32
    %dma_start3A_49 = tpu.memref_slice %arg4[%dma_start3A_47, %dma_start3A_48] : memref<10000x128xf32, #tpu.memory_space<hbm>> -> memref<10000x128xf32, #tpu.memory_space<hbm>>
    tpu.enqueue_indirect_dma source(%dma_start3A_49 : memref<10000x128xf32, #tpu.memory_space<hbm>>) target(%dma_start3A_43 : memref<40x128xf32, #tpu.memory_space<vmem>>) offsets(%dma_start3A_46 : memref<40xi32, #tpu.memory_space<vmem>>) semaphore(%arg14 : memref<!tpu.dma_semaphore, #tpu.memory_space<semaphore_mem>>)
    %dma_start3A_50 = arith.constant 4 : i32
    %dma_start3A_51 = arith.constant 4 : i32
    %dma_start3A_52 = arith.constant 0 : i32
    %dma_start3A_53 = arith.constant 0 : i32
    %dma_start3A_54 = tpu.memref_slice %arg9[%dma_start3A_51, %dma_start3A_52, %dma_start3A_53] : memref<5x40x128xf32, #tpu.memory_space<vmem>> -> memref<1x40x128xf32, #tpu.memory_space<vmem>>
    %dma_start3A_55 = tpu.memref_squeeze %dma_start3A_54 : memref<1x40x128xf32, #tpu.memory_space<vmem>> -> memref<40x128xf32, #tpu.memory_space<vmem>>
    %dma_start3A_56 = arith.constant 0 : i32
    %dma_start3A_57 = tpu.memref_slice %arg7[%dma_start3A_50, %dma_start3A_56] : memref<250x40xi32, #tpu.memory_space<vmem>> -> memref<1x40xi32, #tpu.memory_space<vmem>>
    %dma_start3A_58 = tpu.memref_squeeze %dma_start3A_57 : memref<1x40xi32, #tpu.memory_space<vmem>> -> memref<40xi32, #tpu.memory_space<vmem>>
    %dma_start3A_59 = arith.constant 0 : i32
    %dma_start3A_60 = arith.constant 0 : i32
    %dma_start3A_61 = tpu.memref_slice %arg4[%dma_start3A_59, %dma_start3A_60] : memref<10000x128xf32, #tpu.memory_space<hbm>> -> memref<10000x128xf32, #tpu.memory_space<hbm>>
    tpu.enqueue_indirect_dma source(%dma_start3A_61 : memref<10000x128xf32, #tpu.memory_space<hbm>>) target(%dma_start3A_55 : memref<40x128xf32, #tpu.memory_space<vmem>>) offsets(%dma_start3A_58 : memref<40xi32, #tpu.memory_space<vmem>>) semaphore(%arg15 : memref<!tpu.dma_semaphore, #tpu.memory_space<semaphore_mem>>)
    %scan3A = arith.constant 0 : i32
    %scan3A_62 = arith.constant 0 : i32
    %scan3A_63 = arith.constant 50 : i32
    %scan3A_64 = arith.addi %scan3A_62, %scan3A_63 : i32
    %scan3A_65 = arith.constant 1 : i32
    scf.for %scan3A_73 = %scan3A_62 to %scan3A_64 step %scan3A_65  : i32 {
      %mul3A_74 = arith.constant 5 : i32
      %mul3A_75 = arith.muli %scan3A_73, %mul3A_74 : i32
      %add3A_76 = arith.constant 0 : i32
      %add3A_77 = arith.addi %mul3A_75, %add3A_76 : i32
      %dma_wait3A = arith.constant 0 : i32
      %dma_wait3A_78 = arith.constant 0 : i32
      %dma_wait3A_79 = arith.constant 0 : i32
      %dma_wait3A_80 = tpu.memref_slice %arg9[%dma_wait3A, %dma_wait3A_78, %dma_wait3A_79] : memref<5x40x128xf32, #tpu.memory_space<vmem>> -> memref<1x40x128xf32, #tpu.memory_space<vmem>>
      %dma_wait3A_81 = tpu.memref_squeeze %dma_wait3A_80 : memref<1x40x128xf32, #tpu.memory_space<vmem>> -> memref<40x128xf32, #tpu.memory_space<vmem>>
      %dma_wait3A_82 = arith.constant 0 : i32
      %dma_wait3A_83 = tpu.memref_slice %arg7[%add3A_77, %dma_wait3A_82] : memref<250x40xi32, #tpu.memory_space<vmem>> -> memref<1x40xi32, #tpu.memory_space<vmem>>
      %dma_wait3A_84 = tpu.memref_squeeze %dma_wait3A_83 : memref<1x40xi32, #tpu.memory_space<vmem>> -> memref<40xi32, #tpu.memory_space<vmem>>
      %dma_wait3A_85 = arith.constant 0 : i32
      %dma_wait3A_86 = arith.constant 0 : i32
      %dma_wait3A_87 = tpu.memref_slice %arg4[%dma_wait3A_85, %dma_wait3A_86] : memref<10000x128xf32, #tpu.memory_space<hbm>> -> memref<10000x128xf32, #tpu.memory_space<hbm>>
      tpu.wait_indirect_dma semaphore(%arg11 : memref<!tpu.dma_semaphore, #tpu.memory_space<semaphore_mem>>) src(%dma_wait3A_87 : memref<10000x128xf32, #tpu.memory_space<hbm>>) dst(%dma_wait3A_81 : memref<40x128xf32, #tpu.memory_space<vmem>>)
      %dma_start3A_88 = arith.constant 0 : i32
      %dma_start3A_89 = arith.constant 0 : i32
      %dma_start3A_90 = arith.constant 0 : i32
      %dma_start3A_91 = tpu.memref_slice %arg9[%dma_start3A_88, %dma_start3A_89, %dma_start3A_90] : memref<5x40x128xf32, #tpu.memory_space<vmem>> -> memref<1x40x128xf32, #tpu.memory_space<vmem>>
      %dma_start3A_92 = tpu.memref_squeeze %dma_start3A_91 : memref<1x40x128xf32, #tpu.memory_space<vmem>> -> memref<40x128xf32, #tpu.memory_space<vmem>>
      %dma_start3A_93 = arith.constant 0 : i32
      %dma_start3A_94 = tpu.memref_slice %arg8[%add3A_77, %dma_start3A_93] : memref<250x40xi32, #tpu.memory_space<vmem>> -> memref<1x40xi32, #tpu.memory_space<vmem>>
      %dma_start3A_95 = tpu.memref_squeeze %dma_start3A_94 : memref<1x40xi32, #tpu.memory_space<vmem>> -> memref<40xi32, #tpu.memory_space<vmem>>
      %dma_start3A_96 = arith.constant 0 : i32
      %dma_start3A_97 = arith.constant 0 : i32
      %dma_start3A_98 = tpu.memref_slice %arg10[%dma_start3A_96, %dma_start3A_97] : memref<10000x128xf32, #tpu.memory_space<vmem_shared>> -> memref<10000x128xf32, #tpu.memory_space<vmem_shared>>
      tpu.enqueue_indirect_dma source(%dma_start3A_92 : memref<40x128xf32, #tpu.memory_space<vmem>>) target(%dma_start3A_98 : memref<10000x128xf32, #tpu.memory_space<vmem_shared>>) offsets(%dma_start3A_95 : memref<40xi32, #tpu.memory_space<vmem>>) semaphore(%arg16 : memref<!tpu.dma_semaphore, #tpu.memory_space<semaphore_mem>>) {add = true}
      %dma_wait3A_99 = arith.constant 0 : i32
      %dma_wait3A_100 = arith.constant 0 : i32
      %dma_wait3A_101 = arith.constant 0 : i32
      %dma_wait3A_102 = tpu.memref_slice %arg9[%dma_wait3A_99, %dma_wait3A_100, %dma_wait3A_101] : memref<5x40x128xf32, #tpu.memory_space<vmem>> -> memref<1x40x128xf32, #tpu.memory_space<vmem>>
      %dma_wait3A_103 = tpu.memref_squeeze %dma_wait3A_102 : memref<1x40x128xf32, #tpu.memory_space<vmem>> -> memref<40x128xf32, #tpu.memory_space<vmem>>
      %dma_wait3A_104 = arith.constant 0 : i32
      %dma_wait3A_105 = tpu.memref_slice %arg8[%add3A_77, %dma_wait3A_104] : memref<250x40xi32, #tpu.memory_space<vmem>> -> memref<1x40xi32, #tpu.memory_space<vmem>>
      %dma_wait3A_106 = tpu.memref_squeeze %dma_wait3A_105 : memref<1x40xi32, #tpu.memory_space<vmem>> -> memref<40xi32, #tpu.memory_space<vmem>>
      %dma_wait3A_107 = arith.constant 0 : i32
      %dma_wait3A_108 = arith.constant 0 : i32
      %dma_wait3A_109 = tpu.memref_slice %arg10[%dma_wait3A_107, %dma_wait3A_108] : memref<10000x128xf32, #tpu.memory_space<vmem_shared>> -> memref<10000x128xf32, #tpu.memory_space<vmem_shared>>
      tpu.wait_indirect_dma semaphore(%arg16 : memref<!tpu.dma_semaphore, #tpu.memory_space<semaphore_mem>>) src(%dma_wait3A_103 : memref<40x128xf32, #tpu.memory_space<vmem>>) dst(%dma_wait3A_109 : memref<10000x128xf32, #tpu.memory_space<vmem_shared>>)
      %add3A_110 = arith.constant 5 : i32
      %add3A_111 = arith.addi %add3A_77, %add3A_110 : i32
      %lt3A = arith.constant 250 : i32
      %lt3A_112 = arith.cmpi slt, %add3A_111, %lt3A : i32
      %convert_element_type3A = arith.extui %lt3A_112 : i1 to i32
      %cond3A = arith.constant 0 : i32
      %cond3A_113 = arith.cmpi ne, %convert_element_type3A, %cond3A : i32
      scf.if %cond3A_113 {
        %dma_start3A_290 = arith.constant 0 : i32
        %dma_start3A_291 = arith.constant 0 : i32
        %dma_start3A_292 = arith.constant 0 : i32
        %dma_start3A_293 = tpu.memref_slice %arg9[%dma_start3A_290, %dma_start3A_291, %dma_start3A_292] : memref<5x40x128xf32, #tpu.memory_space<vmem>> -> memref<1x40x128xf32, #tpu.memory_space<vmem>>
        %dma_start3A_294 = tpu.memref_squeeze %dma_start3A_293 : memref<1x40x128xf32, #tpu.memory_space<vmem>> -> memref<40x128xf32, #tpu.memory_space<vmem>>
        %dma_start3A_295 = arith.constant 0 : i32
        %dma_start3A_296 = tpu.memref_slice %arg7[%add3A_111, %dma_start3A_295] : memref<250x40xi32, #tpu.memory_space<vmem>> -> memref<1x40xi32, #tpu.memory_space<vmem>>
        %dma_start3A_297 = tpu.memref_squeeze %dma_start3A_296 : memref<1x40xi32, #tpu.memory_space<vmem>> -> memref<40xi32, #tpu.memory_space<vmem>>
        %dma_start3A_298 = arith.constant 0 : i32
        %dma_start3A_299 = arith.constant 0 : i32
        %dma_start3A_300 = tpu.memref_slice %arg4[%dma_start3A_298, %dma_start3A_299] : memref<10000x128xf32, #tpu.memory_space<hbm>> -> memref<10000x128xf32, #tpu.memory_space<hbm>>
        tpu.enqueue_indirect_dma source(%dma_start3A_300 : memref<10000x128xf32, #tpu.memory_space<hbm>>) target(%dma_start3A_294 : memref<40x128xf32, #tpu.memory_space<vmem>>) offsets(%dma_start3A_297 : memref<40xi32, #tpu.memory_space<vmem>>) semaphore(%arg11 : memref<!tpu.dma_semaphore, #tpu.memory_space<semaphore_mem>>)
      } else {
      }
      %mul3A_114 = arith.constant 5 : i32
      %mul3A_115 = arith.muli %scan3A_73, %mul3A_114 : i32
      %add3A_116 = arith.constant 1 : i32
      %add3A_117 = arith.addi %mul3A_115, %add3A_116 : i32
      %dma_wait3A_118 = arith.constant 1 : i32
      %dma_wait3A_119 = arith.constant 0 : i32
      %dma_wait3A_120 = arith.constant 0 : i32
      %dma_wait3A_121 = tpu.memref_slice %arg9[%dma_wait3A_118, %dma_wait3A_119, %dma_wait3A_120] : memref<5x40x128xf32, #tpu.memory_space<vmem>> -> memref<1x40x128xf32, #tpu.memory_space<vmem>>
      %dma_wait3A_122 = tpu.memref_squeeze %dma_wait3A_121 : memref<1x40x128xf32, #tpu.memory_space<vmem>> -> memref<40x128xf32, #tpu.memory_space<vmem>>
      %dma_wait3A_123 = arith.constant 0 : i32
      %dma_wait3A_124 = tpu.memref_slice %arg7[%add3A_117, %dma_wait3A_123] : memref<250x40xi32, #tpu.memory_space<vmem>> -> memref<1x40xi32, #tpu.memory_space<vmem>>
      %dma_wait3A_125 = tpu.memref_squeeze %dma_wait3A_124 : memref<1x40xi32, #tpu.memory_space<vmem>> -> memref<40xi32, #tpu.memory_space<vmem>>
      %dma_wait3A_126 = arith.constant 0 : i32
      %dma_wait3A_127 = arith.constant 0 : i32
      %dma_wait3A_128 = tpu.memref_slice %arg4[%dma_wait3A_126, %dma_wait3A_127] : memref<10000x128xf32, #tpu.memory_space<hbm>> -> memref<10000x128xf32, #tpu.memory_space<hbm>>
      tpu.wait_indirect_dma semaphore(%arg12 : memref<!tpu.dma_semaphore, #tpu.memory_space<semaphore_mem>>) src(%dma_wait3A_128 : memref<10000x128xf32, #tpu.memory_space<hbm>>) dst(%dma_wait3A_122 : memref<40x128xf32, #tpu.memory_space<vmem>>)
      %dma_start3A_129 = arith.constant 1 : i32
      %dma_start3A_130 = arith.constant 0 : i32
      %dma_start3A_131 = arith.constant 0 : i32
      %dma_start3A_132 = tpu.memref_slice %arg9[%dma_start3A_129, %dma_start3A_130, %dma_start3A_131] : memref<5x40x128xf32, #tpu.memory_space<vmem>> -> memref<1x40x128xf32, #tpu.memory_space<vmem>>
      %dma_start3A_133 = tpu.memref_squeeze %dma_start3A_132 : memref<1x40x128xf32, #tpu.memory_space<vmem>> -> memref<40x128xf32, #tpu.memory_space<vmem>>
      %dma_start3A_134 = arith.constant 0 : i32
      %dma_start3A_135 = tpu.memref_slice %arg8[%add3A_117, %dma_start3A_134] : memref<250x40xi32, #tpu.memory_space<vmem>> -> memref<1x40xi32, #tpu.memory_space<vmem>>
      %dma_start3A_136 = tpu.memref_squeeze %dma_start3A_135 : memref<1x40xi32, #tpu.memory_space<vmem>> -> memref<40xi32, #tpu.memory_space<vmem>>
      %dma_start3A_137 = arith.constant 0 : i32
      %dma_start3A_138 = arith.constant 0 : i32
      %dma_start3A_139 = tpu.memref_slice %arg10[%dma_start3A_137, %dma_start3A_138] : memref<10000x128xf32, #tpu.memory_space<vmem_shared>> -> memref<10000x128xf32, #tpu.memory_space<vmem_shared>>
      tpu.enqueue_indirect_dma source(%dma_start3A_133 : memref<40x128xf32, #tpu.memory_space<vmem>>) target(%dma_start3A_139 : memref<10000x128xf32, #tpu.memory_space<vmem_shared>>) offsets(%dma_start3A_136 : memref<40xi32, #tpu.memory_space<vmem>>) semaphore(%arg16 : memref<!tpu.dma_semaphore, #tpu.memory_space<semaphore_mem>>) {add = true}
      %dma_wait3A_140 = arith.constant 1 : i32
      %dma_wait3A_141 = arith.constant 0 : i32
      %dma_wait3A_142 = arith.constant 0 : i32
      %dma_wait3A_143 = tpu.memref_slice %arg9[%dma_wait3A_140, %dma_wait3A_141, %dma_wait3A_142] : memref<5x40x128xf32, #tpu.memory_space<vmem>> -> memref<1x40x128xf32, #tpu.memory_space<vmem>>
      %dma_wait3A_144 = tpu.memref_squeeze %dma_wait3A_143 : memref<1x40x128xf32, #tpu.memory_space<vmem>> -> memref<40x128xf32, #tpu.memory_space<vmem>>
      %dma_wait3A_145 = arith.constant 0 : i32
      %dma_wait3A_146 = tpu.memref_slice %arg8[%add3A_117, %dma_wait3A_145] : memref<250x40xi32, #tpu.memory_space<vmem>> -> memref<1x40xi32, #tpu.memory_space<vmem>>
      %dma_wait3A_147 = tpu.memref_squeeze %dma_wait3A_146 : memref<1x40xi32, #tpu.memory_space<vmem>> -> memref<40xi32, #tpu.memory_space<vmem>>
      %dma_wait3A_148 = arith.constant 0 : i32
      %dma_wait3A_149 = arith.constant 0 : i32
      %dma_wait3A_150 = tpu.memref_slice %arg10[%dma_wait3A_148, %dma_wait3A_149] : memref<10000x128xf32, #tpu.memory_space<vmem_shared>> -> memref<10000x128xf32, #tpu.memory_space<vmem_shared>>
      tpu.wait_indirect_dma semaphore(%arg16 : memref<!tpu.dma_semaphore, #tpu.memory_space<semaphore_mem>>) src(%dma_wait3A_144 : memref<40x128xf32, #tpu.memory_space<vmem>>) dst(%dma_wait3A_150 : memref<10000x128xf32, #tpu.memory_space<vmem_shared>>)
      %add3A_151 = arith.constant 5 : i32
      %add3A_152 = arith.addi %add3A_117, %add3A_151 : i32
      %lt3A_153 = arith.constant 250 : i32
      %lt3A_154 = arith.cmpi slt, %add3A_152, %lt3A_153 : i32
      %convert_element_type3A_155 = arith.extui %lt3A_154 : i1 to i32
      %cond3A_156 = arith.constant 0 : i32
      %cond3A_157 = arith.cmpi ne, %convert_element_type3A_155, %cond3A_156 : i32
      scf.if %cond3A_157 {
        %dma_start3A_290 = arith.constant 1 : i32
        %dma_start3A_291 = arith.constant 0 : i32
        %dma_start3A_292 = arith.constant 0 : i32
        %dma_start3A_293 = tpu.memref_slice %arg9[%dma_start3A_290, %dma_start3A_291, %dma_start3A_292] : memref<5x40x128xf32, #tpu.memory_space<vmem>> -> memref<1x40x128xf32, #tpu.memory_space<vmem>>
        %dma_start3A_294 = tpu.memref_squeeze %dma_start3A_293 : memref<1x40x128xf32, #tpu.memory_space<vmem>> -> memref<40x128xf32, #tpu.memory_space<vmem>>
        %dma_start3A_295 = arith.constant 0 : i32
        %dma_start3A_296 = tpu.memref_slice %arg7[%add3A_152, %dma_start3A_295] : memref<250x40xi32, #tpu.memory_space<vmem>> -> memref<1x40xi32, #tpu.memory_space<vmem>>
        %dma_start3A_297 = tpu.memref_squeeze %dma_start3A_296 : memref<1x40xi32, #tpu.memory_space<vmem>> -> memref<40xi32, #tpu.memory_space<vmem>>
        %dma_start3A_298 = arith.constant 0 : i32
        %dma_start3A_299 = arith.constant 0 : i32
        %dma_start3A_300 = tpu.memref_slice %arg4[%dma_start3A_298, %dma_start3A_299] : memref<10000x128xf32, #tpu.memory_space<hbm>> -> memref<10000x128xf32, #tpu.memory_space<hbm>>
        tpu.enqueue_indirect_dma source(%dma_start3A_300 : memref<10000x128xf32, #tpu.memory_space<hbm>>) target(%dma_start3A_294 : memref<40x128xf32, #tpu.memory_space<vmem>>) offsets(%dma_start3A_297 : memref<40xi32, #tpu.memory_space<vmem>>) semaphore(%arg12 : memref<!tpu.dma_semaphore, #tpu.memory_space<semaphore_mem>>)
      } else {
      }
      %mul3A_158 = arith.constant 5 : i32
      %mul3A_159 = arith.muli %scan3A_73, %mul3A_158 : i32
      %add3A_160 = arith.constant 2 : i32
      %add3A_161 = arith.addi %mul3A_159, %add3A_160 : i32
      %dma_wait3A_162 = arith.constant 2 : i32
      %dma_wait3A_163 = arith.constant 0 : i32
      %dma_wait3A_164 = arith.constant 0 : i32
      %dma_wait3A_165 = tpu.memref_slice %arg9[%dma_wait3A_162, %dma_wait3A_163, %dma_wait3A_164] : memref<5x40x128xf32, #tpu.memory_space<vmem>> -> memref<1x40x128xf32, #tpu.memory_space<vmem>>
      %dma_wait3A_166 = tpu.memref_squeeze %dma_wait3A_165 : memref<1x40x128xf32, #tpu.memory_space<vmem>> -> memref<40x128xf32, #tpu.memory_space<vmem>>
      %dma_wait3A_167 = arith.constant 0 : i32
      %dma_wait3A_168 = tpu.memref_slice %arg7[%add3A_161, %dma_wait3A_167] : memref<250x40xi32, #tpu.memory_space<vmem>> -> memref<1x40xi32, #tpu.memory_space<vmem>>
      %dma_wait3A_169 = tpu.memref_squeeze %dma_wait3A_168 : memref<1x40xi32, #tpu.memory_space<vmem>> -> memref<40xi32, #tpu.memory_space<vmem>>
      %dma_wait3A_170 = arith.constant 0 : i32
      %dma_wait3A_171 = arith.constant 0 : i32
      %dma_wait3A_172 = tpu.memref_slice %arg4[%dma_wait3A_170, %dma_wait3A_171] : memref<10000x128xf32, #tpu.memory_space<hbm>> -> memref<10000x128xf32, #tpu.memory_space<hbm>>
      tpu.wait_indirect_dma semaphore(%arg13 : memref<!tpu.dma_semaphore, #tpu.memory_space<semaphore_mem>>) src(%dma_wait3A_172 : memref<10000x128xf32, #tpu.memory_space<hbm>>) dst(%dma_wait3A_166 : memref<40x128xf32, #tpu.memory_space<vmem>>)
      %dma_start3A_173 = arith.constant 2 : i32
      %dma_start3A_174 = arith.constant 0 : i32
      %dma_start3A_175 = arith.constant 0 : i32
      %dma_start3A_176 = tpu.memref_slice %arg9[%dma_start3A_173, %dma_start3A_174, %dma_start3A_175] : memref<5x40x128xf32, #tpu.memory_space<vmem>> -> memref<1x40x128xf32, #tpu.memory_space<vmem>>
      %dma_start3A_177 = tpu.memref_squeeze %dma_start3A_176 : memref<1x40x128xf32, #tpu.memory_space<vmem>> -> memref<40x128xf32, #tpu.memory_space<vmem>>
      %dma_start3A_178 = arith.constant 0 : i32
      %dma_start3A_179 = tpu.memref_slice %arg8[%add3A_161, %dma_start3A_178] : memref<250x40xi32, #tpu.memory_space<vmem>> -> memref<1x40xi32, #tpu.memory_space<vmem>>
      %dma_start3A_180 = tpu.memref_squeeze %dma_start3A_179 : memref<1x40xi32, #tpu.memory_space<vmem>> -> memref<40xi32, #tpu.memory_space<vmem>>
      %dma_start3A_181 = arith.constant 0 : i32
      %dma_start3A_182 = arith.constant 0 : i32
      %dma_start3A_183 = tpu.memref_slice %arg10[%dma_start3A_181, %dma_start3A_182] : memref<10000x128xf32, #tpu.memory_space<vmem_shared>> -> memref<10000x128xf32, #tpu.memory_space<vmem_shared>>
      tpu.enqueue_indirect_dma source(%dma_start3A_177 : memref<40x128xf32, #tpu.memory_space<vmem>>) target(%dma_start3A_183 : memref<10000x128xf32, #tpu.memory_space<vmem_shared>>) offsets(%dma_start3A_180 : memref<40xi32, #tpu.memory_space<vmem>>) semaphore(%arg16 : memref<!tpu.dma_semaphore, #tpu.memory_space<semaphore_mem>>) {add = true}
      %dma_wait3A_184 = arith.constant 2 : i32
      %dma_wait3A_185 = arith.constant 0 : i32
      %dma_wait3A_186 = arith.constant 0 : i32
      %dma_wait3A_187 = tpu.memref_slice %arg9[%dma_wait3A_184, %dma_wait3A_185, %dma_wait3A_186] : memref<5x40x128xf32, #tpu.memory_space<vmem>> -> memref<1x40x128xf32, #tpu.memory_space<vmem>>
      %dma_wait3A_188 = tpu.memref_squeeze %dma_wait3A_187 : memref<1x40x128xf32, #tpu.memory_space<vmem>> -> memref<40x128xf32, #tpu.memory_space<vmem>>
      %dma_wait3A_189 = arith.constant 0 : i32
      %dma_wait3A_190 = tpu.memref_slice %arg8[%add3A_161, %dma_wait3A_189] : memref<250x40xi32, #tpu.memory_space<vmem>> -> memref<1x40xi32, #tpu.memory_space<vmem>>
      %dma_wait3A_191 = tpu.memref_squeeze %dma_wait3A_190 : memref<1x40xi32, #tpu.memory_space<vmem>> -> memref<40xi32, #tpu.memory_space<vmem>>
      %dma_wait3A_192 = arith.constant 0 : i32
      %dma_wait3A_193 = arith.constant 0 : i32
      %dma_wait3A_194 = tpu.memref_slice %arg10[%dma_wait3A_192, %dma_wait3A_193] : memref<10000x128xf32, #tpu.memory_space<vmem_shared>> -> memref<10000x128xf32, #tpu.memory_space<vmem_shared>>
      tpu.wait_indirect_dma semaphore(%arg16 : memref<!tpu.dma_semaphore, #tpu.memory_space<semaphore_mem>>) src(%dma_wait3A_188 : memref<40x128xf32, #tpu.memory_space<vmem>>) dst(%dma_wait3A_194 : memref<10000x128xf32, #tpu.memory_space<vmem_shared>>)
      %add3A_195 = arith.constant 5 : i32
      %add3A_196 = arith.addi %add3A_161, %add3A_195 : i32
      %lt3A_197 = arith.constant 250 : i32
      %lt3A_198 = arith.cmpi slt, %add3A_196, %lt3A_197 : i32
      %convert_element_type3A_199 = arith.extui %lt3A_198 : i1 to i32
      %cond3A_200 = arith.constant 0 : i32
      %cond3A_201 = arith.cmpi ne, %convert_element_type3A_199, %cond3A_200 : i32
      scf.if %cond3A_201 {
        %dma_start3A_290 = arith.constant 2 : i32
        %dma_start3A_291 = arith.constant 0 : i32
        %dma_start3A_292 = arith.constant 0 : i32
        %dma_start3A_293 = tpu.memref_slice %arg9[%dma_start3A_290, %dma_start3A_291, %dma_start3A_292] : memref<5x40x128xf32, #tpu.memory_space<vmem>> -> memref<1x40x128xf32, #tpu.memory_space<vmem>>
        %dma_start3A_294 = tpu.memref_squeeze %dma_start3A_293 : memref<1x40x128xf32, #tpu.memory_space<vmem>> -> memref<40x128xf32, #tpu.memory_space<vmem>>
        %dma_start3A_295 = arith.constant 0 : i32
        %dma_start3A_296 = tpu.memref_slice %arg7[%add3A_196, %dma_start3A_295] : memref<250x40xi32, #tpu.memory_space<vmem>> -> memref<1x40xi32, #tpu.memory_space<vmem>>
        %dma_start3A_297 = tpu.memref_squeeze %dma_start3A_296 : memref<1x40xi32, #tpu.memory_space<vmem>> -> memref<40xi32, #tpu.memory_space<vmem>>
        %dma_start3A_298 = arith.constant 0 : i32
        %dma_start3A_299 = arith.constant 0 : i32
        %dma_start3A_300 = tpu.memref_slice %arg4[%dma_start3A_298, %dma_start3A_299] : memref<10000x128xf32, #tpu.memory_space<hbm>> -> memref<10000x128xf32, #tpu.memory_space<hbm>>
        tpu.enqueue_indirect_dma source(%dma_start3A_300 : memref<10000x128xf32, #tpu.memory_space<hbm>>) target(%dma_start3A_294 : memref<40x128xf32, #tpu.memory_space<vmem>>) offsets(%dma_start3A_297 : memref<40xi32, #tpu.memory_space<vmem>>) semaphore(%arg13 : memref<!tpu.dma_semaphore, #tpu.memory_space<semaphore_mem>>)
      } else {
      }
      %mul3A_202 = arith.constant 5 : i32
      %mul3A_203 = arith.muli %scan3A_73, %mul3A_202 : i32
      %add3A_204 = arith.constant 3 : i32
      %add3A_205 = arith.addi %mul3A_203, %add3A_204 : i32
      %dma_wait3A_206 = arith.constant 3 : i32
      %dma_wait3A_207 = arith.constant 0 : i32
      %dma_wait3A_208 = arith.constant 0 : i32
      %dma_wait3A_209 = tpu.memref_slice %arg9[%dma_wait3A_206, %dma_wait3A_207, %dma_wait3A_208] : memref<5x40x128xf32, #tpu.memory_space<vmem>> -> memref<1x40x128xf32, #tpu.memory_space<vmem>>
      %dma_wait3A_210 = tpu.memref_squeeze %dma_wait3A_209 : memref<1x40x128xf32, #tpu.memory_space<vmem>> -> memref<40x128xf32, #tpu.memory_space<vmem>>
      %dma_wait3A_211 = arith.constant 0 : i32
      %dma_wait3A_212 = tpu.memref_slice %arg7[%add3A_205, %dma_wait3A_211] : memref<250x40xi32, #tpu.memory_space<vmem>> -> memref<1x40xi32, #tpu.memory_space<vmem>>
      %dma_wait3A_213 = tpu.memref_squeeze %dma_wait3A_212 : memref<1x40xi32, #tpu.memory_space<vmem>> -> memref<40xi32, #tpu.memory_space<vmem>>
      %dma_wait3A_214 = arith.constant 0 : i32
      %dma_wait3A_215 = arith.constant 0 : i32
      %dma_wait3A_216 = tpu.memref_slice %arg4[%dma_wait3A_214, %dma_wait3A_215] : memref<10000x128xf32, #tpu.memory_space<hbm>> -> memref<10000x128xf32, #tpu.memory_space<hbm>>
      tpu.wait_indirect_dma semaphore(%arg14 : memref<!tpu.dma_semaphore, #tpu.memory_space<semaphore_mem>>) src(%dma_wait3A_216 : memref<10000x128xf32, #tpu.memory_space<hbm>>) dst(%dma_wait3A_210 : memref<40x128xf32, #tpu.memory_space<vmem>>)
      %dma_start3A_217 = arith.constant 3 : i32
      %dma_start3A_218 = arith.constant 0 : i32
      %dma_start3A_219 = arith.constant 0 : i32
      %dma_start3A_220 = tpu.memref_slice %arg9[%dma_start3A_217, %dma_start3A_218, %dma_start3A_219] : memref<5x40x128xf32, #tpu.memory_space<vmem>> -> memref<1x40x128xf32, #tpu.memory_space<vmem>>
      %dma_start3A_221 = tpu.memref_squeeze %dma_start3A_220 : memref<1x40x128xf32, #tpu.memory_space<vmem>> -> memref<40x128xf32, #tpu.memory_space<vmem>>
      %dma_start3A_222 = arith.constant 0 : i32
      %dma_start3A_223 = tpu.memref_slice %arg8[%add3A_205, %dma_start3A_222] : memref<250x40xi32, #tpu.memory_space<vmem>> -> memref<1x40xi32, #tpu.memory_space<vmem>>
      %dma_start3A_224 = tpu.memref_squeeze %dma_start3A_223 : memref<1x40xi32, #tpu.memory_space<vmem>> -> memref<40xi32, #tpu.memory_space<vmem>>
      %dma_start3A_225 = arith.constant 0 : i32
      %dma_start3A_226 = arith.constant 0 : i32
      %dma_start3A_227 = tpu.memref_slice %arg10[%dma_start3A_225, %dma_start3A_226] : memref<10000x128xf32, #tpu.memory_space<vmem_shared>> -> memref<10000x128xf32, #tpu.memory_space<vmem_shared>>
      tpu.enqueue_indirect_dma source(%dma_start3A_221 : memref<40x128xf32, #tpu.memory_space<vmem>>) target(%dma_start3A_227 : memref<10000x128xf32, #tpu.memory_space<vmem_shared>>) offsets(%dma_start3A_224 : memref<40xi32, #tpu.memory_space<vmem>>) semaphore(%arg16 : memref<!tpu.dma_semaphore, #tpu.memory_space<semaphore_mem>>) {add = true}
      %dma_wait3A_228 = arith.constant 3 : i32
      %dma_wait3A_229 = arith.constant 0 : i32
      %dma_wait3A_230 = arith.constant 0 : i32
      %dma_wait3A_231 = tpu.memref_slice %arg9[%dma_wait3A_228, %dma_wait3A_229, %dma_wait3A_230] : memref<5x40x128xf32, #tpu.memory_space<vmem>> -> memref<1x40x128xf32, #tpu.memory_space<vmem>>
      %dma_wait3A_232 = tpu.memref_squeeze %dma_wait3A_231 : memref<1x40x128xf32, #tpu.memory_space<vmem>> -> memref<40x128xf32, #tpu.memory_space<vmem>>
      %dma_wait3A_233 = arith.constant 0 : i32
      %dma_wait3A_234 = tpu.memref_slice %arg8[%add3A_205, %dma_wait3A_233] : memref<250x40xi32, #tpu.memory_space<vmem>> -> memref<1x40xi32, #tpu.memory_space<vmem>>
      %dma_wait3A_235 = tpu.memref_squeeze %dma_wait3A_234 : memref<1x40xi32, #tpu.memory_space<vmem>> -> memref<40xi32, #tpu.memory_space<vmem>>
      %dma_wait3A_236 = arith.constant 0 : i32
      %dma_wait3A_237 = arith.constant 0 : i32
      %dma_wait3A_238 = tpu.memref_slice %arg10[%dma_wait3A_236, %dma_wait3A_237] : memref<10000x128xf32, #tpu.memory_space<vmem_shared>> -> memref<10000x128xf32, #tpu.memory_space<vmem_shared>>
      tpu.wait_indirect_dma semaphore(%arg16 : memref<!tpu.dma_semaphore, #tpu.memory_space<semaphore_mem>>) src(%dma_wait3A_232 : memref<40x128xf32, #tpu.memory_space<vmem>>) dst(%dma_wait3A_238 : memref<10000x128xf32, #tpu.memory_space<vmem_shared>>)
      %add3A_239 = arith.constant 5 : i32
      %add3A_240 = arith.addi %add3A_205, %add3A_239 : i32
      %lt3A_241 = arith.constant 250 : i32
      %lt3A_242 = arith.cmpi slt, %add3A_240, %lt3A_241 : i32
      %convert_element_type3A_243 = arith.extui %lt3A_242 : i1 to i32
      %cond3A_244 = arith.constant 0 : i32
      %cond3A_245 = arith.cmpi ne, %convert_element_type3A_243, %cond3A_244 : i32
      scf.if %cond3A_245 {
        %dma_start3A_290 = arith.constant 3 : i32
        %dma_start3A_291 = arith.constant 0 : i32
        %dma_start3A_292 = arith.constant 0 : i32
        %dma_start3A_293 = tpu.memref_slice %arg9[%dma_start3A_290, %dma_start3A_291, %dma_start3A_292] : memref<5x40x128xf32, #tpu.memory_space<vmem>> -> memref<1x40x128xf32, #tpu.memory_space<vmem>>
        %dma_start3A_294 = tpu.memref_squeeze %dma_start3A_293 : memref<1x40x128xf32, #tpu.memory_space<vmem>> -> memref<40x128xf32, #tpu.memory_space<vmem>>
        %dma_start3A_295 = arith.constant 0 : i32
        %dma_start3A_296 = tpu.memref_slice %arg7[%add3A_240, %dma_start3A_295] : memref<250x40xi32, #tpu.memory_space<vmem>> -> memref<1x40xi32, #tpu.memory_space<vmem>>
        %dma_start3A_297 = tpu.memref_squeeze %dma_start3A_296 : memref<1x40xi32, #tpu.memory_space<vmem>> -> memref<40xi32, #tpu.memory_space<vmem>>
        %dma_start3A_298 = arith.constant 0 : i32
        %dma_start3A_299 = arith.constant 0 : i32
        %dma_start3A_300 = tpu.memref_slice %arg4[%dma_start3A_298, %dma_start3A_299] : memref<10000x128xf32, #tpu.memory_space<hbm>> -> memref<10000x128xf32, #tpu.memory_space<hbm>>
        tpu.enqueue_indirect_dma source(%dma_start3A_300 : memref<10000x128xf32, #tpu.memory_space<hbm>>) target(%dma_start3A_294 : memref<40x128xf32, #tpu.memory_space<vmem>>) offsets(%dma_start3A_297 : memref<40xi32, #tpu.memory_space<vmem>>) semaphore(%arg14 : memref<!tpu.dma_semaphore, #tpu.memory_space<semaphore_mem>>)
      } else {
      }
      %mul3A_246 = arith.constant 5 : i32
      %mul3A_247 = arith.muli %scan3A_73, %mul3A_246 : i32
      %add3A_248 = arith.constant 4 : i32
      %add3A_249 = arith.addi %mul3A_247, %add3A_248 : i32
      %dma_wait3A_250 = arith.constant 4 : i32
      %dma_wait3A_251 = arith.constant 0 : i32
      %dma_wait3A_252 = arith.constant 0 : i32
      %dma_wait3A_253 = tpu.memref_slice %arg9[%dma_wait3A_250, %dma_wait3A_251, %dma_wait3A_252] : memref<5x40x128xf32, #tpu.memory_space<vmem>> -> memref<1x40x128xf32, #tpu.memory_space<vmem>>
      %dma_wait3A_254 = tpu.memref_squeeze %dma_wait3A_253 : memref<1x40x128xf32, #tpu.memory_space<vmem>> -> memref<40x128xf32, #tpu.memory_space<vmem>>
      %dma_wait3A_255 = arith.constant 0 : i32
      %dma_wait3A_256 = tpu.memref_slice %arg7[%add3A_249, %dma_wait3A_255] : memref<250x40xi32, #tpu.memory_space<vmem>> -> memref<1x40xi32, #tpu.memory_space<vmem>>
      %dma_wait3A_257 = tpu.memref_squeeze %dma_wait3A_256 : memref<1x40xi32, #tpu.memory_space<vmem>> -> memref<40xi32, #tpu.memory_space<vmem>>
      %dma_wait3A_258 = arith.constant 0 : i32
      %dma_wait3A_259 = arith.constant 0 : i32
      %dma_wait3A_260 = tpu.memref_slice %arg4[%dma_wait3A_258, %dma_wait3A_259] : memref<10000x128xf32, #tpu.memory_space<hbm>> -> memref<10000x128xf32, #tpu.memory_space<hbm>>
      tpu.wait_indirect_dma semaphore(%arg15 : memref<!tpu.dma_semaphore, #tpu.memory_space<semaphore_mem>>) src(%dma_wait3A_260 : memref<10000x128xf32, #tpu.memory_space<hbm>>) dst(%dma_wait3A_254 : memref<40x128xf32, #tpu.memory_space<vmem>>)
      %dma_start3A_261 = arith.constant 4 : i32
      %dma_start3A_262 = arith.constant 0 : i32
      %dma_start3A_263 = arith.constant 0 : i32
      %dma_start3A_264 = tpu.memref_slice %arg9[%dma_start3A_261, %dma_start3A_262, %dma_start3A_263] : memref<5x40x128xf32, #tpu.memory_space<vmem>> -> memref<1x40x128xf32, #tpu.memory_space<vmem>>
      %dma_start3A_265 = tpu.memref_squeeze %dma_start3A_264 : memref<1x40x128xf32, #tpu.memory_space<vmem>> -> memref<40x128xf32, #tpu.memory_space<vmem>>
      %dma_start3A_266 = arith.constant 0 : i32
      %dma_start3A_267 = tpu.memref_slice %arg8[%add3A_249, %dma_start3A_266] : memref<250x40xi32, #tpu.memory_space<vmem>> -> memref<1x40xi32, #tpu.memory_space<vmem>>
      %dma_start3A_268 = tpu.memref_squeeze %dma_start3A_267 : memref<1x40xi32, #tpu.memory_space<vmem>> -> memref<40xi32, #tpu.memory_space<vmem>>
      %dma_start3A_269 = arith.constant 0 : i32
      %dma_start3A_270 = arith.constant 0 : i32
      %dma_start3A_271 = tpu.memref_slice %arg10[%dma_start3A_269, %dma_start3A_270] : memref<10000x128xf32, #tpu.memory_space<vmem_shared>> -> memref<10000x128xf32, #tpu.memory_space<vmem_shared>>
      tpu.enqueue_indirect_dma source(%dma_start3A_265 : memref<40x128xf32, #tpu.memory_space<vmem>>) target(%dma_start3A_271 : memref<10000x128xf32, #tpu.memory_space<vmem_shared>>) offsets(%dma_start3A_268 : memref<40xi32, #tpu.memory_space<vmem>>) semaphore(%arg16 : memref<!tpu.dma_semaphore, #tpu.memory_space<semaphore_mem>>) {add = true}
      %dma_wait3A_272 = arith.constant 4 : i32
      %dma_wait3A_273 = arith.constant 0 : i32
      %dma_wait3A_274 = arith.constant 0 : i32
      %dma_wait3A_275 = tpu.memref_slice %arg9[%dma_wait3A_272, %dma_wait3A_273, %dma_wait3A_274] : memref<5x40x128xf32, #tpu.memory_space<vmem>> -> memref<1x40x128xf32, #tpu.memory_space<vmem>>
      %dma_wait3A_276 = tpu.memref_squeeze %dma_wait3A_275 : memref<1x40x128xf32, #tpu.memory_space<vmem>> -> memref<40x128xf32, #tpu.memory_space<vmem>>
      %dma_wait3A_277 = arith.constant 0 : i32
      %dma_wait3A_278 = tpu.memref_slice %arg8[%add3A_249, %dma_wait3A_277] : memref<250x40xi32, #tpu.memory_space<vmem>> -> memref<1x40xi32, #tpu.memory_space<vmem>>
      %dma_wait3A_279 = tpu.memref_squeeze %dma_wait3A_278 : memref<1x40xi32, #tpu.memory_space<vmem>> -> memref<40xi32, #tpu.memory_space<vmem>>
      %dma_wait3A_280 = arith.constant 0 : i32
      %dma_wait3A_281 = arith.constant 0 : i32
      %dma_wait3A_282 = tpu.memref_slice %arg10[%dma_wait3A_280, %dma_wait3A_281] : memref<10000x128xf32, #tpu.memory_space<vmem_shared>> -> memref<10000x128xf32, #tpu.memory_space<vmem_shared>>
      tpu.wait_indirect_dma semaphore(%arg16 : memref<!tpu.dma_semaphore, #tpu.memory_space<semaphore_mem>>) src(%dma_wait3A_276 : memref<40x128xf32, #tpu.memory_space<vmem>>) dst(%dma_wait3A_282 : memref<10000x128xf32, #tpu.memory_space<vmem_shared>>)
      %add3A_283 = arith.constant 5 : i32
      %add3A_284 = arith.addi %add3A_249, %add3A_283 : i32
      %lt3A_285 = arith.constant 250 : i32
      %lt3A_286 = arith.cmpi slt, %add3A_284, %lt3A_285 : i32
      %convert_element_type3A_287 = arith.extui %lt3A_286 : i1 to i32
      %cond3A_288 = arith.constant 0 : i32
      %cond3A_289 = arith.cmpi ne, %convert_element_type3A_287, %cond3A_288 : i32
      scf.if %cond3A_289 {
        %dma_start3A_290 = arith.constant 4 : i32
        %dma_start3A_291 = arith.constant 0 : i32
        %dma_start3A_292 = arith.constant 0 : i32
        %dma_start3A_293 = tpu.memref_slice %arg9[%dma_start3A_290, %dma_start3A_291, %dma_start3A_292] : memref<5x40x128xf32, #tpu.memory_space<vmem>> -> memref<1x40x128xf32, #tpu.memory_space<vmem>>
        %dma_start3A_294 = tpu.memref_squeeze %dma_start3A_293 : memref<1x40x128xf32, #tpu.memory_space<vmem>> -> memref<40x128xf32, #tpu.memory_space<vmem>>
        %dma_start3A_295 = arith.constant 0 : i32
        %dma_start3A_296 = tpu.memref_slice %arg7[%add3A_284, %dma_start3A_295] : memref<250x40xi32, #tpu.memory_space<vmem>> -> memref<1x40xi32, #tpu.memory_space<vmem>>
        %dma_start3A_297 = tpu.memref_squeeze %dma_start3A_296 : memref<1x40xi32, #tpu.memory_space<vmem>> -> memref<40xi32, #tpu.memory_space<vmem>>
        %dma_start3A_298 = arith.constant 0 : i32
        %dma_start3A_299 = arith.constant 0 : i32
        %dma_start3A_300 = tpu.memref_slice %arg4[%dma_start3A_298, %dma_start3A_299] : memref<10000x128xf32, #tpu.memory_space<hbm>> -> memref<10000x128xf32, #tpu.memory_space<hbm>>
        tpu.enqueue_indirect_dma source(%dma_start3A_300 : memref<10000x128xf32, #tpu.memory_space<hbm>>) target(%dma_start3A_294 : memref<40x128xf32, #tpu.memory_space<vmem>>) offsets(%dma_start3A_297 : memref<40xi32, #tpu.memory_space<vmem>>) semaphore(%arg15 : memref<!tpu.dma_semaphore, #tpu.memory_space<semaphore_mem>>)
      } else {
      }
    }
    %scan3A_66 = arith.constant 50 : i32
    %barrier3A_67 = arith.constant 0 : index
    tpu.barrier barrier_id(%barrier3A_67)
    %mul3A_68 = arith.constant 624 : i32
    %mul3A_69 = arith.muli %arg1, %mul3A_68 : i32
    %mul3A_70 = arith.constant 10000 : i32
    %mul3A_71 = arith.muli %arg0, %mul3A_70 : i32
    %add3A_72 = arith.addi %mul3A_71, %mul3A_69 : i32
    "tpu.region"() ({
      %run_scoped3A = tpu.sem_alloc : memref<!tpu.dma_semaphore, #tpu.memory_space<semaphore_mem>>
      %dma_start3A_73 = arith.constant 0 : i32
      %dma_start3A_74 = tpu.memref_slice %arg6[%add3A_72, %dma_start3A_73] : memref<20000x128xf32, #tpu.memory_space<hbm>> -> memref<640x128xf32, #tpu.memory_space<hbm>>
      %dma_start3A_75 = arith.constant 0 : i32
      %dma_start3A_76 = tpu.memref_slice %arg10[%mul3A_69, %dma_start3A_75] : memref<10000x128xf32, #tpu.memory_space<vmem_shared>> -> memref<640x128xf32, #tpu.memory_space<vmem_shared>>
      tpu.enqueue_dma source(%dma_start3A_76 : memref<640x128xf32, #tpu.memory_space<vmem_shared>>) target(%dma_start3A_74 : memref<640x128xf32, #tpu.memory_space<hbm>>) target_semaphore(%run_scoped3A : memref<!tpu.dma_semaphore, #tpu.memory_space<semaphore_mem>>)
      %dma_wait3A = arith.constant 0 : i32
      %dma_wait3A_77 = tpu.memref_slice %arg6[%add3A_72, %dma_wait3A] : memref<20000x128xf32, #tpu.memory_space<hbm>> -> memref<640x128xf32, #tpu.memory_space<hbm>>
      %dma_wait3A_78 = arith.constant 0 : i32
      %dma_wait3A_79 = tpu.memref_slice %arg10[%mul3A_69, %dma_wait3A_78] : memref<10000x128xf32, #tpu.memory_space<vmem_shared>> -> memref<640x128xf32, #tpu.memory_space<vmem_shared>>
      tpu.wait_dma2 semaphore(%run_scoped3A : memref<!tpu.dma_semaphore, #tpu.memory_space<semaphore_mem>>) src(%dma_wait3A_79 : memref<640x128xf32, #tpu.memory_space<vmem_shared>>) dst(%dma_wait3A_77 : memref<640x128xf32, #tpu.memory_space<hbm>>)
      tpu.yield
    }) : () -> ()
    return
  }
}

#map = affine_map<(d0, d1) -> (0, 0, 0)>
#map1 = affine_map<(d0, d1) -> (0, 0)>
module attributes {stable_mosaic.version = 14 : i64} {
  func.func @body(%arg0: i32, %arg1: i32, %arg2: memref<32x250x40xi32, #tpu.memory_space<hbm>>, %arg3: memref<32x250x40xi32, #tpu.memory_space<hbm>>, %arg4: memref<10000x128xf32, #tpu.memory_space<hbm>>, %arg5: memref<640x128xf32, #tpu.memory_space<hbm>>, %arg6: memref<20000x128xf32, #tpu.memory_space<hbm>>, %arg7: memref<250x40xi32, #tpu.memory_space<vmem>>, %arg8: memref<250x40xi32, #tpu.memory_space<vmem>>, %arg9: memref<5x40x128xf32, #tpu.memory_space<vmem>>, %arg10: memref<10000x128xf32, #tpu.memory_space<vmem_shared>>, %arg11: memref<!tpu.dma_semaphore, #tpu.memory_space<semaphore_mem>>, %arg12: memref<!tpu.dma_semaphore, #tpu.memory_space<semaphore_mem>>, %arg13: memref<!tpu.dma_semaphore, #tpu.memory_space<semaphore_mem>>, %arg14: memref<!tpu.dma_semaphore, #tpu.memory_space<semaphore_mem>>, %arg15: memref<!tpu.dma_semaphore, #tpu.memory_space<semaphore_mem>>, %arg16: memref<!tpu.dma_semaphore, #tpu.memory_space<semaphore_mem>>) attributes {dimension_semantics = [#tpu.dimension_semantics<core_parallel>, #tpu.dimension_semantics<subcore_parallel>], iteration_bounds = array<i64: 2, 16>, scalar_prefetch = 0 : i64, scratch_operands = 10 : i64, tpu.core_type = #tpu.core_type<sc_vector_subcore>, window_params = [{transform_indices = #map}, {transform_indices = #map}, {transform_indices = #map1}, {transform_indices = #map1}, {transform_indices = #map1}]} {
    %mul3A = arith.constant 2 : i32
    %mul3A_0 = arith.muli %arg1, %mul3A : i32
    %add3A = arith.addi %mul3A_0, %arg0 : i32
    %mul3A_1 = arith.constant 624 : i32
    %mul3A_2 = arith.muli %arg1, %mul3A_1 : i32
    "tpu.region"() ({
      %run_scoped3A = tpu.sem_alloc : memref<!tpu.dma_semaphore, #tpu.memory_space<semaphore_mem>>
      %dma_start3A_73 = arith.constant 0 : i32
      %dma_start3A_74 = tpu.memref_slice %arg10[%mul3A_2, %dma_start3A_73] : memref<10000x128xf32, #tpu.memory_space<vmem_shared>> -> memref<640x128xf32, #tpu.memory_space<vmem_shared>>
      tpu.enqueue_dma source(%arg5 : memref<640x128xf32, #tpu.memory_space<hbm>>) target(%dma_start3A_74 : memref<640x128xf32, #tpu.memory_space<vmem_shared>>) target_semaphore(%run_scoped3A : memref<!tpu.dma_semaphore, #tpu.memory_space<semaphore_mem>>)
      %dma_wait3A = arith.constant 0 : i32
      %dma_wait3A_75 = tpu.memref_slice %arg10[%mul3A_2, %dma_wait3A] : memref<10000x128xf32, #tpu.memory_space<vmem_shared>> -> memref<640x128xf32, #tpu.memory_space<vmem_shared>>
      tpu.wait_dma2 semaphore(%run_scoped3A : memref<!tpu.dma_semaphore, #tpu.memory_space<semaphore_mem>>) src(%arg5 : memref<640x128xf32, #tpu.memory_space<hbm>>) dst(%dma_wait3A_75 : memref<640x128xf32, #tpu.memory_space<vmem_shared>>)
      tpu.yield
    }) : () -> ()
    "tpu.region"() ({
      %run_scoped3A = tpu.sem_alloc : memref<!tpu.dma_semaphore, #tpu.memory_space<semaphore_mem>>
      %dma_start3A_73 = arith.constant 0 : i32
      %dma_start3A_74 = arith.constant 0 : i32
      %dma_start3A_75 = tpu.memref_slice %arg2[%add3A, %dma_start3A_73, %dma_start3A_74] : memref<32x250x40xi32, #tpu.memory_space<hbm>> -> memref<1x250x40xi32, #tpu.memory_space<hbm>>
      %dma_start3A_76 = tpu.memref_squeeze %dma_start3A_75 : memref<1x250x40xi32, #tpu.memory_space<hbm>> -> memref<250x40xi32, #tpu.memory_space<hbm>>
      %dma_start3A_77 = arith.constant 0 : i32
      %dma_start3A_78 = arith.constant 0 : i32
      %dma_start3A_79 = tpu.memref_slice %arg2[%add3A, %dma_start3A_77, %dma_start3A_78] : memref<32x250x40xi32, #tpu.memory_space<hbm>> -> memref<1x250x40xi32, #tpu.memory_space<hbm>>
      %dma_start3A_80 = tpu.memref_squeeze %dma_start3A_79 : memref<1x250x40xi32, #tpu.memory_space<hbm>> -> memref<250x40xi32, #tpu.memory_space<hbm>>
      tpu.enqueue_dma source(%dma_start3A_80 : memref<250x40xi32, #tpu.memory_space<hbm>>) target(%arg7 : memref<250x40xi32, #tpu.memory_space<vmem>>) target_semaphore(%run_scoped3A : memref<!tpu.dma_semaphore, #tpu.memory_space<semaphore_mem>>)
      %dma_wait3A = arith.constant 0 : i32
      %dma_wait3A_81 = arith.constant 0 : i32
      %dma_wait3A_82 = tpu.memref_slice %arg2[%add3A, %dma_wait3A, %dma_wait3A_81] : memref<32x250x40xi32, #tpu.memory_space<hbm>> -> memref<1x250x40xi32, #tpu.memory_space<hbm>>
      %dma_wait3A_83 = tpu.memref_squeeze %dma_wait3A_82 : memref<1x250x40xi32, #tpu.memory_space<hbm>> -> memref<250x40xi32, #tpu.memory_space<hbm>>
      %dma_wait3A_84 = arith.constant 0 : i32
      %dma_wait3A_85 = arith.constant 0 : i32
      %dma_wait3A_86 = tpu.memref_slice %arg2[%add3A, %dma_wait3A_84, %dma_wait3A_85] : memref<32x250x40xi32, #tpu.memory_space<hbm>> -> memref<1x250x40xi32, #tpu.memory_space<hbm>>
      %dma_wait3A_87 = tpu.memref_squeeze %dma_wait3A_86 : memref<1x250x40xi32, #tpu.memory_space<hbm>> -> memref<250x40xi32, #tpu.memory_space<hbm>>
      tpu.wait_dma2 semaphore(%run_scoped3A : memref<!tpu.dma_semaphore, #tpu.memory_space<semaphore_mem>>) src(%dma_wait3A_87 : memref<250x40xi32, #tpu.memory_space<hbm>>) dst(%arg7 : memref<250x40xi32, #tpu.memory_space<vmem>>)
      tpu.yield
    }) : () -> ()
    "tpu.region"() ({
      %run_scoped3A = tpu.sem_alloc : memref<!tpu.dma_semaphore, #tpu.memory_space<semaphore_mem>>
      %dma_start3A_73 = arith.constant 0 : i32
      %dma_start3A_74 = arith.constant 0 : i32
      %dma_start3A_75 = tpu.memref_slice %arg3[%add3A, %dma_start3A_73, %dma_start3A_74] : memref<32x250x40xi32, #tpu.memory_space<hbm>> -> memref<1x250x40xi32, #tpu.memory_space<hbm>>
      %dma_start3A_76 = tpu.memref_squeeze %dma_start3A_75 : memref<1x250x40xi32, #tpu.memory_space<hbm>> -> memref<250x40xi32, #tpu.memory_space<hbm>>
      %dma_start3A_77 = arith.constant 0 : i32
      %dma_start3A_78 = arith.constant 0 : i32
      %dma_start3A_79 = tpu.memref_slice %arg3[%add3A, %dma_start3A_77, %dma_start3A_78] : memref<32x250x40xi32, #tpu.memory_space<hbm>> -> memref<1x250x40xi32, #tpu.memory_space<hbm>>
      %dma_start3A_80 = tpu.memref_squeeze %dma_start3A_79 : memref<1x250x40xi32, #tpu.memory_space<hbm>> -> memref<250x40xi32, #tpu.memory_space<hbm>>
      tpu.enqueue_dma source(%dma_start3A_80 : memref<250x40xi32, #tpu.memory_space<hbm>>) target(%arg8 : memref<250x40xi32, #tpu.memory_space<vmem>>) target_semaphore(%run_scoped3A : memref<!tpu.dma_semaphore, #tpu.memory_space<semaphore_mem>>)
      %dma_wait3A = arith.constant 0 : i32
      %dma_wait3A_81 = arith.constant 0 : i32
      %dma_wait3A_82 = tpu.memref_slice %arg3[%add3A, %dma_wait3A, %dma_wait3A_81] : memref<32x250x40xi32, #tpu.memory_space<hbm>> -> memref<1x250x40xi32, #tpu.memory_space<hbm>>
      %dma_wait3A_83 = tpu.memref_squeeze %dma_wait3A_82 : memref<1x250x40xi32, #tpu.memory_space<hbm>> -> memref<250x40xi32, #tpu.memory_space<hbm>>
      %dma_wait3A_84 = arith.constant 0 : i32
      %dma_wait3A_85 = arith.constant 0 : i32
      %dma_wait3A_86 = tpu.memref_slice %arg3[%add3A, %dma_wait3A_84, %dma_wait3A_85] : memref<32x250x40xi32, #tpu.memory_space<hbm>> -> memref<1x250x40xi32, #tpu.memory_space<hbm>>
      %dma_wait3A_87 = tpu.memref_squeeze %dma_wait3A_86 : memref<1x250x40xi32, #tpu.memory_space<hbm>> -> memref<250x40xi32, #tpu.memory_space<hbm>>
      tpu.wait_dma2 semaphore(%run_scoped3A : memref<!tpu.dma_semaphore, #tpu.memory_space<semaphore_mem>>) src(%dma_wait3A_87 : memref<250x40xi32, #tpu.memory_space<hbm>>) dst(%arg8 : memref<250x40xi32, #tpu.memory_space<vmem>>)
      tpu.yield
    }) : () -> ()
    %barrier3A = arith.constant 0 : index
    tpu.barrier barrier_id(%barrier3A)
    %dma_start3A = arith.constant 0 : i32
    %dma_start3A_3 = arith.constant 0 : i32
    %dma_start3A_4 = arith.constant 0 : i32
    %dma_start3A_5 = arith.constant 0 : i32
    %dma_start3A_6 = tpu.memref_slice %arg9[%dma_start3A_3, %dma_start3A_4, %dma_start3A_5] : memref<5x40x128xf32, #tpu.memory_space<vmem>> -> memref<1x40x128xf32, #tpu.memory_space<vmem>>
    %dma_start3A_7 = tpu.memref_squeeze %dma_start3A_6 : memref<1x40x128xf32, #tpu.memory_space<vmem>> -> memref<40x128xf32, #tpu.memory_space<vmem>>
    %dma_start3A_8 = arith.constant 0 : i32
    %dma_start3A_9 = tpu.memref_slice %arg7[%dma_start3A, %dma_start3A_8] : memref<250x40xi32, #tpu.memory_space<vmem>> -> memref<1x40xi32, #tpu.memory_space<vmem>>
    %dma_start3A_10 = tpu.memref_squeeze %dma_start3A_9 : memref<1x40xi32, #tpu.memory_space<vmem>> -> memref<40xi32, #tpu.memory_space<vmem>>
    %dma_start3A_11 = arith.constant 0 : i32
    %dma_start3A_12 = arith.constant 0 : i32
    %dma_start3A_13 = tpu.memref_slice %arg4[%dma_start3A_11, %dma_start3A_12] : memref<10000x128xf32, #tpu.memory_space<hbm>> -> memref<10000x128xf32, #tpu.memory_space<hbm>>
    tpu.enqueue_indirect_dma source(%dma_start3A_13 : memref<10000x128xf32, #tpu.memory_space<hbm>>) target(%dma_start3A_7 : memref<40x128xf32, #tpu.memory_space<vmem>>) offsets(%dma_start3A_10 : memref<40xi32, #tpu.memory_space<vmem>>) semaphore(%arg11 : memref<!tpu.dma_semaphore, #tpu.memory_space<semaphore_mem>>)
    %dma_start3A_14 = arith.constant 1 : i32
    %dma_start3A_15 = arith.constant 1 : i32
    %dma_start3A_16 = arith.constant 0 : i32
    %dma_start3A_17 = arith.constant 0 : i32
    %dma_start3A_18 = tpu.memref_slice %arg9[%dma_start3A_15, %dma_start3A_16, %dma_start3A_17] : memref<5x40x128xf32, #tpu.memory_space<vmem>> -> memref<1x40x128xf32, #tpu.memory_space<vmem>>
    %dma_start3A_19 = tpu.memref_squeeze %dma_start3A_18 : memref<1x40x128xf32, #tpu.memory_space<vmem>> -> memref<40x128xf32, #tpu.memory_space<vmem>>
    %dma_start3A_20 = arith.constant 0 : i32
    %dma_start3A_21 = tpu.memref_slice %arg7[%dma_start3A_14, %dma_start3A_20] : memref<250x40xi32, #tpu.memory_space<vmem>> -> memref<1x40xi32, #tpu.memory_space<vmem>>
    %dma_start3A_22 = tpu.memref_squeeze %dma_start3A_21 : memref<1x40xi32, #tpu.memory_space<vmem>> -> memref<40xi32, #tpu.memory_space<vmem>>
    %dma_start3A_23 = arith.constant 0 : i32
    %dma_start3A_24 = arith.constant 0 : i32
    %dma_start3A_25 = tpu.memref_slice %arg4[%dma_start3A_23, %dma_start3A_24] : memref<10000x128xf32, #tpu.memory_space<hbm>> -> memref<10000x128xf32, #tpu.memory_space<hbm>>
    tpu.enqueue_indirect_dma source(%dma_start3A_25 : memref<10000x128xf32, #tpu.memory_space<hbm>>) target(%dma_start3A_19 : memref<40x128xf32, #tpu.memory_space<vmem>>) offsets(%dma_start3A_22 : memref<40xi32, #tpu.memory_space<vmem>>) semaphore(%arg12 : memref<!tpu.dma_semaphore, #tpu.memory_space<semaphore_mem>>)
    %dma_start3A_26 = arith.constant 2 : i32
    %dma_start3A_27 = arith.constant 2 : i32
    %dma_start3A_28 = arith.constant 0 : i32
    %dma_start3A_29 = arith.constant 0 : i32
    %dma_start3A_30 = tpu.memref_slice %arg9[%dma_start3A_27, %dma_start3A_28, %dma_start3A_29] : memref<5x40x128xf32, #tpu.memory_space<vmem>> -> memref<1x40x128xf32, #tpu.memory_space<vmem>>
    %dma_start3A_31 = tpu.memref_squeeze %dma_start3A_30 : memref<1x40x128xf32, #tpu.memory_space<vmem>> -> memref<40x128xf32, #tpu.memory_space<vmem>>
    %dma_start3A_32 = arith.constant 0 : i32
    %dma_start3A_33 = tpu.memref_slice %arg7[%dma_start3A_26, %dma_start3A_32] : memref<250x40xi32, #tpu.memory_space<vmem>> -> memref<1x40xi32, #tpu.memory_space<vmem>>
    %dma_start3A_34 = tpu.memref_squeeze %dma_start3A_33 : memref<1x40xi32, #tpu.memory_space<vmem>> -> memref<40xi32, #tpu.memory_space<vmem>>
    %dma_start3A_35 = arith.constant 0 : i32
    %dma_start3A_36 = arith.constant 0 : i32
    %dma_start3A_37 = tpu.memref_slice %arg4[%dma_start3A_35, %dma_start3A_36] : memref<10000x128xf32, #tpu.memory_space<hbm>> -> memref<10000x128xf32, #tpu.memory_space<hbm>>
    tpu.enqueue_indirect_dma source(%dma_start3A_37 : memref<10000x128xf32, #tpu.memory_space<hbm>>) target(%dma_start3A_31 : memref<40x128xf32, #tpu.memory_space<vmem>>) offsets(%dma_start3A_34 : memref<40xi32, #tpu.memory_space<vmem>>) semaphore(%arg13 : memref<!tpu.dma_semaphore, #tpu.memory_space<semaphore_mem>>)
    %dma_start3A_38 = arith.constant 3 : i32
    %dma_start3A_39 = arith.constant 3 : i32
    %dma_start3A_40 = arith.constant 0 : i32
    %dma_start3A_41 = arith.constant 0 : i32
    %dma_start3A_42 = tpu.memref_slice %arg9[%dma_start3A_39, %dma_start3A_40, %dma_start3A_41] : memref<5x40x128xf32, #tpu.memory_space<vmem>> -> memref<1x40x128xf32, #tpu.memory_space<vmem>>
    %dma_start3A_43 = tpu.memref_squeeze %dma_start3A_42 : memref<1x40x128xf32, #tpu.memory_space<vmem>> -> memref<40x128xf32, #tpu.memory_space<vmem>>
    %dma_start3A_44 = arith.constant 0 : i32
    %dma_start3A_45 = tpu.memref_slice %arg7[%dma_start3A_38, %dma_start3A_44] : memref<250x40xi32, #tpu.memory_space<vmem>> -> memref<1x40xi32, #tpu.memory_space<vmem>>
    %dma_start3A_46 = tpu.memref_squeeze %dma_start3A_45 : memref<1x40xi32, #tpu.memory_space<vmem>> -> memref<40xi32, #tpu.memory_space<vmem>>
    %dma_start3A_47 = arith.constant 0 : i32
    %dma_start3A_48 = arith.constant 0 : i32
    %dma_start3A_49 = tpu.memref_slice %arg4[%dma_start3A_47, %dma_start3A_48] : memref<10000x128xf32, #tpu.memory_space<hbm>> -> memref<10000x128xf32, #tpu.memory_space<hbm>>
    tpu.enqueue_indirect_dma source(%dma_start3A_49 : memref<10000x128xf32, #tpu.memory_space<hbm>>) target(%dma_start3A_43 : memref<40x128xf32, #tpu.memory_space<vmem>>) offsets(%dma_start3A_46 : memref<40xi32, #tpu.memory_space<vmem>>) semaphore(%arg14 : memref<!tpu.dma_semaphore, #tpu.memory_space<semaphore_mem>>)
    %dma_start3A_50 = arith.constant 4 : i32
    %dma_start3A_51 = arith.constant 4 : i32
    %dma_start3A_52 = arith.constant 0 : i32
    %dma_start3A_53 = arith.constant 0 : i32
    %dma_start3A_54 = tpu.memref_slice %arg9[%dma_start3A_51, %dma_start3A_52, %dma_start3A_53] : memref<5x40x128xf32, #tpu.memory_space<vmem>> -> memref<1x40x128xf32, #tpu.memory_space<vmem>>
    %dma_start3A_55 = tpu.memref_squeeze %dma_start3A_54 : memref<1x40x128xf32, #tpu.memory_space<vmem>> -> memref<40x128xf32, #tpu.memory_space<vmem>>
    %dma_start3A_56 = arith.constant 0 : i32
    %dma_start3A_57 = tpu.memref_slice %arg7[%dma_start3A_50, %dma_start3A_56] : memref<250x40xi32, #tpu.memory_space<vmem>> -> memref<1x40xi32, #tpu.memory_space<vmem>>
    %dma_start3A_58 = tpu.memref_squeeze %dma_start3A_57 : memref<1x40xi32, #tpu.memory_space<vmem>> -> memref<40xi32, #tpu.memory_space<vmem>>
    %dma_start3A_59 = arith.constant 0 : i32
    %dma_start3A_60 = arith.constant 0 : i32
    %dma_start3A_61 = tpu.memref_slice %arg4[%dma_start3A_59, %dma_start3A_60] : memref<10000x128xf32, #tpu.memory_space<hbm>> -> memref<10000x128xf32, #tpu.memory_space<hbm>>
    tpu.enqueue_indirect_dma source(%dma_start3A_61 : memref<10000x128xf32, #tpu.memory_space<hbm>>) target(%dma_start3A_55 : memref<40x128xf32, #tpu.memory_space<vmem>>) offsets(%dma_start3A_58 : memref<40xi32, #tpu.memory_space<vmem>>) semaphore(%arg15 : memref<!tpu.dma_semaphore, #tpu.memory_space<semaphore_mem>>)
    %scan3A = arith.constant 0 : i32
    %scan3A_62 = arith.constant 0 : i32
    %scan3A_63 = arith.constant 50 : i32
    %scan3A_64 = arith.addi %scan3A_62, %scan3A_63 : i32
    %scan3A_65 = arith.constant 1 : i32
    scf.for %scan3A_73 = %scan3A_62 to %scan3A_64 step %scan3A_65  : i32 {
      %mul3A_74 = arith.constant 5 : i32
      %mul3A_75 = arith.muli %scan3A_73, %mul3A_74 : i32
      %add3A_76 = arith.constant 0 : i32
      %add3A_77 = arith.addi %mul3A_75, %add3A_76 : i32
      %dma_wait3A = arith.constant 0 : i32
      %dma_wait3A_78 = arith.constant 0 : i32
      %dma_wait3A_79 = arith.constant 0 : i32
      %dma_wait3A_80 = tpu.memref_slice %arg9[%dma_wait3A, %dma_wait3A_78, %dma_wait3A_79] : memref<5x40x128xf32, #tpu.memory_space<vmem>> -> memref<1x40x128xf32, #tpu.memory_space<vmem>>
      %dma_wait3A_81 = tpu.memref_squeeze %dma_wait3A_80 : memref<1x40x128xf32, #tpu.memory_space<vmem>> -> memref<40x128xf32, #tpu.memory_space<vmem>>
      %dma_wait3A_82 = arith.constant 0 : i32
      %dma_wait3A_83 = tpu.memref_slice %arg7[%add3A_77, %dma_wait3A_82] : memref<250x40xi32, #tpu.memory_space<vmem>> -> memref<1x40xi32, #tpu.memory_space<vmem>>
      %dma_wait3A_84 = tpu.memref_squeeze %dma_wait3A_83 : memref<1x40xi32, #tpu.memory_space<vmem>> -> memref<40xi32, #tpu.memory_space<vmem>>
      %dma_wait3A_85 = arith.constant 0 : i32
      %dma_wait3A_86 = arith.constant 0 : i32
      %dma_wait3A_87 = tpu.memref_slice %arg4[%dma_wait3A_85, %dma_wait3A_86] : memref<10000x128xf32, #tpu.memory_space<hbm>> -> memref<10000x128xf32, #tpu.memory_space<hbm>>
      tpu.wait_indirect_dma semaphore(%arg11 : memref<!tpu.dma_semaphore, #tpu.memory_space<semaphore_mem>>) src(%dma_wait3A_87 : memref<10000x128xf32, #tpu.memory_space<hbm>>) dst(%dma_wait3A_81 : memref<40x128xf32, #tpu.memory_space<vmem>>)
      %dma_start3A_88 = arith.constant 0 : i32
      %dma_start3A_89 = arith.constant 0 : i32
      %dma_start3A_90 = arith.constant 0 : i32
      %dma_start3A_91 = tpu.memref_slice %arg9[%dma_start3A_88, %dma_start3A_89, %dma_start3A_90] : memref<5x40x128xf32, #tpu.memory_space<vmem>> -> memref<1x40x128xf32, #tpu.memory_space<vmem>>
      %dma_start3A_92 = tpu.memref_squeeze %dma_start3A_91 : memref<1x40x128xf32, #tpu.memory_space<vmem>> -> memref<40x128xf32, #tpu.memory_space<vmem>>
      %dma_start3A_93 = arith.constant 0 : i32
      %dma_start3A_94 = tpu.memref_slice %arg8[%add3A_77, %dma_start3A_93] : memref<250x40xi32, #tpu.memory_space<vmem>> -> memref<1x40xi32, #tpu.memory_space<vmem>>
      %dma_start3A_95 = tpu.memref_squeeze %dma_start3A_94 : memref<1x40xi32, #tpu.memory_space<vmem>> -> memref<40xi32, #tpu.memory_space<vmem>>
      %dma_start3A_96 = arith.constant 0 : i32
      %dma_start3A_97 = arith.constant 0 : i32
      %dma_start3A_98 = tpu.memref_slice %arg10[%dma_start3A_96, %dma_start3A_97] : memref<10000x128xf32, #tpu.memory_space<vmem_shared>> -> memref<10000x128xf32, #tpu.memory_space<vmem_shared>>
      tpu.enqueue_indirect_dma source(%dma_start3A_92 : memref<40x128xf32, #tpu.memory_space<vmem>>) target(%dma_start3A_98 : memref<10000x128xf32, #tpu.memory_space<vmem_shared>>) offsets(%dma_start3A_95 : memref<40xi32, #tpu.memory_space<vmem>>) semaphore(%arg16 : memref<!tpu.dma_semaphore, #tpu.memory_space<semaphore_mem>>) {add = true}
      %dma_wait3A_99 = arith.constant 0 : i32
      %dma_wait3A_100 = arith.constant 0 : i32
      %dma_wait3A_101 = arith.constant 0 : i32
      %dma_wait3A_102 = tpu.memref_slice %arg9[%dma_wait3A_99, %dma_wait3A_100, %dma_wait3A_101] : memref<5x40x128xf32, #tpu.memory_space<vmem>> -> memref<1x40x128xf32, #tpu.memory_space<vmem>>
      %dma_wait3A_103 = tpu.memref_squeeze %dma_wait3A_102 : memref<1x40x128xf32, #tpu.memory_space<vmem>> -> memref<40x128xf32, #tpu.memory_space<vmem>>
      %dma_wait3A_104 = arith.constant 0 : i32
      %dma_wait3A_105 = tpu.memref_slice %arg8[%add3A_77, %dma_wait3A_104] : memref<250x40xi32, #tpu.memory_space<vmem>> -> memref<1x40xi32, #tpu.memory_space<vmem>>
      %dma_wait3A_106 = tpu.memref_squeeze %dma_wait3A_105 : memref<1x40xi32, #tpu.memory_space<vmem>> -> memref<40xi32, #tpu.memory_space<vmem>>
      %dma_wait3A_107 = arith.constant 0 : i32
      %dma_wait3A_108 = arith.constant 0 : i32
      %dma_wait3A_109 = tpu.memref_slice %arg10[%dma_wait3A_107, %dma_wait3A_108] : memref<10000x128xf32, #tpu.memory_space<vmem_shared>> -> memref<10000x128xf32, #tpu.memory_space<vmem_shared>>
      tpu.wait_indirect_dma semaphore(%arg16 : memref<!tpu.dma_semaphore, #tpu.memory_space<semaphore_mem>>) src(%dma_wait3A_103 : memref<40x128xf32, #tpu.memory_space<vmem>>) dst(%dma_wait3A_109 : memref<10000x128xf32, #tpu.memory_space<vmem_shared>>)
      %add3A_110 = arith.constant 5 : i32
      %add3A_111 = arith.addi %add3A_77, %add3A_110 : i32
      %lt3A = arith.constant 250 : i32
      %lt3A_112 = arith.cmpi slt, %add3A_111, %lt3A : i32
      %convert_element_type3A = arith.extui %lt3A_112 : i1 to i32
      %cond3A = arith.constant 0 : i32
      %cond3A_113 = arith.cmpi ne, %convert_element_type3A, %cond3A : i32
      scf.if %cond3A_113 {
        %dma_start3A_290 = arith.constant 0 : i32
        %dma_start3A_291 = arith.constant 0 : i32
        %dma_start3A_292 = arith.constant 0 : i32
        %dma_start3A_293 = tpu.memref_slice %arg9[%dma_start3A_290, %dma_start3A_291, %dma_start3A_292] : memref<5x40x128xf32, #tpu.memory_space<vmem>> -> memref<1x40x128xf32, #tpu.memory_space<vmem>>
        %dma_start3A_294 = tpu.memref_squeeze %dma_start3A_293 : memref<1x40x128xf32, #tpu.memory_space<vmem>> -> memref<40x128xf32, #tpu.memory_space<vmem>>
        %dma_start3A_295 = arith.constant 0 : i32
        %dma_start3A_296 = tpu.memref_slice %arg7[%add3A_111, %dma_start3A_295] : memref<250x40xi32, #tpu.memory_space<vmem>> -> memref<1x40xi32, #tpu.memory_space<vmem>>
        %dma_start3A_297 = tpu.memref_squeeze %dma_start3A_296 : memref<1x40xi32, #tpu.memory_space<vmem>> -> memref<40xi32, #tpu.memory_space<vmem>>
        %dma_start3A_298 = arith.constant 0 : i32
        %dma_start3A_299 = arith.constant 0 : i32
        %dma_start3A_300 = tpu.memref_slice %arg4[%dma_start3A_298, %dma_start3A_299] : memref<10000x128xf32, #tpu.memory_space<hbm>> -> memref<10000x128xf32, #tpu.memory_space<hbm>>
        tpu.enqueue_indirect_dma source(%dma_start3A_300 : memref<10000x128xf32, #tpu.memory_space<hbm>>) target(%dma_start3A_294 : memref<40x128xf32, #tpu.memory_space<vmem>>) offsets(%dma_start3A_297 : memref<40xi32, #tpu.memory_space<vmem>>) semaphore(%arg11 : memref<!tpu.dma_semaphore, #tpu.memory_space<semaphore_mem>>)
      } else {
      }
      %mul3A_114 = arith.constant 5 : i32
      %mul3A_115 = arith.muli %scan3A_73, %mul3A_114 : i32
      %add3A_116 = arith.constant 1 : i32
      %add3A_117 = arith.addi %mul3A_115, %add3A_116 : i32
      %dma_wait3A_118 = arith.constant 1 : i32
      %dma_wait3A_119 = arith.constant 0 : i32
      %dma_wait3A_120 = arith.constant 0 : i32
      %dma_wait3A_121 = tpu.memref_slice %arg9[%dma_wait3A_118, %dma_wait3A_119, %dma_wait3A_120] : memref<5x40x128xf32, #tpu.memory_space<vmem>> -> memref<1x40x128xf32, #tpu.memory_space<vmem>>
      %dma_wait3A_122 = tpu.memref_squeeze %dma_wait3A_121 : memref<1x40x128xf32, #tpu.memory_space<vmem>> -> memref<40x128xf32, #tpu.memory_space<vmem>>
      %dma_wait3A_123 = arith.constant 0 : i32
      %dma_wait3A_124 = tpu.memref_slice %arg7[%add3A_117, %dma_wait3A_123] : memref<250x40xi32, #tpu.memory_space<vmem>> -> memref<1x40xi32, #tpu.memory_space<vmem>>
      %dma_wait3A_125 = tpu.memref_squeeze %dma_wait3A_124 : memref<1x40xi32, #tpu.memory_space<vmem>> -> memref<40xi32, #tpu.memory_space<vmem>>
      %dma_wait3A_126 = arith.constant 0 : i32
      %dma_wait3A_127 = arith.constant 0 : i32
      %dma_wait3A_128 = tpu.memref_slice %arg4[%dma_wait3A_126, %dma_wait3A_127] : memref<10000x128xf32, #tpu.memory_space<hbm>> -> memref<10000x128xf32, #tpu.memory_space<hbm>>
      tpu.wait_indirect_dma semaphore(%arg12 : memref<!tpu.dma_semaphore, #tpu.memory_space<semaphore_mem>>) src(%dma_wait3A_128 : memref<10000x128xf32, #tpu.memory_space<hbm>>) dst(%dma_wait3A_122 : memref<40x128xf32, #tpu.memory_space<vmem>>)
      %dma_start3A_129 = arith.constant 1 : i32
      %dma_start3A_130 = arith.constant 0 : i32
      %dma_start3A_131 = arith.constant 0 : i32
      %dma_start3A_132 = tpu.memref_slice %arg9[%dma_start3A_129, %dma_start3A_130, %dma_start3A_131] : memref<5x40x128xf32, #tpu.memory_space<vmem>> -> memref<1x40x128xf32, #tpu.memory_space<vmem>>
      %dma_start3A_133 = tpu.memref_squeeze %dma_start3A_132 : memref<1x40x128xf32, #tpu.memory_space<vmem>> -> memref<40x128xf32, #tpu.memory_space<vmem>>
      %dma_start3A_134 = arith.constant 0 : i32
      %dma_start3A_135 = tpu.memref_slice %arg8[%add3A_117, %dma_start3A_134] : memref<250x40xi32, #tpu.memory_space<vmem>> -> memref<1x40xi32, #tpu.memory_space<vmem>>
      %dma_start3A_136 = tpu.memref_squeeze %dma_start3A_135 : memref<1x40xi32, #tpu.memory_space<vmem>> -> memref<40xi32, #tpu.memory_space<vmem>>
      %dma_start3A_137 = arith.constant 0 : i32
      %dma_start3A_138 = arith.constant 0 : i32
      %dma_start3A_139 = tpu.memref_slice %arg10[%dma_start3A_137, %dma_start3A_138] : memref<10000x128xf32, #tpu.memory_space<vmem_shared>> -> memref<10000x128xf32, #tpu.memory_space<vmem_shared>>
      tpu.enqueue_indirect_dma source(%dma_start3A_133 : memref<40x128xf32, #tpu.memory_space<vmem>>) target(%dma_start3A_139 : memref<10000x128xf32, #tpu.memory_space<vmem_shared>>) offsets(%dma_start3A_136 : memref<40xi32, #tpu.memory_space<vmem>>) semaphore(%arg16 : memref<!tpu.dma_semaphore, #tpu.memory_space<semaphore_mem>>) {add = true}
      %dma_wait3A_140 = arith.constant 1 : i32
      %dma_wait3A_141 = arith.constant 0 : i32
      %dma_wait3A_142 = arith.constant 0 : i32
      %dma_wait3A_143 = tpu.memref_slice %arg9[%dma_wait3A_140, %dma_wait3A_141, %dma_wait3A_142] : memref<5x40x128xf32, #tpu.memory_space<vmem>> -> memref<1x40x128xf32, #tpu.memory_space<vmem>>
      %dma_wait3A_144 = tpu.memref_squeeze %dma_wait3A_143 : memref<1x40x128xf32, #tpu.memory_space<vmem>> -> memref<40x128xf32, #tpu.memory_space<vmem>>
      %dma_wait3A_145 = arith.constant 0 : i32
      %dma_wait3A_146 = tpu.memref_slice %arg8[%add3A_117, %dma_wait3A_145] : memref<250x40xi32, #tpu.memory_space<vmem>> -> memref<1x40xi32, #tpu.memory_space<vmem>>
      %dma_wait3A_147 = tpu.memref_squeeze %dma_wait3A_146 : memref<1x40xi32, #tpu.memory_space<vmem>> -> memref<40xi32, #tpu.memory_space<vmem>>
      %dma_wait3A_148 = arith.constant 0 : i32
      %dma_wait3A_149 = arith.constant 0 : i32
      %dma_wait3A_150 = tpu.memref_slice %arg10[%dma_wait3A_148, %dma_wait3A_149] : memref<10000x128xf32, #tpu.memory_space<vmem_shared>> -> memref<10000x128xf32, #tpu.memory_space<vmem_shared>>
      tpu.wait_indirect_dma semaphore(%arg16 : memref<!tpu.dma_semaphore, #tpu.memory_space<semaphore_mem>>) src(%dma_wait3A_144 : memref<40x128xf32, #tpu.memory_space<vmem>>) dst(%dma_wait3A_150 : memref<10000x128xf32, #tpu.memory_space<vmem_shared>>)
      %add3A_151 = arith.constant 5 : i32
      %add3A_152 = arith.addi %add3A_117, %add3A_151 : i32
      %lt3A_153 = arith.constant 250 : i32
      %lt3A_154 = arith.cmpi slt, %add3A_152, %lt3A_153 : i32
      %convert_element_type3A_155 = arith.extui %lt3A_154 : i1 to i32
      %cond3A_156 = arith.constant 0 : i32
      %cond3A_157 = arith.cmpi ne, %convert_element_type3A_155, %cond3A_156 : i32
      scf.if %cond3A_157 {
        %dma_start3A_290 = arith.constant 1 : i32
        %dma_start3A_291 = arith.constant 0 : i32
        %dma_start3A_292 = arith.constant 0 : i32
        %dma_start3A_293 = tpu.memref_slice %arg9[%dma_start3A_290, %dma_start3A_291, %dma_start3A_292] : memref<5x40x128xf32, #tpu.memory_space<vmem>> -> memref<1x40x128xf32, #tpu.memory_space<vmem>>
        %dma_start3A_294 = tpu.memref_squeeze %dma_start3A_293 : memref<1x40x128xf32, #tpu.memory_space<vmem>> -> memref<40x128xf32, #tpu.memory_space<vmem>>
        %dma_start3A_295 = arith.constant 0 : i32
        %dma_start3A_296 = tpu.memref_slice %arg7[%add3A_152, %dma_start3A_295] : memref<250x40xi32, #tpu.memory_space<vmem>> -> memref<1x40xi32, #tpu.memory_space<vmem>>
        %dma_start3A_297 = tpu.memref_squeeze %dma_start3A_296 : memref<1x40xi32, #tpu.memory_space<vmem>> -> memref<40xi32, #tpu.memory_space<vmem>>
        %dma_start3A_298 = arith.constant 0 : i32
        %dma_start3A_299 = arith.constant 0 : i32
        %dma_start3A_300 = tpu.memref_slice %arg4[%dma_start3A_298, %dma_start3A_299] : memref<10000x128xf32, #tpu.memory_space<hbm>> -> memref<10000x128xf32, #tpu.memory_space<hbm>>
        tpu.enqueue_indirect_dma source(%dma_start3A_300 : memref<10000x128xf32, #tpu.memory_space<hbm>>) target(%dma_start3A_294 : memref<40x128xf32, #tpu.memory_space<vmem>>) offsets(%dma_start3A_297 : memref<40xi32, #tpu.memory_space<vmem>>) semaphore(%arg12 : memref<!tpu.dma_semaphore, #tpu.memory_space<semaphore_mem>>)
      } else {
      }
      %mul3A_158 = arith.constant 5 : i32
      %mul3A_159 = arith.muli %scan3A_73, %mul3A_158 : i32
      %add3A_160 = arith.constant 2 : i32
      %add3A_161 = arith.addi %mul3A_159, %add3A_160 : i32
      %dma_wait3A_162 = arith.constant 2 : i32
      %dma_wait3A_163 = arith.constant 0 : i32
      %dma_wait3A_164 = arith.constant 0 : i32
      %dma_wait3A_165 = tpu.memref_slice %arg9[%dma_wait3A_162, %dma_wait3A_163, %dma_wait3A_164] : memref<5x40x128xf32, #tpu.memory_space<vmem>> -> memref<1x40x128xf32, #tpu.memory_space<vmem>>
      %dma_wait3A_166 = tpu.memref_squeeze %dma_wait3A_165 : memref<1x40x128xf32, #tpu.memory_space<vmem>> -> memref<40x128xf32, #tpu.memory_space<vmem>>
      %dma_wait3A_167 = arith.constant 0 : i32
      %dma_wait3A_168 = tpu.memref_slice %arg7[%add3A_161, %dma_wait3A_167] : memref<250x40xi32, #tpu.memory_space<vmem>> -> memref<1x40xi32, #tpu.memory_space<vmem>>
      %dma_wait3A_169 = tpu.memref_squeeze %dma_wait3A_168 : memref<1x40xi32, #tpu.memory_space<vmem>> -> memref<40xi32, #tpu.memory_space<vmem>>
      %dma_wait3A_170 = arith.constant 0 : i32
      %dma_wait3A_171 = arith.constant 0 : i32
      %dma_wait3A_172 = tpu.memref_slice %arg4[%dma_wait3A_170, %dma_wait3A_171] : memref<10000x128xf32, #tpu.memory_space<hbm>> -> memref<10000x128xf32, #tpu.memory_space<hbm>>
      tpu.wait_indirect_dma semaphore(%arg13 : memref<!tpu.dma_semaphore, #tpu.memory_space<semaphore_mem>>) src(%dma_wait3A_172 : memref<10000x128xf32, #tpu.memory_space<hbm>>) dst(%dma_wait3A_166 : memref<40x128xf32, #tpu.memory_space<vmem>>)
      %dma_start3A_173 = arith.constant 2 : i32
      %dma_start3A_174 = arith.constant 0 : i32
      %dma_start3A_175 = arith.constant 0 : i32
      %dma_start3A_176 = tpu.memref_slice %arg9[%dma_start3A_173, %dma_start3A_174, %dma_start3A_175] : memref<5x40x128xf32, #tpu.memory_space<vmem>> -> memref<1x40x128xf32, #tpu.memory_space<vmem>>
      %dma_start3A_177 = tpu.memref_squeeze %dma_start3A_176 : memref<1x40x128xf32, #tpu.memory_space<vmem>> -> memref<40x128xf32, #tpu.memory_space<vmem>>
      %dma_start3A_178 = arith.constant 0 : i32
      %dma_start3A_179 = tpu.memref_slice %arg8[%add3A_161, %dma_start3A_178] : memref<250x40xi32, #tpu.memory_space<vmem>> -> memref<1x40xi32, #tpu.memory_space<vmem>>
      %dma_start3A_180 = tpu.memref_squeeze %dma_start3A_179 : memref<1x40xi32, #tpu.memory_space<vmem>> -> memref<40xi32, #tpu.memory_space<vmem>>
      %dma_start3A_181 = arith.constant 0 : i32
      %dma_start3A_182 = arith.constant 0 : i32
      %dma_start3A_183 = tpu.memref_slice %arg10[%dma_start3A_181, %dma_start3A_182] : memref<10000x128xf32, #tpu.memory_space<vmem_shared>> -> memref<10000x128xf32, #tpu.memory_space<vmem_shared>>
      tpu.enqueue_indirect_dma source(%dma_start3A_177 : memref<40x128xf32, #tpu.memory_space<vmem>>) target(%dma_start3A_183 : memref<10000x128xf32, #tpu.memory_space<vmem_shared>>) offsets(%dma_start3A_180 : memref<40xi32, #tpu.memory_space<vmem>>) semaphore(%arg16 : memref<!tpu.dma_semaphore, #tpu.memory_space<semaphore_mem>>) {add = true}
      %dma_wait3A_184 = arith.constant 2 : i32
      %dma_wait3A_185 = arith.constant 0 : i32
      %dma_wait3A_186 = arith.constant 0 : i32
      %dma_wait3A_187 = tpu.memref_slice %arg9[%dma_wait3A_184, %dma_wait3A_185, %dma_wait3A_186] : memref<5x40x128xf32, #tpu.memory_space<vmem>> -> memref<1x40x128xf32, #tpu.memory_space<vmem>>
      %dma_wait3A_188 = tpu.memref_squeeze %dma_wait3A_187 : memref<1x40x128xf32, #tpu.memory_space<vmem>> -> memref<40x128xf32, #tpu.memory_space<vmem>>
      %dma_wait3A_189 = arith.constant 0 : i32
      %dma_wait3A_190 = tpu.memref_slice %arg8[%add3A_161, %dma_wait3A_189] : memref<250x40xi32, #tpu.memory_space<vmem>> -> memref<1x40xi32, #tpu.memory_space<vmem>>
      %dma_wait3A_191 = tpu.memref_squeeze %dma_wait3A_190 : memref<1x40xi32, #tpu.memory_space<vmem>> -> memref<40xi32, #tpu.memory_space<vmem>>
      %dma_wait3A_192 = arith.constant 0 : i32
      %dma_wait3A_193 = arith.constant 0 : i32
      %dma_wait3A_194 = tpu.memref_slice %arg10[%dma_wait3A_192, %dma_wait3A_193] : memref<10000x128xf32, #tpu.memory_space<vmem_shared>> -> memref<10000x128xf32, #tpu.memory_space<vmem_shared>>
      tpu.wait_indirect_dma semaphore(%arg16 : memref<!tpu.dma_semaphore, #tpu.memory_space<semaphore_mem>>) src(%dma_wait3A_188 : memref<40x128xf32, #tpu.memory_space<vmem>>) dst(%dma_wait3A_194 : memref<10000x128xf32, #tpu.memory_space<vmem_shared>>)
      %add3A_195 = arith.constant 5 : i32
      %add3A_196 = arith.addi %add3A_161, %add3A_195 : i32
      %lt3A_197 = arith.constant 250 : i32
      %lt3A_198 = arith.cmpi slt, %add3A_196, %lt3A_197 : i32
      %convert_element_type3A_199 = arith.extui %lt3A_198 : i1 to i32
      %cond3A_200 = arith.constant 0 : i32
      %cond3A_201 = arith.cmpi ne, %convert_element_type3A_199, %cond3A_200 : i32
      scf.if %cond3A_201 {
        %dma_start3A_290 = arith.constant 2 : i32
        %dma_start3A_291 = arith.constant 0 : i32
        %dma_start3A_292 = arith.constant 0 : i32
        %dma_start3A_293 = tpu.memref_slice %arg9[%dma_start3A_290, %dma_start3A_291, %dma_start3A_292] : memref<5x40x128xf32, #tpu.memory_space<vmem>> -> memref<1x40x128xf32, #tpu.memory_space<vmem>>
        %dma_start3A_294 = tpu.memref_squeeze %dma_start3A_293 : memref<1x40x128xf32, #tpu.memory_space<vmem>> -> memref<40x128xf32, #tpu.memory_space<vmem>>
        %dma_start3A_295 = arith.constant 0 : i32
        %dma_start3A_296 = tpu.memref_slice %arg7[%add3A_196, %dma_start3A_295] : memref<250x40xi32, #tpu.memory_space<vmem>> -> memref<1x40xi32, #tpu.memory_space<vmem>>
        %dma_start3A_297 = tpu.memref_squeeze %dma_start3A_296 : memref<1x40xi32, #tpu.memory_space<vmem>> -> memref<40xi32, #tpu.memory_space<vmem>>
        %dma_start3A_298 = arith.constant 0 : i32
        %dma_start3A_299 = arith.constant 0 : i32
        %dma_start3A_300 = tpu.memref_slice %arg4[%dma_start3A_298, %dma_start3A_299] : memref<10000x128xf32, #tpu.memory_space<hbm>> -> memref<10000x128xf32, #tpu.memory_space<hbm>>
        tpu.enqueue_indirect_dma source(%dma_start3A_300 : memref<10000x128xf32, #tpu.memory_space<hbm>>) target(%dma_start3A_294 : memref<40x128xf32, #tpu.memory_space<vmem>>) offsets(%dma_start3A_297 : memref<40xi32, #tpu.memory_space<vmem>>) semaphore(%arg13 : memref<!tpu.dma_semaphore, #tpu.memory_space<semaphore_mem>>)
      } else {
      }
      %mul3A_202 = arith.constant 5 : i32
      %mul3A_203 = arith.muli %scan3A_73, %mul3A_202 : i32
      %add3A_204 = arith.constant 3 : i32
      %add3A_205 = arith.addi %mul3A_203, %add3A_204 : i32
      %dma_wait3A_206 = arith.constant 3 : i32
      %dma_wait3A_207 = arith.constant 0 : i32
      %dma_wait3A_208 = arith.constant 0 : i32
      %dma_wait3A_209 = tpu.memref_slice %arg9[%dma_wait3A_206, %dma_wait3A_207, %dma_wait3A_208] : memref<5x40x128xf32, #tpu.memory_space<vmem>> -> memref<1x40x128xf32, #tpu.memory_space<vmem>>
      %dma_wait3A_210 = tpu.memref_squeeze %dma_wait3A_209 : memref<1x40x128xf32, #tpu.memory_space<vmem>> -> memref<40x128xf32, #tpu.memory_space<vmem>>
      %dma_wait3A_211 = arith.constant 0 : i32
      %dma_wait3A_212 = tpu.memref_slice %arg7[%add3A_205, %dma_wait3A_211] : memref<250x40xi32, #tpu.memory_space<vmem>> -> memref<1x40xi32, #tpu.memory_space<vmem>>
      %dma_wait3A_213 = tpu.memref_squeeze %dma_wait3A_212 : memref<1x40xi32, #tpu.memory_space<vmem>> -> memref<40xi32, #tpu.memory_space<vmem>>
      %dma_wait3A_214 = arith.constant 0 : i32
      %dma_wait3A_215 = arith.constant 0 : i32
      %dma_wait3A_216 = tpu.memref_slice %arg4[%dma_wait3A_214, %dma_wait3A_215] : memref<10000x128xf32, #tpu.memory_space<hbm>> -> memref<10000x128xf32, #tpu.memory_space<hbm>>
      tpu.wait_indirect_dma semaphore(%arg14 : memref<!tpu.dma_semaphore, #tpu.memory_space<semaphore_mem>>) src(%dma_wait3A_216 : memref<10000x128xf32, #tpu.memory_space<hbm>>) dst(%dma_wait3A_210 : memref<40x128xf32, #tpu.memory_space<vmem>>)
      %dma_start3A_217 = arith.constant 3 : i32
      %dma_start3A_218 = arith.constant 0 : i32
      %dma_start3A_219 = arith.constant 0 : i32
      %dma_start3A_220 = tpu.memref_slice %arg9[%dma_start3A_217, %dma_start3A_218, %dma_start3A_219] : memref<5x40x128xf32, #tpu.memory_space<vmem>> -> memref<1x40x128xf32, #tpu.memory_space<vmem>>
      %dma_start3A_221 = tpu.memref_squeeze %dma_start3A_220 : memref<1x40x128xf32, #tpu.memory_space<vmem>> -> memref<40x128xf32, #tpu.memory_space<vmem>>
      %dma_start3A_222 = arith.constant 0 : i32
      %dma_start3A_223 = tpu.memref_slice %arg8[%add3A_205, %dma_start3A_222] : memref<250x40xi32, #tpu.memory_space<vmem>> -> memref<1x40xi32, #tpu.memory_space<vmem>>
      %dma_start3A_224 = tpu.memref_squeeze %dma_start3A_223 : memref<1x40xi32, #tpu.memory_space<vmem>> -> memref<40xi32, #tpu.memory_space<vmem>>
      %dma_start3A_225 = arith.constant 0 : i32
      %dma_start3A_226 = arith.constant 0 : i32
      %dma_start3A_227 = tpu.memref_slice %arg10[%dma_start3A_225, %dma_start3A_226] : memref<10000x128xf32, #tpu.memory_space<vmem_shared>> -> memref<10000x128xf32, #tpu.memory_space<vmem_shared>>
      tpu.enqueue_indirect_dma source(%dma_start3A_221 : memref<40x128xf32, #tpu.memory_space<vmem>>) target(%dma_start3A_227 : memref<10000x128xf32, #tpu.memory_space<vmem_shared>>) offsets(%dma_start3A_224 : memref<40xi32, #tpu.memory_space<vmem>>) semaphore(%arg16 : memref<!tpu.dma_semaphore, #tpu.memory_space<semaphore_mem>>) {add = true}
      %dma_wait3A_228 = arith.constant 3 : i32
      %dma_wait3A_229 = arith.constant 0 : i32
      %dma_wait3A_230 = arith.constant 0 : i32
      %dma_wait3A_231 = tpu.memref_slice %arg9[%dma_wait3A_228, %dma_wait3A_229, %dma_wait3A_230] : memref<5x40x128xf32, #tpu.memory_space<vmem>> -> memref<1x40x128xf32, #tpu.memory_space<vmem>>
      %dma_wait3A_232 = tpu.memref_squeeze %dma_wait3A_231 : memref<1x40x128xf32, #tpu.memory_space<vmem>> -> memref<40x128xf32, #tpu.memory_space<vmem>>
      %dma_wait3A_233 = arith.constant 0 : i32
      %dma_wait3A_234 = tpu.memref_slice %arg8[%add3A_205, %dma_wait3A_233] : memref<250x40xi32, #tpu.memory_space<vmem>> -> memref<1x40xi32, #tpu.memory_space<vmem>>
      %dma_wait3A_235 = tpu.memref_squeeze %dma_wait3A_234 : memref<1x40xi32, #tpu.memory_space<vmem>> -> memref<40xi32, #tpu.memory_space<vmem>>
      %dma_wait3A_236 = arith.constant 0 : i32
      %dma_wait3A_237 = arith.constant 0 : i32
      %dma_wait3A_238 = tpu.memref_slice %arg10[%dma_wait3A_236, %dma_wait3A_237] : memref<10000x128xf32, #tpu.memory_space<vmem_shared>> -> memref<10000x128xf32, #tpu.memory_space<vmem_shared>>
      tpu.wait_indirect_dma semaphore(%arg16 : memref<!tpu.dma_semaphore, #tpu.memory_space<semaphore_mem>>) src(%dma_wait3A_232 : memref<40x128xf32, #tpu.memory_space<vmem>>) dst(%dma_wait3A_238 : memref<10000x128xf32, #tpu.memory_space<vmem_shared>>)
      %add3A_239 = arith.constant 5 : i32
      %add3A_240 = arith.addi %add3A_205, %add3A_239 : i32
      %lt3A_241 = arith.constant 250 : i32
      %lt3A_242 = arith.cmpi slt, %add3A_240, %lt3A_241 : i32
      %convert_element_type3A_243 = arith.extui %lt3A_242 : i1 to i32
      %cond3A_244 = arith.constant 0 : i32
      %cond3A_245 = arith.cmpi ne, %convert_element_type3A_243, %cond3A_244 : i32
      scf.if %cond3A_245 {
        %dma_start3A_290 = arith.constant 3 : i32
        %dma_start3A_291 = arith.constant 0 : i32
        %dma_start3A_292 = arith.constant 0 : i32
        %dma_start3A_293 = tpu.memref_slice %arg9[%dma_start3A_290, %dma_start3A_291, %dma_start3A_292] : memref<5x40x128xf32, #tpu.memory_space<vmem>> -> memref<1x40x128xf32, #tpu.memory_space<vmem>>
        %dma_start3A_294 = tpu.memref_squeeze %dma_start3A_293 : memref<1x40x128xf32, #tpu.memory_space<vmem>> -> memref<40x128xf32, #tpu.memory_space<vmem>>
        %dma_start3A_295 = arith.constant 0 : i32
        %dma_start3A_296 = tpu.memref_slice %arg7[%add3A_240, %dma_start3A_295] : memref<250x40xi32, #tpu.memory_space<vmem>> -> memref<1x40xi32, #tpu.memory_space<vmem>>
        %dma_start3A_297 = tpu.memref_squeeze %dma_start3A_296 : memref<1x40xi32, #tpu.memory_space<vmem>> -> memref<40xi32, #tpu.memory_space<vmem>>
        %dma_start3A_298 = arith.constant 0 : i32
        %dma_start3A_299 = arith.constant 0 : i32
        %dma_start3A_300 = tpu.memref_slice %arg4[%dma_start3A_298, %dma_start3A_299] : memref<10000x128xf32, #tpu.memory_space<hbm>> -> memref<10000x128xf32, #tpu.memory_space<hbm>>
        tpu.enqueue_indirect_dma source(%dma_start3A_300 : memref<10000x128xf32, #tpu.memory_space<hbm>>) target(%dma_start3A_294 : memref<40x128xf32, #tpu.memory_space<vmem>>) offsets(%dma_start3A_297 : memref<40xi32, #tpu.memory_space<vmem>>) semaphore(%arg14 : memref<!tpu.dma_semaphore, #tpu.memory_space<semaphore_mem>>)
      } else {
      }
      %mul3A_246 = arith.constant 5 : i32
      %mul3A_247 = arith.muli %scan3A_73, %mul3A_246 : i32
      %add3A_248 = arith.constant 4 : i32
      %add3A_249 = arith.addi %mul3A_247, %add3A_248 : i32
      %dma_wait3A_250 = arith.constant 4 : i32
      %dma_wait3A_251 = arith.constant 0 : i32
      %dma_wait3A_252 = arith.constant 0 : i32
      %dma_wait3A_253 = tpu.memref_slice %arg9[%dma_wait3A_250, %dma_wait3A_251, %dma_wait3A_252] : memref<5x40x128xf32, #tpu.memory_space<vmem>> -> memref<1x40x128xf32, #tpu.memory_space<vmem>>
      %dma_wait3A_254 = tpu.memref_squeeze %dma_wait3A_253 : memref<1x40x128xf32, #tpu.memory_space<vmem>> -> memref<40x128xf32, #tpu.memory_space<vmem>>
      %dma_wait3A_255 = arith.constant 0 : i32
      %dma_wait3A_256 = tpu.memref_slice %arg7[%add3A_249, %dma_wait3A_255] : memref<250x40xi32, #tpu.memory_space<vmem>> -> memref<1x40xi32, #tpu.memory_space<vmem>>
      %dma_wait3A_257 = tpu.memref_squeeze %dma_wait3A_256 : memref<1x40xi32, #tpu.memory_space<vmem>> -> memref<40xi32, #tpu.memory_space<vmem>>
      %dma_wait3A_258 = arith.constant 0 : i32
      %dma_wait3A_259 = arith.constant 0 : i32
      %dma_wait3A_260 = tpu.memref_slice %arg4[%dma_wait3A_258, %dma_wait3A_259] : memref<10000x128xf32, #tpu.memory_space<hbm>> -> memref<10000x128xf32, #tpu.memory_space<hbm>>
      tpu.wait_indirect_dma semaphore(%arg15 : memref<!tpu.dma_semaphore, #tpu.memory_space<semaphore_mem>>) src(%dma_wait3A_260 : memref<10000x128xf32, #tpu.memory_space<hbm>>) dst(%dma_wait3A_254 : memref<40x128xf32, #tpu.memory_space<vmem>>)
      %dma_start3A_261 = arith.constant 4 : i32
      %dma_start3A_262 = arith.constant 0 : i32
      %dma_start3A_263 = arith.constant 0 : i32
      %dma_start3A_264 = tpu.memref_slice %arg9[%dma_start3A_261, %dma_start3A_262, %dma_start3A_263] : memref<5x40x128xf32, #tpu.memory_space<vmem>> -> memref<1x40x128xf32, #tpu.memory_space<vmem>>
      %dma_start3A_265 = tpu.memref_squeeze %dma_start3A_264 : memref<1x40x128xf32, #tpu.memory_space<vmem>> -> memref<40x128xf32, #tpu.memory_space<vmem>>
      %dma_start3A_266 = arith.constant 0 : i32
      %dma_start3A_267 = tpu.memref_slice %arg8[%add3A_249, %dma_start3A_266] : memref<250x40xi32, #tpu.memory_space<vmem>> -> memref<1x40xi32, #tpu.memory_space<vmem>>
      %dma_start3A_268 = tpu.memref_squeeze %dma_start3A_267 : memref<1x40xi32, #tpu.memory_space<vmem>> -> memref<40xi32, #tpu.memory_space<vmem>>
      %dma_start3A_269 = arith.constant 0 : i32
      %dma_start3A_270 = arith.constant 0 : i32
      %dma_start3A_271 = tpu.memref_slice %arg10[%dma_start3A_269, %dma_start3A_270] : memref<10000x128xf32, #tpu.memory_space<vmem_shared>> -> memref<10000x128xf32, #tpu.memory_space<vmem_shared>>
      tpu.enqueue_indirect_dma source(%dma_start3A_265 : memref<40x128xf32, #tpu.memory_space<vmem>>) target(%dma_start3A_271 : memref<10000x128xf32, #tpu.memory_space<vmem_shared>>) offsets(%dma_start3A_268 : memref<40xi32, #tpu.memory_space<vmem>>) semaphore(%arg16 : memref<!tpu.dma_semaphore, #tpu.memory_space<semaphore_mem>>) {add = true}
      %dma_wait3A_272 = arith.constant 4 : i32
      %dma_wait3A_273 = arith.constant 0 : i32
      %dma_wait3A_274 = arith.constant 0 : i32
      %dma_wait3A_275 = tpu.memref_slice %arg9[%dma_wait3A_272, %dma_wait3A_273, %dma_wait3A_274] : memref<5x40x128xf32, #tpu.memory_space<vmem>> -> memref<1x40x128xf32, #tpu.memory_space<vmem>>
      %dma_wait3A_276 = tpu.memref_squeeze %dma_wait3A_275 : memref<1x40x128xf32, #tpu.memory_space<vmem>> -> memref<40x128xf32, #tpu.memory_space<vmem>>
      %dma_wait3A_277 = arith.constant 0 : i32
      %dma_wait3A_278 = tpu.memref_slice %arg8[%add3A_249, %dma_wait3A_277] : memref<250x40xi32, #tpu.memory_space<vmem>> -> memref<1x40xi32, #tpu.memory_space<vmem>>
      %dma_wait3A_279 = tpu.memref_squeeze %dma_wait3A_278 : memref<1x40xi32, #tpu.memory_space<vmem>> -> memref<40xi32, #tpu.memory_space<vmem>>
      %dma_wait3A_280 = arith.constant 0 : i32
      %dma_wait3A_281 = arith.constant 0 : i32
      %dma_wait3A_282 = tpu.memref_slice %arg10[%dma_wait3A_280, %dma_wait3A_281] : memref<10000x128xf32, #tpu.memory_space<vmem_shared>> -> memref<10000x128xf32, #tpu.memory_space<vmem_shared>>
      tpu.wait_indirect_dma semaphore(%arg16 : memref<!tpu.dma_semaphore, #tpu.memory_space<semaphore_mem>>) src(%dma_wait3A_276 : memref<40x128xf32, #tpu.memory_space<vmem>>) dst(%dma_wait3A_282 : memref<10000x128xf32, #tpu.memory_space<vmem_shared>>)
      %add3A_283 = arith.constant 5 : i32
      %add3A_284 = arith.addi %add3A_249, %add3A_283 : i32
      %lt3A_285 = arith.constant 250 : i32
      %lt3A_286 = arith.cmpi slt, %add3A_284, %lt3A_285 : i32
      %convert_element_type3A_287 = arith.extui %lt3A_286 : i1 to i32
      %cond3A_288 = arith.constant 0 : i32
      %cond3A_289 = arith.cmpi ne, %convert_element_type3A_287, %cond3A_288 : i32
      scf.if %cond3A_289 {
        %dma_start3A_290 = arith.constant 4 : i32
        %dma_start3A_291 = arith.constant 0 : i32
        %dma_start3A_292 = arith.constant 0 : i32
        %dma_start3A_293 = tpu.memref_slice %arg9[%dma_start3A_290, %dma_start3A_291, %dma_start3A_292] : memref<5x40x128xf32, #tpu.memory_space<vmem>> -> memref<1x40x128xf32, #tpu.memory_space<vmem>>
        %dma_start3A_294 = tpu.memref_squeeze %dma_start3A_293 : memref<1x40x128xf32, #tpu.memory_space<vmem>> -> memref<40x128xf32, #tpu.memory_space<vmem>>
        %dma_start3A_295 = arith.constant 0 : i32
        %dma_start3A_296 = tpu.memref_slice %arg7[%add3A_284, %dma_start3A_295] : memref<250x40xi32, #tpu.memory_space<vmem>> -> memref<1x40xi32, #tpu.memory_space<vmem>>
        %dma_start3A_297 = tpu.memref_squeeze %dma_start3A_296 : memref<1x40xi32, #tpu.memory_space<vmem>> -> memref<40xi32, #tpu.memory_space<vmem>>
        %dma_start3A_298 = arith.constant 0 : i32
        %dma_start3A_299 = arith.constant 0 : i32
        %dma_start3A_300 = tpu.memref_slice %arg4[%dma_start3A_298, %dma_start3A_299] : memref<10000x128xf32, #tpu.memory_space<hbm>> -> memref<10000x128xf32, #tpu.memory_space<hbm>>
        tpu.enqueue_indirect_dma source(%dma_start3A_300 : memref<10000x128xf32, #tpu.memory_space<hbm>>) target(%dma_start3A_294 : memref<40x128xf32, #tpu.memory_space<vmem>>) offsets(%dma_start3A_297 : memref<40xi32, #tpu.memory_space<vmem>>) semaphore(%arg15 : memref<!tpu.dma_semaphore, #tpu.memory_space<semaphore_mem>>)
      } else {
      }
    }
    %scan3A_66 = arith.constant 50 : i32
    %barrier3A_67 = arith.constant 0 : index
    tpu.barrier barrier_id(%barrier3A_67)
    %mul3A_68 = arith.constant 624 : i32
    %mul3A_69 = arith.muli %arg1, %mul3A_68 : i32
    %mul3A_70 = arith.constant 10000 : i32
    %mul3A_71 = arith.muli %arg0, %mul3A_70 : i32
    %add3A_72 = arith.addi %mul3A_71, %mul3A_69 : i32
    "tpu.region"() ({
      %run_scoped3A = tpu.sem_alloc : memref<!tpu.dma_semaphore, #tpu.memory_space<semaphore_mem>>
      %dma_start3A_73 = arith.constant 0 : i32
      %dma_start3A_74 = tpu.memref_slice %arg6[%add3A_72, %dma_start3A_73] : memref<20000x128xf32, #tpu.memory_space<hbm>> -> memref<640x128xf32, #tpu.memory_space<hbm>>
      %dma_start3A_75 = arith.constant 0 : i32
      %dma_start3A_76 = tpu.memref_slice %arg10[%mul3A_69, %dma_start3A_75] : memref<10000x128xf32, #tpu.memory_space<vmem_shared>> -> memref<640x128xf32, #tpu.memory_space<vmem_shared>>
      tpu.enqueue_dma source(%dma_start3A_76 : memref<640x128xf32, #tpu.memory_space<vmem_shared>>) target(%dma_start3A_74 : memref<640x128xf32, #tpu.memory_space<hbm>>) target_semaphore(%run_scoped3A : memref<!tpu.dma_semaphore, #tpu.memory_space<semaphore_mem>>)
      %dma_wait3A = arith.constant 0 : i32
      %dma_wait3A_77 = tpu.memref_slice %arg6[%add3A_72, %dma_wait3A] : memref<20000x128xf32, #tpu.memory_space<hbm>> -> memref<640x128xf32, #tpu.memory_space<hbm>>
      %dma_wait3A_78 = arith.constant 0 : i32
      %dma_wait3A_79 = tpu.memref_slice %arg10[%mul3A_69, %dma_wait3A_78] : memref<10000x128xf32, #tpu.memory_space<vmem_shared>> -> memref<640x128xf32, #tpu.memory_space<vmem_shared>>
      tpu.wait_dma2 semaphore(%run_scoped3A : memref<!tpu.dma_semaphore, #tpu.memory_space<semaphore_mem>>) src(%dma_wait3A_79 : memref<640x128xf32, #tpu.memory_space<vmem_shared>>) dst(%dma_wait3A_77 : memref<640x128xf32, #tpu.memory_space<hbm>>)
      tpu.yield
    }) : () -> ()
    return
  }
}

#map = affine_map<(d0, d1) -> (0, 0, 0)>
#map1 = affine_map<(d0, d1) -> (0, 0)>
module attributes {stable_mosaic.version = 14 : i64} {
  func.func @body(%arg0: i32, %arg1: i32, %arg2: memref<32x125x80xi32, #tpu.memory_space<hbm>>, %arg3: memref<80x16xf32, #tpu.memory_space<hbm>>, %arg4: memref<640x16xf32, #tpu.memory_space<hbm>>, %arg5: memref<20000x16xf32, #tpu.memory_space<hbm>>, %arg6: memref<125x80xi32, #tpu.memory_space<vmem>>, %arg7: memref<80x16xf32, #tpu.memory_space<vmem>>, %arg8: memref<10000x16xf32, #tpu.memory_space<vmem_shared>>, %arg9: memref<!tpu.dma_semaphore, #tpu.memory_space<semaphore_mem>>) attributes {dimension_semantics = [#tpu.dimension_semantics<core_parallel>, #tpu.dimension_semantics<subcore_parallel>], iteration_bounds = array<i64: 2, 16>, scalar_prefetch = 0 : i64, scratch_operands = 4 : i64, tpu.core_type = #tpu.core_type<sc_vector_subcore>, window_params = [{transform_indices = #map}, {transform_indices = #map1}, {transform_indices = #map1}, {transform_indices = #map1}]} {
    %mul3A = arith.constant 2 : i32
    %mul3A_0 = arith.muli %arg1, %mul3A : i32
    %add3A = arith.addi %mul3A_0, %arg0 : i32
    %mul3A_1 = arith.constant 624 : i32
    %mul3A_2 = arith.muli %arg1, %mul3A_1 : i32
    "tpu.region"() ({
      %run_scoped3A = tpu.sem_alloc : memref<!tpu.dma_semaphore, #tpu.memory_space<semaphore_mem>>
      %dma_start3A = arith.constant 0 : i32
      %dma_start3A_14 = tpu.memref_slice %arg8[%mul3A_2, %dma_start3A] : memref<10000x16xf32, #tpu.memory_space<vmem_shared>> -> memref<640x16xf32, #tpu.memory_space<vmem_shared>>
      tpu.enqueue_dma source(%arg4 : memref<640x16xf32, #tpu.memory_space<hbm>>) target(%dma_start3A_14 : memref<640x16xf32, #tpu.memory_space<vmem_shared>>) target_semaphore(%run_scoped3A : memref<!tpu.dma_semaphore, #tpu.memory_space<semaphore_mem>>)
      %dma_wait3A = arith.constant 0 : i32
      %dma_wait3A_15 = tpu.memref_slice %arg8[%mul3A_2, %dma_wait3A] : memref<10000x16xf32, #tpu.memory_space<vmem_shared>> -> memref<640x16xf32, #tpu.memory_space<vmem_shared>>
      tpu.wait_dma2 semaphore(%run_scoped3A : memref<!tpu.dma_semaphore, #tpu.memory_space<semaphore_mem>>) src(%arg4 : memref<640x16xf32, #tpu.memory_space<hbm>>) dst(%dma_wait3A_15 : memref<640x16xf32, #tpu.memory_space<vmem_shared>>)
      tpu.yield
    }) : () -> ()
    "tpu.region"() ({
      %run_scoped3A = tpu.sem_alloc : memref<!tpu.dma_semaphore, #tpu.memory_space<semaphore_mem>>
      tpu.enqueue_dma source(%arg3 : memref<80x16xf32, #tpu.memory_space<hbm>>) target(%arg7 : memref<80x16xf32, #tpu.memory_space<vmem>>) target_semaphore(%run_scoped3A : memref<!tpu.dma_semaphore, #tpu.memory_space<semaphore_mem>>)
      tpu.wait_dma2 semaphore(%run_scoped3A : memref<!tpu.dma_semaphore, #tpu.memory_space<semaphore_mem>>) src(%arg3 : memref<80x16xf32, #tpu.memory_space<hbm>>) dst(%arg7 : memref<80x16xf32, #tpu.memory_space<vmem>>)
      tpu.yield
    }) : () -> ()
    "tpu.region"() ({
      %run_scoped3A = tpu.sem_alloc : memref<!tpu.dma_semaphore, #tpu.memory_space<semaphore_mem>>
      %dma_start3A = arith.constant 0 : i32
      %dma_start3A_14 = arith.constant 0 : i32
      %dma_start3A_15 = tpu.memref_slice %arg2[%add3A, %dma_start3A, %dma_start3A_14] : memref<32x125x80xi32, #tpu.memory_space<hbm>> -> memref<1x125x80xi32, #tpu.memory_space<hbm>>
      %dma_start3A_16 = tpu.memref_squeeze %dma_start3A_15 : memref<1x125x80xi32, #tpu.memory_space<hbm>> -> memref<125x80xi32, #tpu.memory_space<hbm>>
      %dma_start3A_17 = arith.constant 0 : i32
      %dma_start3A_18 = arith.constant 0 : i32
      %dma_start3A_19 = tpu.memref_slice %arg2[%add3A, %dma_start3A_17, %dma_start3A_18] : memref<32x125x80xi32, #tpu.memory_space<hbm>> -> memref<1x125x80xi32, #tpu.memory_space<hbm>>
      %dma_start3A_20 = tpu.memref_squeeze %dma_start3A_19 : memref<1x125x80xi32, #tpu.memory_space<hbm>> -> memref<125x80xi32, #tpu.memory_space<hbm>>
      tpu.enqueue_dma source(%dma_start3A_20 : memref<125x80xi32, #tpu.memory_space<hbm>>) target(%arg6 : memref<125x80xi32, #tpu.memory_space<vmem>>) target_semaphore(%run_scoped3A : memref<!tpu.dma_semaphore, #tpu.memory_space<semaphore_mem>>)
      %dma_wait3A = arith.constant 0 : i32
      %dma_wait3A_21 = arith.constant 0 : i32
      %dma_wait3A_22 = tpu.memref_slice %arg2[%add3A, %dma_wait3A, %dma_wait3A_21] : memref<32x125x80xi32, #tpu.memory_space<hbm>> -> memref<1x125x80xi32, #tpu.memory_space<hbm>>
      %dma_wait3A_23 = tpu.memref_squeeze %dma_wait3A_22 : memref<1x125x80xi32, #tpu.memory_space<hbm>> -> memref<125x80xi32, #tpu.memory_space<hbm>>
      %dma_wait3A_24 = arith.constant 0 : i32
      %dma_wait3A_25 = arith.constant 0 : i32
      %dma_wait3A_26 = tpu.memref_slice %arg2[%add3A, %dma_wait3A_24, %dma_wait3A_25] : memref<32x125x80xi32, #tpu.memory_space<hbm>> -> memref<1x125x80xi32, #tpu.memory_space<hbm>>
      %dma_wait3A_27 = tpu.memref_squeeze %dma_wait3A_26 : memref<1x125x80xi32, #tpu.memory_space<hbm>> -> memref<125x80xi32, #tpu.memory_space<hbm>>
      tpu.wait_dma2 semaphore(%run_scoped3A : memref<!tpu.dma_semaphore, #tpu.memory_space<semaphore_mem>>) src(%dma_wait3A_27 : memref<125x80xi32, #tpu.memory_space<hbm>>) dst(%arg6 : memref<125x80xi32, #tpu.memory_space<vmem>>)
      tpu.yield
    }) : () -> ()
    %barrier3A = arith.constant 0 : index
    tpu.barrier barrier_id(%barrier3A)
    %scan3A = arith.constant 0 : i32
    %scan3A_3 = arith.constant 0 : i32
    %scan3A_4 = arith.constant 25 : i32
    %scan3A_5 = arith.addi %scan3A_3, %scan3A_4 : i32
    %scan3A_6 = arith.constant 1 : i32
    scf.for %scan3A_14 = %scan3A_3 to %scan3A_5 step %scan3A_6  : i32 {
      %mul3A_15 = arith.constant 5 : i32
      %mul3A_16 = arith.muli %scan3A_14, %mul3A_15 : i32
      %add3A_17 = arith.constant 0 : i32
      %add3A_18 = arith.addi %mul3A_16, %add3A_17 : i32
      %dma_start3A = arith.constant 0 : i32
      %dma_start3A_19 = tpu.memref_slice %arg6[%add3A_18, %dma_start3A] : memref<125x80xi32, #tpu.memory_space<vmem>> -> memref<1x80xi32, #tpu.memory_space<vmem>>
      %dma_start3A_20 = tpu.memref_squeeze %dma_start3A_19 : memref<1x80xi32, #tpu.memory_space<vmem>> -> memref<80xi32, #tpu.memory_space<vmem>>
      %dma_start3A_21 = arith.constant 0 : i32
      %dma_start3A_22 = arith.constant 0 : i32
      %dma_start3A_23 = tpu.memref_slice %arg8[%dma_start3A_21, %dma_start3A_22] : memref<10000x16xf32, #tpu.memory_space<vmem_shared>> -> memref<10000x16xf32, #tpu.memory_space<vmem_shared>>
      tpu.enqueue_indirect_dma source(%arg7 : memref<80x16xf32, #tpu.memory_space<vmem>>) target(%dma_start3A_23 : memref<10000x16xf32, #tpu.memory_space<vmem_shared>>) offsets(%dma_start3A_20 : memref<80xi32, #tpu.memory_space<vmem>>) semaphore(%arg9 : memref<!tpu.dma_semaphore, #tpu.memory_space<semaphore_mem>>) {add = true}
      %mul3A_24 = arith.constant 5 : i32
      %mul3A_25 = arith.muli %scan3A_14, %mul3A_24 : i32
      %add3A_26 = arith.constant 1 : i32
      %add3A_27 = arith.addi %mul3A_25, %add3A_26 : i32
      %dma_start3A_28 = arith.constant 0 : i32
      %dma_start3A_29 = tpu.memref_slice %arg6[%add3A_27, %dma_start3A_28] : memref<125x80xi32, #tpu.memory_space<vmem>> -> memref<1x80xi32, #tpu.memory_space<vmem>>
      %dma_start3A_30 = tpu.memref_squeeze %dma_start3A_29 : memref<1x80xi32, #tpu.memory_space<vmem>> -> memref<80xi32, #tpu.memory_space<vmem>>
      %dma_start3A_31 = arith.constant 0 : i32
      %dma_start3A_32 = arith.constant 0 : i32
      %dma_start3A_33 = tpu.memref_slice %arg8[%dma_start3A_31, %dma_start3A_32] : memref<10000x16xf32, #tpu.memory_space<vmem_shared>> -> memref<10000x16xf32, #tpu.memory_space<vmem_shared>>
      tpu.enqueue_indirect_dma source(%arg7 : memref<80x16xf32, #tpu.memory_space<vmem>>) target(%dma_start3A_33 : memref<10000x16xf32, #tpu.memory_space<vmem_shared>>) offsets(%dma_start3A_30 : memref<80xi32, #tpu.memory_space<vmem>>) semaphore(%arg9 : memref<!tpu.dma_semaphore, #tpu.memory_space<semaphore_mem>>) {add = true}
      %mul3A_34 = arith.constant 5 : i32
      %mul3A_35 = arith.muli %scan3A_14, %mul3A_34 : i32
      %add3A_36 = arith.constant 2 : i32
      %add3A_37 = arith.addi %mul3A_35, %add3A_36 : i32
      %dma_start3A_38 = arith.constant 0 : i32
      %dma_start3A_39 = tpu.memref_slice %arg6[%add3A_37, %dma_start3A_38] : memref<125x80xi32, #tpu.memory_space<vmem>> -> memref<1x80xi32, #tpu.memory_space<vmem>>
      %dma_start3A_40 = tpu.memref_squeeze %dma_start3A_39 : memref<1x80xi32, #tpu.memory_space<vmem>> -> memref<80xi32, #tpu.memory_space<vmem>>
      %dma_start3A_41 = arith.constant 0 : i32
      %dma_start3A_42 = arith.constant 0 : i32
      %dma_start3A_43 = tpu.memref_slice %arg8[%dma_start3A_41, %dma_start3A_42] : memref<10000x16xf32, #tpu.memory_space<vmem_shared>> -> memref<10000x16xf32, #tpu.memory_space<vmem_shared>>
      tpu.enqueue_indirect_dma source(%arg7 : memref<80x16xf32, #tpu.memory_space<vmem>>) target(%dma_start3A_43 : memref<10000x16xf32, #tpu.memory_space<vmem_shared>>) offsets(%dma_start3A_40 : memref<80xi32, #tpu.memory_space<vmem>>) semaphore(%arg9 : memref<!tpu.dma_semaphore, #tpu.memory_space<semaphore_mem>>) {add = true}
      %mul3A_44 = arith.constant 5 : i32
      %mul3A_45 = arith.muli %scan3A_14, %mul3A_44 : i32
      %add3A_46 = arith.constant 3 : i32
      %add3A_47 = arith.addi %mul3A_45, %add3A_46 : i32
      %dma_start3A_48 = arith.constant 0 : i32
      %dma_start3A_49 = tpu.memref_slice %arg6[%add3A_47, %dma_start3A_48] : memref<125x80xi32, #tpu.memory_space<vmem>> -> memref<1x80xi32, #tpu.memory_space<vmem>>
      %dma_start3A_50 = tpu.memref_squeeze %dma_start3A_49 : memref<1x80xi32, #tpu.memory_space<vmem>> -> memref<80xi32, #tpu.memory_space<vmem>>
      %dma_start3A_51 = arith.constant 0 : i32
      %dma_start3A_52 = arith.constant 0 : i32
      %dma_start3A_53 = tpu.memref_slice %arg8[%dma_start3A_51, %dma_start3A_52] : memref<10000x16xf32, #tpu.memory_space<vmem_shared>> -> memref<10000x16xf32, #tpu.memory_space<vmem_shared>>
      tpu.enqueue_indirect_dma source(%arg7 : memref<80x16xf32, #tpu.memory_space<vmem>>) target(%dma_start3A_53 : memref<10000x16xf32, #tpu.memory_space<vmem_shared>>) offsets(%dma_start3A_50 : memref<80xi32, #tpu.memory_space<vmem>>) semaphore(%arg9 : memref<!tpu.dma_semaphore, #tpu.memory_space<semaphore_mem>>) {add = true}
      %mul3A_54 = arith.constant 5 : i32
      %mul3A_55 = arith.muli %scan3A_14, %mul3A_54 : i32
      %add3A_56 = arith.constant 4 : i32
      %add3A_57 = arith.addi %mul3A_55, %add3A_56 : i32
      %dma_start3A_58 = arith.constant 0 : i32
      %dma_start3A_59 = tpu.memref_slice %arg6[%add3A_57, %dma_start3A_58] : memref<125x80xi32, #tpu.memory_space<vmem>> -> memref<1x80xi32, #tpu.memory_space<vmem>>
      %dma_start3A_60 = tpu.memref_squeeze %dma_start3A_59 : memref<1x80xi32, #tpu.memory_space<vmem>> -> memref<80xi32, #tpu.memory_space<vmem>>
      %dma_start3A_61 = arith.constant 0 : i32
      %dma_start3A_62 = arith.constant 0 : i32
      %dma_start3A_63 = tpu.memref_slice %arg8[%dma_start3A_61, %dma_start3A_62] : memref<10000x16xf32, #tpu.memory_space<vmem_shared>> -> memref<10000x16xf32, #tpu.memory_space<vmem_shared>>
      tpu.enqueue_indirect_dma source(%arg7 : memref<80x16xf32, #tpu.memory_space<vmem>>) target(%dma_start3A_63 : memref<10000x16xf32, #tpu.memory_space<vmem_shared>>) offsets(%dma_start3A_60 : memref<80xi32, #tpu.memory_space<vmem>>) semaphore(%arg9 : memref<!tpu.dma_semaphore, #tpu.memory_space<semaphore_mem>>) {add = true}
      %mul3A_64 = arith.constant 5 : i32
      %mul3A_65 = arith.muli %scan3A_14, %mul3A_64 : i32
      %add3A_66 = arith.constant 0 : i32
      %add3A_67 = arith.addi %mul3A_65, %add3A_66 : i32
      %dma_wait3A = arith.constant 0 : i32
      %dma_wait3A_68 = tpu.memref_slice %arg6[%add3A_67, %dma_wait3A] : memref<125x80xi32, #tpu.memory_space<vmem>> -> memref<1x80xi32, #tpu.memory_space<vmem>>
      %dma_wait3A_69 = tpu.memref_squeeze %dma_wait3A_68 : memref<1x80xi32, #tpu.memory_space<vmem>> -> memref<80xi32, #tpu.memory_space<vmem>>
      %dma_wait3A_70 = arith.constant 0 : i32
      %dma_wait3A_71 = arith.constant 0 : i32
      %dma_wait3A_72 = tpu.memref_slice %arg8[%dma_wait3A_70, %dma_wait3A_71] : memref<10000x16xf32, #tpu.memory_space<vmem_shared>> -> memref<10000x16xf32, #tpu.memory_space<vmem_shared>>
      tpu.wait_indirect_dma semaphore(%arg9 : memref<!tpu.dma_semaphore, #tpu.memory_space<semaphore_mem>>) src(%arg7 : memref<80x16xf32, #tpu.memory_space<vmem>>) dst(%dma_wait3A_72 : memref<10000x16xf32, #tpu.memory_space<vmem_shared>>)
      %mul3A_73 = arith.constant 5 : i32
      %mul3A_74 = arith.muli %scan3A_14, %mul3A_73 : i32
      %add3A_75 = arith.constant 1 : i32
      %add3A_76 = arith.addi %mul3A_74, %add3A_75 : i32
      %dma_wait3A_77 = arith.constant 0 : i32
      %dma_wait3A_78 = tpu.memref_slice %arg6[%add3A_76, %dma_wait3A_77] : memref<125x80xi32, #tpu.memory_space<vmem>> -> memref<1x80xi32, #tpu.memory_space<vmem>>
      %dma_wait3A_79 = tpu.memref_squeeze %dma_wait3A_78 : memref<1x80xi32, #tpu.memory_space<vmem>> -> memref<80xi32, #tpu.memory_space<vmem>>
      %dma_wait3A_80 = arith.constant 0 : i32
      %dma_wait3A_81 = arith.constant 0 : i32
      %dma_wait3A_82 = tpu.memref_slice %arg8[%dma_wait3A_80, %dma_wait3A_81] : memref<10000x16xf32, #tpu.memory_space<vmem_shared>> -> memref<10000x16xf32, #tpu.memory_space<vmem_shared>>
      tpu.wait_indirect_dma semaphore(%arg9 : memref<!tpu.dma_semaphore, #tpu.memory_space<semaphore_mem>>) src(%arg7 : memref<80x16xf32, #tpu.memory_space<vmem>>) dst(%dma_wait3A_82 : memref<10000x16xf32, #tpu.memory_space<vmem_shared>>)
      %mul3A_83 = arith.constant 5 : i32
      %mul3A_84 = arith.muli %scan3A_14, %mul3A_83 : i32
      %add3A_85 = arith.constant 2 : i32
      %add3A_86 = arith.addi %mul3A_84, %add3A_85 : i32
      %dma_wait3A_87 = arith.constant 0 : i32
      %dma_wait3A_88 = tpu.memref_slice %arg6[%add3A_86, %dma_wait3A_87] : memref<125x80xi32, #tpu.memory_space<vmem>> -> memref<1x80xi32, #tpu.memory_space<vmem>>
      %dma_wait3A_89 = tpu.memref_squeeze %dma_wait3A_88 : memref<1x80xi32, #tpu.memory_space<vmem>> -> memref<80xi32, #tpu.memory_space<vmem>>
      %dma_wait3A_90 = arith.constant 0 : i32
      %dma_wait3A_91 = arith.constant 0 : i32
      %dma_wait3A_92 = tpu.memref_slice %arg8[%dma_wait3A_90, %dma_wait3A_91] : memref<10000x16xf32, #tpu.memory_space<vmem_shared>> -> memref<10000x16xf32, #tpu.memory_space<vmem_shared>>
      tpu.wait_indirect_dma semaphore(%arg9 : memref<!tpu.dma_semaphore, #tpu.memory_space<semaphore_mem>>) src(%arg7 : memref<80x16xf32, #tpu.memory_space<vmem>>) dst(%dma_wait3A_92 : memref<10000x16xf32, #tpu.memory_space<vmem_shared>>)
      %mul3A_93 = arith.constant 5 : i32
      %mul3A_94 = arith.muli %scan3A_14, %mul3A_93 : i32
      %add3A_95 = arith.constant 3 : i32
      %add3A_96 = arith.addi %mul3A_94, %add3A_95 : i32
      %dma_wait3A_97 = arith.constant 0 : i32
      %dma_wait3A_98 = tpu.memref_slice %arg6[%add3A_96, %dma_wait3A_97] : memref<125x80xi32, #tpu.memory_space<vmem>> -> memref<1x80xi32, #tpu.memory_space<vmem>>
      %dma_wait3A_99 = tpu.memref_squeeze %dma_wait3A_98 : memref<1x80xi32, #tpu.memory_space<vmem>> -> memref<80xi32, #tpu.memory_space<vmem>>
      %dma_wait3A_100 = arith.constant 0 : i32
      %dma_wait3A_101 = arith.constant 0 : i32
      %dma_wait3A_102 = tpu.memref_slice %arg8[%dma_wait3A_100, %dma_wait3A_101] : memref<10000x16xf32, #tpu.memory_space<vmem_shared>> -> memref<10000x16xf32, #tpu.memory_space<vmem_shared>>
      tpu.wait_indirect_dma semaphore(%arg9 : memref<!tpu.dma_semaphore, #tpu.memory_space<semaphore_mem>>) src(%arg7 : memref<80x16xf32, #tpu.memory_space<vmem>>) dst(%dma_wait3A_102 : memref<10000x16xf32, #tpu.memory_space<vmem_shared>>)
      %mul3A_103 = arith.constant 5 : i32
      %mul3A_104 = arith.muli %scan3A_14, %mul3A_103 : i32
      %add3A_105 = arith.constant 4 : i32
      %add3A_106 = arith.addi %mul3A_104, %add3A_105 : i32
      %dma_wait3A_107 = arith.constant 0 : i32
      %dma_wait3A_108 = tpu.memref_slice %arg6[%add3A_106, %dma_wait3A_107] : memref<125x80xi32, #tpu.memory_space<vmem>> -> memref<1x80xi32, #tpu.memory_space<vmem>>
      %dma_wait3A_109 = tpu.memref_squeeze %dma_wait3A_108 : memref<1x80xi32, #tpu.memory_space<vmem>> -> memref<80xi32, #tpu.memory_space<vmem>>
      %dma_wait3A_110 = arith.constant 0 : i32
      %dma_wait3A_111 = arith.constant 0 : i32
      %dma_wait3A_112 = tpu.memref_slice %arg8[%dma_wait3A_110, %dma_wait3A_111] : memref<10000x16xf32, #tpu.memory_space<vmem_shared>> -> memref<10000x16xf32, #tpu.memory_space<vmem_shared>>
      tpu.wait_indirect_dma semaphore(%arg9 : memref<!tpu.dma_semaphore, #tpu.memory_space<semaphore_mem>>) src(%arg7 : memref<80x16xf32, #tpu.memory_space<vmem>>) dst(%dma_wait3A_112 : memref<10000x16xf32, #tpu.memory_space<vmem_shared>>)
    }
    %scan3A_7 = arith.constant 25 : i32
    %barrier3A_8 = arith.constant 0 : index
    tpu.barrier barrier_id(%barrier3A_8)
    %mul3A_9 = arith.constant 624 : i32
    %mul3A_10 = arith.muli %arg1, %mul3A_9 : i32
    %mul3A_11 = arith.constant 10000 : i32
    %mul3A_12 = arith.muli %arg0, %mul3A_11 : i32
    %add3A_13 = arith.addi %mul3A_12, %mul3A_10 : i32
    "tpu.region"() ({
      %run_scoped3A = tpu.sem_alloc : memref<!tpu.dma_semaphore, #tpu.memory_space<semaphore_mem>>
      %dma_start3A = arith.constant 0 : i32
      %dma_start3A_14 = tpu.memref_slice %arg5[%add3A_13, %dma_start3A] : memref<20000x16xf32, #tpu.memory_space<hbm>> -> memref<640x16xf32, #tpu.memory_space<hbm>>
      %dma_start3A_15 = arith.constant 0 : i32
      %dma_start3A_16 = tpu.memref_slice %arg8[%mul3A_10, %dma_start3A_15] : memref<10000x16xf32, #tpu.memory_space<vmem_shared>> -> memref<640x16xf32, #tpu.memory_space<vmem_shared>>
      tpu.enqueue_dma source(%dma_start3A_16 : memref<640x16xf32, #tpu.memory_space<vmem_shared>>) target(%dma_start3A_14 : memref<640x16xf32, #tpu.memory_space<hbm>>) target_semaphore(%run_scoped3A : memref<!tpu.dma_semaphore, #tpu.memory_space<semaphore_mem>>)
      %dma_wait3A = arith.constant 0 : i32
      %dma_wait3A_17 = tpu.memref_slice %arg5[%add3A_13, %dma_wait3A] : memref<20000x16xf32, #tpu.memory_space<hbm>> -> memref<640x16xf32, #tpu.memory_space<hbm>>
      %dma_wait3A_18 = arith.constant 0 : i32
      %dma_wait3A_19 = tpu.memref_slice %arg8[%mul3A_10, %dma_wait3A_18] : memref<10000x16xf32, #tpu.memory_space<vmem_shared>> -> memref<640x16xf32, #tpu.memory_space<vmem_shared>>
      tpu.wait_dma2 semaphore(%run_scoped3A : memref<!tpu.dma_semaphore, #tpu.memory_space<semaphore_mem>>) src(%dma_wait3A_19 : memref<640x16xf32, #tpu.memory_space<vmem_shared>>) dst(%dma_wait3A_17 : memref<640x16xf32, #tpu.memory_space<hbm>>)
      tpu.yield
    }) : () -> ()
    return
  }
}

#map = affine_map<(d0, d1) -> (0, 0, 0)>
#map1 = affine_map<(d0, d1) -> (0, 0)>
module attributes {stable_mosaic.version = 14 : i64} {
  func.func @body(%arg0: i32, %arg1: i32, %arg2: memref<32x125x80xi32, #tpu.memory_space<hbm>>, %arg3: memref<32x125x80xi32, #tpu.memory_space<hbm>>, %arg4: memref<10000x64xf32, #tpu.memory_space<hbm>>, %arg5: memref<640x64xf32, #tpu.memory_space<hbm>>, %arg6: memref<20000x64xf32, #tpu.memory_space<hbm>>, %arg7: memref<125x80xi32, #tpu.memory_space<vmem>>, %arg8: memref<125x80xi32, #tpu.memory_space<vmem>>, %arg9: memref<5x80x64xf32, #tpu.memory_space<vmem>>, %arg10: memref<10000x64xf32, #tpu.memory_space<vmem_shared>>, %arg11: memref<!tpu.dma_semaphore, #tpu.memory_space<semaphore_mem>>, %arg12: memref<!tpu.dma_semaphore, #tpu.memory_space<semaphore_mem>>, %arg13: memref<!tpu.dma_semaphore, #tpu.memory_space<semaphore_mem>>, %arg14: memref<!tpu.dma_semaphore, #tpu.memory_space<semaphore_mem>>, %arg15: memref<!tpu.dma_semaphore, #tpu.memory_space<semaphore_mem>>, %arg16: memref<!tpu.dma_semaphore, #tpu.memory_space<semaphore_mem>>) attributes {dimension_semantics = [#tpu.dimension_semantics<core_parallel>, #tpu.dimension_semantics<subcore_parallel>], iteration_bounds = array<i64: 2, 16>, scalar_prefetch = 0 : i64, scratch_operands = 10 : i64, tpu.core_type = #tpu.core_type<sc_vector_subcore>, window_params = [{transform_indices = #map}, {transform_indices = #map}, {transform_indices = #map1}, {transform_indices = #map1}, {transform_indices = #map1}]} {
    %mul3A = arith.constant 2 : i32
    %mul3A_0 = arith.muli %arg1, %mul3A : i32
    %add3A = arith.addi %mul3A_0, %arg0 : i32
    %mul3A_1 = arith.constant 624 : i32
    %mul3A_2 = arith.muli %arg1, %mul3A_1 : i32
    "tpu.region"() ({
      %run_scoped3A = tpu.sem_alloc : memref<!tpu.dma_semaphore, #tpu.memory_space<semaphore_mem>>
      %dma_start3A_73 = arith.constant 0 : i32
      %dma_start3A_74 = tpu.memref_slice %arg10[%mul3A_2, %dma_start3A_73] : memref<10000x64xf32, #tpu.memory_space<vmem_shared>> -> memref<640x64xf32, #tpu.memory_space<vmem_shared>>
      tpu.enqueue_dma source(%arg5 : memref<640x64xf32, #tpu.memory_space<hbm>>) target(%dma_start3A_74 : memref<640x64xf32, #tpu.memory_space<vmem_shared>>) target_semaphore(%run_scoped3A : memref<!tpu.dma_semaphore, #tpu.memory_space<semaphore_mem>>)
      %dma_wait3A = arith.constant 0 : i32
      %dma_wait3A_75 = tpu.memref_slice %arg10[%mul3A_2, %dma_wait3A] : memref<10000x64xf32, #tpu.memory_space<vmem_shared>> -> memref<640x64xf32, #tpu.memory_space<vmem_shared>>
      tpu.wait_dma2 semaphore(%run_scoped3A : memref<!tpu.dma_semaphore, #tpu.memory_space<semaphore_mem>>) src(%arg5 : memref<640x64xf32, #tpu.memory_space<hbm>>) dst(%dma_wait3A_75 : memref<640x64xf32, #tpu.memory_space<vmem_shared>>)
      tpu.yield
    }) : () -> ()
    "tpu.region"() ({
      %run_scoped3A = tpu.sem_alloc : memref<!tpu.dma_semaphore, #tpu.memory_space<semaphore_mem>>
      %dma_start3A_73 = arith.constant 0 : i32
      %dma_start3A_74 = arith.constant 0 : i32
      %dma_start3A_75 = tpu.memref_slice %arg2[%add3A, %dma_start3A_73, %dma_start3A_74] : memref<32x125x80xi32, #tpu.memory_space<hbm>> -> memref<1x125x80xi32, #tpu.memory_space<hbm>>
      %dma_start3A_76 = tpu.memref_squeeze %dma_start3A_75 : memref<1x125x80xi32, #tpu.memory_space<hbm>> -> memref<125x80xi32, #tpu.memory_space<hbm>>
      %dma_start3A_77 = arith.constant 0 : i32
      %dma_start3A_78 = arith.constant 0 : i32
      %dma_start3A_79 = tpu.memref_slice %arg2[%add3A, %dma_start3A_77, %dma_start3A_78] : memref<32x125x80xi32, #tpu.memory_space<hbm>> -> memref<1x125x80xi32, #tpu.memory_space<hbm>>
      %dma_start3A_80 = tpu.memref_squeeze %dma_start3A_79 : memref<1x125x80xi32, #tpu.memory_space<hbm>> -> memref<125x80xi32, #tpu.memory_space<hbm>>
      tpu.enqueue_dma source(%dma_start3A_80 : memref<125x80xi32, #tpu.memory_space<hbm>>) target(%arg7 : memref<125x80xi32, #tpu.memory_space<vmem>>) target_semaphore(%run_scoped3A : memref<!tpu.dma_semaphore, #tpu.memory_space<semaphore_mem>>)
      %dma_wait3A = arith.constant 0 : i32
      %dma_wait3A_81 = arith.constant 0 : i32
      %dma_wait3A_82 = tpu.memref_slice %arg2[%add3A, %dma_wait3A, %dma_wait3A_81] : memref<32x125x80xi32, #tpu.memory_space<hbm>> -> memref<1x125x80xi32, #tpu.memory_space<hbm>>
      %dma_wait3A_83 = tpu.memref_squeeze %dma_wait3A_82 : memref<1x125x80xi32, #tpu.memory_space<hbm>> -> memref<125x80xi32, #tpu.memory_space<hbm>>
      %dma_wait3A_84 = arith.constant 0 : i32
      %dma_wait3A_85 = arith.constant 0 : i32
      %dma_wait3A_86 = tpu.memref_slice %arg2[%add3A, %dma_wait3A_84, %dma_wait3A_85] : memref<32x125x80xi32, #tpu.memory_space<hbm>> -> memref<1x125x80xi32, #tpu.memory_space<hbm>>
      %dma_wait3A_87 = tpu.memref_squeeze %dma_wait3A_86 : memref<1x125x80xi32, #tpu.memory_space<hbm>> -> memref<125x80xi32, #tpu.memory_space<hbm>>
      tpu.wait_dma2 semaphore(%run_scoped3A : memref<!tpu.dma_semaphore, #tpu.memory_space<semaphore_mem>>) src(%dma_wait3A_87 : memref<125x80xi32, #tpu.memory_space<hbm>>) dst(%arg7 : memref<125x80xi32, #tpu.memory_space<vmem>>)
      tpu.yield
    }) : () -> ()
    "tpu.region"() ({
      %run_scoped3A = tpu.sem_alloc : memref<!tpu.dma_semaphore, #tpu.memory_space<semaphore_mem>>
      %dma_start3A_73 = arith.constant 0 : i32
      %dma_start3A_74 = arith.constant 0 : i32
      %dma_start3A_75 = tpu.memref_slice %arg3[%add3A, %dma_start3A_73, %dma_start3A_74] : memref<32x125x80xi32, #tpu.memory_space<hbm>> -> memref<1x125x80xi32, #tpu.memory_space<hbm>>
      %dma_start3A_76 = tpu.memref_squeeze %dma_start3A_75 : memref<1x125x80xi32, #tpu.memory_space<hbm>> -> memref<125x80xi32, #tpu.memory_space<hbm>>
      %dma_start3A_77 = arith.constant 0 : i32
      %dma_start3A_78 = arith.constant 0 : i32
      %dma_start3A_79 = tpu.memref_slice %arg3[%add3A, %dma_start3A_77, %dma_start3A_78] : memref<32x125x80xi32, #tpu.memory_space<hbm>> -> memref<1x125x80xi32, #tpu.memory_space<hbm>>
      %dma_start3A_80 = tpu.memref_squeeze %dma_start3A_79 : memref<1x125x80xi32, #tpu.memory_space<hbm>> -> memref<125x80xi32, #tpu.memory_space<hbm>>
      tpu.enqueue_dma source(%dma_start3A_80 : memref<125x80xi32, #tpu.memory_space<hbm>>) target(%arg8 : memref<125x80xi32, #tpu.memory_space<vmem>>) target_semaphore(%run_scoped3A : memref<!tpu.dma_semaphore, #tpu.memory_space<semaphore_mem>>)
      %dma_wait3A = arith.constant 0 : i32
      %dma_wait3A_81 = arith.constant 0 : i32
      %dma_wait3A_82 = tpu.memref_slice %arg3[%add3A, %dma_wait3A, %dma_wait3A_81] : memref<32x125x80xi32, #tpu.memory_space<hbm>> -> memref<1x125x80xi32, #tpu.memory_space<hbm>>
      %dma_wait3A_83 = tpu.memref_squeeze %dma_wait3A_82 : memref<1x125x80xi32, #tpu.memory_space<hbm>> -> memref<125x80xi32, #tpu.memory_space<hbm>>
      %dma_wait3A_84 = arith.constant 0 : i32
      %dma_wait3A_85 = arith.constant 0 : i32
      %dma_wait3A_86 = tpu.memref_slice %arg3[%add3A, %dma_wait3A_84, %dma_wait3A_85] : memref<32x125x80xi32, #tpu.memory_space<hbm>> -> memref<1x125x80xi32, #tpu.memory_space<hbm>>
      %dma_wait3A_87 = tpu.memref_squeeze %dma_wait3A_86 : memref<1x125x80xi32, #tpu.memory_space<hbm>> -> memref<125x80xi32, #tpu.memory_space<hbm>>
      tpu.wait_dma2 semaphore(%run_scoped3A : memref<!tpu.dma_semaphore, #tpu.memory_space<semaphore_mem>>) src(%dma_wait3A_87 : memref<125x80xi32, #tpu.memory_space<hbm>>) dst(%arg8 : memref<125x80xi32, #tpu.memory_space<vmem>>)
      tpu.yield
    }) : () -> ()
    %barrier3A = arith.constant 0 : index
    tpu.barrier barrier_id(%barrier3A)
    %dma_start3A = arith.constant 0 : i32
    %dma_start3A_3 = arith.constant 0 : i32
    %dma_start3A_4 = arith.constant 0 : i32
    %dma_start3A_5 = arith.constant 0 : i32
    %dma_start3A_6 = tpu.memref_slice %arg9[%dma_start3A_3, %dma_start3A_4, %dma_start3A_5] : memref<5x80x64xf32, #tpu.memory_space<vmem>> -> memref<1x80x64xf32, #tpu.memory_space<vmem>>
    %dma_start3A_7 = tpu.memref_squeeze %dma_start3A_6 : memref<1x80x64xf32, #tpu.memory_space<vmem>> -> memref<80x64xf32, #tpu.memory_space<vmem>>
    %dma_start3A_8 = arith.constant 0 : i32
    %dma_start3A_9 = tpu.memref_slice %arg7[%dma_start3A, %dma_start3A_8] : memref<125x80xi32, #tpu.memory_space<vmem>> -> memref<1x80xi32, #tpu.memory_space<vmem>>
    %dma_start3A_10 = tpu.memref_squeeze %dma_start3A_9 : memref<1x80xi32, #tpu.memory_space<vmem>> -> memref<80xi32, #tpu.memory_space<vmem>>
    %dma_start3A_11 = arith.constant 0 : i32
    %dma_start3A_12 = arith.constant 0 : i32
    %dma_start3A_13 = tpu.memref_slice %arg4[%dma_start3A_11, %dma_start3A_12] : memref<10000x64xf32, #tpu.memory_space<hbm>> -> memref<10000x64xf32, #tpu.memory_space<hbm>>
    tpu.enqueue_indirect_dma source(%dma_start3A_13 : memref<10000x64xf32, #tpu.memory_space<hbm>>) target(%dma_start3A_7 : memref<80x64xf32, #tpu.memory_space<vmem>>) offsets(%dma_start3A_10 : memref<80xi32, #tpu.memory_space<vmem>>) semaphore(%arg11 : memref<!tpu.dma_semaphore, #tpu.memory_space<semaphore_mem>>)
    %dma_start3A_14 = arith.constant 1 : i32
    %dma_start3A_15 = arith.constant 1 : i32
    %dma_start3A_16 = arith.constant 0 : i32
    %dma_start3A_17 = arith.constant 0 : i32
    %dma_start3A_18 = tpu.memref_slice %arg9[%dma_start3A_15, %dma_start3A_16, %dma_start3A_17] : memref<5x80x64xf32, #tpu.memory_space<vmem>> -> memref<1x80x64xf32, #tpu.memory_space<vmem>>
    %dma_start3A_19 = tpu.memref_squeeze %dma_start3A_18 : memref<1x80x64xf32, #tpu.memory_space<vmem>> -> memref<80x64xf32, #tpu.memory_space<vmem>>
    %dma_start3A_20 = arith.constant 0 : i32
    %dma_start3A_21 = tpu.memref_slice %arg7[%dma_start3A_14, %dma_start3A_20] : memref<125x80xi32, #tpu.memory_space<vmem>> -> memref<1x80xi32, #tpu.memory_space<vmem>>
    %dma_start3A_22 = tpu.memref_squeeze %dma_start3A_21 : memref<1x80xi32, #tpu.memory_space<vmem>> -> memref<80xi32, #tpu.memory_space<vmem>>
    %dma_start3A_23 = arith.constant 0 : i32
    %dma_start3A_24 = arith.constant 0 : i32
    %dma_start3A_25 = tpu.memref_slice %arg4[%dma_start3A_23, %dma_start3A_24] : memref<10000x64xf32, #tpu.memory_space<hbm>> -> memref<10000x64xf32, #tpu.memory_space<hbm>>
    tpu.enqueue_indirect_dma source(%dma_start3A_25 : memref<10000x64xf32, #tpu.memory_space<hbm>>) target(%dma_start3A_19 : memref<80x64xf32, #tpu.memory_space<vmem>>) offsets(%dma_start3A_22 : memref<80xi32, #tpu.memory_space<vmem>>) semaphore(%arg12 : memref<!tpu.dma_semaphore, #tpu.memory_space<semaphore_mem>>)
    %dma_start3A_26 = arith.constant 2 : i32
    %dma_start3A_27 = arith.constant 2 : i32
    %dma_start3A_28 = arith.constant 0 : i32
    %dma_start3A_29 = arith.constant 0 : i32
    %dma_start3A_30 = tpu.memref_slice %arg9[%dma_start3A_27, %dma_start3A_28, %dma_start3A_29] : memref<5x80x64xf32, #tpu.memory_space<vmem>> -> memref<1x80x64xf32, #tpu.memory_space<vmem>>
    %dma_start3A_31 = tpu.memref_squeeze %dma_start3A_30 : memref<1x80x64xf32, #tpu.memory_space<vmem>> -> memref<80x64xf32, #tpu.memory_space<vmem>>
    %dma_start3A_32 = arith.constant 0 : i32
    %dma_start3A_33 = tpu.memref_slice %arg7[%dma_start3A_26, %dma_start3A_32] : memref<125x80xi32, #tpu.memory_space<vmem>> -> memref<1x80xi32, #tpu.memory_space<vmem>>
    %dma_start3A_34 = tpu.memref_squeeze %dma_start3A_33 : memref<1x80xi32, #tpu.memory_space<vmem>> -> memref<80xi32, #tpu.memory_space<vmem>>
    %dma_start3A_35 = arith.constant 0 : i32
    %dma_start3A_36 = arith.constant 0 : i32
    %dma_start3A_37 = tpu.memref_slice %arg4[%dma_start3A_35, %dma_start3A_36] : memref<10000x64xf32, #tpu.memory_space<hbm>> -> memref<10000x64xf32, #tpu.memory_space<hbm>>
    tpu.enqueue_indirect_dma source(%dma_start3A_37 : memref<10000x64xf32, #tpu.memory_space<hbm>>) target(%dma_start3A_31 : memref<80x64xf32, #tpu.memory_space<vmem>>) offsets(%dma_start3A_34 : memref<80xi32, #tpu.memory_space<vmem>>) semaphore(%arg13 : memref<!tpu.dma_semaphore, #tpu.memory_space<semaphore_mem>>)
    %dma_start3A_38 = arith.constant 3 : i32
    %dma_start3A_39 = arith.constant 3 : i32
    %dma_start3A_40 = arith.constant 0 : i32
    %dma_start3A_41 = arith.constant 0 : i32
    %dma_start3A_42 = tpu.memref_slice %arg9[%dma_start3A_39, %dma_start3A_40, %dma_start3A_41] : memref<5x80x64xf32, #tpu.memory_space<vmem>> -> memref<1x80x64xf32, #tpu.memory_space<vmem>>
    %dma_start3A_43 = tpu.memref_squeeze %dma_start3A_42 : memref<1x80x64xf32, #tpu.memory_space<vmem>> -> memref<80x64xf32, #tpu.memory_space<vmem>>
    %dma_start3A_44 = arith.constant 0 : i32
    %dma_start3A_45 = tpu.memref_slice %arg7[%dma_start3A_38, %dma_start3A_44] : memref<125x80xi32, #tpu.memory_space<vmem>> -> memref<1x80xi32, #tpu.memory_space<vmem>>
    %dma_start3A_46 = tpu.memref_squeeze %dma_start3A_45 : memref<1x80xi32, #tpu.memory_space<vmem>> -> memref<80xi32, #tpu.memory_space<vmem>>
    %dma_start3A_47 = arith.constant 0 : i32
    %dma_start3A_48 = arith.constant 0 : i32
    %dma_start3A_49 = tpu.memref_slice %arg4[%dma_start3A_47, %dma_start3A_48] : memref<10000x64xf32, #tpu.memory_space<hbm>> -> memref<10000x64xf32, #tpu.memory_space<hbm>>
    tpu.enqueue_indirect_dma source(%dma_start3A_49 : memref<10000x64xf32, #tpu.memory_space<hbm>>) target(%dma_start3A_43 : memref<80x64xf32, #tpu.memory_space<vmem>>) offsets(%dma_start3A_46 : memref<80xi32, #tpu.memory_space<vmem>>) semaphore(%arg14 : memref<!tpu.dma_semaphore, #tpu.memory_space<semaphore_mem>>)
    %dma_start3A_50 = arith.constant 4 : i32
    %dma_start3A_51 = arith.constant 4 : i32
    %dma_start3A_52 = arith.constant 0 : i32
    %dma_start3A_53 = arith.constant 0 : i32
    %dma_start3A_54 = tpu.memref_slice %arg9[%dma_start3A_51, %dma_start3A_52, %dma_start3A_53] : memref<5x80x64xf32, #tpu.memory_space<vmem>> -> memref<1x80x64xf32, #tpu.memory_space<vmem>>
    %dma_start3A_55 = tpu.memref_squeeze %dma_start3A_54 : memref<1x80x64xf32, #tpu.memory_space<vmem>> -> memref<80x64xf32, #tpu.memory_space<vmem>>
    %dma_start3A_56 = arith.constant 0 : i32
    %dma_start3A_57 = tpu.memref_slice %arg7[%dma_start3A_50, %dma_start3A_56] : memref<125x80xi32, #tpu.memory_space<vmem>> -> memref<1x80xi32, #tpu.memory_space<vmem>>
    %dma_start3A_58 = tpu.memref_squeeze %dma_start3A_57 : memref<1x80xi32, #tpu.memory_space<vmem>> -> memref<80xi32, #tpu.memory_space<vmem>>
    %dma_start3A_59 = arith.constant 0 : i32
    %dma_start3A_60 = arith.constant 0 : i32
    %dma_start3A_61 = tpu.memref_slice %arg4[%dma_start3A_59, %dma_start3A_60] : memref<10000x64xf32, #tpu.memory_space<hbm>> -> memref<10000x64xf32, #tpu.memory_space<hbm>>
    tpu.enqueue_indirect_dma source(%dma_start3A_61 : memref<10000x64xf32, #tpu.memory_space<hbm>>) target(%dma_start3A_55 : memref<80x64xf32, #tpu.memory_space<vmem>>) offsets(%dma_start3A_58 : memref<80xi32, #tpu.memory_space<vmem>>) semaphore(%arg15 : memref<!tpu.dma_semaphore, #tpu.memory_space<semaphore_mem>>)
    %scan3A = arith.constant 0 : i32
    %scan3A_62 = arith.constant 0 : i32
    %scan3A_63 = arith.constant 25 : i32
    %scan3A_64 = arith.addi %scan3A_62, %scan3A_63 : i32
    %scan3A_65 = arith.constant 1 : i32
    scf.for %scan3A_73 = %scan3A_62 to %scan3A_64 step %scan3A_65  : i32 {
      %mul3A_74 = arith.constant 5 : i32
      %mul3A_75 = arith.muli %scan3A_73, %mul3A_74 : i32
      %add3A_76 = arith.constant 0 : i32
      %add3A_77 = arith.addi %mul3A_75, %add3A_76 : i32
      %dma_wait3A = arith.constant 0 : i32
      %dma_wait3A_78 = arith.constant 0 : i32
      %dma_wait3A_79 = arith.constant 0 : i32
      %dma_wait3A_80 = tpu.memref_slice %arg9[%dma_wait3A, %dma_wait3A_78, %dma_wait3A_79] : memref<5x80x64xf32, #tpu.memory_space<vmem>> -> memref<1x80x64xf32, #tpu.memory_space<vmem>>
      %dma_wait3A_81 = tpu.memref_squeeze %dma_wait3A_80 : memref<1x80x64xf32, #tpu.memory_space<vmem>> -> memref<80x64xf32, #tpu.memory_space<vmem>>
      %dma_wait3A_82 = arith.constant 0 : i32
      %dma_wait3A_83 = tpu.memref_slice %arg7[%add3A_77, %dma_wait3A_82] : memref<125x80xi32, #tpu.memory_space<vmem>> -> memref<1x80xi32, #tpu.memory_space<vmem>>
      %dma_wait3A_84 = tpu.memref_squeeze %dma_wait3A_83 : memref<1x80xi32, #tpu.memory_space<vmem>> -> memref<80xi32, #tpu.memory_space<vmem>>
      %dma_wait3A_85 = arith.constant 0 : i32
      %dma_wait3A_86 = arith.constant 0 : i32
      %dma_wait3A_87 = tpu.memref_slice %arg4[%dma_wait3A_85, %dma_wait3A_86] : memref<10000x64xf32, #tpu.memory_space<hbm>> -> memref<10000x64xf32, #tpu.memory_space<hbm>>
      tpu.wait_indirect_dma semaphore(%arg11 : memref<!tpu.dma_semaphore, #tpu.memory_space<semaphore_mem>>) src(%dma_wait3A_87 : memref<10000x64xf32, #tpu.memory_space<hbm>>) dst(%dma_wait3A_81 : memref<80x64xf32, #tpu.memory_space<vmem>>)
      %dma_start3A_88 = arith.constant 0 : i32
      %dma_start3A_89 = arith.constant 0 : i32
      %dma_start3A_90 = arith.constant 0 : i32
      %dma_start3A_91 = tpu.memref_slice %arg9[%dma_start3A_88, %dma_start3A_89, %dma_start3A_90] : memref<5x80x64xf32, #tpu.memory_space<vmem>> -> memref<1x80x64xf32, #tpu.memory_space<vmem>>
      %dma_start3A_92 = tpu.memref_squeeze %dma_start3A_91 : memref<1x80x64xf32, #tpu.memory_space<vmem>> -> memref<80x64xf32, #tpu.memory_space<vmem>>
      %dma_start3A_93 = arith.constant 0 : i32
      %dma_start3A_94 = tpu.memref_slice %arg8[%add3A_77, %dma_start3A_93] : memref<125x80xi32, #tpu.memory_space<vmem>> -> memref<1x80xi32, #tpu.memory_space<vmem>>
      %dma_start3A_95 = tpu.memref_squeeze %dma_start3A_94 : memref<1x80xi32, #tpu.memory_space<vmem>> -> memref<80xi32, #tpu.memory_space<vmem>>
      %dma_start3A_96 = arith.constant 0 : i32
      %dma_start3A_97 = arith.constant 0 : i32
      %dma_start3A_98 = tpu.memref_slice %arg10[%dma_start3A_96, %dma_start3A_97] : memref<10000x64xf32, #tpu.memory_space<vmem_shared>> -> memref<10000x64xf32, #tpu.memory_space<vmem_shared>>
      tpu.enqueue_indirect_dma source(%dma_start3A_92 : memref<80x64xf32, #tpu.memory_space<vmem>>) target(%dma_start3A_98 : memref<10000x64xf32, #tpu.memory_space<vmem_shared>>) offsets(%dma_start3A_95 : memref<80xi32, #tpu.memory_space<vmem>>) semaphore(%arg16 : memref<!tpu.dma_semaphore, #tpu.memory_space<semaphore_mem>>) {add = true}
      %dma_wait3A_99 = arith.constant 0 : i32
      %dma_wait3A_100 = arith.constant 0 : i32
      %dma_wait3A_101 = arith.constant 0 : i32
      %dma_wait3A_102 = tpu.memref_slice %arg9[%dma_wait3A_99, %dma_wait3A_100, %dma_wait3A_101] : memref<5x80x64xf32, #tpu.memory_space<vmem>> -> memref<1x80x64xf32, #tpu.memory_space<vmem>>
      %dma_wait3A_103 = tpu.memref_squeeze %dma_wait3A_102 : memref<1x80x64xf32, #tpu.memory_space<vmem>> -> memref<80x64xf32, #tpu.memory_space<vmem>>
      %dma_wait3A_104 = arith.constant 0 : i32
      %dma_wait3A_105 = tpu.memref_slice %arg8[%add3A_77, %dma_wait3A_104] : memref<125x80xi32, #tpu.memory_space<vmem>> -> memref<1x80xi32, #tpu.memory_space<vmem>>
      %dma_wait3A_106 = tpu.memref_squeeze %dma_wait3A_105 : memref<1x80xi32, #tpu.memory_space<vmem>> -> memref<80xi32, #tpu.memory_space<vmem>>
      %dma_wait3A_107 = arith.constant 0 : i32
      %dma_wait3A_108 = arith.constant 0 : i32
      %dma_wait3A_109 = tpu.memref_slice %arg10[%dma_wait3A_107, %dma_wait3A_108] : memref<10000x64xf32, #tpu.memory_space<vmem_shared>> -> memref<10000x64xf32, #tpu.memory_space<vmem_shared>>
      tpu.wait_indirect_dma semaphore(%arg16 : memref<!tpu.dma_semaphore, #tpu.memory_space<semaphore_mem>>) src(%dma_wait3A_103 : memref<80x64xf32, #tpu.memory_space<vmem>>) dst(%dma_wait3A_109 : memref<10000x64xf32, #tpu.memory_space<vmem_shared>>)
      %add3A_110 = arith.constant 5 : i32
      %add3A_111 = arith.addi %add3A_77, %add3A_110 : i32
      %lt3A = arith.constant 125 : i32
      %lt3A_112 = arith.cmpi slt, %add3A_111, %lt3A : i32
      %convert_element_type3A = arith.extui %lt3A_112 : i1 to i32
      %cond3A = arith.constant 0 : i32
      %cond3A_113 = arith.cmpi ne, %convert_element_type3A, %cond3A : i32
      scf.if %cond3A_113 {
        %dma_start3A_290 = arith.constant 0 : i32
        %dma_start3A_291 = arith.constant 0 : i32
        %dma_start3A_292 = arith.constant 0 : i32
        %dma_start3A_293 = tpu.memref_slice %arg9[%dma_start3A_290, %dma_start3A_291, %dma_start3A_292] : memref<5x80x64xf32, #tpu.memory_space<vmem>> -> memref<1x80x64xf32, #tpu.memory_space<vmem>>
        %dma_start3A_294 = tpu.memref_squeeze %dma_start3A_293 : memref<1x80x64xf32, #tpu.memory_space<vmem>> -> memref<80x64xf32, #tpu.memory_space<vmem>>
        %dma_start3A_295 = arith.constant 0 : i32
        %dma_start3A_296 = tpu.memref_slice %arg7[%add3A_111, %dma_start3A_295] : memref<125x80xi32, #tpu.memory_space<vmem>> -> memref<1x80xi32, #tpu.memory_space<vmem>>
        %dma_start3A_297 = tpu.memref_squeeze %dma_start3A_296 : memref<1x80xi32, #tpu.memory_space<vmem>> -> memref<80xi32, #tpu.memory_space<vmem>>
        %dma_start3A_298 = arith.constant 0 : i32
        %dma_start3A_299 = arith.constant 0 : i32
        %dma_start3A_300 = tpu.memref_slice %arg4[%dma_start3A_298, %dma_start3A_299] : memref<10000x64xf32, #tpu.memory_space<hbm>> -> memref<10000x64xf32, #tpu.memory_space<hbm>>
        tpu.enqueue_indirect_dma source(%dma_start3A_300 : memref<10000x64xf32, #tpu.memory_space<hbm>>) target(%dma_start3A_294 : memref<80x64xf32, #tpu.memory_space<vmem>>) offsets(%dma_start3A_297 : memref<80xi32, #tpu.memory_space<vmem>>) semaphore(%arg11 : memref<!tpu.dma_semaphore, #tpu.memory_space<semaphore_mem>>)
      } else {
      }
      %mul3A_114 = arith.constant 5 : i32
      %mul3A_115 = arith.muli %scan3A_73, %mul3A_114 : i32
      %add3A_116 = arith.constant 1 : i32
      %add3A_117 = arith.addi %mul3A_115, %add3A_116 : i32
      %dma_wait3A_118 = arith.constant 1 : i32
      %dma_wait3A_119 = arith.constant 0 : i32
      %dma_wait3A_120 = arith.constant 0 : i32
      %dma_wait3A_121 = tpu.memref_slice %arg9[%dma_wait3A_118, %dma_wait3A_119, %dma_wait3A_120] : memref<5x80x64xf32, #tpu.memory_space<vmem>> -> memref<1x80x64xf32, #tpu.memory_space<vmem>>
      %dma_wait3A_122 = tpu.memref_squeeze %dma_wait3A_121 : memref<1x80x64xf32, #tpu.memory_space<vmem>> -> memref<80x64xf32, #tpu.memory_space<vmem>>
      %dma_wait3A_123 = arith.constant 0 : i32
      %dma_wait3A_124 = tpu.memref_slice %arg7[%add3A_117, %dma_wait3A_123] : memref<125x80xi32, #tpu.memory_space<vmem>> -> memref<1x80xi32, #tpu.memory_space<vmem>>
      %dma_wait3A_125 = tpu.memref_squeeze %dma_wait3A_124 : memref<1x80xi32, #tpu.memory_space<vmem>> -> memref<80xi32, #tpu.memory_space<vmem>>
      %dma_wait3A_126 = arith.constant 0 : i32
      %dma_wait3A_127 = arith.constant 0 : i32
      %dma_wait3A_128 = tpu.memref_slice %arg4[%dma_wait3A_126, %dma_wait3A_127] : memref<10000x64xf32, #tpu.memory_space<hbm>> -> memref<10000x64xf32, #tpu.memory_space<hbm>>
      tpu.wait_indirect_dma semaphore(%arg12 : memref<!tpu.dma_semaphore, #tpu.memory_space<semaphore_mem>>) src(%dma_wait3A_128 : memref<10000x64xf32, #tpu.memory_space<hbm>>) dst(%dma_wait3A_122 : memref<80x64xf32, #tpu.memory_space<vmem>>)
      %dma_start3A_129 = arith.constant 1 : i32
      %dma_start3A_130 = arith.constant 0 : i32
      %dma_start3A_131 = arith.constant 0 : i32
      %dma_start3A_132 = tpu.memref_slice %arg9[%dma_start3A_129, %dma_start3A_130, %dma_start3A_131] : memref<5x80x64xf32, #tpu.memory_space<vmem>> -> memref<1x80x64xf32, #tpu.memory_space<vmem>>
      %dma_start3A_133 = tpu.memref_squeeze %dma_start3A_132 : memref<1x80x64xf32, #tpu.memory_space<vmem>> -> memref<80x64xf32, #tpu.memory_space<vmem>>
      %dma_start3A_134 = arith.constant 0 : i32
      %dma_start3A_135 = tpu.memref_slice %arg8[%add3A_117, %dma_start3A_134] : memref<125x80xi32, #tpu.memory_space<vmem>> -> memref<1x80xi32, #tpu.memory_space<vmem>>
      %dma_start3A_136 = tpu.memref_squeeze %dma_start3A_135 : memref<1x80xi32, #tpu.memory_space<vmem>> -> memref<80xi32, #tpu.memory_space<vmem>>
      %dma_start3A_137 = arith.constant 0 : i32
      %dma_start3A_138 = arith.constant 0 : i32
      %dma_start3A_139 = tpu.memref_slice %arg10[%dma_start3A_137, %dma_start3A_138] : memref<10000x64xf32, #tpu.memory_space<vmem_shared>> -> memref<10000x64xf32, #tpu.memory_space<vmem_shared>>
      tpu.enqueue_indirect_dma source(%dma_start3A_133 : memref<80x64xf32, #tpu.memory_space<vmem>>) target(%dma_start3A_139 : memref<10000x64xf32, #tpu.memory_space<vmem_shared>>) offsets(%dma_start3A_136 : memref<80xi32, #tpu.memory_space<vmem>>) semaphore(%arg16 : memref<!tpu.dma_semaphore, #tpu.memory_space<semaphore_mem>>) {add = true}
      %dma_wait3A_140 = arith.constant 1 : i32
      %dma_wait3A_141 = arith.constant 0 : i32
      %dma_wait3A_142 = arith.constant 0 : i32
      %dma_wait3A_143 = tpu.memref_slice %arg9[%dma_wait3A_140, %dma_wait3A_141, %dma_wait3A_142] : memref<5x80x64xf32, #tpu.memory_space<vmem>> -> memref<1x80x64xf32, #tpu.memory_space<vmem>>
      %dma_wait3A_144 = tpu.memref_squeeze %dma_wait3A_143 : memref<1x80x64xf32, #tpu.memory_space<vmem>> -> memref<80x64xf32, #tpu.memory_space<vmem>>
      %dma_wait3A_145 = arith.constant 0 : i32
      %dma_wait3A_146 = tpu.memref_slice %arg8[%add3A_117, %dma_wait3A_145] : memref<125x80xi32, #tpu.memory_space<vmem>> -> memref<1x80xi32, #tpu.memory_space<vmem>>
      %dma_wait3A_147 = tpu.memref_squeeze %dma_wait3A_146 : memref<1x80xi32, #tpu.memory_space<vmem>> -> memref<80xi32, #tpu.memory_space<vmem>>
      %dma_wait3A_148 = arith.constant 0 : i32
      %dma_wait3A_149 = arith.constant 0 : i32
      %dma_wait3A_150 = tpu.memref_slice %arg10[%dma_wait3A_148, %dma_wait3A_149] : memref<10000x64xf32, #tpu.memory_space<vmem_shared>> -> memref<10000x64xf32, #tpu.memory_space<vmem_shared>>
      tpu.wait_indirect_dma semaphore(%arg16 : memref<!tpu.dma_semaphore, #tpu.memory_space<semaphore_mem>>) src(%dma_wait3A_144 : memref<80x64xf32, #tpu.memory_space<vmem>>) dst(%dma_wait3A_150 : memref<10000x64xf32, #tpu.memory_space<vmem_shared>>)
      %add3A_151 = arith.constant 5 : i32
      %add3A_152 = arith.addi %add3A_117, %add3A_151 : i32
      %lt3A_153 = arith.constant 125 : i32
      %lt3A_154 = arith.cmpi slt, %add3A_152, %lt3A_153 : i32
      %convert_element_type3A_155 = arith.extui %lt3A_154 : i1 to i32
      %cond3A_156 = arith.constant 0 : i32
      %cond3A_157 = arith.cmpi ne, %convert_element_type3A_155, %cond3A_156 : i32
      scf.if %cond3A_157 {
        %dma_start3A_290 = arith.constant 1 : i32
        %dma_start3A_291 = arith.constant 0 : i32
        %dma_start3A_292 = arith.constant 0 : i32
        %dma_start3A_293 = tpu.memref_slice %arg9[%dma_start3A_290, %dma_start3A_291, %dma_start3A_292] : memref<5x80x64xf32, #tpu.memory_space<vmem>> -> memref<1x80x64xf32, #tpu.memory_space<vmem>>
        %dma_start3A_294 = tpu.memref_squeeze %dma_start3A_293 : memref<1x80x64xf32, #tpu.memory_space<vmem>> -> memref<80x64xf32, #tpu.memory_space<vmem>>
        %dma_start3A_295 = arith.constant 0 : i32
        %dma_start3A_296 = tpu.memref_slice %arg7[%add3A_152, %dma_start3A_295] : memref<125x80xi32, #tpu.memory_space<vmem>> -> memref<1x80xi32, #tpu.memory_space<vmem>>
        %dma_start3A_297 = tpu.memref_squeeze %dma_start3A_296 : memref<1x80xi32, #tpu.memory_space<vmem>> -> memref<80xi32, #tpu.memory_space<vmem>>
        %dma_start3A_298 = arith.constant 0 : i32
        %dma_start3A_299 = arith.constant 0 : i32
        %dma_start3A_300 = tpu.memref_slice %arg4[%dma_start3A_298, %dma_start3A_299] : memref<10000x64xf32, #tpu.memory_space<hbm>> -> memref<10000x64xf32, #tpu.memory_space<hbm>>
        tpu.enqueue_indirect_dma source(%dma_start3A_300 : memref<10000x64xf32, #tpu.memory_space<hbm>>) target(%dma_start3A_294 : memref<80x64xf32, #tpu.memory_space<vmem>>) offsets(%dma_start3A_297 : memref<80xi32, #tpu.memory_space<vmem>>) semaphore(%arg12 : memref<!tpu.dma_semaphore, #tpu.memory_space<semaphore_mem>>)
      } else {
      }
      %mul3A_158 = arith.constant 5 : i32
      %mul3A_159 = arith.muli %scan3A_73, %mul3A_158 : i32
      %add3A_160 = arith.constant 2 : i32
      %add3A_161 = arith.addi %mul3A_159, %add3A_160 : i32
      %dma_wait3A_162 = arith.constant 2 : i32
      %dma_wait3A_163 = arith.constant 0 : i32
      %dma_wait3A_164 = arith.constant 0 : i32
      %dma_wait3A_165 = tpu.memref_slice %arg9[%dma_wait3A_162, %dma_wait3A_163, %dma_wait3A_164] : memref<5x80x64xf32, #tpu.memory_space<vmem>> -> memref<1x80x64xf32, #tpu.memory_space<vmem>>
      %dma_wait3A_166 = tpu.memref_squeeze %dma_wait3A_165 : memref<1x80x64xf32, #tpu.memory_space<vmem>> -> memref<80x64xf32, #tpu.memory_space<vmem>>
      %dma_wait3A_167 = arith.constant 0 : i32
      %dma_wait3A_168 = tpu.memref_slice %arg7[%add3A_161, %dma_wait3A_167] : memref<125x80xi32, #tpu.memory_space<vmem>> -> memref<1x80xi32, #tpu.memory_space<vmem>>
      %dma_wait3A_169 = tpu.memref_squeeze %dma_wait3A_168 : memref<1x80xi32, #tpu.memory_space<vmem>> -> memref<80xi32, #tpu.memory_space<vmem>>
      %dma_wait3A_170 = arith.constant 0 : i32
      %dma_wait3A_171 = arith.constant 0 : i32
      %dma_wait3A_172 = tpu.memref_slice %arg4[%dma_wait3A_170, %dma_wait3A_171] : memref<10000x64xf32, #tpu.memory_space<hbm>> -> memref<10000x64xf32, #tpu.memory_space<hbm>>
      tpu.wait_indirect_dma semaphore(%arg13 : memref<!tpu.dma_semaphore, #tpu.memory_space<semaphore_mem>>) src(%dma_wait3A_172 : memref<10000x64xf32, #tpu.memory_space<hbm>>) dst(%dma_wait3A_166 : memref<80x64xf32, #tpu.memory_space<vmem>>)
      %dma_start3A_173 = arith.constant 2 : i32
      %dma_start3A_174 = arith.constant 0 : i32
      %dma_start3A_175 = arith.constant 0 : i32
      %dma_start3A_176 = tpu.memref_slice %arg9[%dma_start3A_173, %dma_start3A_174, %dma_start3A_175] : memref<5x80x64xf32, #tpu.memory_space<vmem>> -> memref<1x80x64xf32, #tpu.memory_space<vmem>>
      %dma_start3A_177 = tpu.memref_squeeze %dma_start3A_176 : memref<1x80x64xf32, #tpu.memory_space<vmem>> -> memref<80x64xf32, #tpu.memory_space<vmem>>
      %dma_start3A_178 = arith.constant 0 : i32
      %dma_start3A_179 = tpu.memref_slice %arg8[%add3A_161, %dma_start3A_178] : memref<125x80xi32, #tpu.memory_space<vmem>> -> memref<1x80xi32, #tpu.memory_space<vmem>>
      %dma_start3A_180 = tpu.memref_squeeze %dma_start3A_179 : memref<1x80xi32, #tpu.memory_space<vmem>> -> memref<80xi32, #tpu.memory_space<vmem>>
      %dma_start3A_181 = arith.constant 0 : i32
      %dma_start3A_182 = arith.constant 0 : i32
      %dma_start3A_183 = tpu.memref_slice %arg10[%dma_start3A_181, %dma_start3A_182] : memref<10000x64xf32, #tpu.memory_space<vmem_shared>> -> memref<10000x64xf32, #tpu.memory_space<vmem_shared>>
      tpu.enqueue_indirect_dma source(%dma_start3A_177 : memref<80x64xf32, #tpu.memory_space<vmem>>) target(%dma_start3A_183 : memref<10000x64xf32, #tpu.memory_space<vmem_shared>>) offsets(%dma_start3A_180 : memref<80xi32, #tpu.memory_space<vmem>>) semaphore(%arg16 : memref<!tpu.dma_semaphore, #tpu.memory_space<semaphore_mem>>) {add = true}
      %dma_wait3A_184 = arith.constant 2 : i32
      %dma_wait3A_185 = arith.constant 0 : i32
      %dma_wait3A_186 = arith.constant 0 : i32
      %dma_wait3A_187 = tpu.memref_slice %arg9[%dma_wait3A_184, %dma_wait3A_185, %dma_wait3A_186] : memref<5x80x64xf32, #tpu.memory_space<vmem>> -> memref<1x80x64xf32, #tpu.memory_space<vmem>>
      %dma_wait3A_188 = tpu.memref_squeeze %dma_wait3A_187 : memref<1x80x64xf32, #tpu.memory_space<vmem>> -> memref<80x64xf32, #tpu.memory_space<vmem>>
      %dma_wait3A_189 = arith.constant 0 : i32
      %dma_wait3A_190 = tpu.memref_slice %arg8[%add3A_161, %dma_wait3A_189] : memref<125x80xi32, #tpu.memory_space<vmem>> -> memref<1x80xi32, #tpu.memory_space<vmem>>
      %dma_wait3A_191 = tpu.memref_squeeze %dma_wait3A_190 : memref<1x80xi32, #tpu.memory_space<vmem>> -> memref<80xi32, #tpu.memory_space<vmem>>
      %dma_wait3A_192 = arith.constant 0 : i32
      %dma_wait3A_193 = arith.constant 0 : i32
      %dma_wait3A_194 = tpu.memref_slice %arg10[%dma_wait3A_192, %dma_wait3A_193] : memref<10000x64xf32, #tpu.memory_space<vmem_shared>> -> memref<10000x64xf32, #tpu.memory_space<vmem_shared>>
      tpu.wait_indirect_dma semaphore(%arg16 : memref<!tpu.dma_semaphore, #tpu.memory_space<semaphore_mem>>) src(%dma_wait3A_188 : memref<80x64xf32, #tpu.memory_space<vmem>>) dst(%dma_wait3A_194 : memref<10000x64xf32, #tpu.memory_space<vmem_shared>>)
      %add3A_195 = arith.constant 5 : i32
      %add3A_196 = arith.addi %add3A_161, %add3A_195 : i32
      %lt3A_197 = arith.constant 125 : i32
      %lt3A_198 = arith.cmpi slt, %add3A_196, %lt3A_197 : i32
      %convert_element_type3A_199 = arith.extui %lt3A_198 : i1 to i32
      %cond3A_200 = arith.constant 0 : i32
      %cond3A_201 = arith.cmpi ne, %convert_element_type3A_199, %cond3A_200 : i32
      scf.if %cond3A_201 {
        %dma_start3A_290 = arith.constant 2 : i32
        %dma_start3A_291 = arith.constant 0 : i32
        %dma_start3A_292 = arith.constant 0 : i32
        %dma_start3A_293 = tpu.memref_slice %arg9[%dma_start3A_290, %dma_start3A_291, %dma_start3A_292] : memref<5x80x64xf32, #tpu.memory_space<vmem>> -> memref<1x80x64xf32, #tpu.memory_space<vmem>>
        %dma_start3A_294 = tpu.memref_squeeze %dma_start3A_293 : memref<1x80x64xf32, #tpu.memory_space<vmem>> -> memref<80x64xf32, #tpu.memory_space<vmem>>
        %dma_start3A_295 = arith.constant 0 : i32
        %dma_start3A_296 = tpu.memref_slice %arg7[%add3A_196, %dma_start3A_295] : memref<125x80xi32, #tpu.memory_space<vmem>> -> memref<1x80xi32, #tpu.memory_space<vmem>>
        %dma_start3A_297 = tpu.memref_squeeze %dma_start3A_296 : memref<1x80xi32, #tpu.memory_space<vmem>> -> memref<80xi32, #tpu.memory_space<vmem>>
        %dma_start3A_298 = arith.constant 0 : i32
        %dma_start3A_299 = arith.constant 0 : i32
        %dma_start3A_300 = tpu.memref_slice %arg4[%dma_start3A_298, %dma_start3A_299] : memref<10000x64xf32, #tpu.memory_space<hbm>> -> memref<10000x64xf32, #tpu.memory_space<hbm>>
        tpu.enqueue_indirect_dma source(%dma_start3A_300 : memref<10000x64xf32, #tpu.memory_space<hbm>>) target(%dma_start3A_294 : memref<80x64xf32, #tpu.memory_space<vmem>>) offsets(%dma_start3A_297 : memref<80xi32, #tpu.memory_space<vmem>>) semaphore(%arg13 : memref<!tpu.dma_semaphore, #tpu.memory_space<semaphore_mem>>)
      } else {
      }
      %mul3A_202 = arith.constant 5 : i32
      %mul3A_203 = arith.muli %scan3A_73, %mul3A_202 : i32
      %add3A_204 = arith.constant 3 : i32
      %add3A_205 = arith.addi %mul3A_203, %add3A_204 : i32
      %dma_wait3A_206 = arith.constant 3 : i32
      %dma_wait3A_207 = arith.constant 0 : i32
      %dma_wait3A_208 = arith.constant 0 : i32
      %dma_wait3A_209 = tpu.memref_slice %arg9[%dma_wait3A_206, %dma_wait3A_207, %dma_wait3A_208] : memref<5x80x64xf32, #tpu.memory_space<vmem>> -> memref<1x80x64xf32, #tpu.memory_space<vmem>>
      %dma_wait3A_210 = tpu.memref_squeeze %dma_wait3A_209 : memref<1x80x64xf32, #tpu.memory_space<vmem>> -> memref<80x64xf32, #tpu.memory_space<vmem>>
      %dma_wait3A_211 = arith.constant 0 : i32
      %dma_wait3A_212 = tpu.memref_slice %arg7[%add3A_205, %dma_wait3A_211] : memref<125x80xi32, #tpu.memory_space<vmem>> -> memref<1x80xi32, #tpu.memory_space<vmem>>
      %dma_wait3A_213 = tpu.memref_squeeze %dma_wait3A_212 : memref<1x80xi32, #tpu.memory_space<vmem>> -> memref<80xi32, #tpu.memory_space<vmem>>
      %dma_wait3A_214 = arith.constant 0 : i32
      %dma_wait3A_215 = arith.constant 0 : i32
      %dma_wait3A_216 = tpu.memref_slice %arg4[%dma_wait3A_214, %dma_wait3A_215] : memref<10000x64xf32, #tpu.memory_space<hbm>> -> memref<10000x64xf32, #tpu.memory_space<hbm>>
      tpu.wait_indirect_dma semaphore(%arg14 : memref<!tpu.dma_semaphore, #tpu.memory_space<semaphore_mem>>) src(%dma_wait3A_216 : memref<10000x64xf32, #tpu.memory_space<hbm>>) dst(%dma_wait3A_210 : memref<80x64xf32, #tpu.memory_space<vmem>>)
      %dma_start3A_217 = arith.constant 3 : i32
      %dma_start3A_218 = arith.constant 0 : i32
      %dma_start3A_219 = arith.constant 0 : i32
      %dma_start3A_220 = tpu.memref_slice %arg9[%dma_start3A_217, %dma_start3A_218, %dma_start3A_219] : memref<5x80x64xf32, #tpu.memory_space<vmem>> -> memref<1x80x64xf32, #tpu.memory_space<vmem>>
      %dma_start3A_221 = tpu.memref_squeeze %dma_start3A_220 : memref<1x80x64xf32, #tpu.memory_space<vmem>> -> memref<80x64xf32, #tpu.memory_space<vmem>>
      %dma_start3A_222 = arith.constant 0 : i32
      %dma_start3A_223 = tpu.memref_slice %arg8[%add3A_205, %dma_start3A_222] : memref<125x80xi32, #tpu.memory_space<vmem>> -> memref<1x80xi32, #tpu.memory_space<vmem>>
      %dma_start3A_224 = tpu.memref_squeeze %dma_start3A_223 : memref<1x80xi32, #tpu.memory_space<vmem>> -> memref<80xi32, #tpu.memory_space<vmem>>
      %dma_start3A_225 = arith.constant 0 : i32
      %dma_start3A_226 = arith.constant 0 : i32
      %dma_start3A_227 = tpu.memref_slice %arg10[%dma_start3A_225, %dma_start3A_226] : memref<10000x64xf32, #tpu.memory_space<vmem_shared>> -> memref<10000x64xf32, #tpu.memory_space<vmem_shared>>
      tpu.enqueue_indirect_dma source(%dma_start3A_221 : memref<80x64xf32, #tpu.memory_space<vmem>>) target(%dma_start3A_227 : memref<10000x64xf32, #tpu.memory_space<vmem_shared>>) offsets(%dma_start3A_224 : memref<80xi32, #tpu.memory_space<vmem>>) semaphore(%arg16 : memref<!tpu.dma_semaphore, #tpu.memory_space<semaphore_mem>>) {add = true}
      %dma_wait3A_228 = arith.constant 3 : i32
      %dma_wait3A_229 = arith.constant 0 : i32
      %dma_wait3A_230 = arith.constant 0 : i32
      %dma_wait3A_231 = tpu.memref_slice %arg9[%dma_wait3A_228, %dma_wait3A_229, %dma_wait3A_230] : memref<5x80x64xf32, #tpu.memory_space<vmem>> -> memref<1x80x64xf32, #tpu.memory_space<vmem>>
      %dma_wait3A_232 = tpu.memref_squeeze %dma_wait3A_231 : memref<1x80x64xf32, #tpu.memory_space<vmem>> -> memref<80x64xf32, #tpu.memory_space<vmem>>
      %dma_wait3A_233 = arith.constant 0 : i32
      %dma_wait3A_234 = tpu.memref_slice %arg8[%add3A_205, %dma_wait3A_233] : memref<125x80xi32, #tpu.memory_space<vmem>> -> memref<1x80xi32, #tpu.memory_space<vmem>>
      %dma_wait3A_235 = tpu.memref_squeeze %dma_wait3A_234 : memref<1x80xi32, #tpu.memory_space<vmem>> -> memref<80xi32, #tpu.memory_space<vmem>>
      %dma_wait3A_236 = arith.constant 0 : i32
      %dma_wait3A_237 = arith.constant 0 : i32
      %dma_wait3A_238 = tpu.memref_slice %arg10[%dma_wait3A_236, %dma_wait3A_237] : memref<10000x64xf32, #tpu.memory_space<vmem_shared>> -> memref<10000x64xf32, #tpu.memory_space<vmem_shared>>
      tpu.wait_indirect_dma semaphore(%arg16 : memref<!tpu.dma_semaphore, #tpu.memory_space<semaphore_mem>>) src(%dma_wait3A_232 : memref<80x64xf32, #tpu.memory_space<vmem>>) dst(%dma_wait3A_238 : memref<10000x64xf32, #tpu.memory_space<vmem_shared>>)
      %add3A_239 = arith.constant 5 : i32
      %add3A_240 = arith.addi %add3A_205, %add3A_239 : i32
      %lt3A_241 = arith.constant 125 : i32
      %lt3A_242 = arith.cmpi slt, %add3A_240, %lt3A_241 : i32
      %convert_element_type3A_243 = arith.extui %lt3A_242 : i1 to i32
      %cond3A_244 = arith.constant 0 : i32
      %cond3A_245 = arith.cmpi ne, %convert_element_type3A_243, %cond3A_244 : i32
      scf.if %cond3A_245 {
        %dma_start3A_290 = arith.constant 3 : i32
        %dma_start3A_291 = arith.constant 0 : i32
        %dma_start3A_292 = arith.constant 0 : i32
        %dma_start3A_293 = tpu.memref_slice %arg9[%dma_start3A_290, %dma_start3A_291, %dma_start3A_292] : memref<5x80x64xf32, #tpu.memory_space<vmem>> -> memref<1x80x64xf32, #tpu.memory_space<vmem>>
        %dma_start3A_294 = tpu.memref_squeeze %dma_start3A_293 : memref<1x80x64xf32, #tpu.memory_space<vmem>> -> memref<80x64xf32, #tpu.memory_space<vmem>>
        %dma_start3A_295 = arith.constant 0 : i32
        %dma_start3A_296 = tpu.memref_slice %arg7[%add3A_240, %dma_start3A_295] : memref<125x80xi32, #tpu.memory_space<vmem>> -> memref<1x80xi32, #tpu.memory_space<vmem>>
        %dma_start3A_297 = tpu.memref_squeeze %dma_start3A_296 : memref<1x80xi32, #tpu.memory_space<vmem>> -> memref<80xi32, #tpu.memory_space<vmem>>
        %dma_start3A_298 = arith.constant 0 : i32
        %dma_start3A_299 = arith.constant 0 : i32
        %dma_start3A_300 = tpu.memref_slice %arg4[%dma_start3A_298, %dma_start3A_299] : memref<10000x64xf32, #tpu.memory_space<hbm>> -> memref<10000x64xf32, #tpu.memory_space<hbm>>
        tpu.enqueue_indirect_dma source(%dma_start3A_300 : memref<10000x64xf32, #tpu.memory_space<hbm>>) target(%dma_start3A_294 : memref<80x64xf32, #tpu.memory_space<vmem>>) offsets(%dma_start3A_297 : memref<80xi32, #tpu.memory_space<vmem>>) semaphore(%arg14 : memref<!tpu.dma_semaphore, #tpu.memory_space<semaphore_mem>>)
      } else {
      }
      %mul3A_246 = arith.constant 5 : i32
      %mul3A_247 = arith.muli %scan3A_73, %mul3A_246 : i32
      %add3A_248 = arith.constant 4 : i32
      %add3A_249 = arith.addi %mul3A_247, %add3A_248 : i32
      %dma_wait3A_250 = arith.constant 4 : i32
      %dma_wait3A_251 = arith.constant 0 : i32
      %dma_wait3A_252 = arith.constant 0 : i32
      %dma_wait3A_253 = tpu.memref_slice %arg9[%dma_wait3A_250, %dma_wait3A_251, %dma_wait3A_252] : memref<5x80x64xf32, #tpu.memory_space<vmem>> -> memref<1x80x64xf32, #tpu.memory_space<vmem>>
      %dma_wait3A_254 = tpu.memref_squeeze %dma_wait3A_253 : memref<1x80x64xf32, #tpu.memory_space<vmem>> -> memref<80x64xf32, #tpu.memory_space<vmem>>
      %dma_wait3A_255 = arith.constant 0 : i32
      %dma_wait3A_256 = tpu.memref_slice %arg7[%add3A_249, %dma_wait3A_255] : memref<125x80xi32, #tpu.memory_space<vmem>> -> memref<1x80xi32, #tpu.memory_space<vmem>>
      %dma_wait3A_257 = tpu.memref_squeeze %dma_wait3A_256 : memref<1x80xi32, #tpu.memory_space<vmem>> -> memref<80xi32, #tpu.memory_space<vmem>>
      %dma_wait3A_258 = arith.constant 0 : i32
      %dma_wait3A_259 = arith.constant 0 : i32
      %dma_wait3A_260 = tpu.memref_slice %arg4[%dma_wait3A_258, %dma_wait3A_259] : memref<10000x64xf32, #tpu.memory_space<hbm>> -> memref<10000x64xf32, #tpu.memory_space<hbm>>
      tpu.wait_indirect_dma semaphore(%arg15 : memref<!tpu.dma_semaphore, #tpu.memory_space<semaphore_mem>>) src(%dma_wait3A_260 : memref<10000x64xf32, #tpu.memory_space<hbm>>) dst(%dma_wait3A_254 : memref<80x64xf32, #tpu.memory_space<vmem>>)
      %dma_start3A_261 = arith.constant 4 : i32
      %dma_start3A_262 = arith.constant 0 : i32
      %dma_start3A_263 = arith.constant 0 : i32
      %dma_start3A_264 = tpu.memref_slice %arg9[%dma_start3A_261, %dma_start3A_262, %dma_start3A_263] : memref<5x80x64xf32, #tpu.memory_space<vmem>> -> memref<1x80x64xf32, #tpu.memory_space<vmem>>
      %dma_start3A_265 = tpu.memref_squeeze %dma_start3A_264 : memref<1x80x64xf32, #tpu.memory_space<vmem>> -> memref<80x64xf32, #tpu.memory_space<vmem>>
      %dma_start3A_266 = arith.constant 0 : i32
      %dma_start3A_267 = tpu.memref_slice %arg8[%add3A_249, %dma_start3A_266] : memref<125x80xi32, #tpu.memory_space<vmem>> -> memref<1x80xi32, #tpu.memory_space<vmem>>
      %dma_start3A_268 = tpu.memref_squeeze %dma_start3A_267 : memref<1x80xi32, #tpu.memory_space<vmem>> -> memref<80xi32, #tpu.memory_space<vmem>>
      %dma_start3A_269 = arith.constant 0 : i32
      %dma_start3A_270 = arith.constant 0 : i32
      %dma_start3A_271 = tpu.memref_slice %arg10[%dma_start3A_269, %dma_start3A_270] : memref<10000x64xf32, #tpu.memory_space<vmem_shared>> -> memref<10000x64xf32, #tpu.memory_space<vmem_shared>>
      tpu.enqueue_indirect_dma source(%dma_start3A_265 : memref<80x64xf32, #tpu.memory_space<vmem>>) target(%dma_start3A_271 : memref<10000x64xf32, #tpu.memory_space<vmem_shared>>) offsets(%dma_start3A_268 : memref<80xi32, #tpu.memory_space<vmem>>) semaphore(%arg16 : memref<!tpu.dma_semaphore, #tpu.memory_space<semaphore_mem>>) {add = true}
      %dma_wait3A_272 = arith.constant 4 : i32
      %dma_wait3A_273 = arith.constant 0 : i32
      %dma_wait3A_274 = arith.constant 0 : i32
      %dma_wait3A_275 = tpu.memref_slice %arg9[%dma_wait3A_272, %dma_wait3A_273, %dma_wait3A_274] : memref<5x80x64xf32, #tpu.memory_space<vmem>> -> memref<1x80x64xf32, #tpu.memory_space<vmem>>
      %dma_wait3A_276 = tpu.memref_squeeze %dma_wait3A_275 : memref<1x80x64xf32, #tpu.memory_space<vmem>> -> memref<80x64xf32, #tpu.memory_space<vmem>>
      %dma_wait3A_277 = arith.constant 0 : i32
      %dma_wait3A_278 = tpu.memref_slice %arg8[%add3A_249, %dma_wait3A_277] : memref<125x80xi32, #tpu.memory_space<vmem>> -> memref<1x80xi32, #tpu.memory_space<vmem>>
      %dma_wait3A_279 = tpu.memref_squeeze %dma_wait3A_278 : memref<1x80xi32, #tpu.memory_space<vmem>> -> memref<80xi32, #tpu.memory_space<vmem>>
      %dma_wait3A_280 = arith.constant 0 : i32
      %dma_wait3A_281 = arith.constant 0 : i32
      %dma_wait3A_282 = tpu.memref_slice %arg10[%dma_wait3A_280, %dma_wait3A_281] : memref<10000x64xf32, #tpu.memory_space<vmem_shared>> -> memref<10000x64xf32, #tpu.memory_space<vmem_shared>>
      tpu.wait_indirect_dma semaphore(%arg16 : memref<!tpu.dma_semaphore, #tpu.memory_space<semaphore_mem>>) src(%dma_wait3A_276 : memref<80x64xf32, #tpu.memory_space<vmem>>) dst(%dma_wait3A_282 : memref<10000x64xf32, #tpu.memory_space<vmem_shared>>)
      %add3A_283 = arith.constant 5 : i32
      %add3A_284 = arith.addi %add3A_249, %add3A_283 : i32
      %lt3A_285 = arith.constant 125 : i32
      %lt3A_286 = arith.cmpi slt, %add3A_284, %lt3A_285 : i32
      %convert_element_type3A_287 = arith.extui %lt3A_286 : i1 to i32
      %cond3A_288 = arith.constant 0 : i32
      %cond3A_289 = arith.cmpi ne, %convert_element_type3A_287, %cond3A_288 : i32
      scf.if %cond3A_289 {
        %dma_start3A_290 = arith.constant 4 : i32
        %dma_start3A_291 = arith.constant 0 : i32
        %dma_start3A_292 = arith.constant 0 : i32
        %dma_start3A_293 = tpu.memref_slice %arg9[%dma_start3A_290, %dma_start3A_291, %dma_start3A_292] : memref<5x80x64xf32, #tpu.memory_space<vmem>> -> memref<1x80x64xf32, #tpu.memory_space<vmem>>
        %dma_start3A_294 = tpu.memref_squeeze %dma_start3A_293 : memref<1x80x64xf32, #tpu.memory_space<vmem>> -> memref<80x64xf32, #tpu.memory_space<vmem>>
        %dma_start3A_295 = arith.constant 0 : i32
        %dma_start3A_296 = tpu.memref_slice %arg7[%add3A_284, %dma_start3A_295] : memref<125x80xi32, #tpu.memory_space<vmem>> -> memref<1x80xi32, #tpu.memory_space<vmem>>
        %dma_start3A_297 = tpu.memref_squeeze %dma_start3A_296 : memref<1x80xi32, #tpu.memory_space<vmem>> -> memref<80xi32, #tpu.memory_space<vmem>>
        %dma_start3A_298 = arith.constant 0 : i32
        %dma_start3A_299 = arith.constant 0 : i32
        %dma_start3A_300 = tpu.memref_slice %arg4[%dma_start3A_298, %dma_start3A_299] : memref<10000x64xf32, #tpu.memory_space<hbm>> -> memref<10000x64xf32, #tpu.memory_space<hbm>>
        tpu.enqueue_indirect_dma source(%dma_start3A_300 : memref<10000x64xf32, #tpu.memory_space<hbm>>) target(%dma_start3A_294 : memref<80x64xf32, #tpu.memory_space<vmem>>) offsets(%dma_start3A_297 : memref<80xi32, #tpu.memory_space<vmem>>) semaphore(%arg15 : memref<!tpu.dma_semaphore, #tpu.memory_space<semaphore_mem>>)
      } else {
      }
    }
    %scan3A_66 = arith.constant 25 : i32
    %barrier3A_67 = arith.constant 0 : index
    tpu.barrier barrier_id(%barrier3A_67)
    %mul3A_68 = arith.constant 624 : i32
    %mul3A_69 = arith.muli %arg1, %mul3A_68 : i32
    %mul3A_70 = arith.constant 10000 : i32
    %mul3A_71 = arith.muli %arg0, %mul3A_70 : i32
    %add3A_72 = arith.addi %mul3A_71, %mul3A_69 : i32
    "tpu.region"() ({
      %run_scoped3A = tpu.sem_alloc : memref<!tpu.dma_semaphore, #tpu.memory_space<semaphore_mem>>
      %dma_start3A_73 = arith.constant 0 : i32
      %dma_start3A_74 = tpu.memref_slice %arg6[%add3A_72, %dma_start3A_73] : memref<20000x64xf32, #tpu.memory_space<hbm>> -> memref<640x64xf32, #tpu.memory_space<hbm>>
      %dma_start3A_75 = arith.constant 0 : i32
      %dma_start3A_76 = tpu.memref_slice %arg10[%mul3A_69, %dma_start3A_75] : memref<10000x64xf32, #tpu.memory_space<vmem_shared>> -> memref<640x64xf32, #tpu.memory_space<vmem_shared>>
      tpu.enqueue_dma source(%dma_start3A_76 : memref<640x64xf32, #tpu.memory_space<vmem_shared>>) target(%dma_start3A_74 : memref<640x64xf32, #tpu.memory_space<hbm>>) target_semaphore(%run_scoped3A : memref<!tpu.dma_semaphore, #tpu.memory_space<semaphore_mem>>)
      %dma_wait3A = arith.constant 0 : i32
      %dma_wait3A_77 = tpu.memref_slice %arg6[%add3A_72, %dma_wait3A] : memref<20000x64xf32, #tpu.memory_space<hbm>> -> memref<640x64xf32, #tpu.memory_space<hbm>>
      %dma_wait3A_78 = arith.constant 0 : i32
      %dma_wait3A_79 = tpu.memref_slice %arg10[%mul3A_69, %dma_wait3A_78] : memref<10000x64xf32, #tpu.memory_space<vmem_shared>> -> memref<640x64xf32, #tpu.memory_space<vmem_shared>>
      tpu.wait_dma2 semaphore(%run_scoped3A : memref<!tpu.dma_semaphore, #tpu.memory_space<semaphore_mem>>) src(%dma_wait3A_79 : memref<640x64xf32, #tpu.memory_space<vmem_shared>>) dst(%dma_wait3A_77 : memref<640x64xf32, #tpu.memory_space<hbm>>)
      tpu.yield
    }) : () -> ()
    return
  }
}

#map = affine_map<(d0, d1) -> (0, 0, 0)>
#map1 = affine_map<(d0, d1) -> (0, 0)>
module attributes {stable_mosaic.version = 14 : i64} {
  func.func @body(%arg0: i32, %arg1: i32, %arg2: memref<32x125x80xi32, #tpu.memory_space<hbm>>, %arg3: memref<32x125x80xi32, #tpu.memory_space<hbm>>, %arg4: memref<10000x64xf32, #tpu.memory_space<hbm>>, %arg5: memref<640x64xf32, #tpu.memory_space<hbm>>, %arg6: memref<20000x64xf32, #tpu.memory_space<hbm>>, %arg7: memref<125x80xi32, #tpu.memory_space<vmem>>, %arg8: memref<125x80xi32, #tpu.memory_space<vmem>>, %arg9: memref<5x80x64xf32, #tpu.memory_space<vmem>>, %arg10: memref<10000x64xf32, #tpu.memory_space<vmem_shared>>, %arg11: memref<!tpu.dma_semaphore, #tpu.memory_space<semaphore_mem>>, %arg12: memref<!tpu.dma_semaphore, #tpu.memory_space<semaphore_mem>>, %arg13: memref<!tpu.dma_semaphore, #tpu.memory_space<semaphore_mem>>, %arg14: memref<!tpu.dma_semaphore, #tpu.memory_space<semaphore_mem>>, %arg15: memref<!tpu.dma_semaphore, #tpu.memory_space<semaphore_mem>>, %arg16: memref<!tpu.dma_semaphore, #tpu.memory_space<semaphore_mem>>) attributes {dimension_semantics = [#tpu.dimension_semantics<core_parallel>, #tpu.dimension_semantics<subcore_parallel>], iteration_bounds = array<i64: 2, 16>, scalar_prefetch = 0 : i64, scratch_operands = 10 : i64, tpu.core_type = #tpu.core_type<sc_vector_subcore>, window_params = [{transform_indices = #map}, {transform_indices = #map}, {transform_indices = #map1}, {transform_indices = #map1}, {transform_indices = #map1}]} {
    %mul3A = arith.constant 2 : i32
    %mul3A_0 = arith.muli %arg1, %mul3A : i32
    %add3A = arith.addi %mul3A_0, %arg0 : i32
    %mul3A_1 = arith.constant 624 : i32
    %mul3A_2 = arith.muli %arg1, %mul3A_1 : i32
    "tpu.region"() ({
      %run_scoped3A = tpu.sem_alloc : memref<!tpu.dma_semaphore, #tpu.memory_space<semaphore_mem>>
      %dma_start3A_73 = arith.constant 0 : i32
      %dma_start3A_74 = tpu.memref_slice %arg10[%mul3A_2, %dma_start3A_73] : memref<10000x64xf32, #tpu.memory_space<vmem_shared>> -> memref<640x64xf32, #tpu.memory_space<vmem_shared>>
      tpu.enqueue_dma source(%arg5 : memref<640x64xf32, #tpu.memory_space<hbm>>) target(%dma_start3A_74 : memref<640x64xf32, #tpu.memory_space<vmem_shared>>) target_semaphore(%run_scoped3A : memref<!tpu.dma_semaphore, #tpu.memory_space<semaphore_mem>>)
      %dma_wait3A = arith.constant 0 : i32
      %dma_wait3A_75 = tpu.memref_slice %arg10[%mul3A_2, %dma_wait3A] : memref<10000x64xf32, #tpu.memory_space<vmem_shared>> -> memref<640x64xf32, #tpu.memory_space<vmem_shared>>
      tpu.wait_dma2 semaphore(%run_scoped3A : memref<!tpu.dma_semaphore, #tpu.memory_space<semaphore_mem>>) src(%arg5 : memref<640x64xf32, #tpu.memory_space<hbm>>) dst(%dma_wait3A_75 : memref<640x64xf32, #tpu.memory_space<vmem_shared>>)
      tpu.yield
    }) : () -> ()
    "tpu.region"() ({
      %run_scoped3A = tpu.sem_alloc : memref<!tpu.dma_semaphore, #tpu.memory_space<semaphore_mem>>
      %dma_start3A_73 = arith.constant 0 : i32
      %dma_start3A_74 = arith.constant 0 : i32
      %dma_start3A_75 = tpu.memref_slice %arg2[%add3A, %dma_start3A_73, %dma_start3A_74] : memref<32x125x80xi32, #tpu.memory_space<hbm>> -> memref<1x125x80xi32, #tpu.memory_space<hbm>>
      %dma_start3A_76 = tpu.memref_squeeze %dma_start3A_75 : memref<1x125x80xi32, #tpu.memory_space<hbm>> -> memref<125x80xi32, #tpu.memory_space<hbm>>
      %dma_start3A_77 = arith.constant 0 : i32
      %dma_start3A_78 = arith.constant 0 : i32
      %dma_start3A_79 = tpu.memref_slice %arg2[%add3A, %dma_start3A_77, %dma_start3A_78] : memref<32x125x80xi32, #tpu.memory_space<hbm>> -> memref<1x125x80xi32, #tpu.memory_space<hbm>>
      %dma_start3A_80 = tpu.memref_squeeze %dma_start3A_79 : memref<1x125x80xi32, #tpu.memory_space<hbm>> -> memref<125x80xi32, #tpu.memory_space<hbm>>
      tpu.enqueue_dma source(%dma_start3A_80 : memref<125x80xi32, #tpu.memory_space<hbm>>) target(%arg7 : memref<125x80xi32, #tpu.memory_space<vmem>>) target_semaphore(%run_scoped3A : memref<!tpu.dma_semaphore, #tpu.memory_space<semaphore_mem>>)
      %dma_wait3A = arith.constant 0 : i32
      %dma_wait3A_81 = arith.constant 0 : i32
      %dma_wait3A_82 = tpu.memref_slice %arg2[%add3A, %dma_wait3A, %dma_wait3A_81] : memref<32x125x80xi32, #tpu.memory_space<hbm>> -> memref<1x125x80xi32, #tpu.memory_space<hbm>>
      %dma_wait3A_83 = tpu.memref_squeeze %dma_wait3A_82 : memref<1x125x80xi32, #tpu.memory_space<hbm>> -> memref<125x80xi32, #tpu.memory_space<hbm>>
      %dma_wait3A_84 = arith.constant 0 : i32
      %dma_wait3A_85 = arith.constant 0 : i32
      %dma_wait3A_86 = tpu.memref_slice %arg2[%add3A, %dma_wait3A_84, %dma_wait3A_85] : memref<32x125x80xi32, #tpu.memory_space<hbm>> -> memref<1x125x80xi32, #tpu.memory_space<hbm>>
      %dma_wait3A_87 = tpu.memref_squeeze %dma_wait3A_86 : memref<1x125x80xi32, #tpu.memory_space<hbm>> -> memref<125x80xi32, #tpu.memory_space<hbm>>
      tpu.wait_dma2 semaphore(%run_scoped3A : memref<!tpu.dma_semaphore, #tpu.memory_space<semaphore_mem>>) src(%dma_wait3A_87 : memref<125x80xi32, #tpu.memory_space<hbm>>) dst(%arg7 : memref<125x80xi32, #tpu.memory_space<vmem>>)
      tpu.yield
    }) : () -> ()
    "tpu.region"() ({
      %run_scoped3A = tpu.sem_alloc : memref<!tpu.dma_semaphore, #tpu.memory_space<semaphore_mem>>
      %dma_start3A_73 = arith.constant 0 : i32
      %dma_start3A_74 = arith.constant 0 : i32
      %dma_start3A_75 = tpu.memref_slice %arg3[%add3A, %dma_start3A_73, %dma_start3A_74] : memref<32x125x80xi32, #tpu.memory_space<hbm>> -> memref<1x125x80xi32, #tpu.memory_space<hbm>>
      %dma_start3A_76 = tpu.memref_squeeze %dma_start3A_75 : memref<1x125x80xi32, #tpu.memory_space<hbm>> -> memref<125x80xi32, #tpu.memory_space<hbm>>
      %dma_start3A_77 = arith.constant 0 : i32
      %dma_start3A_78 = arith.constant 0 : i32
      %dma_start3A_79 = tpu.memref_slice %arg3[%add3A, %dma_start3A_77, %dma_start3A_78] : memref<32x125x80xi32, #tpu.memory_space<hbm>> -> memref<1x125x80xi32, #tpu.memory_space<hbm>>
      %dma_start3A_80 = tpu.memref_squeeze %dma_start3A_79 : memref<1x125x80xi32, #tpu.memory_space<hbm>> -> memref<125x80xi32, #tpu.memory_space<hbm>>
      tpu.enqueue_dma source(%dma_start3A_80 : memref<125x80xi32, #tpu.memory_space<hbm>>) target(%arg8 : memref<125x80xi32, #tpu.memory_space<vmem>>) target_semaphore(%run_scoped3A : memref<!tpu.dma_semaphore, #tpu.memory_space<semaphore_mem>>)
      %dma_wait3A = arith.constant 0 : i32
      %dma_wait3A_81 = arith.constant 0 : i32
      %dma_wait3A_82 = tpu.memref_slice %arg3[%add3A, %dma_wait3A, %dma_wait3A_81] : memref<32x125x80xi32, #tpu.memory_space<hbm>> -> memref<1x125x80xi32, #tpu.memory_space<hbm>>
      %dma_wait3A_83 = tpu.memref_squeeze %dma_wait3A_82 : memref<1x125x80xi32, #tpu.memory_space<hbm>> -> memref<125x80xi32, #tpu.memory_space<hbm>>
      %dma_wait3A_84 = arith.constant 0 : i32
      %dma_wait3A_85 = arith.constant 0 : i32
      %dma_wait3A_86 = tpu.memref_slice %arg3[%add3A, %dma_wait3A_84, %dma_wait3A_85] : memref<32x125x80xi32, #tpu.memory_space<hbm>> -> memref<1x125x80xi32, #tpu.memory_space<hbm>>
      %dma_wait3A_87 = tpu.memref_squeeze %dma_wait3A_86 : memref<1x125x80xi32, #tpu.memory_space<hbm>> -> memref<125x80xi32, #tpu.memory_space<hbm>>
      tpu.wait_dma2 semaphore(%run_scoped3A : memref<!tpu.dma_semaphore, #tpu.memory_space<semaphore_mem>>) src(%dma_wait3A_87 : memref<125x80xi32, #tpu.memory_space<hbm>>) dst(%arg8 : memref<125x80xi32, #tpu.memory_space<vmem>>)
      tpu.yield
    }) : () -> ()
    %barrier3A = arith.constant 0 : index
    tpu.barrier barrier_id(%barrier3A)
    %dma_start3A = arith.constant 0 : i32
    %dma_start3A_3 = arith.constant 0 : i32
    %dma_start3A_4 = arith.constant 0 : i32
    %dma_start3A_5 = arith.constant 0 : i32
    %dma_start3A_6 = tpu.memref_slice %arg9[%dma_start3A_3, %dma_start3A_4, %dma_start3A_5] : memref<5x80x64xf32, #tpu.memory_space<vmem>> -> memref<1x80x64xf32, #tpu.memory_space<vmem>>
    %dma_start3A_7 = tpu.memref_squeeze %dma_start3A_6 : memref<1x80x64xf32, #tpu.memory_space<vmem>> -> memref<80x64xf32, #tpu.memory_space<vmem>>
    %dma_start3A_8 = arith.constant 0 : i32
    %dma_start3A_9 = tpu.memref_slice %arg7[%dma_start3A, %dma_start3A_8] : memref<125x80xi32, #tpu.memory_space<vmem>> -> memref<1x80xi32, #tpu.memory_space<vmem>>
    %dma_start3A_10 = tpu.memref_squeeze %dma_start3A_9 : memref<1x80xi32, #tpu.memory_space<vmem>> -> memref<80xi32, #tpu.memory_space<vmem>>
    %dma_start3A_11 = arith.constant 0 : i32
    %dma_start3A_12 = arith.constant 0 : i32
    %dma_start3A_13 = tpu.memref_slice %arg4[%dma_start3A_11, %dma_start3A_12] : memref<10000x64xf32, #tpu.memory_space<hbm>> -> memref<10000x64xf32, #tpu.memory_space<hbm>>
    tpu.enqueue_indirect_dma source(%dma_start3A_13 : memref<10000x64xf32, #tpu.memory_space<hbm>>) target(%dma_start3A_7 : memref<80x64xf32, #tpu.memory_space<vmem>>) offsets(%dma_start3A_10 : memref<80xi32, #tpu.memory_space<vmem>>) semaphore(%arg11 : memref<!tpu.dma_semaphore, #tpu.memory_space<semaphore_mem>>)
    %dma_start3A_14 = arith.constant 1 : i32
    %dma_start3A_15 = arith.constant 1 : i32
    %dma_start3A_16 = arith.constant 0 : i32
    %dma_start3A_17 = arith.constant 0 : i32
    %dma_start3A_18 = tpu.memref_slice %arg9[%dma_start3A_15, %dma_start3A_16, %dma_start3A_17] : memref<5x80x64xf32, #tpu.memory_space<vmem>> -> memref<1x80x64xf32, #tpu.memory_space<vmem>>
    %dma_start3A_19 = tpu.memref_squeeze %dma_start3A_18 : memref<1x80x64xf32, #tpu.memory_space<vmem>> -> memref<80x64xf32, #tpu.memory_space<vmem>>
    %dma_start3A_20 = arith.constant 0 : i32
    %dma_start3A_21 = tpu.memref_slice %arg7[%dma_start3A_14, %dma_start3A_20] : memref<125x80xi32, #tpu.memory_space<vmem>> -> memref<1x80xi32, #tpu.memory_space<vmem>>
    %dma_start3A_22 = tpu.memref_squeeze %dma_start3A_21 : memref<1x80xi32, #tpu.memory_space<vmem>> -> memref<80xi32, #tpu.memory_space<vmem>>
    %dma_start3A_23 = arith.constant 0 : i32
    %dma_start3A_24 = arith.constant 0 : i32
    %dma_start3A_25 = tpu.memref_slice %arg4[%dma_start3A_23, %dma_start3A_24] : memref<10000x64xf32, #tpu.memory_space<hbm>> -> memref<10000x64xf32, #tpu.memory_space<hbm>>
    tpu.enqueue_indirect_dma source(%dma_start3A_25 : memref<10000x64xf32, #tpu.memory_space<hbm>>) target(%dma_start3A_19 : memref<80x64xf32, #tpu.memory_space<vmem>>) offsets(%dma_start3A_22 : memref<80xi32, #tpu.memory_space<vmem>>) semaphore(%arg12 : memref<!tpu.dma_semaphore, #tpu.memory_space<semaphore_mem>>)
    %dma_start3A_26 = arith.constant 2 : i32
    %dma_start3A_27 = arith.constant 2 : i32
    %dma_start3A_28 = arith.constant 0 : i32
    %dma_start3A_29 = arith.constant 0 : i32
    %dma_start3A_30 = tpu.memref_slice %arg9[%dma_start3A_27, %dma_start3A_28, %dma_start3A_29] : memref<5x80x64xf32, #tpu.memory_space<vmem>> -> memref<1x80x64xf32, #tpu.memory_space<vmem>>
    %dma_start3A_31 = tpu.memref_squeeze %dma_start3A_30 : memref<1x80x64xf32, #tpu.memory_space<vmem>> -> memref<80x64xf32, #tpu.memory_space<vmem>>
    %dma_start3A_32 = arith.constant 0 : i32
    %dma_start3A_33 = tpu.memref_slice %arg7[%dma_start3A_26, %dma_start3A_32] : memref<125x80xi32, #tpu.memory_space<vmem>> -> memref<1x80xi32, #tpu.memory_space<vmem>>
    %dma_start3A_34 = tpu.memref_squeeze %dma_start3A_33 : memref<1x80xi32, #tpu.memory_space<vmem>> -> memref<80xi32, #tpu.memory_space<vmem>>
    %dma_start3A_35 = arith.constant 0 : i32
    %dma_start3A_36 = arith.constant 0 : i32
    %dma_start3A_37 = tpu.memref_slice %arg4[%dma_start3A_35, %dma_start3A_36] : memref<10000x64xf32, #tpu.memory_space<hbm>> -> memref<10000x64xf32, #tpu.memory_space<hbm>>
    tpu.enqueue_indirect_dma source(%dma_start3A_37 : memref<10000x64xf32, #tpu.memory_space<hbm>>) target(%dma_start3A_31 : memref<80x64xf32, #tpu.memory_space<vmem>>) offsets(%dma_start3A_34 : memref<80xi32, #tpu.memory_space<vmem>>) semaphore(%arg13 : memref<!tpu.dma_semaphore, #tpu.memory_space<semaphore_mem>>)
    %dma_start3A_38 = arith.constant 3 : i32
    %dma_start3A_39 = arith.constant 3 : i32
    %dma_start3A_40 = arith.constant 0 : i32
    %dma_start3A_41 = arith.constant 0 : i32
    %dma_start3A_42 = tpu.memref_slice %arg9[%dma_start3A_39, %dma_start3A_40, %dma_start3A_41] : memref<5x80x64xf32, #tpu.memory_space<vmem>> -> memref<1x80x64xf32, #tpu.memory_space<vmem>>
    %dma_start3A_43 = tpu.memref_squeeze %dma_start3A_42 : memref<1x80x64xf32, #tpu.memory_space<vmem>> -> memref<80x64xf32, #tpu.memory_space<vmem>>
    %dma_start3A_44 = arith.constant 0 : i32
    %dma_start3A_45 = tpu.memref_slice %arg7[%dma_start3A_38, %dma_start3A_44] : memref<125x80xi32, #tpu.memory_space<vmem>> -> memref<1x80xi32, #tpu.memory_space<vmem>>
    %dma_start3A_46 = tpu.memref_squeeze %dma_start3A_45 : memref<1x80xi32, #tpu.memory_space<vmem>> -> memref<80xi32, #tpu.memory_space<vmem>>
    %dma_start3A_47 = arith.constant 0 : i32
    %dma_start3A_48 = arith.constant 0 : i32
    %dma_start3A_49 = tpu.memref_slice %arg4[%dma_start3A_47, %dma_start3A_48] : memref<10000x64xf32, #tpu.memory_space<hbm>> -> memref<10000x64xf32, #tpu.memory_space<hbm>>
    tpu.enqueue_indirect_dma source(%dma_start3A_49 : memref<10000x64xf32, #tpu.memory_space<hbm>>) target(%dma_start3A_43 : memref<80x64xf32, #tpu.memory_space<vmem>>) offsets(%dma_start3A_46 : memref<80xi32, #tpu.memory_space<vmem>>) semaphore(%arg14 : memref<!tpu.dma_semaphore, #tpu.memory_space<semaphore_mem>>)
    %dma_start3A_50 = arith.constant 4 : i32
    %dma_start3A_51 = arith.constant 4 : i32
    %dma_start3A_52 = arith.constant 0 : i32
    %dma_start3A_53 = arith.constant 0 : i32
    %dma_start3A_54 = tpu.memref_slice %arg9[%dma_start3A_51, %dma_start3A_52, %dma_start3A_53] : memref<5x80x64xf32, #tpu.memory_space<vmem>> -> memref<1x80x64xf32, #tpu.memory_space<vmem>>
    %dma_start3A_55 = tpu.memref_squeeze %dma_start3A_54 : memref<1x80x64xf32, #tpu.memory_space<vmem>> -> memref<80x64xf32, #tpu.memory_space<vmem>>
    %dma_start3A_56 = arith.constant 0 : i32
    %dma_start3A_57 = tpu.memref_slice %arg7[%dma_start3A_50, %dma_start3A_56] : memref<125x80xi32, #tpu.memory_space<vmem>> -> memref<1x80xi32, #tpu.memory_space<vmem>>
    %dma_start3A_58 = tpu.memref_squeeze %dma_start3A_57 : memref<1x80xi32, #tpu.memory_space<vmem>> -> memref<80xi32, #tpu.memory_space<vmem>>
    %dma_start3A_59 = arith.constant 0 : i32
    %dma_start3A_60 = arith.constant 0 : i32
    %dma_start3A_61 = tpu.memref_slice %arg4[%dma_start3A_59, %dma_start3A_60] : memref<10000x64xf32, #tpu.memory_space<hbm>> -> memref<10000x64xf32, #tpu.memory_space<hbm>>
    tpu.enqueue_indirect_dma source(%dma_start3A_61 : memref<10000x64xf32, #tpu.memory_space<hbm>>) target(%dma_start3A_55 : memref<80x64xf32, #tpu.memory_space<vmem>>) offsets(%dma_start3A_58 : memref<80xi32, #tpu.memory_space<vmem>>) semaphore(%arg15 : memref<!tpu.dma_semaphore, #tpu.memory_space<semaphore_mem>>)
    %scan3A = arith.constant 0 : i32
    %scan3A_62 = arith.constant 0 : i32
    %scan3A_63 = arith.constant 25 : i32
    %scan3A_64 = arith.addi %scan3A_62, %scan3A_63 : i32
    %scan3A_65 = arith.constant 1 : i32
    scf.for %scan3A_73 = %scan3A_62 to %scan3A_64 step %scan3A_65  : i32 {
      %mul3A_74 = arith.constant 5 : i32
      %mul3A_75 = arith.muli %scan3A_73, %mul3A_74 : i32
      %add3A_76 = arith.constant 0 : i32
      %add3A_77 = arith.addi %mul3A_75, %add3A_76 : i32
      %dma_wait3A = arith.constant 0 : i32
      %dma_wait3A_78 = arith.constant 0 : i32
      %dma_wait3A_79 = arith.constant 0 : i32
      %dma_wait3A_80 = tpu.memref_slice %arg9[%dma_wait3A, %dma_wait3A_78, %dma_wait3A_79] : memref<5x80x64xf32, #tpu.memory_space<vmem>> -> memref<1x80x64xf32, #tpu.memory_space<vmem>>
      %dma_wait3A_81 = tpu.memref_squeeze %dma_wait3A_80 : memref<1x80x64xf32, #tpu.memory_space<vmem>> -> memref<80x64xf32, #tpu.memory_space<vmem>>
      %dma_wait3A_82 = arith.constant 0 : i32
      %dma_wait3A_83 = tpu.memref_slice %arg7[%add3A_77, %dma_wait3A_82] : memref<125x80xi32, #tpu.memory_space<vmem>> -> memref<1x80xi32, #tpu.memory_space<vmem>>
      %dma_wait3A_84 = tpu.memref_squeeze %dma_wait3A_83 : memref<1x80xi32, #tpu.memory_space<vmem>> -> memref<80xi32, #tpu.memory_space<vmem>>
      %dma_wait3A_85 = arith.constant 0 : i32
      %dma_wait3A_86 = arith.constant 0 : i32
      %dma_wait3A_87 = tpu.memref_slice %arg4[%dma_wait3A_85, %dma_wait3A_86] : memref<10000x64xf32, #tpu.memory_space<hbm>> -> memref<10000x64xf32, #tpu.memory_space<hbm>>
      tpu.wait_indirect_dma semaphore(%arg11 : memref<!tpu.dma_semaphore, #tpu.memory_space<semaphore_mem>>) src(%dma_wait3A_87 : memref<10000x64xf32, #tpu.memory_space<hbm>>) dst(%dma_wait3A_81 : memref<80x64xf32, #tpu.memory_space<vmem>>)
      %dma_start3A_88 = arith.constant 0 : i32
      %dma_start3A_89 = arith.constant 0 : i32
      %dma_start3A_90 = arith.constant 0 : i32
      %dma_start3A_91 = tpu.memref_slice %arg9[%dma_start3A_88, %dma_start3A_89, %dma_start3A_90] : memref<5x80x64xf32, #tpu.memory_space<vmem>> -> memref<1x80x64xf32, #tpu.memory_space<vmem>>
      %dma_start3A_92 = tpu.memref_squeeze %dma_start3A_91 : memref<1x80x64xf32, #tpu.memory_space<vmem>> -> memref<80x64xf32, #tpu.memory_space<vmem>>
      %dma_start3A_93 = arith.constant 0 : i32
      %dma_start3A_94 = tpu.memref_slice %arg8[%add3A_77, %dma_start3A_93] : memref<125x80xi32, #tpu.memory_space<vmem>> -> memref<1x80xi32, #tpu.memory_space<vmem>>
      %dma_start3A_95 = tpu.memref_squeeze %dma_start3A_94 : memref<1x80xi32, #tpu.memory_space<vmem>> -> memref<80xi32, #tpu.memory_space<vmem>>
      %dma_start3A_96 = arith.constant 0 : i32
      %dma_start3A_97 = arith.constant 0 : i32
      %dma_start3A_98 = tpu.memref_slice %arg10[%dma_start3A_96, %dma_start3A_97] : memref<10000x64xf32, #tpu.memory_space<vmem_shared>> -> memref<10000x64xf32, #tpu.memory_space<vmem_shared>>
      tpu.enqueue_indirect_dma source(%dma_start3A_92 : memref<80x64xf32, #tpu.memory_space<vmem>>) target(%dma_start3A_98 : memref<10000x64xf32, #tpu.memory_space<vmem_shared>>) offsets(%dma_start3A_95 : memref<80xi32, #tpu.memory_space<vmem>>) semaphore(%arg16 : memref<!tpu.dma_semaphore, #tpu.memory_space<semaphore_mem>>) {add = true}
      %dma_wait3A_99 = arith.constant 0 : i32
      %dma_wait3A_100 = arith.constant 0 : i32
      %dma_wait3A_101 = arith.constant 0 : i32
      %dma_wait3A_102 = tpu.memref_slice %arg9[%dma_wait3A_99, %dma_wait3A_100, %dma_wait3A_101] : memref<5x80x64xf32, #tpu.memory_space<vmem>> -> memref<1x80x64xf32, #tpu.memory_space<vmem>>
      %dma_wait3A_103 = tpu.memref_squeeze %dma_wait3A_102 : memref<1x80x64xf32, #tpu.memory_space<vmem>> -> memref<80x64xf32, #tpu.memory_space<vmem>>
      %dma_wait3A_104 = arith.constant 0 : i32
      %dma_wait3A_105 = tpu.memref_slice %arg8[%add3A_77, %dma_wait3A_104] : memref<125x80xi32, #tpu.memory_space<vmem>> -> memref<1x80xi32, #tpu.memory_space<vmem>>
      %dma_wait3A_106 = tpu.memref_squeeze %dma_wait3A_105 : memref<1x80xi32, #tpu.memory_space<vmem>> -> memref<80xi32, #tpu.memory_space<vmem>>
      %dma_wait3A_107 = arith.constant 0 : i32
      %dma_wait3A_108 = arith.constant 0 : i32
      %dma_wait3A_109 = tpu.memref_slice %arg10[%dma_wait3A_107, %dma_wait3A_108] : memref<10000x64xf32, #tpu.memory_space<vmem_shared>> -> memref<10000x64xf32, #tpu.memory_space<vmem_shared>>
      tpu.wait_indirect_dma semaphore(%arg16 : memref<!tpu.dma_semaphore, #tpu.memory_space<semaphore_mem>>) src(%dma_wait3A_103 : memref<80x64xf32, #tpu.memory_space<vmem>>) dst(%dma_wait3A_109 : memref<10000x64xf32, #tpu.memory_space<vmem_shared>>)
      %add3A_110 = arith.constant 5 : i32
      %add3A_111 = arith.addi %add3A_77, %add3A_110 : i32
      %lt3A = arith.constant 125 : i32
      %lt3A_112 = arith.cmpi slt, %add3A_111, %lt3A : i32
      %convert_element_type3A = arith.extui %lt3A_112 : i1 to i32
      %cond3A = arith.constant 0 : i32
      %cond3A_113 = arith.cmpi ne, %convert_element_type3A, %cond3A : i32
      scf.if %cond3A_113 {
        %dma_start3A_290 = arith.constant 0 : i32
        %dma_start3A_291 = arith.constant 0 : i32
        %dma_start3A_292 = arith.constant 0 : i32
        %dma_start3A_293 = tpu.memref_slice %arg9[%dma_start3A_290, %dma_start3A_291, %dma_start3A_292] : memref<5x80x64xf32, #tpu.memory_space<vmem>> -> memref<1x80x64xf32, #tpu.memory_space<vmem>>
        %dma_start3A_294 = tpu.memref_squeeze %dma_start3A_293 : memref<1x80x64xf32, #tpu.memory_space<vmem>> -> memref<80x64xf32, #tpu.memory_space<vmem>>
        %dma_start3A_295 = arith.constant 0 : i32
        %dma_start3A_296 = tpu.memref_slice %arg7[%add3A_111, %dma_start3A_295] : memref<125x80xi32, #tpu.memory_space<vmem>> -> memref<1x80xi32, #tpu.memory_space<vmem>>
        %dma_start3A_297 = tpu.memref_squeeze %dma_start3A_296 : memref<1x80xi32, #tpu.memory_space<vmem>> -> memref<80xi32, #tpu.memory_space<vmem>>
        %dma_start3A_298 = arith.constant 0 : i32
        %dma_start3A_299 = arith.constant 0 : i32
        %dma_start3A_300 = tpu.memref_slice %arg4[%dma_start3A_298, %dma_start3A_299] : memref<10000x64xf32, #tpu.memory_space<hbm>> -> memref<10000x64xf32, #tpu.memory_space<hbm>>
        tpu.enqueue_indirect_dma source(%dma_start3A_300 : memref<10000x64xf32, #tpu.memory_space<hbm>>) target(%dma_start3A_294 : memref<80x64xf32, #tpu.memory_space<vmem>>) offsets(%dma_start3A_297 : memref<80xi32, #tpu.memory_space<vmem>>) semaphore(%arg11 : memref<!tpu.dma_semaphore, #tpu.memory_space<semaphore_mem>>)
      } else {
      }
      %mul3A_114 = arith.constant 5 : i32
      %mul3A_115 = arith.muli %scan3A_73, %mul3A_114 : i32
      %add3A_116 = arith.constant 1 : i32
      %add3A_117 = arith.addi %mul3A_115, %add3A_116 : i32
      %dma_wait3A_118 = arith.constant 1 : i32
      %dma_wait3A_119 = arith.constant 0 : i32
      %dma_wait3A_120 = arith.constant 0 : i32
      %dma_wait3A_121 = tpu.memref_slice %arg9[%dma_wait3A_118, %dma_wait3A_119, %dma_wait3A_120] : memref<5x80x64xf32, #tpu.memory_space<vmem>> -> memref<1x80x64xf32, #tpu.memory_space<vmem>>
      %dma_wait3A_122 = tpu.memref_squeeze %dma_wait3A_121 : memref<1x80x64xf32, #tpu.memory_space<vmem>> -> memref<80x64xf32, #tpu.memory_space<vmem>>
      %dma_wait3A_123 = arith.constant 0 : i32
      %dma_wait3A_124 = tpu.memref_slice %arg7[%add3A_117, %dma_wait3A_123] : memref<125x80xi32, #tpu.memory_space<vmem>> -> memref<1x80xi32, #tpu.memory_space<vmem>>
      %dma_wait3A_125 = tpu.memref_squeeze %dma_wait3A_124 : memref<1x80xi32, #tpu.memory_space<vmem>> -> memref<80xi32, #tpu.memory_space<vmem>>
      %dma_wait3A_126 = arith.constant 0 : i32
      %dma_wait3A_127 = arith.constant 0 : i32
      %dma_wait3A_128 = tpu.memref_slice %arg4[%dma_wait3A_126, %dma_wait3A_127] : memref<10000x64xf32, #tpu.memory_space<hbm>> -> memref<10000x64xf32, #tpu.memory_space<hbm>>
      tpu.wait_indirect_dma semaphore(%arg12 : memref<!tpu.dma_semaphore, #tpu.memory_space<semaphore_mem>>) src(%dma_wait3A_128 : memref<10000x64xf32, #tpu.memory_space<hbm>>) dst(%dma_wait3A_122 : memref<80x64xf32, #tpu.memory_space<vmem>>)
      %dma_start3A_129 = arith.constant 1 : i32
      %dma_start3A_130 = arith.constant 0 : i32
      %dma_start3A_131 = arith.constant 0 : i32
      %dma_start3A_132 = tpu.memref_slice %arg9[%dma_start3A_129, %dma_start3A_130, %dma_start3A_131] : memref<5x80x64xf32, #tpu.memory_space<vmem>> -> memref<1x80x64xf32, #tpu.memory_space<vmem>>
      %dma_start3A_133 = tpu.memref_squeeze %dma_start3A_132 : memref<1x80x64xf32, #tpu.memory_space<vmem>> -> memref<80x64xf32, #tpu.memory_space<vmem>>
      %dma_start3A_134 = arith.constant 0 : i32
      %dma_start3A_135 = tpu.memref_slice %arg8[%add3A_117, %dma_start3A_134] : memref<125x80xi32, #tpu.memory_space<vmem>> -> memref<1x80xi32, #tpu.memory_space<vmem>>
      %dma_start3A_136 = tpu.memref_squeeze %dma_start3A_135 : memref<1x80xi32, #tpu.memory_space<vmem>> -> memref<80xi32, #tpu.memory_space<vmem>>
      %dma_start3A_137 = arith.constant 0 : i32
      %dma_start3A_138 = arith.constant 0 : i32
      %dma_start3A_139 = tpu.memref_slice %arg10[%dma_start3A_137, %dma_start3A_138] : memref<10000x64xf32, #tpu.memory_space<vmem_shared>> -> memref<10000x64xf32, #tpu.memory_space<vmem_shared>>
      tpu.enqueue_indirect_dma source(%dma_start3A_133 : memref<80x64xf32, #tpu.memory_space<vmem>>) target(%dma_start3A_139 : memref<10000x64xf32, #tpu.memory_space<vmem_shared>>) offsets(%dma_start3A_136 : memref<80xi32, #tpu.memory_space<vmem>>) semaphore(%arg16 : memref<!tpu.dma_semaphore, #tpu.memory_space<semaphore_mem>>) {add = true}
      %dma_wait3A_140 = arith.constant 1 : i32
      %dma_wait3A_141 = arith.constant 0 : i32
      %dma_wait3A_142 = arith.constant 0 : i32
      %dma_wait3A_143 = tpu.memref_slice %arg9[%dma_wait3A_140, %dma_wait3A_141, %dma_wait3A_142] : memref<5x80x64xf32, #tpu.memory_space<vmem>> -> memref<1x80x64xf32, #tpu.memory_space<vmem>>
      %dma_wait3A_144 = tpu.memref_squeeze %dma_wait3A_143 : memref<1x80x64xf32, #tpu.memory_space<vmem>> -> memref<80x64xf32, #tpu.memory_space<vmem>>
      %dma_wait3A_145 = arith.constant 0 : i32
      %dma_wait3A_146 = tpu.memref_slice %arg8[%add3A_117, %dma_wait3A_145] : memref<125x80xi32, #tpu.memory_space<vmem>> -> memref<1x80xi32, #tpu.memory_space<vmem>>
      %dma_wait3A_147 = tpu.memref_squeeze %dma_wait3A_146 : memref<1x80xi32, #tpu.memory_space<vmem>> -> memref<80xi32, #tpu.memory_space<vmem>>
      %dma_wait3A_148 = arith.constant 0 : i32
      %dma_wait3A_149 = arith.constant 0 : i32
      %dma_wait3A_150 = tpu.memref_slice %arg10[%dma_wait3A_148, %dma_wait3A_149] : memref<10000x64xf32, #tpu.memory_space<vmem_shared>> -> memref<10000x64xf32, #tpu.memory_space<vmem_shared>>
      tpu.wait_indirect_dma semaphore(%arg16 : memref<!tpu.dma_semaphore, #tpu.memory_space<semaphore_mem>>) src(%dma_wait3A_144 : memref<80x64xf32, #tpu.memory_space<vmem>>) dst(%dma_wait3A_150 : memref<10000x64xf32, #tpu.memory_space<vmem_shared>>)
      %add3A_151 = arith.constant 5 : i32
      %add3A_152 = arith.addi %add3A_117, %add3A_151 : i32
      %lt3A_153 = arith.constant 125 : i32
      %lt3A_154 = arith.cmpi slt, %add3A_152, %lt3A_153 : i32
      %convert_element_type3A_155 = arith.extui %lt3A_154 : i1 to i32
      %cond3A_156 = arith.constant 0 : i32
      %cond3A_157 = arith.cmpi ne, %convert_element_type3A_155, %cond3A_156 : i32
      scf.if %cond3A_157 {
        %dma_start3A_290 = arith.constant 1 : i32
        %dma_start3A_291 = arith.constant 0 : i32
        %dma_start3A_292 = arith.constant 0 : i32
        %dma_start3A_293 = tpu.memref_slice %arg9[%dma_start3A_290, %dma_start3A_291, %dma_start3A_292] : memref<5x80x64xf32, #tpu.memory_space<vmem>> -> memref<1x80x64xf32, #tpu.memory_space<vmem>>
        %dma_start3A_294 = tpu.memref_squeeze %dma_start3A_293 : memref<1x80x64xf32, #tpu.memory_space<vmem>> -> memref<80x64xf32, #tpu.memory_space<vmem>>
        %dma_start3A_295 = arith.constant 0 : i32
        %dma_start3A_296 = tpu.memref_slice %arg7[%add3A_152, %dma_start3A_295] : memref<125x80xi32, #tpu.memory_space<vmem>> -> memref<1x80xi32, #tpu.memory_space<vmem>>
        %dma_start3A_297 = tpu.memref_squeeze %dma_start3A_296 : memref<1x80xi32, #tpu.memory_space<vmem>> -> memref<80xi32, #tpu.memory_space<vmem>>
        %dma_start3A_298 = arith.constant 0 : i32
        %dma_start3A_299 = arith.constant 0 : i32
        %dma_start3A_300 = tpu.memref_slice %arg4[%dma_start3A_298, %dma_start3A_299] : memref<10000x64xf32, #tpu.memory_space<hbm>> -> memref<10000x64xf32, #tpu.memory_space<hbm>>
        tpu.enqueue_indirect_dma source(%dma_start3A_300 : memref<10000x64xf32, #tpu.memory_space<hbm>>) target(%dma_start3A_294 : memref<80x64xf32, #tpu.memory_space<vmem>>) offsets(%dma_start3A_297 : memref<80xi32, #tpu.memory_space<vmem>>) semaphore(%arg12 : memref<!tpu.dma_semaphore, #tpu.memory_space<semaphore_mem>>)
      } else {
      }
      %mul3A_158 = arith.constant 5 : i32
      %mul3A_159 = arith.muli %scan3A_73, %mul3A_158 : i32
      %add3A_160 = arith.constant 2 : i32
      %add3A_161 = arith.addi %mul3A_159, %add3A_160 : i32
      %dma_wait3A_162 = arith.constant 2 : i32
      %dma_wait3A_163 = arith.constant 0 : i32
      %dma_wait3A_164 = arith.constant 0 : i32
      %dma_wait3A_165 = tpu.memref_slice %arg9[%dma_wait3A_162, %dma_wait3A_163, %dma_wait3A_164] : memref<5x80x64xf32, #tpu.memory_space<vmem>> -> memref<1x80x64xf32, #tpu.memory_space<vmem>>
      %dma_wait3A_166 = tpu.memref_squeeze %dma_wait3A_165 : memref<1x80x64xf32, #tpu.memory_space<vmem>> -> memref<80x64xf32, #tpu.memory_space<vmem>>
      %dma_wait3A_167 = arith.constant 0 : i32
      %dma_wait3A_168 = tpu.memref_slice %arg7[%add3A_161, %dma_wait3A_167] : memref<125x80xi32, #tpu.memory_space<vmem>> -> memref<1x80xi32, #tpu.memory_space<vmem>>
      %dma_wait3A_169 = tpu.memref_squeeze %dma_wait3A_168 : memref<1x80xi32, #tpu.memory_space<vmem>> -> memref<80xi32, #tpu.memory_space<vmem>>
      %dma_wait3A_170 = arith.constant 0 : i32
      %dma_wait3A_171 = arith.constant 0 : i32
      %dma_wait3A_172 = tpu.memref_slice %arg4[%dma_wait3A_170, %dma_wait3A_171] : memref<10000x64xf32, #tpu.memory_space<hbm>> -> memref<10000x64xf32, #tpu.memory_space<hbm>>
      tpu.wait_indirect_dma semaphore(%arg13 : memref<!tpu.dma_semaphore, #tpu.memory_space<semaphore_mem>>) src(%dma_wait3A_172 : memref<10000x64xf32, #tpu.memory_space<hbm>>) dst(%dma_wait3A_166 : memref<80x64xf32, #tpu.memory_space<vmem>>)
      %dma_start3A_173 = arith.constant 2 : i32
      %dma_start3A_174 = arith.constant 0 : i32
      %dma_start3A_175 = arith.constant 0 : i32
      %dma_start3A_176 = tpu.memref_slice %arg9[%dma_start3A_173, %dma_start3A_174, %dma_start3A_175] : memref<5x80x64xf32, #tpu.memory_space<vmem>> -> memref<1x80x64xf32, #tpu.memory_space<vmem>>
      %dma_start3A_177 = tpu.memref_squeeze %dma_start3A_176 : memref<1x80x64xf32, #tpu.memory_space<vmem>> -> memref<80x64xf32, #tpu.memory_space<vmem>>
      %dma_start3A_178 = arith.constant 0 : i32
      %dma_start3A_179 = tpu.memref_slice %arg8[%add3A_161, %dma_start3A_178] : memref<125x80xi32, #tpu.memory_space<vmem>> -> memref<1x80xi32, #tpu.memory_space<vmem>>
      %dma_start3A_180 = tpu.memref_squeeze %dma_start3A_179 : memref<1x80xi32, #tpu.memory_space<vmem>> -> memref<80xi32, #tpu.memory_space<vmem>>
      %dma_start3A_181 = arith.constant 0 : i32
      %dma_start3A_182 = arith.constant 0 : i32
      %dma_start3A_183 = tpu.memref_slice %arg10[%dma_start3A_181, %dma_start3A_182] : memref<10000x64xf32, #tpu.memory_space<vmem_shared>> -> memref<10000x64xf32, #tpu.memory_space<vmem_shared>>
      tpu.enqueue_indirect_dma source(%dma_start3A_177 : memref<80x64xf32, #tpu.memory_space<vmem>>) target(%dma_start3A_183 : memref<10000x64xf32, #tpu.memory_space<vmem_shared>>) offsets(%dma_start3A_180 : memref<80xi32, #tpu.memory_space<vmem>>) semaphore(%arg16 : memref<!tpu.dma_semaphore, #tpu.memory_space<semaphore_mem>>) {add = true}
      %dma_wait3A_184 = arith.constant 2 : i32
      %dma_wait3A_185 = arith.constant 0 : i32
      %dma_wait3A_186 = arith.constant 0 : i32
      %dma_wait3A_187 = tpu.memref_slice %arg9[%dma_wait3A_184, %dma_wait3A_185, %dma_wait3A_186] : memref<5x80x64xf32, #tpu.memory_space<vmem>> -> memref<1x80x64xf32, #tpu.memory_space<vmem>>
      %dma_wait3A_188 = tpu.memref_squeeze %dma_wait3A_187 : memref<1x80x64xf32, #tpu.memory_space<vmem>> -> memref<80x64xf32, #tpu.memory_space<vmem>>
      %dma_wait3A_189 = arith.constant 0 : i32
      %dma_wait3A_190 = tpu.memref_slice %arg8[%add3A_161, %dma_wait3A_189] : memref<125x80xi32, #tpu.memory_space<vmem>> -> memref<1x80xi32, #tpu.memory_space<vmem>>
      %dma_wait3A_191 = tpu.memref_squeeze %dma_wait3A_190 : memref<1x80xi32, #tpu.memory_space<vmem>> -> memref<80xi32, #tpu.memory_space<vmem>>
      %dma_wait3A_192 = arith.constant 0 : i32
      %dma_wait3A_193 = arith.constant 0 : i32
      %dma_wait3A_194 = tpu.memref_slice %arg10[%dma_wait3A_192, %dma_wait3A_193] : memref<10000x64xf32, #tpu.memory_space<vmem_shared>> -> memref<10000x64xf32, #tpu.memory_space<vmem_shared>>
      tpu.wait_indirect_dma semaphore(%arg16 : memref<!tpu.dma_semaphore, #tpu.memory_space<semaphore_mem>>) src(%dma_wait3A_188 : memref<80x64xf32, #tpu.memory_space<vmem>>) dst(%dma_wait3A_194 : memref<10000x64xf32, #tpu.memory_space<vmem_shared>>)
      %add3A_195 = arith.constant 5 : i32
      %add3A_196 = arith.addi %add3A_161, %add3A_195 : i32
      %lt3A_197 = arith.constant 125 : i32
      %lt3A_198 = arith.cmpi slt, %add3A_196, %lt3A_197 : i32
      %convert_element_type3A_199 = arith.extui %lt3A_198 : i1 to i32
      %cond3A_200 = arith.constant 0 : i32
      %cond3A_201 = arith.cmpi ne, %convert_element_type3A_199, %cond3A_200 : i32
      scf.if %cond3A_201 {
        %dma_start3A_290 = arith.constant 2 : i32
        %dma_start3A_291 = arith.constant 0 : i32
        %dma_start3A_292 = arith.constant 0 : i32
        %dma_start3A_293 = tpu.memref_slice %arg9[%dma_start3A_290, %dma_start3A_291, %dma_start3A_292] : memref<5x80x64xf32, #tpu.memory_space<vmem>> -> memref<1x80x64xf32, #tpu.memory_space<vmem>>
        %dma_start3A_294 = tpu.memref_squeeze %dma_start3A_293 : memref<1x80x64xf32, #tpu.memory_space<vmem>> -> memref<80x64xf32, #tpu.memory_space<vmem>>
        %dma_start3A_295 = arith.constant 0 : i32
        %dma_start3A_296 = tpu.memref_slice %arg7[%add3A_196, %dma_start3A_295] : memref<125x80xi32, #tpu.memory_space<vmem>> -> memref<1x80xi32, #tpu.memory_space<vmem>>
        %dma_start3A_297 = tpu.memref_squeeze %dma_start3A_296 : memref<1x80xi32, #tpu.memory_space<vmem>> -> memref<80xi32, #tpu.memory_space<vmem>>
        %dma_start3A_298 = arith.constant 0 : i32
        %dma_start3A_299 = arith.constant 0 : i32
        %dma_start3A_300 = tpu.memref_slice %arg4[%dma_start3A_298, %dma_start3A_299] : memref<10000x64xf32, #tpu.memory_space<hbm>> -> memref<10000x64xf32, #tpu.memory_space<hbm>>
        tpu.enqueue_indirect_dma source(%dma_start3A_300 : memref<10000x64xf32, #tpu.memory_space<hbm>>) target(%dma_start3A_294 : memref<80x64xf32, #tpu.memory_space<vmem>>) offsets(%dma_start3A_297 : memref<80xi32, #tpu.memory_space<vmem>>) semaphore(%arg13 : memref<!tpu.dma_semaphore, #tpu.memory_space<semaphore_mem>>)
      } else {
      }
      %mul3A_202 = arith.constant 5 : i32
      %mul3A_203 = arith.muli %scan3A_73, %mul3A_202 : i32
      %add3A_204 = arith.constant 3 : i32
      %add3A_205 = arith.addi %mul3A_203, %add3A_204 : i32
      %dma_wait3A_206 = arith.constant 3 : i32
      %dma_wait3A_207 = arith.constant 0 : i32
      %dma_wait3A_208 = arith.constant 0 : i32
      %dma_wait3A_209 = tpu.memref_slice %arg9[%dma_wait3A_206, %dma_wait3A_207, %dma_wait3A_208] : memref<5x80x64xf32, #tpu.memory_space<vmem>> -> memref<1x80x64xf32, #tpu.memory_space<vmem>>
      %dma_wait3A_210 = tpu.memref_squeeze %dma_wait3A_209 : memref<1x80x64xf32, #tpu.memory_space<vmem>> -> memref<80x64xf32, #tpu.memory_space<vmem>>
      %dma_wait3A_211 = arith.constant 0 : i32
      %dma_wait3A_212 = tpu.memref_slice %arg7[%add3A_205, %dma_wait3A_211] : memref<125x80xi32, #tpu.memory_space<vmem>> -> memref<1x80xi32, #tpu.memory_space<vmem>>
      %dma_wait3A_213 = tpu.memref_squeeze %dma_wait3A_212 : memref<1x80xi32, #tpu.memory_space<vmem>> -> memref<80xi32, #tpu.memory_space<vmem>>
      %dma_wait3A_214 = arith.constant 0 : i32
      %dma_wait3A_215 = arith.constant 0 : i32
      %dma_wait3A_216 = tpu.memref_slice %arg4[%dma_wait3A_214, %dma_wait3A_215] : memref<10000x64xf32, #tpu.memory_space<hbm>> -> memref<10000x64xf32, #tpu.memory_space<hbm>>
      tpu.wait_indirect_dma semaphore(%arg14 : memref<!tpu.dma_semaphore, #tpu.memory_space<semaphore_mem>>) src(%dma_wait3A_216 : memref<10000x64xf32, #tpu.memory_space<hbm>>) dst(%dma_wait3A_210 : memref<80x64xf32, #tpu.memory_space<vmem>>)
      %dma_start3A_217 = arith.constant 3 : i32
      %dma_start3A_218 = arith.constant 0 : i32
      %dma_start3A_219 = arith.constant 0 : i32
      %dma_start3A_220 = tpu.memref_slice %arg9[%dma_start3A_217, %dma_start3A_218, %dma_start3A_219] : memref<5x80x64xf32, #tpu.memory_space<vmem>> -> memref<1x80x64xf32, #tpu.memory_space<vmem>>
      %dma_start3A_221 = tpu.memref_squeeze %dma_start3A_220 : memref<1x80x64xf32, #tpu.memory_space<vmem>> -> memref<80x64xf32, #tpu.memory_space<vmem>>
      %dma_start3A_222 = arith.constant 0 : i32
      %dma_start3A_223 = tpu.memref_slice %arg8[%add3A_205, %dma_start3A_222] : memref<125x80xi32, #tpu.memory_space<vmem>> -> memref<1x80xi32, #tpu.memory_space<vmem>>
      %dma_start3A_224 = tpu.memref_squeeze %dma_start3A_223 : memref<1x80xi32, #tpu.memory_space<vmem>> -> memref<80xi32, #tpu.memory_space<vmem>>
      %dma_start3A_225 = arith.constant 0 : i32
      %dma_start3A_226 = arith.constant 0 : i32
      %dma_start3A_227 = tpu.memref_slice %arg10[%dma_start3A_225, %dma_start3A_226] : memref<10000x64xf32, #tpu.memory_space<vmem_shared>> -> memref<10000x64xf32, #tpu.memory_space<vmem_shared>>
      tpu.enqueue_indirect_dma source(%dma_start3A_221 : memref<80x64xf32, #tpu.memory_space<vmem>>) target(%dma_start3A_227 : memref<10000x64xf32, #tpu.memory_space<vmem_shared>>) offsets(%dma_start3A_224 : memref<80xi32, #tpu.memory_space<vmem>>) semaphore(%arg16 : memref<!tpu.dma_semaphore, #tpu.memory_space<semaphore_mem>>) {add = true}
      %dma_wait3A_228 = arith.constant 3 : i32
      %dma_wait3A_229 = arith.constant 0 : i32
      %dma_wait3A_230 = arith.constant 0 : i32
      %dma_wait3A_231 = tpu.memref_slice %arg9[%dma_wait3A_228, %dma_wait3A_229, %dma_wait3A_230] : memref<5x80x64xf32, #tpu.memory_space<vmem>> -> memref<1x80x64xf32, #tpu.memory_space<vmem>>
      %dma_wait3A_232 = tpu.memref_squeeze %dma_wait3A_231 : memref<1x80x64xf32, #tpu.memory_space<vmem>> -> memref<80x64xf32, #tpu.memory_space<vmem>>
      %dma_wait3A_233 = arith.constant 0 : i32
      %dma_wait3A_234 = tpu.memref_slice %arg8[%add3A_205, %dma_wait3A_233] : memref<125x80xi32, #tpu.memory_space<vmem>> -> memref<1x80xi32, #tpu.memory_space<vmem>>
      %dma_wait3A_235 = tpu.memref_squeeze %dma_wait3A_234 : memref<1x80xi32, #tpu.memory_space<vmem>> -> memref<80xi32, #tpu.memory_space<vmem>>
      %dma_wait3A_236 = arith.constant 0 : i32
      %dma_wait3A_237 = arith.constant 0 : i32
      %dma_wait3A_238 = tpu.memref_slice %arg10[%dma_wait3A_236, %dma_wait3A_237] : memref<10000x64xf32, #tpu.memory_space<vmem_shared>> -> memref<10000x64xf32, #tpu.memory_space<vmem_shared>>
      tpu.wait_indirect_dma semaphore(%arg16 : memref<!tpu.dma_semaphore, #tpu.memory_space<semaphore_mem>>) src(%dma_wait3A_232 : memref<80x64xf32, #tpu.memory_space<vmem>>) dst(%dma_wait3A_238 : memref<10000x64xf32, #tpu.memory_space<vmem_shared>>)
      %add3A_239 = arith.constant 5 : i32
      %add3A_240 = arith.addi %add3A_205, %add3A_239 : i32
      %lt3A_241 = arith.constant 125 : i32
      %lt3A_242 = arith.cmpi slt, %add3A_240, %lt3A_241 : i32
      %convert_element_type3A_243 = arith.extui %lt3A_242 : i1 to i32
      %cond3A_244 = arith.constant 0 : i32
      %cond3A_245 = arith.cmpi ne, %convert_element_type3A_243, %cond3A_244 : i32
      scf.if %cond3A_245 {
        %dma_start3A_290 = arith.constant 3 : i32
        %dma_start3A_291 = arith.constant 0 : i32
        %dma_start3A_292 = arith.constant 0 : i32
        %dma_start3A_293 = tpu.memref_slice %arg9[%dma_start3A_290, %dma_start3A_291, %dma_start3A_292] : memref<5x80x64xf32, #tpu.memory_space<vmem>> -> memref<1x80x64xf32, #tpu.memory_space<vmem>>
        %dma_start3A_294 = tpu.memref_squeeze %dma_start3A_293 : memref<1x80x64xf32, #tpu.memory_space<vmem>> -> memref<80x64xf32, #tpu.memory_space<vmem>>
        %dma_start3A_295 = arith.constant 0 : i32
        %dma_start3A_296 = tpu.memref_slice %arg7[%add3A_240, %dma_start3A_295] : memref<125x80xi32, #tpu.memory_space<vmem>> -> memref<1x80xi32, #tpu.memory_space<vmem>>
        %dma_start3A_297 = tpu.memref_squeeze %dma_start3A_296 : memref<1x80xi32, #tpu.memory_space<vmem>> -> memref<80xi32, #tpu.memory_space<vmem>>
        %dma_start3A_298 = arith.constant 0 : i32
        %dma_start3A_299 = arith.constant 0 : i32
        %dma_start3A_300 = tpu.memref_slice %arg4[%dma_start3A_298, %dma_start3A_299] : memref<10000x64xf32, #tpu.memory_space<hbm>> -> memref<10000x64xf32, #tpu.memory_space<hbm>>
        tpu.enqueue_indirect_dma source(%dma_start3A_300 : memref<10000x64xf32, #tpu.memory_space<hbm>>) target(%dma_start3A_294 : memref<80x64xf32, #tpu.memory_space<vmem>>) offsets(%dma_start3A_297 : memref<80xi32, #tpu.memory_space<vmem>>) semaphore(%arg14 : memref<!tpu.dma_semaphore, #tpu.memory_space<semaphore_mem>>)
      } else {
      }
      %mul3A_246 = arith.constant 5 : i32
      %mul3A_247 = arith.muli %scan3A_73, %mul3A_246 : i32
      %add3A_248 = arith.constant 4 : i32
      %add3A_249 = arith.addi %mul3A_247, %add3A_248 : i32
      %dma_wait3A_250 = arith.constant 4 : i32
      %dma_wait3A_251 = arith.constant 0 : i32
      %dma_wait3A_252 = arith.constant 0 : i32
      %dma_wait3A_253 = tpu.memref_slice %arg9[%dma_wait3A_250, %dma_wait3A_251, %dma_wait3A_252] : memref<5x80x64xf32, #tpu.memory_space<vmem>> -> memref<1x80x64xf32, #tpu.memory_space<vmem>>
      %dma_wait3A_254 = tpu.memref_squeeze %dma_wait3A_253 : memref<1x80x64xf32, #tpu.memory_space<vmem>> -> memref<80x64xf32, #tpu.memory_space<vmem>>
      %dma_wait3A_255 = arith.constant 0 : i32
      %dma_wait3A_256 = tpu.memref_slice %arg7[%add3A_249, %dma_wait3A_255] : memref<125x80xi32, #tpu.memory_space<vmem>> -> memref<1x80xi32, #tpu.memory_space<vmem>>
      %dma_wait3A_257 = tpu.memref_squeeze %dma_wait3A_256 : memref<1x80xi32, #tpu.memory_space<vmem>> -> memref<80xi32, #tpu.memory_space<vmem>>
      %dma_wait3A_258 = arith.constant 0 : i32
      %dma_wait3A_259 = arith.constant 0 : i32
      %dma_wait3A_260 = tpu.memref_slice %arg4[%dma_wait3A_258, %dma_wait3A_259] : memref<10000x64xf32, #tpu.memory_space<hbm>> -> memref<10000x64xf32, #tpu.memory_space<hbm>>
      tpu.wait_indirect_dma semaphore(%arg15 : memref<!tpu.dma_semaphore, #tpu.memory_space<semaphore_mem>>) src(%dma_wait3A_260 : memref<10000x64xf32, #tpu.memory_space<hbm>>) dst(%dma_wait3A_254 : memref<80x64xf32, #tpu.memory_space<vmem>>)
      %dma_start3A_261 = arith.constant 4 : i32
      %dma_start3A_262 = arith.constant 0 : i32
      %dma_start3A_263 = arith.constant 0 : i32
      %dma_start3A_264 = tpu.memref_slice %arg9[%dma_start3A_261, %dma_start3A_262, %dma_start3A_263] : memref<5x80x64xf32, #tpu.memory_space<vmem>> -> memref<1x80x64xf32, #tpu.memory_space<vmem>>
      %dma_start3A_265 = tpu.memref_squeeze %dma_start3A_264 : memref<1x80x64xf32, #tpu.memory_space<vmem>> -> memref<80x64xf32, #tpu.memory_space<vmem>>
      %dma_start3A_266 = arith.constant 0 : i32
      %dma_start3A_267 = tpu.memref_slice %arg8[%add3A_249, %dma_start3A_266] : memref<125x80xi32, #tpu.memory_space<vmem>> -> memref<1x80xi32, #tpu.memory_space<vmem>>
      %dma_start3A_268 = tpu.memref_squeeze %dma_start3A_267 : memref<1x80xi32, #tpu.memory_space<vmem>> -> memref<80xi32, #tpu.memory_space<vmem>>
      %dma_start3A_269 = arith.constant 0 : i32
      %dma_start3A_270 = arith.constant 0 : i32
      %dma_start3A_271 = tpu.memref_slice %arg10[%dma_start3A_269, %dma_start3A_270] : memref<10000x64xf32, #tpu.memory_space<vmem_shared>> -> memref<10000x64xf32, #tpu.memory_space<vmem_shared>>
      tpu.enqueue_indirect_dma source(%dma_start3A_265 : memref<80x64xf32, #tpu.memory_space<vmem>>) target(%dma_start3A_271 : memref<10000x64xf32, #tpu.memory_space<vmem_shared>>) offsets(%dma_start3A_268 : memref<80xi32, #tpu.memory_space<vmem>>) semaphore(%arg16 : memref<!tpu.dma_semaphore, #tpu.memory_space<semaphore_mem>>) {add = true}
      %dma_wait3A_272 = arith.constant 4 : i32
      %dma_wait3A_273 = arith.constant 0 : i32
      %dma_wait3A_274 = arith.constant 0 : i32
      %dma_wait3A_275 = tpu.memref_slice %arg9[%dma_wait3A_272, %dma_wait3A_273, %dma_wait3A_274] : memref<5x80x64xf32, #tpu.memory_space<vmem>> -> memref<1x80x64xf32, #tpu.memory_space<vmem>>
      %dma_wait3A_276 = tpu.memref_squeeze %dma_wait3A_275 : memref<1x80x64xf32, #tpu.memory_space<vmem>> -> memref<80x64xf32, #tpu.memory_space<vmem>>
      %dma_wait3A_277 = arith.constant 0 : i32
      %dma_wait3A_278 = tpu.memref_slice %arg8[%add3A_249, %dma_wait3A_277] : memref<125x80xi32, #tpu.memory_space<vmem>> -> memref<1x80xi32, #tpu.memory_space<vmem>>
      %dma_wait3A_279 = tpu.memref_squeeze %dma_wait3A_278 : memref<1x80xi32, #tpu.memory_space<vmem>> -> memref<80xi32, #tpu.memory_space<vmem>>
      %dma_wait3A_280 = arith.constant 0 : i32
      %dma_wait3A_281 = arith.constant 0 : i32
      %dma_wait3A_282 = tpu.memref_slice %arg10[%dma_wait3A_280, %dma_wait3A_281] : memref<10000x64xf32, #tpu.memory_space<vmem_shared>> -> memref<10000x64xf32, #tpu.memory_space<vmem_shared>>
      tpu.wait_indirect_dma semaphore(%arg16 : memref<!tpu.dma_semaphore, #tpu.memory_space<semaphore_mem>>) src(%dma_wait3A_276 : memref<80x64xf32, #tpu.memory_space<vmem>>) dst(%dma_wait3A_282 : memref<10000x64xf32, #tpu.memory_space<vmem_shared>>)
      %add3A_283 = arith.constant 5 : i32
      %add3A_284 = arith.addi %add3A_249, %add3A_283 : i32
      %lt3A_285 = arith.constant 125 : i32
      %lt3A_286 = arith.cmpi slt, %add3A_284, %lt3A_285 : i32
      %convert_element_type3A_287 = arith.extui %lt3A_286 : i1 to i32
      %cond3A_288 = arith.constant 0 : i32
      %cond3A_289 = arith.cmpi ne, %convert_element_type3A_287, %cond3A_288 : i32
      scf.if %cond3A_289 {
        %dma_start3A_290 = arith.constant 4 : i32
        %dma_start3A_291 = arith.constant 0 : i32
        %dma_start3A_292 = arith.constant 0 : i32
        %dma_start3A_293 = tpu.memref_slice %arg9[%dma_start3A_290, %dma_start3A_291, %dma_start3A_292] : memref<5x80x64xf32, #tpu.memory_space<vmem>> -> memref<1x80x64xf32, #tpu.memory_space<vmem>>
        %dma_start3A_294 = tpu.memref_squeeze %dma_start3A_293 : memref<1x80x64xf32, #tpu.memory_space<vmem>> -> memref<80x64xf32, #tpu.memory_space<vmem>>
        %dma_start3A_295 = arith.constant 0 : i32
        %dma_start3A_296 = tpu.memref_slice %arg7[%add3A_284, %dma_start3A_295] : memref<125x80xi32, #tpu.memory_space<vmem>> -> memref<1x80xi32, #tpu.memory_space<vmem>>
        %dma_start3A_297 = tpu.memref_squeeze %dma_start3A_296 : memref<1x80xi32, #tpu.memory_space<vmem>> -> memref<80xi32, #tpu.memory_space<vmem>>
        %dma_start3A_298 = arith.constant 0 : i32
        %dma_start3A_299 = arith.constant 0 : i32
        %dma_start3A_300 = tpu.memref_slice %arg4[%dma_start3A_298, %dma_start3A_299] : memref<10000x64xf32, #tpu.memory_space<hbm>> -> memref<10000x64xf32, #tpu.memory_space<hbm>>
        tpu.enqueue_indirect_dma source(%dma_start3A_300 : memref<10000x64xf32, #tpu.memory_space<hbm>>) target(%dma_start3A_294 : memref<80x64xf32, #tpu.memory_space<vmem>>) offsets(%dma_start3A_297 : memref<80xi32, #tpu.memory_space<vmem>>) semaphore(%arg15 : memref<!tpu.dma_semaphore, #tpu.memory_space<semaphore_mem>>)
      } else {
      }
    }
    %scan3A_66 = arith.constant 25 : i32
    %barrier3A_67 = arith.constant 0 : index
    tpu.barrier barrier_id(%barrier3A_67)
    %mul3A_68 = arith.constant 624 : i32
    %mul3A_69 = arith.muli %arg1, %mul3A_68 : i32
    %mul3A_70 = arith.constant 10000 : i32
    %mul3A_71 = arith.muli %arg0, %mul3A_70 : i32
    %add3A_72 = arith.addi %mul3A_71, %mul3A_69 : i32
    "tpu.region"() ({
      %run_scoped3A = tpu.sem_alloc : memref<!tpu.dma_semaphore, #tpu.memory_space<semaphore_mem>>
      %dma_start3A_73 = arith.constant 0 : i32
      %dma_start3A_74 = tpu.memref_slice %arg6[%add3A_72, %dma_start3A_73] : memref<20000x64xf32, #tpu.memory_space<hbm>> -> memref<640x64xf32, #tpu.memory_space<hbm>>
      %dma_start3A_75 = arith.constant 0 : i32
      %dma_start3A_76 = tpu.memref_slice %arg10[%mul3A_69, %dma_start3A_75] : memref<10000x64xf32, #tpu.memory_space<vmem_shared>> -> memref<640x64xf32, #tpu.memory_space<vmem_shared>>
      tpu.enqueue_dma source(%dma_start3A_76 : memref<640x64xf32, #tpu.memory_space<vmem_shared>>) target(%dma_start3A_74 : memref<640x64xf32, #tpu.memory_space<hbm>>) target_semaphore(%run_scoped3A : memref<!tpu.dma_semaphore, #tpu.memory_space<semaphore_mem>>)
      %dma_wait3A = arith.constant 0 : i32
      %dma_wait3A_77 = tpu.memref_slice %arg6[%add3A_72, %dma_wait3A] : memref<20000x64xf32, #tpu.memory_space<hbm>> -> memref<640x64xf32, #tpu.memory_space<hbm>>
      %dma_wait3A_78 = arith.constant 0 : i32
      %dma_wait3A_79 = tpu.memref_slice %arg10[%mul3A_69, %dma_wait3A_78] : memref<10000x64xf32, #tpu.memory_space<vmem_shared>> -> memref<640x64xf32, #tpu.memory_space<vmem_shared>>
      tpu.wait_dma2 semaphore(%run_scoped3A : memref<!tpu.dma_semaphore, #tpu.memory_space<semaphore_mem>>) src(%dma_wait3A_79 : memref<640x64xf32, #tpu.memory_space<vmem_shared>>) dst(%dma_wait3A_77 : memref<640x64xf32, #tpu.memory_space<hbm>>)
      tpu.yield
    }) : () -> ()
    return
  }
}

#map = affine_map<(d0, d1) -> (0, 0, 0)>
#map1 = affine_map<(d0, d1) -> (0, 0)>
module attributes {stable_mosaic.version = 14 : i64} {
  func.func @body(%arg0: i32, %arg1: i32, %arg2: memref<32x125x80xi32, #tpu.memory_space<hbm>>, %arg3: memref<32x125x80xi32, #tpu.memory_space<hbm>>, %arg4: memref<10000x64xf32, #tpu.memory_space<hbm>>, %arg5: memref<640x64xf32, #tpu.memory_space<hbm>>, %arg6: memref<20000x64xf32, #tpu.memory_space<hbm>>, %arg7: memref<125x80xi32, #tpu.memory_space<vmem>>, %arg8: memref<125x80xi32, #tpu.memory_space<vmem>>, %arg9: memref<5x80x64xf32, #tpu.memory_space<vmem>>, %arg10: memref<10000x64xf32, #tpu.memory_space<vmem_shared>>, %arg11: memref<!tpu.dma_semaphore, #tpu.memory_space<semaphore_mem>>, %arg12: memref<!tpu.dma_semaphore, #tpu.memory_space<semaphore_mem>>, %arg13: memref<!tpu.dma_semaphore, #tpu.memory_space<semaphore_mem>>, %arg14: memref<!tpu.dma_semaphore, #tpu.memory_space<semaphore_mem>>, %arg15: memref<!tpu.dma_semaphore, #tpu.memory_space<semaphore_mem>>, %arg16: memref<!tpu.dma_semaphore, #tpu.memory_space<semaphore_mem>>) attributes {dimension_semantics = [#tpu.dimension_semantics<core_parallel>, #tpu.dimension_semantics<subcore_parallel>], iteration_bounds = array<i64: 2, 16>, scalar_prefetch = 0 : i64, scratch_operands = 10 : i64, tpu.core_type = #tpu.core_type<sc_vector_subcore>, window_params = [{transform_indices = #map}, {transform_indices = #map}, {transform_indices = #map1}, {transform_indices = #map1}, {transform_indices = #map1}]} {
    %mul3A = arith.constant 2 : i32
    %mul3A_0 = arith.muli %arg1, %mul3A : i32
    %add3A = arith.addi %mul3A_0, %arg0 : i32
    %mul3A_1 = arith.constant 624 : i32
    %mul3A_2 = arith.muli %arg1, %mul3A_1 : i32
    "tpu.region"() ({
      %run_scoped3A = tpu.sem_alloc : memref<!tpu.dma_semaphore, #tpu.memory_space<semaphore_mem>>
      %dma_start3A_73 = arith.constant 0 : i32
      %dma_start3A_74 = tpu.memref_slice %arg10[%mul3A_2, %dma_start3A_73] : memref<10000x64xf32, #tpu.memory_space<vmem_shared>> -> memref<640x64xf32, #tpu.memory_space<vmem_shared>>
      tpu.enqueue_dma source(%arg5 : memref<640x64xf32, #tpu.memory_space<hbm>>) target(%dma_start3A_74 : memref<640x64xf32, #tpu.memory_space<vmem_shared>>) target_semaphore(%run_scoped3A : memref<!tpu.dma_semaphore, #tpu.memory_space<semaphore_mem>>)
      %dma_wait3A = arith.constant 0 : i32
      %dma_wait3A_75 = tpu.memref_slice %arg10[%mul3A_2, %dma_wait3A] : memref<10000x64xf32, #tpu.memory_space<vmem_shared>> -> memref<640x64xf32, #tpu.memory_space<vmem_shared>>
      tpu.wait_dma2 semaphore(%run_scoped3A : memref<!tpu.dma_semaphore, #tpu.memory_space<semaphore_mem>>) src(%arg5 : memref<640x64xf32, #tpu.memory_space<hbm>>) dst(%dma_wait3A_75 : memref<640x64xf32, #tpu.memory_space<vmem_shared>>)
      tpu.yield
    }) : () -> ()
    "tpu.region"() ({
      %run_scoped3A = tpu.sem_alloc : memref<!tpu.dma_semaphore, #tpu.memory_space<semaphore_mem>>
      %dma_start3A_73 = arith.constant 0 : i32
      %dma_start3A_74 = arith.constant 0 : i32
      %dma_start3A_75 = tpu.memref_slice %arg2[%add3A, %dma_start3A_73, %dma_start3A_74] : memref<32x125x80xi32, #tpu.memory_space<hbm>> -> memref<1x125x80xi32, #tpu.memory_space<hbm>>
      %dma_start3A_76 = tpu.memref_squeeze %dma_start3A_75 : memref<1x125x80xi32, #tpu.memory_space<hbm>> -> memref<125x80xi32, #tpu.memory_space<hbm>>
      %dma_start3A_77 = arith.constant 0 : i32
      %dma_start3A_78 = arith.constant 0 : i32
      %dma_start3A_79 = tpu.memref_slice %arg2[%add3A, %dma_start3A_77, %dma_start3A_78] : memref<32x125x80xi32, #tpu.memory_space<hbm>> -> memref<1x125x80xi32, #tpu.memory_space<hbm>>
      %dma_start3A_80 = tpu.memref_squeeze %dma_start3A_79 : memref<1x125x80xi32, #tpu.memory_space<hbm>> -> memref<125x80xi32, #tpu.memory_space<hbm>>
      tpu.enqueue_dma source(%dma_start3A_80 : memref<125x80xi32, #tpu.memory_space<hbm>>) target(%arg7 : memref<125x80xi32, #tpu.memory_space<vmem>>) target_semaphore(%run_scoped3A : memref<!tpu.dma_semaphore, #tpu.memory_space<semaphore_mem>>)
      %dma_wait3A = arith.constant 0 : i32
      %dma_wait3A_81 = arith.constant 0 : i32
      %dma_wait3A_82 = tpu.memref_slice %arg2[%add3A, %dma_wait3A, %dma_wait3A_81] : memref<32x125x80xi32, #tpu.memory_space<hbm>> -> memref<1x125x80xi32, #tpu.memory_space<hbm>>
      %dma_wait3A_83 = tpu.memref_squeeze %dma_wait3A_82 : memref<1x125x80xi32, #tpu.memory_space<hbm>> -> memref<125x80xi32, #tpu.memory_space<hbm>>
      %dma_wait3A_84 = arith.constant 0 : i32
      %dma_wait3A_85 = arith.constant 0 : i32
      %dma_wait3A_86 = tpu.memref_slice %arg2[%add3A, %dma_wait3A_84, %dma_wait3A_85] : memref<32x125x80xi32, #tpu.memory_space<hbm>> -> memref<1x125x80xi32, #tpu.memory_space<hbm>>
      %dma_wait3A_87 = tpu.memref_squeeze %dma_wait3A_86 : memref<1x125x80xi32, #tpu.memory_space<hbm>> -> memref<125x80xi32, #tpu.memory_space<hbm>>
      tpu.wait_dma2 semaphore(%run_scoped3A : memref<!tpu.dma_semaphore, #tpu.memory_space<semaphore_mem>>) src(%dma_wait3A_87 : memref<125x80xi32, #tpu.memory_space<hbm>>) dst(%arg7 : memref<125x80xi32, #tpu.memory_space<vmem>>)
      tpu.yield
    }) : () -> ()
    "tpu.region"() ({
      %run_scoped3A = tpu.sem_alloc : memref<!tpu.dma_semaphore, #tpu.memory_space<semaphore_mem>>
      %dma_start3A_73 = arith.constant 0 : i32
      %dma_start3A_74 = arith.constant 0 : i32
      %dma_start3A_75 = tpu.memref_slice %arg3[%add3A, %dma_start3A_73, %dma_start3A_74] : memref<32x125x80xi32, #tpu.memory_space<hbm>> -> memref<1x125x80xi32, #tpu.memory_space<hbm>>
      %dma_start3A_76 = tpu.memref_squeeze %dma_start3A_75 : memref<1x125x80xi32, #tpu.memory_space<hbm>> -> memref<125x80xi32, #tpu.memory_space<hbm>>
      %dma_start3A_77 = arith.constant 0 : i32
      %dma_start3A_78 = arith.constant 0 : i32
      %dma_start3A_79 = tpu.memref_slice %arg3[%add3A, %dma_start3A_77, %dma_start3A_78] : memref<32x125x80xi32, #tpu.memory_space<hbm>> -> memref<1x125x80xi32, #tpu.memory_space<hbm>>
      %dma_start3A_80 = tpu.memref_squeeze %dma_start3A_79 : memref<1x125x80xi32, #tpu.memory_space<hbm>> -> memref<125x80xi32, #tpu.memory_space<hbm>>
      tpu.enqueue_dma source(%dma_start3A_80 : memref<125x80xi32, #tpu.memory_space<hbm>>) target(%arg8 : memref<125x80xi32, #tpu.memory_space<vmem>>) target_semaphore(%run_scoped3A : memref<!tpu.dma_semaphore, #tpu.memory_space<semaphore_mem>>)
      %dma_wait3A = arith.constant 0 : i32
      %dma_wait3A_81 = arith.constant 0 : i32
      %dma_wait3A_82 = tpu.memref_slice %arg3[%add3A, %dma_wait3A, %dma_wait3A_81] : memref<32x125x80xi32, #tpu.memory_space<hbm>> -> memref<1x125x80xi32, #tpu.memory_space<hbm>>
      %dma_wait3A_83 = tpu.memref_squeeze %dma_wait3A_82 : memref<1x125x80xi32, #tpu.memory_space<hbm>> -> memref<125x80xi32, #tpu.memory_space<hbm>>
      %dma_wait3A_84 = arith.constant 0 : i32
      %dma_wait3A_85 = arith.constant 0 : i32
      %dma_wait3A_86 = tpu.memref_slice %arg3[%add3A, %dma_wait3A_84, %dma_wait3A_85] : memref<32x125x80xi32, #tpu.memory_space<hbm>> -> memref<1x125x80xi32, #tpu.memory_space<hbm>>
      %dma_wait3A_87 = tpu.memref_squeeze %dma_wait3A_86 : memref<1x125x80xi32, #tpu.memory_space<hbm>> -> memref<125x80xi32, #tpu.memory_space<hbm>>
      tpu.wait_dma2 semaphore(%run_scoped3A : memref<!tpu.dma_semaphore, #tpu.memory_space<semaphore_mem>>) src(%dma_wait3A_87 : memref<125x80xi32, #tpu.memory_space<hbm>>) dst(%arg8 : memref<125x80xi32, #tpu.memory_space<vmem>>)
      tpu.yield
    }) : () -> ()
    %barrier3A = arith.constant 0 : index
    tpu.barrier barrier_id(%barrier3A)
    %dma_start3A = arith.constant 0 : i32
    %dma_start3A_3 = arith.constant 0 : i32
    %dma_start3A_4 = arith.constant 0 : i32
    %dma_start3A_5 = arith.constant 0 : i32
    %dma_start3A_6 = tpu.memref_slice %arg9[%dma_start3A_3, %dma_start3A_4, %dma_start3A_5] : memref<5x80x64xf32, #tpu.memory_space<vmem>> -> memref<1x80x64xf32, #tpu.memory_space<vmem>>
    %dma_start3A_7 = tpu.memref_squeeze %dma_start3A_6 : memref<1x80x64xf32, #tpu.memory_space<vmem>> -> memref<80x64xf32, #tpu.memory_space<vmem>>
    %dma_start3A_8 = arith.constant 0 : i32
    %dma_start3A_9 = tpu.memref_slice %arg7[%dma_start3A, %dma_start3A_8] : memref<125x80xi32, #tpu.memory_space<vmem>> -> memref<1x80xi32, #tpu.memory_space<vmem>>
    %dma_start3A_10 = tpu.memref_squeeze %dma_start3A_9 : memref<1x80xi32, #tpu.memory_space<vmem>> -> memref<80xi32, #tpu.memory_space<vmem>>
    %dma_start3A_11 = arith.constant 0 : i32
    %dma_start3A_12 = arith.constant 0 : i32
    %dma_start3A_13 = tpu.memref_slice %arg4[%dma_start3A_11, %dma_start3A_12] : memref<10000x64xf32, #tpu.memory_space<hbm>> -> memref<10000x64xf32, #tpu.memory_space<hbm>>
    tpu.enqueue_indirect_dma source(%dma_start3A_13 : memref<10000x64xf32, #tpu.memory_space<hbm>>) target(%dma_start3A_7 : memref<80x64xf32, #tpu.memory_space<vmem>>) offsets(%dma_start3A_10 : memref<80xi32, #tpu.memory_space<vmem>>) semaphore(%arg11 : memref<!tpu.dma_semaphore, #tpu.memory_space<semaphore_mem>>)
    %dma_start3A_14 = arith.constant 1 : i32
    %dma_start3A_15 = arith.constant 1 : i32
    %dma_start3A_16 = arith.constant 0 : i32
    %dma_start3A_17 = arith.constant 0 : i32
    %dma_start3A_18 = tpu.memref_slice %arg9[%dma_start3A_15, %dma_start3A_16, %dma_start3A_17] : memref<5x80x64xf32, #tpu.memory_space<vmem>> -> memref<1x80x64xf32, #tpu.memory_space<vmem>>
    %dma_start3A_19 = tpu.memref_squeeze %dma_start3A_18 : memref<1x80x64xf32, #tpu.memory_space<vmem>> -> memref<80x64xf32, #tpu.memory_space<vmem>>
    %dma_start3A_20 = arith.constant 0 : i32
    %dma_start3A_21 = tpu.memref_slice %arg7[%dma_start3A_14, %dma_start3A_20] : memref<125x80xi32, #tpu.memory_space<vmem>> -> memref<1x80xi32, #tpu.memory_space<vmem>>
    %dma_start3A_22 = tpu.memref_squeeze %dma_start3A_21 : memref<1x80xi32, #tpu.memory_space<vmem>> -> memref<80xi32, #tpu.memory_space<vmem>>
    %dma_start3A_23 = arith.constant 0 : i32
    %dma_start3A_24 = arith.constant 0 : i32
    %dma_start3A_25 = tpu.memref_slice %arg4[%dma_start3A_23, %dma_start3A_24] : memref<10000x64xf32, #tpu.memory_space<hbm>> -> memref<10000x64xf32, #tpu.memory_space<hbm>>
    tpu.enqueue_indirect_dma source(%dma_start3A_25 : memref<10000x64xf32, #tpu.memory_space<hbm>>) target(%dma_start3A_19 : memref<80x64xf32, #tpu.memory_space<vmem>>) offsets(%dma_start3A_22 : memref<80xi32, #tpu.memory_space<vmem>>) semaphore(%arg12 : memref<!tpu.dma_semaphore, #tpu.memory_space<semaphore_mem>>)
    %dma_start3A_26 = arith.constant 2 : i32
    %dma_start3A_27 = arith.constant 2 : i32
    %dma_start3A_28 = arith.constant 0 : i32
    %dma_start3A_29 = arith.constant 0 : i32
    %dma_start3A_30 = tpu.memref_slice %arg9[%dma_start3A_27, %dma_start3A_28, %dma_start3A_29] : memref<5x80x64xf32, #tpu.memory_space<vmem>> -> memref<1x80x64xf32, #tpu.memory_space<vmem>>
    %dma_start3A_31 = tpu.memref_squeeze %dma_start3A_30 : memref<1x80x64xf32, #tpu.memory_space<vmem>> -> memref<80x64xf32, #tpu.memory_space<vmem>>
    %dma_start3A_32 = arith.constant 0 : i32
    %dma_start3A_33 = tpu.memref_slice %arg7[%dma_start3A_26, %dma_start3A_32] : memref<125x80xi32, #tpu.memory_space<vmem>> -> memref<1x80xi32, #tpu.memory_space<vmem>>
    %dma_start3A_34 = tpu.memref_squeeze %dma_start3A_33 : memref<1x80xi32, #tpu.memory_space<vmem>> -> memref<80xi32, #tpu.memory_space<vmem>>
    %dma_start3A_35 = arith.constant 0 : i32
    %dma_start3A_36 = arith.constant 0 : i32
    %dma_start3A_37 = tpu.memref_slice %arg4[%dma_start3A_35, %dma_start3A_36] : memref<10000x64xf32, #tpu.memory_space<hbm>> -> memref<10000x64xf32, #tpu.memory_space<hbm>>
    tpu.enqueue_indirect_dma source(%dma_start3A_37 : memref<10000x64xf32, #tpu.memory_space<hbm>>) target(%dma_start3A_31 : memref<80x64xf32, #tpu.memory_space<vmem>>) offsets(%dma_start3A_34 : memref<80xi32, #tpu.memory_space<vmem>>) semaphore(%arg13 : memref<!tpu.dma_semaphore, #tpu.memory_space<semaphore_mem>>)
    %dma_start3A_38 = arith.constant 3 : i32
    %dma_start3A_39 = arith.constant 3 : i32
    %dma_start3A_40 = arith.constant 0 : i32
    %dma_start3A_41 = arith.constant 0 : i32
    %dma_start3A_42 = tpu.memref_slice %arg9[%dma_start3A_39, %dma_start3A_40, %dma_start3A_41] : memref<5x80x64xf32, #tpu.memory_space<vmem>> -> memref<1x80x64xf32, #tpu.memory_space<vmem>>
    %dma_start3A_43 = tpu.memref_squeeze %dma_start3A_42 : memref<1x80x64xf32, #tpu.memory_space<vmem>> -> memref<80x64xf32, #tpu.memory_space<vmem>>
    %dma_start3A_44 = arith.constant 0 : i32
    %dma_start3A_45 = tpu.memref_slice %arg7[%dma_start3A_38, %dma_start3A_44] : memref<125x80xi32, #tpu.memory_space<vmem>> -> memref<1x80xi32, #tpu.memory_space<vmem>>
    %dma_start3A_46 = tpu.memref_squeeze %dma_start3A_45 : memref<1x80xi32, #tpu.memory_space<vmem>> -> memref<80xi32, #tpu.memory_space<vmem>>
    %dma_start3A_47 = arith.constant 0 : i32
    %dma_start3A_48 = arith.constant 0 : i32
    %dma_start3A_49 = tpu.memref_slice %arg4[%dma_start3A_47, %dma_start3A_48] : memref<10000x64xf32, #tpu.memory_space<hbm>> -> memref<10000x64xf32, #tpu.memory_space<hbm>>
    tpu.enqueue_indirect_dma source(%dma_start3A_49 : memref<10000x64xf32, #tpu.memory_space<hbm>>) target(%dma_start3A_43 : memref<80x64xf32, #tpu.memory_space<vmem>>) offsets(%dma_start3A_46 : memref<80xi32, #tpu.memory_space<vmem>>) semaphore(%arg14 : memref<!tpu.dma_semaphore, #tpu.memory_space<semaphore_mem>>)
    %dma_start3A_50 = arith.constant 4 : i32
    %dma_start3A_51 = arith.constant 4 : i32
    %dma_start3A_52 = arith.constant 0 : i32
    %dma_start3A_53 = arith.constant 0 : i32
    %dma_start3A_54 = tpu.memref_slice %arg9[%dma_start3A_51, %dma_start3A_52, %dma_start3A_53] : memref<5x80x64xf32, #tpu.memory_space<vmem>> -> memref<1x80x64xf32, #tpu.memory_space<vmem>>
    %dma_start3A_55 = tpu.memref_squeeze %dma_start3A_54 : memref<1x80x64xf32, #tpu.memory_space<vmem>> -> memref<80x64xf32, #tpu.memory_space<vmem>>
    %dma_start3A_56 = arith.constant 0 : i32
    %dma_start3A_57 = tpu.memref_slice %arg7[%dma_start3A_50, %dma_start3A_56] : memref<125x80xi32, #tpu.memory_space<vmem>> -> memref<1x80xi32, #tpu.memory_space<vmem>>
    %dma_start3A_58 = tpu.memref_squeeze %dma_start3A_57 : memref<1x80xi32, #tpu.memory_space<vmem>> -> memref<80xi32, #tpu.memory_space<vmem>>
    %dma_start3A_59 = arith.constant 0 : i32
    %dma_start3A_60 = arith.constant 0 : i32
    %dma_start3A_61 = tpu.memref_slice %arg4[%dma_start3A_59, %dma_start3A_60] : memref<10000x64xf32, #tpu.memory_space<hbm>> -> memref<10000x64xf32, #tpu.memory_space<hbm>>
    tpu.enqueue_indirect_dma source(%dma_start3A_61 : memref<10000x64xf32, #tpu.memory_space<hbm>>) target(%dma_start3A_55 : memref<80x64xf32, #tpu.memory_space<vmem>>) offsets(%dma_start3A_58 : memref<80xi32, #tpu.memory_space<vmem>>) semaphore(%arg15 : memref<!tpu.dma_semaphore, #tpu.memory_space<semaphore_mem>>)
    %scan3A = arith.constant 0 : i32
    %scan3A_62 = arith.constant 0 : i32
    %scan3A_63 = arith.constant 25 : i32
    %scan3A_64 = arith.addi %scan3A_62, %scan3A_63 : i32
    %scan3A_65 = arith.constant 1 : i32
    scf.for %scan3A_73 = %scan3A_62 to %scan3A_64 step %scan3A_65  : i32 {
      %mul3A_74 = arith.constant 5 : i32
      %mul3A_75 = arith.muli %scan3A_73, %mul3A_74 : i32
      %add3A_76 = arith.constant 0 : i32
      %add3A_77 = arith.addi %mul3A_75, %add3A_76 : i32
      %dma_wait3A = arith.constant 0 : i32
      %dma_wait3A_78 = arith.constant 0 : i32
      %dma_wait3A_79 = arith.constant 0 : i32
      %dma_wait3A_80 = tpu.memref_slice %arg9[%dma_wait3A, %dma_wait3A_78, %dma_wait3A_79] : memref<5x80x64xf32, #tpu.memory_space<vmem>> -> memref<1x80x64xf32, #tpu.memory_space<vmem>>
      %dma_wait3A_81 = tpu.memref_squeeze %dma_wait3A_80 : memref<1x80x64xf32, #tpu.memory_space<vmem>> -> memref<80x64xf32, #tpu.memory_space<vmem>>
      %dma_wait3A_82 = arith.constant 0 : i32
      %dma_wait3A_83 = tpu.memref_slice %arg7[%add3A_77, %dma_wait3A_82] : memref<125x80xi32, #tpu.memory_space<vmem>> -> memref<1x80xi32, #tpu.memory_space<vmem>>
      %dma_wait3A_84 = tpu.memref_squeeze %dma_wait3A_83 : memref<1x80xi32, #tpu.memory_space<vmem>> -> memref<80xi32, #tpu.memory_space<vmem>>
      %dma_wait3A_85 = arith.constant 0 : i32
      %dma_wait3A_86 = arith.constant 0 : i32
      %dma_wait3A_87 = tpu.memref_slice %arg4[%dma_wait3A_85, %dma_wait3A_86] : memref<10000x64xf32, #tpu.memory_space<hbm>> -> memref<10000x64xf32, #tpu.memory_space<hbm>>
      tpu.wait_indirect_dma semaphore(%arg11 : memref<!tpu.dma_semaphore, #tpu.memory_space<semaphore_mem>>) src(%dma_wait3A_87 : memref<10000x64xf32, #tpu.memory_space<hbm>>) dst(%dma_wait3A_81 : memref<80x64xf32, #tpu.memory_space<vmem>>)
      %dma_start3A_88 = arith.constant 0 : i32
      %dma_start3A_89 = arith.constant 0 : i32
      %dma_start3A_90 = arith.constant 0 : i32
      %dma_start3A_91 = tpu.memref_slice %arg9[%dma_start3A_88, %dma_start3A_89, %dma_start3A_90] : memref<5x80x64xf32, #tpu.memory_space<vmem>> -> memref<1x80x64xf32, #tpu.memory_space<vmem>>
      %dma_start3A_92 = tpu.memref_squeeze %dma_start3A_91 : memref<1x80x64xf32, #tpu.memory_space<vmem>> -> memref<80x64xf32, #tpu.memory_space<vmem>>
      %dma_start3A_93 = arith.constant 0 : i32
      %dma_start3A_94 = tpu.memref_slice %arg8[%add3A_77, %dma_start3A_93] : memref<125x80xi32, #tpu.memory_space<vmem>> -> memref<1x80xi32, #tpu.memory_space<vmem>>
      %dma_start3A_95 = tpu.memref_squeeze %dma_start3A_94 : memref<1x80xi32, #tpu.memory_space<vmem>> -> memref<80xi32, #tpu.memory_space<vmem>>
      %dma_start3A_96 = arith.constant 0 : i32
      %dma_start3A_97 = arith.constant 0 : i32
      %dma_start3A_98 = tpu.memref_slice %arg10[%dma_start3A_96, %dma_start3A_97] : memref<10000x64xf32, #tpu.memory_space<vmem_shared>> -> memref<10000x64xf32, #tpu.memory_space<vmem_shared>>
      tpu.enqueue_indirect_dma source(%dma_start3A_92 : memref<80x64xf32, #tpu.memory_space<vmem>>) target(%dma_start3A_98 : memref<10000x64xf32, #tpu.memory_space<vmem_shared>>) offsets(%dma_start3A_95 : memref<80xi32, #tpu.memory_space<vmem>>) semaphore(%arg16 : memref<!tpu.dma_semaphore, #tpu.memory_space<semaphore_mem>>) {add = true}
      %dma_wait3A_99 = arith.constant 0 : i32
      %dma_wait3A_100 = arith.constant 0 : i32
      %dma_wait3A_101 = arith.constant 0 : i32
      %dma_wait3A_102 = tpu.memref_slice %arg9[%dma_wait3A_99, %dma_wait3A_100, %dma_wait3A_101] : memref<5x80x64xf32, #tpu.memory_space<vmem>> -> memref<1x80x64xf32, #tpu.memory_space<vmem>>
      %dma_wait3A_103 = tpu.memref_squeeze %dma_wait3A_102 : memref<1x80x64xf32, #tpu.memory_space<vmem>> -> memref<80x64xf32, #tpu.memory_space<vmem>>
      %dma_wait3A_104 = arith.constant 0 : i32
      %dma_wait3A_105 = tpu.memref_slice %arg8[%add3A_77, %dma_wait3A_104] : memref<125x80xi32, #tpu.memory_space<vmem>> -> memref<1x80xi32, #tpu.memory_space<vmem>>
      %dma_wait3A_106 = tpu.memref_squeeze %dma_wait3A_105 : memref<1x80xi32, #tpu.memory_space<vmem>> -> memref<80xi32, #tpu.memory_space<vmem>>
      %dma_wait3A_107 = arith.constant 0 : i32
      %dma_wait3A_108 = arith.constant 0 : i32
      %dma_wait3A_109 = tpu.memref_slice %arg10[%dma_wait3A_107, %dma_wait3A_108] : memref<10000x64xf32, #tpu.memory_space<vmem_shared>> -> memref<10000x64xf32, #tpu.memory_space<vmem_shared>>
      tpu.wait_indirect_dma semaphore(%arg16 : memref<!tpu.dma_semaphore, #tpu.memory_space<semaphore_mem>>) src(%dma_wait3A_103 : memref<80x64xf32, #tpu.memory_space<vmem>>) dst(%dma_wait3A_109 : memref<10000x64xf32, #tpu.memory_space<vmem_shared>>)
      %add3A_110 = arith.constant 5 : i32
      %add3A_111 = arith.addi %add3A_77, %add3A_110 : i32
      %lt3A = arith.constant 125 : i32
      %lt3A_112 = arith.cmpi slt, %add3A_111, %lt3A : i32
      %convert_element_type3A = arith.extui %lt3A_112 : i1 to i32
      %cond3A = arith.constant 0 : i32
      %cond3A_113 = arith.cmpi ne, %convert_element_type3A, %cond3A : i32
      scf.if %cond3A_113 {
        %dma_start3A_290 = arith.constant 0 : i32
        %dma_start3A_291 = arith.constant 0 : i32
        %dma_start3A_292 = arith.constant 0 : i32
        %dma_start3A_293 = tpu.memref_slice %arg9[%dma_start3A_290, %dma_start3A_291, %dma_start3A_292] : memref<5x80x64xf32, #tpu.memory_space<vmem>> -> memref<1x80x64xf32, #tpu.memory_space<vmem>>
        %dma_start3A_294 = tpu.memref_squeeze %dma_start3A_293 : memref<1x80x64xf32, #tpu.memory_space<vmem>> -> memref<80x64xf32, #tpu.memory_space<vmem>>
        %dma_start3A_295 = arith.constant 0 : i32
        %dma_start3A_296 = tpu.memref_slice %arg7[%add3A_111, %dma_start3A_295] : memref<125x80xi32, #tpu.memory_space<vmem>> -> memref<1x80xi32, #tpu.memory_space<vmem>>
        %dma_start3A_297 = tpu.memref_squeeze %dma_start3A_296 : memref<1x80xi32, #tpu.memory_space<vmem>> -> memref<80xi32, #tpu.memory_space<vmem>>
        %dma_start3A_298 = arith.constant 0 : i32
        %dma_start3A_299 = arith.constant 0 : i32
        %dma_start3A_300 = tpu.memref_slice %arg4[%dma_start3A_298, %dma_start3A_299] : memref<10000x64xf32, #tpu.memory_space<hbm>> -> memref<10000x64xf32, #tpu.memory_space<hbm>>
        tpu.enqueue_indirect_dma source(%dma_start3A_300 : memref<10000x64xf32, #tpu.memory_space<hbm>>) target(%dma_start3A_294 : memref<80x64xf32, #tpu.memory_space<vmem>>) offsets(%dma_start3A_297 : memref<80xi32, #tpu.memory_space<vmem>>) semaphore(%arg11 : memref<!tpu.dma_semaphore, #tpu.memory_space<semaphore_mem>>)
      } else {
      }
      %mul3A_114 = arith.constant 5 : i32
      %mul3A_115 = arith.muli %scan3A_73, %mul3A_114 : i32
      %add3A_116 = arith.constant 1 : i32
      %add3A_117 = arith.addi %mul3A_115, %add3A_116 : i32
      %dma_wait3A_118 = arith.constant 1 : i32
      %dma_wait3A_119 = arith.constant 0 : i32
      %dma_wait3A_120 = arith.constant 0 : i32
      %dma_wait3A_121 = tpu.memref_slice %arg9[%dma_wait3A_118, %dma_wait3A_119, %dma_wait3A_120] : memref<5x80x64xf32, #tpu.memory_space<vmem>> -> memref<1x80x64xf32, #tpu.memory_space<vmem>>
      %dma_wait3A_122 = tpu.memref_squeeze %dma_wait3A_121 : memref<1x80x64xf32, #tpu.memory_space<vmem>> -> memref<80x64xf32, #tpu.memory_space<vmem>>
      %dma_wait3A_123 = arith.constant 0 : i32
      %dma_wait3A_124 = tpu.memref_slice %arg7[%add3A_117, %dma_wait3A_123] : memref<125x80xi32, #tpu.memory_space<vmem>> -> memref<1x80xi32, #tpu.memory_space<vmem>>
      %dma_wait3A_125 = tpu.memref_squeeze %dma_wait3A_124 : memref<1x80xi32, #tpu.memory_space<vmem>> -> memref<80xi32, #tpu.memory_space<vmem>>
      %dma_wait3A_126 = arith.constant 0 : i32
      %dma_wait3A_127 = arith.constant 0 : i32
      %dma_wait3A_128 = tpu.memref_slice %arg4[%dma_wait3A_126, %dma_wait3A_127] : memref<10000x64xf32, #tpu.memory_space<hbm>> -> memref<10000x64xf32, #tpu.memory_space<hbm>>
      tpu.wait_indirect_dma semaphore(%arg12 : memref<!tpu.dma_semaphore, #tpu.memory_space<semaphore_mem>>) src(%dma_wait3A_128 : memref<10000x64xf32, #tpu.memory_space<hbm>>) dst(%dma_wait3A_122 : memref<80x64xf32, #tpu.memory_space<vmem>>)
      %dma_start3A_129 = arith.constant 1 : i32
      %dma_start3A_130 = arith.constant 0 : i32
      %dma_start3A_131 = arith.constant 0 : i32
      %dma_start3A_132 = tpu.memref_slice %arg9[%dma_start3A_129, %dma_start3A_130, %dma_start3A_131] : memref<5x80x64xf32, #tpu.memory_space<vmem>> -> memref<1x80x64xf32, #tpu.memory_space<vmem>>
      %dma_start3A_133 = tpu.memref_squeeze %dma_start3A_132 : memref<1x80x64xf32, #tpu.memory_space<vmem>> -> memref<80x64xf32, #tpu.memory_space<vmem>>
      %dma_start3A_134 = arith.constant 0 : i32
      %dma_start3A_135 = tpu.memref_slice %arg8[%add3A_117, %dma_start3A_134] : memref<125x80xi32, #tpu.memory_space<vmem>> -> memref<1x80xi32, #tpu.memory_space<vmem>>
      %dma_start3A_136 = tpu.memref_squeeze %dma_start3A_135 : memref<1x80xi32, #tpu.memory_space<vmem>> -> memref<80xi32, #tpu.memory_space<vmem>>
      %dma_start3A_137 = arith.constant 0 : i32
      %dma_start3A_138 = arith.constant 0 : i32
      %dma_start3A_139 = tpu.memref_slice %arg10[%dma_start3A_137, %dma_start3A_138] : memref<10000x64xf32, #tpu.memory_space<vmem_shared>> -> memref<10000x64xf32, #tpu.memory_space<vmem_shared>>
      tpu.enqueue_indirect_dma source(%dma_start3A_133 : memref<80x64xf32, #tpu.memory_space<vmem>>) target(%dma_start3A_139 : memref<10000x64xf32, #tpu.memory_space<vmem_shared>>) offsets(%dma_start3A_136 : memref<80xi32, #tpu.memory_space<vmem>>) semaphore(%arg16 : memref<!tpu.dma_semaphore, #tpu.memory_space<semaphore_mem>>) {add = true}
      %dma_wait3A_140 = arith.constant 1 : i32
      %dma_wait3A_141 = arith.constant 0 : i32
      %dma_wait3A_142 = arith.constant 0 : i32
      %dma_wait3A_143 = tpu.memref_slice %arg9[%dma_wait3A_140, %dma_wait3A_141, %dma_wait3A_142] : memref<5x80x64xf32, #tpu.memory_space<vmem>> -> memref<1x80x64xf32, #tpu.memory_space<vmem>>
      %dma_wait3A_144 = tpu.memref_squeeze %dma_wait3A_143 : memref<1x80x64xf32, #tpu.memory_space<vmem>> -> memref<80x64xf32, #tpu.memory_space<vmem>>
      %dma_wait3A_145 = arith.constant 0 : i32
      %dma_wait3A_146 = tpu.memref_slice %arg8[%add3A_117, %dma_wait3A_145] : memref<125x80xi32, #tpu.memory_space<vmem>> -> memref<1x80xi32, #tpu.memory_space<vmem>>
      %dma_wait3A_147 = tpu.memref_squeeze %dma_wait3A_146 : memref<1x80xi32, #tpu.memory_space<vmem>> -> memref<80xi32, #tpu.memory_space<vmem>>
      %dma_wait3A_148 = arith.constant 0 : i32
      %dma_wait3A_149 = arith.constant 0 : i32
      %dma_wait3A_150 = tpu.memref_slice %arg10[%dma_wait3A_148, %dma_wait3A_149] : memref<10000x64xf32, #tpu.memory_space<vmem_shared>> -> memref<10000x64xf32, #tpu.memory_space<vmem_shared>>
      tpu.wait_indirect_dma semaphore(%arg16 : memref<!tpu.dma_semaphore, #tpu.memory_space<semaphore_mem>>) src(%dma_wait3A_144 : memref<80x64xf32, #tpu.memory_space<vmem>>) dst(%dma_wait3A_150 : memref<10000x64xf32, #tpu.memory_space<vmem_shared>>)
      %add3A_151 = arith.constant 5 : i32
      %add3A_152 = arith.addi %add3A_117, %add3A_151 : i32
      %lt3A_153 = arith.constant 125 : i32
      %lt3A_154 = arith.cmpi slt, %add3A_152, %lt3A_153 : i32
      %convert_element_type3A_155 = arith.extui %lt3A_154 : i1 to i32
      %cond3A_156 = arith.constant 0 : i32
      %cond3A_157 = arith.cmpi ne, %convert_element_type3A_155, %cond3A_156 : i32
      scf.if %cond3A_157 {
        %dma_start3A_290 = arith.constant 1 : i32
        %dma_start3A_291 = arith.constant 0 : i32
        %dma_start3A_292 = arith.constant 0 : i32
        %dma_start3A_293 = tpu.memref_slice %arg9[%dma_start3A_290, %dma_start3A_291, %dma_start3A_292] : memref<5x80x64xf32, #tpu.memory_space<vmem>> -> memref<1x80x64xf32, #tpu.memory_space<vmem>>
        %dma_start3A_294 = tpu.memref_squeeze %dma_start3A_293 : memref<1x80x64xf32, #tpu.memory_space<vmem>> -> memref<80x64xf32, #tpu.memory_space<vmem>>
        %dma_start3A_295 = arith.constant 0 : i32
        %dma_start3A_296 = tpu.memref_slice %arg7[%add3A_152, %dma_start3A_295] : memref<125x80xi32, #tpu.memory_space<vmem>> -> memref<1x80xi32, #tpu.memory_space<vmem>>
        %dma_start3A_297 = tpu.memref_squeeze %dma_start3A_296 : memref<1x80xi32, #tpu.memory_space<vmem>> -> memref<80xi32, #tpu.memory_space<vmem>>
        %dma_start3A_298 = arith.constant 0 : i32
        %dma_start3A_299 = arith.constant 0 : i32
        %dma_start3A_300 = tpu.memref_slice %arg4[%dma_start3A_298, %dma_start3A_299] : memref<10000x64xf32, #tpu.memory_space<hbm>> -> memref<10000x64xf32, #tpu.memory_space<hbm>>
        tpu.enqueue_indirect_dma source(%dma_start3A_300 : memref<10000x64xf32, #tpu.memory_space<hbm>>) target(%dma_start3A_294 : memref<80x64xf32, #tpu.memory_space<vmem>>) offsets(%dma_start3A_297 : memref<80xi32, #tpu.memory_space<vmem>>) semaphore(%arg12 : memref<!tpu.dma_semaphore, #tpu.memory_space<semaphore_mem>>)
      } else {
      }
      %mul3A_158 = arith.constant 5 : i32
      %mul3A_159 = arith.muli %scan3A_73, %mul3A_158 : i32
      %add3A_160 = arith.constant 2 : i32
      %add3A_161 = arith.addi %mul3A_159, %add3A_160 : i32
      %dma_wait3A_162 = arith.constant 2 : i32
      %dma_wait3A_163 = arith.constant 0 : i32
      %dma_wait3A_164 = arith.constant 0 : i32
      %dma_wait3A_165 = tpu.memref_slice %arg9[%dma_wait3A_162, %dma_wait3A_163, %dma_wait3A_164] : memref<5x80x64xf32, #tpu.memory_space<vmem>> -> memref<1x80x64xf32, #tpu.memory_space<vmem>>
      %dma_wait3A_166 = tpu.memref_squeeze %dma_wait3A_165 : memref<1x80x64xf32, #tpu.memory_space<vmem>> -> memref<80x64xf32, #tpu.memory_space<vmem>>
      %dma_wait3A_167 = arith.constant 0 : i32
      %dma_wait3A_168 = tpu.memref_slice %arg7[%add3A_161, %dma_wait3A_167] : memref<125x80xi32, #tpu.memory_space<vmem>> -> memref<1x80xi32, #tpu.memory_space<vmem>>
      %dma_wait3A_169 = tpu.memref_squeeze %dma_wait3A_168 : memref<1x80xi32, #tpu.memory_space<vmem>> -> memref<80xi32, #tpu.memory_space<vmem>>
      %dma_wait3A_170 = arith.constant 0 : i32
      %dma_wait3A_171 = arith.constant 0 : i32
      %dma_wait3A_172 = tpu.memref_slice %arg4[%dma_wait3A_170, %dma_wait3A_171] : memref<10000x64xf32, #tpu.memory_space<hbm>> -> memref<10000x64xf32, #tpu.memory_space<hbm>>
      tpu.wait_indirect_dma semaphore(%arg13 : memref<!tpu.dma_semaphore, #tpu.memory_space<semaphore_mem>>) src(%dma_wait3A_172 : memref<10000x64xf32, #tpu.memory_space<hbm>>) dst(%dma_wait3A_166 : memref<80x64xf32, #tpu.memory_space<vmem>>)
      %dma_start3A_173 = arith.constant 2 : i32
      %dma_start3A_174 = arith.constant 0 : i32
      %dma_start3A_175 = arith.constant 0 : i32
      %dma_start3A_176 = tpu.memref_slice %arg9[%dma_start3A_173, %dma_start3A_174, %dma_start3A_175] : memref<5x80x64xf32, #tpu.memory_space<vmem>> -> memref<1x80x64xf32, #tpu.memory_space<vmem>>
      %dma_start3A_177 = tpu.memref_squeeze %dma_start3A_176 : memref<1x80x64xf32, #tpu.memory_space<vmem>> -> memref<80x64xf32, #tpu.memory_space<vmem>>
      %dma_start3A_178 = arith.constant 0 : i32
      %dma_start3A_179 = tpu.memref_slice %arg8[%add3A_161, %dma_start3A_178] : memref<125x80xi32, #tpu.memory_space<vmem>> -> memref<1x80xi32, #tpu.memory_space<vmem>>
      %dma_start3A_180 = tpu.memref_squeeze %dma_start3A_179 : memref<1x80xi32, #tpu.memory_space<vmem>> -> memref<80xi32, #tpu.memory_space<vmem>>
      %dma_start3A_181 = arith.constant 0 : i32
      %dma_start3A_182 = arith.constant 0 : i32
      %dma_start3A_183 = tpu.memref_slice %arg10[%dma_start3A_181, %dma_start3A_182] : memref<10000x64xf32, #tpu.memory_space<vmem_shared>> -> memref<10000x64xf32, #tpu.memory_space<vmem_shared>>
      tpu.enqueue_indirect_dma source(%dma_start3A_177 : memref<80x64xf32, #tpu.memory_space<vmem>>) target(%dma_start3A_183 : memref<10000x64xf32, #tpu.memory_space<vmem_shared>>) offsets(%dma_start3A_180 : memref<80xi32, #tpu.memory_space<vmem>>) semaphore(%arg16 : memref<!tpu.dma_semaphore, #tpu.memory_space<semaphore_mem>>) {add = true}
      %dma_wait3A_184 = arith.constant 2 : i32
      %dma_wait3A_185 = arith.constant 0 : i32
      %dma_wait3A_186 = arith.constant 0 : i32
      %dma_wait3A_187 = tpu.memref_slice %arg9[%dma_wait3A_184, %dma_wait3A_185, %dma_wait3A_186] : memref<5x80x64xf32, #tpu.memory_space<vmem>> -> memref<1x80x64xf32, #tpu.memory_space<vmem>>
      %dma_wait3A_188 = tpu.memref_squeeze %dma_wait3A_187 : memref<1x80x64xf32, #tpu.memory_space<vmem>> -> memref<80x64xf32, #tpu.memory_space<vmem>>
      %dma_wait3A_189 = arith.constant 0 : i32
      %dma_wait3A_190 = tpu.memref_slice %arg8[%add3A_161, %dma_wait3A_189] : memref<125x80xi32, #tpu.memory_space<vmem>> -> memref<1x80xi32, #tpu.memory_space<vmem>>
      %dma_wait3A_191 = tpu.memref_squeeze %dma_wait3A_190 : memref<1x80xi32, #tpu.memory_space<vmem>> -> memref<80xi32, #tpu.memory_space<vmem>>
      %dma_wait3A_192 = arith.constant 0 : i32
      %dma_wait3A_193 = arith.constant 0 : i32
      %dma_wait3A_194 = tpu.memref_slice %arg10[%dma_wait3A_192, %dma_wait3A_193] : memref<10000x64xf32, #tpu.memory_space<vmem_shared>> -> memref<10000x64xf32, #tpu.memory_space<vmem_shared>>
      tpu.wait_indirect_dma semaphore(%arg16 : memref<!tpu.dma_semaphore, #tpu.memory_space<semaphore_mem>>) src(%dma_wait3A_188 : memref<80x64xf32, #tpu.memory_space<vmem>>) dst(%dma_wait3A_194 : memref<10000x64xf32, #tpu.memory_space<vmem_shared>>)
      %add3A_195 = arith.constant 5 : i32
      %add3A_196 = arith.addi %add3A_161, %add3A_195 : i32
      %lt3A_197 = arith.constant 125 : i32
      %lt3A_198 = arith.cmpi slt, %add3A_196, %lt3A_197 : i32
      %convert_element_type3A_199 = arith.extui %lt3A_198 : i1 to i32
      %cond3A_200 = arith.constant 0 : i32
      %cond3A_201 = arith.cmpi ne, %convert_element_type3A_199, %cond3A_200 : i32
      scf.if %cond3A_201 {
        %dma_start3A_290 = arith.constant 2 : i32
        %dma_start3A_291 = arith.constant 0 : i32
        %dma_start3A_292 = arith.constant 0 : i32
        %dma_start3A_293 = tpu.memref_slice %arg9[%dma_start3A_290, %dma_start3A_291, %dma_start3A_292] : memref<5x80x64xf32, #tpu.memory_space<vmem>> -> memref<1x80x64xf32, #tpu.memory_space<vmem>>
        %dma_start3A_294 = tpu.memref_squeeze %dma_start3A_293 : memref<1x80x64xf32, #tpu.memory_space<vmem>> -> memref<80x64xf32, #tpu.memory_space<vmem>>
        %dma_start3A_295 = arith.constant 0 : i32
        %dma_start3A_296 = tpu.memref_slice %arg7[%add3A_196, %dma_start3A_295] : memref<125x80xi32, #tpu.memory_space<vmem>> -> memref<1x80xi32, #tpu.memory_space<vmem>>
        %dma_start3A_297 = tpu.memref_squeeze %dma_start3A_296 : memref<1x80xi32, #tpu.memory_space<vmem>> -> memref<80xi32, #tpu.memory_space<vmem>>
        %dma_start3A_298 = arith.constant 0 : i32
        %dma_start3A_299 = arith.constant 0 : i32
        %dma_start3A_300 = tpu.memref_slice %arg4[%dma_start3A_298, %dma_start3A_299] : memref<10000x64xf32, #tpu.memory_space<hbm>> -> memref<10000x64xf32, #tpu.memory_space<hbm>>
        tpu.enqueue_indirect_dma source(%dma_start3A_300 : memref<10000x64xf32, #tpu.memory_space<hbm>>) target(%dma_start3A_294 : memref<80x64xf32, #tpu.memory_space<vmem>>) offsets(%dma_start3A_297 : memref<80xi32, #tpu.memory_space<vmem>>) semaphore(%arg13 : memref<!tpu.dma_semaphore, #tpu.memory_space<semaphore_mem>>)
      } else {
      }
      %mul3A_202 = arith.constant 5 : i32
      %mul3A_203 = arith.muli %scan3A_73, %mul3A_202 : i32
      %add3A_204 = arith.constant 3 : i32
      %add3A_205 = arith.addi %mul3A_203, %add3A_204 : i32
      %dma_wait3A_206 = arith.constant 3 : i32
      %dma_wait3A_207 = arith.constant 0 : i32
      %dma_wait3A_208 = arith.constant 0 : i32
      %dma_wait3A_209 = tpu.memref_slice %arg9[%dma_wait3A_206, %dma_wait3A_207, %dma_wait3A_208] : memref<5x80x64xf32, #tpu.memory_space<vmem>> -> memref<1x80x64xf32, #tpu.memory_space<vmem>>
      %dma_wait3A_210 = tpu.memref_squeeze %dma_wait3A_209 : memref<1x80x64xf32, #tpu.memory_space<vmem>> -> memref<80x64xf32, #tpu.memory_space<vmem>>
      %dma_wait3A_211 = arith.constant 0 : i32
      %dma_wait3A_212 = tpu.memref_slice %arg7[%add3A_205, %dma_wait3A_211] : memref<125x80xi32, #tpu.memory_space<vmem>> -> memref<1x80xi32, #tpu.memory_space<vmem>>
      %dma_wait3A_213 = tpu.memref_squeeze %dma_wait3A_212 : memref<1x80xi32, #tpu.memory_space<vmem>> -> memref<80xi32, #tpu.memory_space<vmem>>
      %dma_wait3A_214 = arith.constant 0 : i32
      %dma_wait3A_215 = arith.constant 0 : i32
      %dma_wait3A_216 = tpu.memref_slice %arg4[%dma_wait3A_214, %dma_wait3A_215] : memref<10000x64xf32, #tpu.memory_space<hbm>> -> memref<10000x64xf32, #tpu.memory_space<hbm>>
      tpu.wait_indirect_dma semaphore(%arg14 : memref<!tpu.dma_semaphore, #tpu.memory_space<semaphore_mem>>) src(%dma_wait3A_216 : memref<10000x64xf32, #tpu.memory_space<hbm>>) dst(%dma_wait3A_210 : memref<80x64xf32, #tpu.memory_space<vmem>>)
      %dma_start3A_217 = arith.constant 3 : i32
      %dma_start3A_218 = arith.constant 0 : i32
      %dma_start3A_219 = arith.constant 0 : i32
      %dma_start3A_220 = tpu.memref_slice %arg9[%dma_start3A_217, %dma_start3A_218, %dma_start3A_219] : memref<5x80x64xf32, #tpu.memory_space<vmem>> -> memref<1x80x64xf32, #tpu.memory_space<vmem>>
      %dma_start3A_221 = tpu.memref_squeeze %dma_start3A_220 : memref<1x80x64xf32, #tpu.memory_space<vmem>> -> memref<80x64xf32, #tpu.memory_space<vmem>>
      %dma_start3A_222 = arith.constant 0 : i32
      %dma_start3A_223 = tpu.memref_slice %arg8[%add3A_205, %dma_start3A_222] : memref<125x80xi32, #tpu.memory_space<vmem>> -> memref<1x80xi32, #tpu.memory_space<vmem>>
      %dma_start3A_224 = tpu.memref_squeeze %dma_start3A_223 : memref<1x80xi32, #tpu.memory_space<vmem>> -> memref<80xi32, #tpu.memory_space<vmem>>
      %dma_start3A_225 = arith.constant 0 : i32
      %dma_start3A_226 = arith.constant 0 : i32
      %dma_start3A_227 = tpu.memref_slice %arg10[%dma_start3A_225, %dma_start3A_226] : memref<10000x64xf32, #tpu.memory_space<vmem_shared>> -> memref<10000x64xf32, #tpu.memory_space<vmem_shared>>
      tpu.enqueue_indirect_dma source(%dma_start3A_221 : memref<80x64xf32, #tpu.memory_space<vmem>>) target(%dma_start3A_227 : memref<10000x64xf32, #tpu.memory_space<vmem_shared>>) offsets(%dma_start3A_224 : memref<80xi32, #tpu.memory_space<vmem>>) semaphore(%arg16 : memref<!tpu.dma_semaphore, #tpu.memory_space<semaphore_mem>>) {add = true}
      %dma_wait3A_228 = arith.constant 3 : i32
      %dma_wait3A_229 = arith.constant 0 : i32
      %dma_wait3A_230 = arith.constant 0 : i32
      %dma_wait3A_231 = tpu.memref_slice %arg9[%dma_wait3A_228, %dma_wait3A_229, %dma_wait3A_230] : memref<5x80x64xf32, #tpu.memory_space<vmem>> -> memref<1x80x64xf32, #tpu.memory_space<vmem>>
      %dma_wait3A_232 = tpu.memref_squeeze %dma_wait3A_231 : memref<1x80x64xf32, #tpu.memory_space<vmem>> -> memref<80x64xf32, #tpu.memory_space<vmem>>
      %dma_wait3A_233 = arith.constant 0 : i32
      %dma_wait3A_234 = tpu.memref_slice %arg8[%add3A_205, %dma_wait3A_233] : memref<125x80xi32, #tpu.memory_space<vmem>> -> memref<1x80xi32, #tpu.memory_space<vmem>>
      %dma_wait3A_235 = tpu.memref_squeeze %dma_wait3A_234 : memref<1x80xi32, #tpu.memory_space<vmem>> -> memref<80xi32, #tpu.memory_space<vmem>>
      %dma_wait3A_236 = arith.constant 0 : i32
      %dma_wait3A_237 = arith.constant 0 : i32
      %dma_wait3A_238 = tpu.memref_slice %arg10[%dma_wait3A_236, %dma_wait3A_237] : memref<10000x64xf32, #tpu.memory_space<vmem_shared>> -> memref<10000x64xf32, #tpu.memory_space<vmem_shared>>
      tpu.wait_indirect_dma semaphore(%arg16 : memref<!tpu.dma_semaphore, #tpu.memory_space<semaphore_mem>>) src(%dma_wait3A_232 : memref<80x64xf32, #tpu.memory_space<vmem>>) dst(%dma_wait3A_238 : memref<10000x64xf32, #tpu.memory_space<vmem_shared>>)
      %add3A_239 = arith.constant 5 : i32
      %add3A_240 = arith.addi %add3A_205, %add3A_239 : i32
      %lt3A_241 = arith.constant 125 : i32
      %lt3A_242 = arith.cmpi slt, %add3A_240, %lt3A_241 : i32
      %convert_element_type3A_243 = arith.extui %lt3A_242 : i1 to i32
      %cond3A_244 = arith.constant 0 : i32
      %cond3A_245 = arith.cmpi ne, %convert_element_type3A_243, %cond3A_244 : i32
      scf.if %cond3A_245 {
        %dma_start3A_290 = arith.constant 3 : i32
        %dma_start3A_291 = arith.constant 0 : i32
        %dma_start3A_292 = arith.constant 0 : i32
        %dma_start3A_293 = tpu.memref_slice %arg9[%dma_start3A_290, %dma_start3A_291, %dma_start3A_292] : memref<5x80x64xf32, #tpu.memory_space<vmem>> -> memref<1x80x64xf32, #tpu.memory_space<vmem>>
        %dma_start3A_294 = tpu.memref_squeeze %dma_start3A_293 : memref<1x80x64xf32, #tpu.memory_space<vmem>> -> memref<80x64xf32, #tpu.memory_space<vmem>>
        %dma_start3A_295 = arith.constant 0 : i32
        %dma_start3A_296 = tpu.memref_slice %arg7[%add3A_240, %dma_start3A_295] : memref<125x80xi32, #tpu.memory_space<vmem>> -> memref<1x80xi32, #tpu.memory_space<vmem>>
        %dma_start3A_297 = tpu.memref_squeeze %dma_start3A_296 : memref<1x80xi32, #tpu.memory_space<vmem>> -> memref<80xi32, #tpu.memory_space<vmem>>
        %dma_start3A_298 = arith.constant 0 : i32
        %dma_start3A_299 = arith.constant 0 : i32
        %dma_start3A_300 = tpu.memref_slice %arg4[%dma_start3A_298, %dma_start3A_299] : memref<10000x64xf32, #tpu.memory_space<hbm>> -> memref<10000x64xf32, #tpu.memory_space<hbm>>
        tpu.enqueue_indirect_dma source(%dma_start3A_300 : memref<10000x64xf32, #tpu.memory_space<hbm>>) target(%dma_start3A_294 : memref<80x64xf32, #tpu.memory_space<vmem>>) offsets(%dma_start3A_297 : memref<80xi32, #tpu.memory_space<vmem>>) semaphore(%arg14 : memref<!tpu.dma_semaphore, #tpu.memory_space<semaphore_mem>>)
      } else {
      }
      %mul3A_246 = arith.constant 5 : i32
      %mul3A_247 = arith.muli %scan3A_73, %mul3A_246 : i32
      %add3A_248 = arith.constant 4 : i32
      %add3A_249 = arith.addi %mul3A_247, %add3A_248 : i32
      %dma_wait3A_250 = arith.constant 4 : i32
      %dma_wait3A_251 = arith.constant 0 : i32
      %dma_wait3A_252 = arith.constant 0 : i32
      %dma_wait3A_253 = tpu.memref_slice %arg9[%dma_wait3A_250, %dma_wait3A_251, %dma_wait3A_252] : memref<5x80x64xf32, #tpu.memory_space<vmem>> -> memref<1x80x64xf32, #tpu.memory_space<vmem>>
      %dma_wait3A_254 = tpu.memref_squeeze %dma_wait3A_253 : memref<1x80x64xf32, #tpu.memory_space<vmem>> -> memref<80x64xf32, #tpu.memory_space<vmem>>
      %dma_wait3A_255 = arith.constant 0 : i32
      %dma_wait3A_256 = tpu.memref_slice %arg7[%add3A_249, %dma_wait3A_255] : memref<125x80xi32, #tpu.memory_space<vmem>> -> memref<1x80xi32, #tpu.memory_space<vmem>>
      %dma_wait3A_257 = tpu.memref_squeeze %dma_wait3A_256 : memref<1x80xi32, #tpu.memory_space<vmem>> -> memref<80xi32, #tpu.memory_space<vmem>>
      %dma_wait3A_258 = arith.constant 0 : i32
      %dma_wait3A_259 = arith.constant 0 : i32
      %dma_wait3A_260 = tpu.memref_slice %arg4[%dma_wait3A_258, %dma_wait3A_259] : memref<10000x64xf32, #tpu.memory_space<hbm>> -> memref<10000x64xf32, #tpu.memory_space<hbm>>
      tpu.wait_indirect_dma semaphore(%arg15 : memref<!tpu.dma_semaphore, #tpu.memory_space<semaphore_mem>>) src(%dma_wait3A_260 : memref<10000x64xf32, #tpu.memory_space<hbm>>) dst(%dma_wait3A_254 : memref<80x64xf32, #tpu.memory_space<vmem>>)
      %dma_start3A_261 = arith.constant 4 : i32
      %dma_start3A_262 = arith.constant 0 : i32
      %dma_start3A_263 = arith.constant 0 : i32
      %dma_start3A_264 = tpu.memref_slice %arg9[%dma_start3A_261, %dma_start3A_262, %dma_start3A_263] : memref<5x80x64xf32, #tpu.memory_space<vmem>> -> memref<1x80x64xf32, #tpu.memory_space<vmem>>
      %dma_start3A_265 = tpu.memref_squeeze %dma_start3A_264 : memref<1x80x64xf32, #tpu.memory_space<vmem>> -> memref<80x64xf32, #tpu.memory_space<vmem>>
      %dma_start3A_266 = arith.constant 0 : i32
      %dma_start3A_267 = tpu.memref_slice %arg8[%add3A_249, %dma_start3A_266] : memref<125x80xi32, #tpu.memory_space<vmem>> -> memref<1x80xi32, #tpu.memory_space<vmem>>
      %dma_start3A_268 = tpu.memref_squeeze %dma_start3A_267 : memref<1x80xi32, #tpu.memory_space<vmem>> -> memref<80xi32, #tpu.memory_space<vmem>>
      %dma_start3A_269 = arith.constant 0 : i32
      %dma_start3A_270 = arith.constant 0 : i32
      %dma_start3A_271 = tpu.memref_slice %arg10[%dma_start3A_269, %dma_start3A_270] : memref<10000x64xf32, #tpu.memory_space<vmem_shared>> -> memref<10000x64xf32, #tpu.memory_space<vmem_shared>>
      tpu.enqueue_indirect_dma source(%dma_start3A_265 : memref<80x64xf32, #tpu.memory_space<vmem>>) target(%dma_start3A_271 : memref<10000x64xf32, #tpu.memory_space<vmem_shared>>) offsets(%dma_start3A_268 : memref<80xi32, #tpu.memory_space<vmem>>) semaphore(%arg16 : memref<!tpu.dma_semaphore, #tpu.memory_space<semaphore_mem>>) {add = true}
      %dma_wait3A_272 = arith.constant 4 : i32
      %dma_wait3A_273 = arith.constant 0 : i32
      %dma_wait3A_274 = arith.constant 0 : i32
      %dma_wait3A_275 = tpu.memref_slice %arg9[%dma_wait3A_272, %dma_wait3A_273, %dma_wait3A_274] : memref<5x80x64xf32, #tpu.memory_space<vmem>> -> memref<1x80x64xf32, #tpu.memory_space<vmem>>
      %dma_wait3A_276 = tpu.memref_squeeze %dma_wait3A_275 : memref<1x80x64xf32, #tpu.memory_space<vmem>> -> memref<80x64xf32, #tpu.memory_space<vmem>>
      %dma_wait3A_277 = arith.constant 0 : i32
      %dma_wait3A_278 = tpu.memref_slice %arg8[%add3A_249, %dma_wait3A_277] : memref<125x80xi32, #tpu.memory_space<vmem>> -> memref<1x80xi32, #tpu.memory_space<vmem>>
      %dma_wait3A_279 = tpu.memref_squeeze %dma_wait3A_278 : memref<1x80xi32, #tpu.memory_space<vmem>> -> memref<80xi32, #tpu.memory_space<vmem>>
      %dma_wait3A_280 = arith.constant 0 : i32
      %dma_wait3A_281 = arith.constant 0 : i32
      %dma_wait3A_282 = tpu.memref_slice %arg10[%dma_wait3A_280, %dma_wait3A_281] : memref<10000x64xf32, #tpu.memory_space<vmem_shared>> -> memref<10000x64xf32, #tpu.memory_space<vmem_shared>>
      tpu.wait_indirect_dma semaphore(%arg16 : memref<!tpu.dma_semaphore, #tpu.memory_space<semaphore_mem>>) src(%dma_wait3A_276 : memref<80x64xf32, #tpu.memory_space<vmem>>) dst(%dma_wait3A_282 : memref<10000x64xf32, #tpu.memory_space<vmem_shared>>)
      %add3A_283 = arith.constant 5 : i32
      %add3A_284 = arith.addi %add3A_249, %add3A_283 : i32
      %lt3A_285 = arith.constant 125 : i32
      %lt3A_286 = arith.cmpi slt, %add3A_284, %lt3A_285 : i32
      %convert_element_type3A_287 = arith.extui %lt3A_286 : i1 to i32
      %cond3A_288 = arith.constant 0 : i32
      %cond3A_289 = arith.cmpi ne, %convert_element_type3A_287, %cond3A_288 : i32
      scf.if %cond3A_289 {
        %dma_start3A_290 = arith.constant 4 : i32
        %dma_start3A_291 = arith.constant 0 : i32
        %dma_start3A_292 = arith.constant 0 : i32
        %dma_start3A_293 = tpu.memref_slice %arg9[%dma_start3A_290, %dma_start3A_291, %dma_start3A_292] : memref<5x80x64xf32, #tpu.memory_space<vmem>> -> memref<1x80x64xf32, #tpu.memory_space<vmem>>
        %dma_start3A_294 = tpu.memref_squeeze %dma_start3A_293 : memref<1x80x64xf32, #tpu.memory_space<vmem>> -> memref<80x64xf32, #tpu.memory_space<vmem>>
        %dma_start3A_295 = arith.constant 0 : i32
        %dma_start3A_296 = tpu.memref_slice %arg7[%add3A_284, %dma_start3A_295] : memref<125x80xi32, #tpu.memory_space<vmem>> -> memref<1x80xi32, #tpu.memory_space<vmem>>
        %dma_start3A_297 = tpu.memref_squeeze %dma_start3A_296 : memref<1x80xi32, #tpu.memory_space<vmem>> -> memref<80xi32, #tpu.memory_space<vmem>>
        %dma_start3A_298 = arith.constant 0 : i32
        %dma_start3A_299 = arith.constant 0 : i32
        %dma_start3A_300 = tpu.memref_slice %arg4[%dma_start3A_298, %dma_start3A_299] : memref<10000x64xf32, #tpu.memory_space<hbm>> -> memref<10000x64xf32, #tpu.memory_space<hbm>>
        tpu.enqueue_indirect_dma source(%dma_start3A_300 : memref<10000x64xf32, #tpu.memory_space<hbm>>) target(%dma_start3A_294 : memref<80x64xf32, #tpu.memory_space<vmem>>) offsets(%dma_start3A_297 : memref<80xi32, #tpu.memory_space<vmem>>) semaphore(%arg15 : memref<!tpu.dma_semaphore, #tpu.memory_space<semaphore_mem>>)
      } else {
      }
    }
    %scan3A_66 = arith.constant 25 : i32
    %barrier3A_67 = arith.constant 0 : index
    tpu.barrier barrier_id(%barrier3A_67)
    %mul3A_68 = arith.constant 624 : i32
    %mul3A_69 = arith.muli %arg1, %mul3A_68 : i32
    %mul3A_70 = arith.constant 10000 : i32
    %mul3A_71 = arith.muli %arg0, %mul3A_70 : i32
    %add3A_72 = arith.addi %mul3A_71, %mul3A_69 : i32
    "tpu.region"() ({
      %run_scoped3A = tpu.sem_alloc : memref<!tpu.dma_semaphore, #tpu.memory_space<semaphore_mem>>
      %dma_start3A_73 = arith.constant 0 : i32
      %dma_start3A_74 = tpu.memref_slice %arg6[%add3A_72, %dma_start3A_73] : memref<20000x64xf32, #tpu.memory_space<hbm>> -> memref<640x64xf32, #tpu.memory_space<hbm>>
      %dma_start3A_75 = arith.constant 0 : i32
      %dma_start3A_76 = tpu.memref_slice %arg10[%mul3A_69, %dma_start3A_75] : memref<10000x64xf32, #tpu.memory_space<vmem_shared>> -> memref<640x64xf32, #tpu.memory_space<vmem_shared>>
      tpu.enqueue_dma source(%dma_start3A_76 : memref<640x64xf32, #tpu.memory_space<vmem_shared>>) target(%dma_start3A_74 : memref<640x64xf32, #tpu.memory_space<hbm>>) target_semaphore(%run_scoped3A : memref<!tpu.dma_semaphore, #tpu.memory_space<semaphore_mem>>)
      %dma_wait3A = arith.constant 0 : i32
      %dma_wait3A_77 = tpu.memref_slice %arg6[%add3A_72, %dma_wait3A] : memref<20000x64xf32, #tpu.memory_space<hbm>> -> memref<640x64xf32, #tpu.memory_space<hbm>>
      %dma_wait3A_78 = arith.constant 0 : i32
      %dma_wait3A_79 = tpu.memref_slice %arg10[%mul3A_69, %dma_wait3A_78] : memref<10000x64xf32, #tpu.memory_space<vmem_shared>> -> memref<640x64xf32, #tpu.memory_space<vmem_shared>>
      tpu.wait_dma2 semaphore(%run_scoped3A : memref<!tpu.dma_semaphore, #tpu.memory_space<semaphore_mem>>) src(%dma_wait3A_79 : memref<640x64xf32, #tpu.memory_space<vmem_shared>>) dst(%dma_wait3A_77 : memref<640x64xf32, #tpu.memory_space<hbm>>)
      tpu.yield
    }) : () -> ()
    return
  }
}

module attributes {stable_mosaic.version = 14 : i64} {
  func.func @_stage0_body(%arg0: i32, %arg1: memref<2000x16xf32, #tpu.memory_space<vmem>>, %arg2: memref<2000x16xf32, #tpu.memory_space<vmem>>, %arg3: memref<2000x128xf32, #tpu.memory_space<vmem>>, %arg4: memref<2000x1xf32, #tpu.memory_space<vmem>>, %arg5: memref<2000x128xf32, #tpu.memory_space<vmem>>) attributes {dimension_semantics = [#tpu.dimension_semantics<arbitrary>], iteration_bounds = array<i64: 5>, scalar_prefetch = 0 : i64, scratch_operands = 0 : i64, tpu.core_type = #tpu.core_type<tc>, window_params = [{transform_indices = @transform_0, window_bounds = array<i64: 2000, 16>}, {transform_indices = @transform_1, window_bounds = array<i64: 2000, 16>}, {transform_indices = @transform_2, window_bounds = array<i64: 2000, 128>}, {transform_indices = @transform_3, window_bounds = array<i64: 2000, 1>}, {transform_indices = @transform_4, window_bounds = array<i64: 2000, 128>}]} {
    %get3A = arith.constant 0 : index
    %get3A_0 = arith.constant 0 : index
    %get3A_1 = vector.load %arg1[%get3A, %get3A_0] : memref<2000x16xf32, #tpu.memory_space<vmem>>, vector<2000x1xf32>
    %get3A_2 = arith.constant 0 : index
    %get3A_3 = arith.constant 0 : index
    %get3A_4 = vector.load %arg2[%get3A_2, %get3A_3] : memref<2000x16xf32, #tpu.memory_space<vmem>>, vector<2000x1xf32>
    %add3A = arith.addf %get3A_1, %get3A_4 : vector<2000x1xf32>
    %max3A = arith.constant 1.000000e+00 : f32
    %max3A_5 = vector.broadcast %max3A : f32 to vector<2000x1xf32>
    %max3A_6 = arith.maximumf %add3A, %max3A_5 : vector<2000x1xf32>
    %rsqrt3A = math.rsqrt %max3A_6 : vector<2000x1xf32>
    %swap3A = arith.constant 0 : index
    %swap3A_7 = arith.constant 0 : index
    %swap3A_8 = vector.load %arg4[%swap3A, %swap3A_7] : memref<2000x1xf32, #tpu.memory_space<vmem>>, vector<2000x1xf32>
    tpu.vector_store %arg4[%swap3A, %swap3A_7], %rsqrt3A {strides = array<i32>} : memref<2000x1xf32, #tpu.memory_space<vmem>>, vector<2000x1xf32>,
    %get3A_9 = arith.constant 0 : index
    %get3A_10 = arith.constant 0 : index
    %get3A_11 = vector.load %arg3[%get3A_9, %get3A_10] : memref<2000x128xf32, #tpu.memory_space<vmem>>, vector<2000x128xf32>
    %mul3A = vector.broadcast %rsqrt3A : vector<2000x1xf32> to vector<2000x128xf32>
    %mul3A_12 = arith.mulf %get3A_11, %mul3A : vector<2000x128xf32>
    %swap3A_13 = arith.constant 0 : index
    %swap3A_14 = arith.constant 0 : index
    %swap3A_15 = vector.load %arg5[%swap3A_13, %swap3A_14] : memref<2000x128xf32, #tpu.memory_space<vmem>>, vector<2000x128xf32>
    tpu.vector_store %arg5[%swap3A_13, %swap3A_14], %mul3A_12 {strides = array<i32>} : memref<2000x128xf32, #tpu.memory_space<vmem>>, vector<2000x128xf32>,
    return
  }
  func.func @transform_0(%arg0: i32) -> (i32, i32) {
    %c0_i32 = arith.constant 0 : i32
    %c0_i32_0 = arith.constant 0 : i32
    return %arg0, %c0_i32 : i32, i32
  }
  func.func @transform_1(%arg0: i32) -> (i32, i32) {
    %add3A = arith.constant 5 : i32
    %add3A_0 = arith.addi %arg0, %add3A : i32
    %c0_i32 = arith.constant 0 : i32
    %c0_i32_1 = arith.constant 0 : i32
    return %add3A_0, %c0_i32 : i32, i32
  }
  func.func @transform_2(%arg0: i32) -> (i32, i32) {
    %c0_i32 = arith.constant 0 : i32
    %c0_i32_0 = arith.constant 0 : i32
    return %arg0, %c0_i32 : i32, i32
  }
  func.func @transform_3(%arg0: i32) -> (i32, i32) {
    %c0_i32 = arith.constant 0 : i32
    %c0_i32_0 = arith.constant 0 : i32
    return %arg0, %c0_i32 : i32, i32
  }
  func.func @transform_4(%arg0: i32) -> (i32, i32) {
    %c0_i32 = arith.constant 0 : i32
    %c0_i32_0 = arith.constant 0 : i32
    return %arg0, %c0_i32 : i32, i32
  }
}

module attributes {stable_mosaic.version = 14 : i64} {
  func.func @_mid_body(%arg0: i32, %arg1: memref<2000x128xf32, #tpu.memory_space<vmem>>, %arg2: memref<2000x128xf32, #tpu.memory_space<vmem>>, %arg3: memref<2000x1xf32, #tpu.memory_space<vmem>>, %arg4: memref<2000x128xf32, #tpu.memory_space<vmem>>) attributes {dimension_semantics = [#tpu.dimension_semantics<arbitrary>], iteration_bounds = array<i64: 5>, scalar_prefetch = 0 : i64, scratch_operands = 0 : i64, tpu.core_type = #tpu.core_type<tc>, window_params = [{transform_indices = @transform_0, window_bounds = array<i64: 2000, 128>}, {transform_indices = @transform_1, window_bounds = array<i64: 2000, 128>}, {transform_indices = @transform_2, window_bounds = array<i64: 2000, 1>}, {transform_indices = @transform_3, window_bounds = array<i64: 2000, 128>}]} {
    %get3A = arith.constant 0 : index
    %get3A_0 = arith.constant 0 : index
    %get3A_1 = vector.load %arg3[%get3A, %get3A_0] : memref<2000x1xf32, #tpu.memory_space<vmem>>, vector<2000x1xf32>
    %mul3A = arith.mulf %get3A_1, %get3A_1 : vector<2000x1xf32>
    %neg3A = arith.constant 0.000000e+00 : f32
    %neg3A_2 = vector.broadcast %neg3A : f32 to vector<2000x1xf32>
    %neg3A_3 = arith.subf %neg3A_2, %mul3A : vector<2000x1xf32>
    %get3A_4 = arith.constant 0 : index
    %get3A_5 = arith.constant 0 : index
    %get3A_6 = vector.load %arg1[%get3A_4, %get3A_5] : memref<2000x128xf32, #tpu.memory_space<vmem>>, vector<2000x128xf32>
    %get3A_7 = arith.constant 0 : index
    %get3A_8 = arith.constant 0 : index
    %get3A_9 = vector.load %arg2[%get3A_7, %get3A_8] : memref<2000x128xf32, #tpu.memory_space<vmem>>, vector<2000x128xf32>
    %add3A = arith.addf %get3A_6, %get3A_9 : vector<2000x128xf32>
    %mul3A_10 = vector.broadcast %neg3A_3 : vector<2000x1xf32> to vector<2000x128xf32>
    %mul3A_11 = arith.mulf %mul3A_10, %add3A : vector<2000x128xf32>
    %swap3A = arith.constant 0 : index
    %swap3A_12 = arith.constant 0 : index
    %swap3A_13 = vector.load %arg4[%swap3A, %swap3A_12] : memref<2000x128xf32, #tpu.memory_space<vmem>>, vector<2000x128xf32>
    tpu.vector_store %arg4[%swap3A, %swap3A_12], %mul3A_11 {strides = array<i32>} : memref<2000x128xf32, #tpu.memory_space<vmem>>, vector<2000x128xf32>,
    return
  }
  func.func @transform_0(%arg0: i32) -> (i32, i32) {
    %c0_i32 = arith.constant 0 : i32
    %c0_i32_0 = arith.constant 0 : i32
    return %arg0, %c0_i32 : i32, i32
  }
  func.func @transform_1(%arg0: i32) -> (i32, i32) {
    %add3A = arith.constant 5 : i32
    %add3A_0 = arith.addi %arg0, %add3A : i32
    %c0_i32 = arith.constant 0 : i32
    %c0_i32_1 = arith.constant 0 : i32
    return %add3A_0, %c0_i32 : i32, i32
  }
  func.func @transform_2(%arg0: i32) -> (i32, i32) {
    %c0_i32 = arith.constant 0 : i32
    %c0_i32_0 = arith.constant 0 : i32
    return %arg0, %c0_i32 : i32, i32
  }
  func.func @transform_3(%arg0: i32) -> (i32, i32) {
    %c0_i32 = arith.constant 0 : i32
    %c0_i32_0 = arith.constant 0 : i32
    return %arg0, %c0_i32 : i32, i32
  }
}

module attributes {stable_mosaic.version = 14 : i64} {
  func.func @_lambda_(%arg0: i32, %arg1: memref<2000x128xf32, #tpu.memory_space<vmem>>, %arg2: memref<2000x128xf32, #tpu.memory_space<vmem>>, %arg3: memref<2000x128xf32, #tpu.memory_space<vmem>>, %arg4: memref<2000x128xf32, #tpu.memory_space<vmem>>, %arg5: memref<2000x128xf32, #tpu.memory_space<vmem>>, %arg6: memref<2000x1xf32, #tpu.memory_space<vmem>>, %arg7: memref<128x64xf32, #tpu.memory_space<vmem>>, %arg8: memref<128x64xf32, #tpu.memory_space<vmem>>, %arg9: memref<128x64xf32, #tpu.memory_space<vmem>>, %arg10: memref<2000x64xf32, #tpu.memory_space<vmem>>, %arg11: memref<2000x64xf32, #tpu.memory_space<vmem>>) attributes {dimension_semantics = [#tpu.dimension_semantics<arbitrary>], iteration_bounds = array<i64: 5>, scalar_prefetch = 0 : i64, scratch_operands = 0 : i64, tpu.core_type = #tpu.core_type<tc>, window_params = [{transform_indices = @transform_0, window_bounds = array<i64: 2000, 128>}, {transform_indices = @transform_1, window_bounds = array<i64: 2000, 128>}, {transform_indices = @transform_2, window_bounds = array<i64: 2000, 128>}, {transform_indices = @transform_3, window_bounds = array<i64: 2000, 128>}, {transform_indices = @transform_4, window_bounds = array<i64: 2000, 128>}, {transform_indices = @transform_5, window_bounds = array<i64: 2000, 1>}, {pipeline_mode = #tpu.pipeline_mode<synchronous>, transform_indices = @transform_6, window_bounds = array<i64: 128, 64>}, {pipeline_mode = #tpu.pipeline_mode<synchronous>, transform_indices = @transform_7, window_bounds = array<i64: 128, 64>}, {pipeline_mode = #tpu.pipeline_mode<synchronous>, transform_indices = @transform_8, window_bounds = array<i64: 128, 64>}, {transform_indices = @transform_9, window_bounds = array<i64: 2000, 64>}, {transform_indices = @transform_10, window_bounds = array<i64: 2000, 64>}]} {
    %get3A = arith.constant 0 : index
    %get3A_0 = arith.constant 0 : index
    %get3A_1 = vector.load %arg6[%get3A, %get3A_0] : memref<2000x1xf32, #tpu.memory_space<vmem>>, vector<2000x1xf32>
    %get3A_2 = arith.constant 0 : index
    %get3A_3 = arith.constant 0 : index
    %get3A_4 = vector.load %arg1[%get3A_2, %get3A_3] : memref<2000x128xf32, #tpu.memory_space<vmem>>, vector<2000x128xf32>
    %get3A_5 = arith.constant 0 : index
    %get3A_6 = arith.constant 0 : index
    %get3A_7 = vector.load %arg2[%get3A_5, %get3A_6] : memref<2000x128xf32, #tpu.memory_space<vmem>>, vector<2000x128xf32>
    %get3A_8 = arith.constant 0 : index
    %get3A_9 = arith.constant 0 : index
    %get3A_10 = vector.load %arg3[%get3A_8, %get3A_9] : memref<2000x128xf32, #tpu.memory_space<vmem>>, vector<2000x128xf32>
    %add3A = arith.addf %get3A_7, %get3A_10 : vector<2000x128xf32>
    %mul3A = vector.broadcast %get3A_1 : vector<2000x1xf32> to vector<2000x128xf32>
    %mul3A_11 = arith.mulf %mul3A, %add3A : vector<2000x128xf32>
    %neg3A = arith.constant 0.000000e+00 : f32
    %neg3A_12 = vector.broadcast %neg3A : f32 to vector<2000x128xf32>
    %neg3A_13 = arith.subf %neg3A_12, %mul3A_11 : vector<2000x128xf32>
    %get3A_14 = arith.constant 0 : index
    %get3A_15 = arith.constant 0 : index
    %get3A_16 = vector.load %arg4[%get3A_14, %get3A_15] : memref<2000x128xf32, #tpu.memory_space<vmem>>, vector<2000x128xf32>
    %get3A_17 = arith.constant 0 : index
    %get3A_18 = arith.constant 0 : index
    %get3A_19 = vector.load %arg5[%get3A_17, %get3A_18] : memref<2000x128xf32, #tpu.memory_space<vmem>>, vector<2000x128xf32>
    %add3A_20 = arith.addf %get3A_16, %get3A_19 : vector<2000x128xf32>
    %mul3A_21 = vector.broadcast %get3A_1 : vector<2000x1xf32> to vector<2000x128xf32>
    %mul3A_22 = arith.mulf %mul3A_21, %add3A_20 : vector<2000x128xf32>
    %mul3A_23 = arith.constant -2.000000e+00 : f32
    %mul3A_24 = vector.broadcast %mul3A_23 : f32 to vector<2000x128xf32>
    %mul3A_25 = arith.mulf %mul3A_24, %mul3A_22 : vector<2000x128xf32>
    %sub3A = arith.subf %mul3A_25, %get3A_4 : vector<2000x128xf32>
    %get3A_26 = arith.constant 0 : index
    %get3A_27 = arith.constant 0 : index
    %get3A_28 = vector.load %arg7[%get3A_26, %get3A_27] : memref<128x64xf32, #tpu.memory_space<vmem>>, vector<128x64xf32>
    %dot_general3A = arith.constant dense<0.000000e+00> : vector<2000x64xf32>
    %dot_general3A_29 = tpu.matmul %get3A_4, %get3A_28, %dot_general3A {dimension_numbers = #tpu.dot_dimension_numbers<[1], [0], [0], [1], [0, 0, 1, 1], [], []>, transpose_lhs_hint = false} : vector<2000x128xf32>, vector<128x64xf32>, vector<2000x64xf32> -> vector<2000x64xf32>
    %get3A_30 = arith.constant 0 : index
    %get3A_31 = arith.constant 0 : index
    %get3A_32 = vector.load %arg8[%get3A_30, %get3A_31] : memref<128x64xf32, #tpu.memory_space<vmem>>, vector<128x64xf32>
    %dot_general3A_33 = arith.constant dense<0.000000e+00> : vector<2000x64xf32>
    %dot_general3A_34 = tpu.matmul %neg3A_13, %get3A_32, %dot_general3A_33 {dimension_numbers = #tpu.dot_dimension_numbers<[1], [0], [0], [1], [0, 0, 1, 1], [], []>, transpose_lhs_hint = false} : vector<2000x128xf32>, vector<128x64xf32>, vector<2000x64xf32> -> vector<2000x64xf32>
    %add3A_35 = arith.addf %dot_general3A_29, %dot_general3A_34 : vector<2000x64xf32>
    %get3A_36 = arith.constant 0 : index
    %get3A_37 = arith.constant 0 : index
    %get3A_38 = vector.load %arg9[%get3A_36, %get3A_37] : memref<128x64xf32, #tpu.memory_space<vmem>>, vector<128x64xf32>
    %dot_general3A_39 = arith.constant dense<0.000000e+00> : vector<2000x64xf32>
    %dot_general3A_40 = tpu.matmul %sub3A, %get3A_38, %dot_general3A_39 {dimension_numbers = #tpu.dot_dimension_numbers<[1], [0], [0], [1], [0, 0, 1, 1], [], []>, transpose_lhs_hint = false} : vector<2000x128xf32>, vector<128x64xf32>, vector<2000x64xf32> -> vector<2000x64xf32>
    %add3A_41 = arith.addf %add3A_35, %dot_general3A_40 : vector<2000x64xf32>
    %max3A = arith.constant 0.000000e+00 : f32
    %max3A_42 = vector.broadcast %max3A : f32 to vector<2000x64xf32>
    %max3A_43 = arith.maximumf %add3A_41, %max3A_42 : vector<2000x64xf32>
    %swap3A = arith.constant 0 : index
    %swap3A_44 = arith.constant 0 : index
    %swap3A_45 = vector.load %arg10[%swap3A, %swap3A_44] : memref<2000x64xf32, #tpu.memory_space<vmem>>, vector<2000x64xf32>
    tpu.vector_store %arg10[%swap3A, %swap3A_44], %max3A_43 {strides = array<i32>} : memref<2000x64xf32, #tpu.memory_space<vmem>>, vector<2000x64xf32>,
    %mul3A_46 = vector.broadcast %get3A_1 : vector<2000x1xf32> to vector<2000x64xf32>
    %mul3A_47 = arith.mulf %max3A_43, %mul3A_46 : vector<2000x64xf32>
    %swap3A_48 = arith.constant 0 : index
    %swap3A_49 = arith.constant 0 : index
    %swap3A_50 = vector.load %arg11[%swap3A_48, %swap3A_49] : memref<2000x64xf32, #tpu.memory_space<vmem>>, vector<2000x64xf32>
    tpu.vector_store %arg11[%swap3A_48, %swap3A_49], %mul3A_47 {strides = array<i32>} : memref<2000x64xf32, #tpu.memory_space<vmem>>, vector<2000x64xf32>,
    return
  }
  func.func @transform_0(%arg0: i32) -> (i32, i32) {
    %c0_i32 = arith.constant 0 : i32
    %c0_i32_0 = arith.constant 0 : i32
    return %arg0, %c0_i32 : i32, i32
  }
  func.func @transform_1(%arg0: i32) -> (i32, i32) {
    %c0_i32 = arith.constant 0 : i32
    %c0_i32_0 = arith.constant 0 : i32
    return %arg0, %c0_i32 : i32, i32
  }
  func.func @transform_2(%arg0: i32) -> (i32, i32) {
    %add3A = arith.constant 5 : i32
    %add3A_0 = arith.addi %arg0, %add3A : i32
    %c0_i32 = arith.constant 0 : i32
    %c0_i32_1 = arith.constant 0 : i32
    return %add3A_0, %c0_i32 : i32, i32
  }
  func.func @transform_3(%arg0: i32) -> (i32, i32) {
    %c0_i32 = arith.constant 0 : i32
    %c0_i32_0 = arith.constant 0 : i32
    return %arg0, %c0_i32 : i32, i32
  }
  func.func @transform_4(%arg0: i32) -> (i32, i32) {
    %add3A = arith.constant 5 : i32
    %add3A_0 = arith.addi %arg0, %add3A : i32
    %c0_i32 = arith.constant 0 : i32
    %c0_i32_1 = arith.constant 0 : i32
    return %add3A_0, %c0_i32 : i32, i32
  }
  func.func @transform_5(%arg0: i32) -> (i32, i32) {
    %c0_i32 = arith.constant 0 : i32
    %c0_i32_0 = arith.constant 0 : i32
    return %arg0, %c0_i32 : i32, i32
  }
  func.func @transform_6(%arg0: i32) -> (i32, i32) {
    %c0_i32 = arith.constant 0 : i32
    %c0_i32_0 = arith.constant 0 : i32
    %c0_i32_1 = arith.constant 0 : i32
    return %c0_i32, %c0_i32_0 : i32, i32
  }
  func.func @transform_7(%arg0: i32) -> (i32, i32) {
    %c0_i32 = arith.constant 0 : i32
    %c0_i32_0 = arith.constant 0 : i32
    %c0_i32_1 = arith.constant 0 : i32
    return %c0_i32, %c0_i32_0 : i32, i32
  }
  func.func @transform_8(%arg0: i32) -> (i32, i32) {
    %c0_i32 = arith.constant 0 : i32
    %c0_i32_0 = arith.constant 0 : i32
    %c0_i32_1 = arith.constant 0 : i32
    return %c0_i32, %c0_i32_0 : i32, i32
  }
  func.func @transform_9(%arg0: i32) -> (i32, i32) {
    %c0_i32 = arith.constant 0 : i32
    %c0_i32_0 = arith.constant 0 : i32
    return %arg0, %c0_i32 : i32, i32
  }
  func.func @transform_10(%arg0: i32) -> (i32, i32) {
    %c0_i32 = arith.constant 0 : i32
    %c0_i32_0 = arith.constant 0 : i32
    return %arg0, %c0_i32 : i32, i32
  }
}

module attributes {stable_mosaic.version = 14 : i64} {
  func.func @_mid_body(%arg0: i32, %arg1: memref<2000x64xf32, #tpu.memory_space<vmem>>, %arg2: memref<2000x64xf32, #tpu.memory_space<vmem>>, %arg3: memref<2000x1xf32, #tpu.memory_space<vmem>>, %arg4: memref<2000x64xf32, #tpu.memory_space<vmem>>) attributes {dimension_semantics = [#tpu.dimension_semantics<arbitrary>], iteration_bounds = array<i64: 5>, scalar_prefetch = 0 : i64, scratch_operands = 0 : i64, tpu.core_type = #tpu.core_type<tc>, window_params = [{transform_indices = @transform_0, window_bounds = array<i64: 2000, 64>}, {transform_indices = @transform_1, window_bounds = array<i64: 2000, 64>}, {transform_indices = @transform_2, window_bounds = array<i64: 2000, 1>}, {transform_indices = @transform_3, window_bounds = array<i64: 2000, 64>}]} {
    %get3A = arith.constant 0 : index
    %get3A_0 = arith.constant 0 : index
    %get3A_1 = vector.load %arg3[%get3A, %get3A_0] : memref<2000x1xf32, #tpu.memory_space<vmem>>, vector<2000x1xf32>
    %mul3A = arith.mulf %get3A_1, %get3A_1 : vector<2000x1xf32>
    %neg3A = arith.constant 0.000000e+00 : f32
    %neg3A_2 = vector.broadcast %neg3A : f32 to vector<2000x1xf32>
    %neg3A_3 = arith.subf %neg3A_2, %mul3A : vector<2000x1xf32>
    %get3A_4 = arith.constant 0 : index
    %get3A_5 = arith.constant 0 : index
    %get3A_6 = vector.load %arg1[%get3A_4, %get3A_5] : memref<2000x64xf32, #tpu.memory_space<vmem>>, vector<2000x64xf32>
    %get3A_7 = arith.constant 0 : index
    %get3A_8 = arith.constant 0 : index
    %get3A_9 = vector.load %arg2[%get3A_7, %get3A_8] : memref<2000x64xf32, #tpu.memory_space<vmem>>, vector<2000x64xf32>
    %add3A = arith.addf %get3A_6, %get3A_9 : vector<2000x64xf32>
    %mul3A_10 = vector.broadcast %neg3A_3 : vector<2000x1xf32> to vector<2000x64xf32>
    %mul3A_11 = arith.mulf %mul3A_10, %add3A : vector<2000x64xf32>
    %swap3A = arith.constant 0 : index
    %swap3A_12 = arith.constant 0 : index
    %swap3A_13 = vector.load %arg4[%swap3A, %swap3A_12] : memref<2000x64xf32, #tpu.memory_space<vmem>>, vector<2000x64xf32>
    tpu.vector_store %arg4[%swap3A, %swap3A_12], %mul3A_11 {strides = array<i32>} : memref<2000x64xf32, #tpu.memory_space<vmem>>, vector<2000x64xf32>,
    return
  }
  func.func @transform_0(%arg0: i32) -> (i32, i32) {
    %c0_i32 = arith.constant 0 : i32
    %c0_i32_0 = arith.constant 0 : i32
    return %arg0, %c0_i32 : i32, i32
  }
  func.func @transform_1(%arg0: i32) -> (i32, i32) {
    %add3A = arith.constant 5 : i32
    %add3A_0 = arith.addi %arg0, %add3A : i32
    %c0_i32 = arith.constant 0 : i32
    %c0_i32_1 = arith.constant 0 : i32
    return %add3A_0, %c0_i32 : i32, i32
  }
  func.func @transform_2(%arg0: i32) -> (i32, i32) {
    %c0_i32 = arith.constant 0 : i32
    %c0_i32_0 = arith.constant 0 : i32
    return %arg0, %c0_i32 : i32, i32
  }
  func.func @transform_3(%arg0: i32) -> (i32, i32) {
    %c0_i32 = arith.constant 0 : i32
    %c0_i32_0 = arith.constant 0 : i32
    return %arg0, %c0_i32 : i32, i32
  }
}

module attributes {stable_mosaic.version = 14 : i64} {
  func.func @_lambda_(%arg0: i32, %arg1: memref<2000x64xf32, #tpu.memory_space<vmem>>, %arg2: memref<2000x64xf32, #tpu.memory_space<vmem>>, %arg3: memref<2000x64xf32, #tpu.memory_space<vmem>>, %arg4: memref<2000x64xf32, #tpu.memory_space<vmem>>, %arg5: memref<2000x64xf32, #tpu.memory_space<vmem>>, %arg6: memref<2000x1xf32, #tpu.memory_space<vmem>>, %arg7: memref<64x64xf32, #tpu.memory_space<vmem>>, %arg8: memref<64x64xf32, #tpu.memory_space<vmem>>, %arg9: memref<64x64xf32, #tpu.memory_space<vmem>>, %arg10: memref<2000x64xf32, #tpu.memory_space<vmem>>, %arg11: memref<2000x64xf32, #tpu.memory_space<vmem>>) attributes {dimension_semantics = [#tpu.dimension_semantics<arbitrary>], iteration_bounds = array<i64: 5>, scalar_prefetch = 0 : i64, scratch_operands = 0 : i64, tpu.core_type = #tpu.core_type<tc>, window_params = [{transform_indices = @transform_0, window_bounds = array<i64: 2000, 64>}, {transform_indices = @transform_1, window_bounds = array<i64: 2000, 64>}, {transform_indices = @transform_2, window_bounds = array<i64: 2000, 64>}, {transform_indices = @transform_3, window_bounds = array<i64: 2000, 64>}, {transform_indices = @transform_4, window_bounds = array<i64: 2000, 64>}, {transform_indices = @transform_5, window_bounds = array<i64: 2000, 1>}, {pipeline_mode = #tpu.pipeline_mode<synchronous>, transform_indices = @transform_6, window_bounds = array<i64: 64, 64>}, {pipeline_mode = #tpu.pipeline_mode<synchronous>, transform_indices = @transform_7, window_bounds = array<i64: 64, 64>}, {pipeline_mode = #tpu.pipeline_mode<synchronous>, transform_indices = @transform_8, window_bounds = array<i64: 64, 64>}, {transform_indices = @transform_9, window_bounds = array<i64: 2000, 64>}, {transform_indices = @transform_10, window_bounds = array<i64: 2000, 64>}]} {
    %get3A = arith.constant 0 : index
    %get3A_0 = arith.constant 0 : index
    %get3A_1 = vector.load %arg6[%get3A, %get3A_0] : memref<2000x1xf32, #tpu.memory_space<vmem>>, vector<2000x1xf32>
    %get3A_2 = arith.constant 0 : index
    %get3A_3 = arith.constant 0 : index
    %get3A_4 = vector.load %arg1[%get3A_2, %get3A_3] : memref<2000x64xf32, #tpu.memory_space<vmem>>, vector<2000x64xf32>
    %get3A_5 = arith.constant 0 : index
    %get3A_6 = arith.constant 0 : index
    %get3A_7 = vector.load %arg2[%get3A_5, %get3A_6] : memref<2000x64xf32, #tpu.memory_space<vmem>>, vector<2000x64xf32>
    %get3A_8 = arith.constant 0 : index
    %get3A_9 = arith.constant 0 : index
    %get3A_10 = vector.load %arg3[%get3A_8, %get3A_9] : memref<2000x64xf32, #tpu.memory_space<vmem>>, vector<2000x64xf32>
    %add3A = arith.addf %get3A_7, %get3A_10 : vector<2000x64xf32>
    %mul3A = vector.broadcast %get3A_1 : vector<2000x1xf32> to vector<2000x64xf32>
    %mul3A_11 = arith.mulf %mul3A, %add3A : vector<2000x64xf32>
    %neg3A = arith.constant 0.000000e+00 : f32
    %neg3A_12 = vector.broadcast %neg3A : f32 to vector<2000x64xf32>
    %neg3A_13 = arith.subf %neg3A_12, %mul3A_11 : vector<2000x64xf32>
    %get3A_14 = arith.constant 0 : index
    %get3A_15 = arith.constant 0 : index
    %get3A_16 = vector.load %arg4[%get3A_14, %get3A_15] : memref<2000x64xf32, #tpu.memory_space<vmem>>, vector<2000x64xf32>
    %get3A_17 = arith.constant 0 : index
    %get3A_18 = arith.constant 0 : index
    %get3A_19 = vector.load %arg5[%get3A_17, %get3A_18] : memref<2000x64xf32, #tpu.memory_space<vmem>>, vector<2000x64xf32>
    %add3A_20 = arith.addf %get3A_16, %get3A_19 : vector<2000x64xf32>
    %mul3A_21 = vector.broadcast %get3A_1 : vector<2000x1xf32> to vector<2000x64xf32>
    %mul3A_22 = arith.mulf %mul3A_21, %add3A_20 : vector<2000x64xf32>
    %mul3A_23 = arith.constant -2.000000e+00 : f32
    %mul3A_24 = vector.broadcast %mul3A_23 : f32 to vector<2000x64xf32>
    %mul3A_25 = arith.mulf %mul3A_24, %mul3A_22 : vector<2000x64xf32>
    %sub3A = arith.subf %mul3A_25, %get3A_4 : vector<2000x64xf32>
    %get3A_26 = arith.constant 0 : index
    %get3A_27 = arith.constant 0 : index
    %get3A_28 = vector.load %arg7[%get3A_26, %get3A_27] : memref<64x64xf32, #tpu.memory_space<vmem>>, vector<64x64xf32>
    %dot_general3A = arith.constant dense<0.000000e+00> : vector<2000x64xf32>
    %dot_general3A_29 = tpu.matmul %get3A_4, %get3A_28, %dot_general3A {dimension_numbers = #tpu.dot_dimension_numbers<[1], [0], [0], [1], [0, 0, 1, 1], [], []>, transpose_lhs_hint = false} : vector<2000x64xf32>, vector<64x64xf32>, vector<2000x64xf32> -> vector<2000x64xf32>
    %get3A_30 = arith.constant 0 : index
    %get3A_31 = arith.constant 0 : index
    %get3A_32 = vector.load %arg8[%get3A_30, %get3A_31] : memref<64x64xf32, #tpu.memory_space<vmem>>, vector<64x64xf32>
    %dot_general3A_33 = arith.constant dense<0.000000e+00> : vector<2000x64xf32>
    %dot_general3A_34 = tpu.matmul %neg3A_13, %get3A_32, %dot_general3A_33 {dimension_numbers = #tpu.dot_dimension_numbers<[1], [0], [0], [1], [0, 0, 1, 1], [], []>, transpose_lhs_hint = false} : vector<2000x64xf32>, vector<64x64xf32>, vector<2000x64xf32> -> vector<2000x64xf32>
    %add3A_35 = arith.addf %dot_general3A_29, %dot_general3A_34 : vector<2000x64xf32>
    %get3A_36 = arith.constant 0 : index
    %get3A_37 = arith.constant 0 : index
    %get3A_38 = vector.load %arg9[%get3A_36, %get3A_37] : memref<64x64xf32, #tpu.memory_space<vmem>>, vector<64x64xf32>
    %dot_general3A_39 = arith.constant dense<0.000000e+00> : vector<2000x64xf32>
    %dot_general3A_40 = tpu.matmul %sub3A, %get3A_38, %dot_general3A_39 {dimension_numbers = #tpu.dot_dimension_numbers<[1], [0], [0], [1], [0, 0, 1, 1], [], []>, transpose_lhs_hint = false} : vector<2000x64xf32>, vector<64x64xf32>, vector<2000x64xf32> -> vector<2000x64xf32>
    %add3A_41 = arith.addf %add3A_35, %dot_general3A_40 : vector<2000x64xf32>
    %max3A = arith.constant 0.000000e+00 : f32
    %max3A_42 = vector.broadcast %max3A : f32 to vector<2000x64xf32>
    %max3A_43 = arith.maximumf %add3A_41, %max3A_42 : vector<2000x64xf32>
    %swap3A = arith.constant 0 : index
    %swap3A_44 = arith.constant 0 : index
    %swap3A_45 = vector.load %arg10[%swap3A, %swap3A_44] : memref<2000x64xf32, #tpu.memory_space<vmem>>, vector<2000x64xf32>
    tpu.vector_store %arg10[%swap3A, %swap3A_44], %max3A_43 {strides = array<i32>} : memref<2000x64xf32, #tpu.memory_space<vmem>>, vector<2000x64xf32>,
    %mul3A_46 = vector.broadcast %get3A_1 : vector<2000x1xf32> to vector<2000x64xf32>
    %mul3A_47 = arith.mulf %max3A_43, %mul3A_46 : vector<2000x64xf32>
    %swap3A_48 = arith.constant 0 : index
    %swap3A_49 = arith.constant 0 : index
    %swap3A_50 = vector.load %arg11[%swap3A_48, %swap3A_49] : memref<2000x64xf32, #tpu.memory_space<vmem>>, vector<2000x64xf32>
    tpu.vector_store %arg11[%swap3A_48, %swap3A_49], %mul3A_47 {strides = array<i32>} : memref<2000x64xf32, #tpu.memory_space<vmem>>, vector<2000x64xf32>,
    return
  }
  func.func @transform_0(%arg0: i32) -> (i32, i32) {
    %c0_i32 = arith.constant 0 : i32
    %c0_i32_0 = arith.constant 0 : i32
    return %arg0, %c0_i32 : i32, i32
  }
  func.func @transform_1(%arg0: i32) -> (i32, i32) {
    %c0_i32 = arith.constant 0 : i32
    %c0_i32_0 = arith.constant 0 : i32
    return %arg0, %c0_i32 : i32, i32
  }
  func.func @transform_2(%arg0: i32) -> (i32, i32) {
    %add3A = arith.constant 5 : i32
    %add3A_0 = arith.addi %arg0, %add3A : i32
    %c0_i32 = arith.constant 0 : i32
    %c0_i32_1 = arith.constant 0 : i32
    return %add3A_0, %c0_i32 : i32, i32
  }
  func.func @transform_3(%arg0: i32) -> (i32, i32) {
    %c0_i32 = arith.constant 0 : i32
    %c0_i32_0 = arith.constant 0 : i32
    return %arg0, %c0_i32 : i32, i32
  }
  func.func @transform_4(%arg0: i32) -> (i32, i32) {
    %add3A = arith.constant 5 : i32
    %add3A_0 = arith.addi %arg0, %add3A : i32
    %c0_i32 = arith.constant 0 : i32
    %c0_i32_1 = arith.constant 0 : i32
    return %add3A_0, %c0_i32 : i32, i32
  }
  func.func @transform_5(%arg0: i32) -> (i32, i32) {
    %c0_i32 = arith.constant 0 : i32
    %c0_i32_0 = arith.constant 0 : i32
    return %arg0, %c0_i32 : i32, i32
  }
  func.func @transform_6(%arg0: i32) -> (i32, i32) {
    %c0_i32 = arith.constant 0 : i32
    %c0_i32_0 = arith.constant 0 : i32
    %c0_i32_1 = arith.constant 0 : i32
    return %c0_i32, %c0_i32_0 : i32, i32
  }
  func.func @transform_7(%arg0: i32) -> (i32, i32) {
    %c0_i32 = arith.constant 0 : i32
    %c0_i32_0 = arith.constant 0 : i32
    %c0_i32_1 = arith.constant 0 : i32
    return %c0_i32, %c0_i32_0 : i32, i32
  }
  func.func @transform_8(%arg0: i32) -> (i32, i32) {
    %c0_i32 = arith.constant 0 : i32
    %c0_i32_0 = arith.constant 0 : i32
    %c0_i32_1 = arith.constant 0 : i32
    return %c0_i32, %c0_i32_0 : i32, i32
  }
  func.func @transform_9(%arg0: i32) -> (i32, i32) {
    %c0_i32 = arith.constant 0 : i32
    %c0_i32_0 = arith.constant 0 : i32
    return %arg0, %c0_i32 : i32, i32
  }
  func.func @transform_10(%arg0: i32) -> (i32, i32) {
    %c0_i32 = arith.constant 0 : i32
    %c0_i32_0 = arith.constant 0 : i32
    return %arg0, %c0_i32 : i32, i32
  }
}

module attributes {stable_mosaic.version = 14 : i64} {
  func.func @_layer_body(%arg0: i32, %arg1: memref<2000x64xf32, #tpu.memory_space<vmem>>, %arg2: memref<2000x64xf32, #tpu.memory_space<vmem>>, %arg3: memref<2000x64xf32, #tpu.memory_space<vmem>>, %arg4: memref<2000x64xf32, #tpu.memory_space<vmem>>, %arg5: memref<2000x64xf32, #tpu.memory_space<vmem>>, %arg6: memref<2000x1xf32, #tpu.memory_space<vmem>>, %arg7: memref<64x40xf32, #tpu.memory_space<vmem>>, %arg8: memref<64x40xf32, #tpu.memory_space<vmem>>, %arg9: memref<64x40xf32, #tpu.memory_space<vmem>>, %arg10: memref<2000x40xf32, #tpu.memory_space<vmem>>) attributes {dimension_semantics = [#tpu.dimension_semantics<arbitrary>], iteration_bounds = array<i64: 5>, scalar_prefetch = 0 : i64, scratch_operands = 0 : i64, tpu.core_type = #tpu.core_type<tc>, window_params = [{transform_indices = @transform_0, window_bounds = array<i64: 2000, 64>}, {transform_indices = @transform_1, window_bounds = array<i64: 2000, 64>}, {transform_indices = @transform_2, window_bounds = array<i64: 2000, 64>}, {transform_indices = @transform_3, window_bounds = array<i64: 2000, 64>}, {transform_indices = @transform_4, window_bounds = array<i64: 2000, 64>}, {transform_indices = @transform_5, window_bounds = array<i64: 2000, 1>}, {pipeline_mode = #tpu.pipeline_mode<synchronous>, transform_indices = @transform_6, window_bounds = array<i64: 64, 40>}, {pipeline_mode = #tpu.pipeline_mode<synchronous>, transform_indices = @transform_7, window_bounds = array<i64: 64, 40>}, {pipeline_mode = #tpu.pipeline_mode<synchronous>, transform_indices = @transform_8, window_bounds = array<i64: 64, 40>}, {transform_indices = @transform_9, window_bounds = array<i64: 2000, 40>}]} {
    %get3A = arith.constant 0 : index
    %get3A_0 = arith.constant 0 : index
    %get3A_1 = vector.load %arg6[%get3A, %get3A_0] : memref<2000x1xf32, #tpu.memory_space<vmem>>, vector<2000x1xf32>
    %get3A_2 = arith.constant 0 : index
    %get3A_3 = arith.constant 0 : index
    %get3A_4 = vector.load %arg1[%get3A_2, %get3A_3] : memref<2000x64xf32, #tpu.memory_space<vmem>>, vector<2000x64xf32>
    %get3A_5 = arith.constant 0 : index
    %get3A_6 = arith.constant 0 : index
    %get3A_7 = vector.load %arg2[%get3A_5, %get3A_6] : memref<2000x64xf32, #tpu.memory_space<vmem>>, vector<2000x64xf32>
    %get3A_8 = arith.constant 0 : index
    %get3A_9 = arith.constant 0 : index
    %get3A_10 = vector.load %arg3[%get3A_8, %get3A_9] : memref<2000x64xf32, #tpu.memory_space<vmem>>, vector<2000x64xf32>
    %add3A = arith.addf %get3A_7, %get3A_10 : vector<2000x64xf32>
    %mul3A = vector.broadcast %get3A_1 : vector<2000x1xf32> to vector<2000x64xf32>
    %mul3A_11 = arith.mulf %mul3A, %add3A : vector<2000x64xf32>
    %neg3A = arith.constant 0.000000e+00 : f32
    %neg3A_12 = vector.broadcast %neg3A : f32 to vector<2000x64xf32>
    %neg3A_13 = arith.subf %neg3A_12, %mul3A_11 : vector<2000x64xf32>
    %get3A_14 = arith.constant 0 : index
    %get3A_15 = arith.constant 0 : index
    %get3A_16 = vector.load %arg4[%get3A_14, %get3A_15] : memref<2000x64xf32, #tpu.memory_space<vmem>>, vector<2000x64xf32>
    %get3A_17 = arith.constant 0 : index
    %get3A_18 = arith.constant 0 : index
    %get3A_19 = vector.load %arg5[%get3A_17, %get3A_18] : memref<2000x64xf32, #tpu.memory_space<vmem>>, vector<2000x64xf32>
    %add3A_20 = arith.addf %get3A_16, %get3A_19 : vector<2000x64xf32>
    %mul3A_21 = vector.broadcast %get3A_1 : vector<2000x1xf32> to vector<2000x64xf32>
    %mul3A_22 = arith.mulf %mul3A_21, %add3A_20 : vector<2000x64xf32>
    %mul3A_23 = arith.constant -2.000000e+00 : f32
    %mul3A_24 = vector.broadcast %mul3A_23 : f32 to vector<2000x64xf32>
    %mul3A_25 = arith.mulf %mul3A_24, %mul3A_22 : vector<2000x64xf32>
    %sub3A = arith.subf %mul3A_25, %get3A_4 : vector<2000x64xf32>
    %get3A_26 = arith.constant 0 : index
    %get3A_27 = arith.constant 0 : index
    %get3A_28 = vector.load %arg7[%get3A_26, %get3A_27] : memref<64x40xf32, #tpu.memory_space<vmem>>, vector<64x40xf32>
    %dot_general3A = arith.constant dense<0.000000e+00> : vector<2000x40xf32>
    %dot_general3A_29 = tpu.matmul %get3A_4, %get3A_28, %dot_general3A {dimension_numbers = #tpu.dot_dimension_numbers<[1], [0], [0], [1], [0, 0, 1, 1], [], []>, transpose_lhs_hint = false} : vector<2000x64xf32>, vector<64x40xf32>, vector<2000x40xf32> -> vector<2000x40xf32>
    %get3A_30 = arith.constant 0 : index
    %get3A_31 = arith.constant 0 : index
    %get3A_32 = vector.load %arg8[%get3A_30, %get3A_31] : memref<64x40xf32, #tpu.memory_space<vmem>>, vector<64x40xf32>
    %dot_general3A_33 = arith.constant dense<0.000000e+00> : vector<2000x40xf32>
    %dot_general3A_34 = tpu.matmul %neg3A_13, %get3A_32, %dot_general3A_33 {dimension_numbers = #tpu.dot_dimension_numbers<[1], [0], [0], [1], [0, 0, 1, 1], [], []>, transpose_lhs_hint = false} : vector<2000x64xf32>, vector<64x40xf32>, vector<2000x40xf32> -> vector<2000x40xf32>
    %add3A_35 = arith.addf %dot_general3A_29, %dot_general3A_34 : vector<2000x40xf32>
    %get3A_36 = arith.constant 0 : index
    %get3A_37 = arith.constant 0 : index
    %get3A_38 = vector.load %arg9[%get3A_36, %get3A_37] : memref<64x40xf32, #tpu.memory_space<vmem>>, vector<64x40xf32>
    %dot_general3A_39 = arith.constant dense<0.000000e+00> : vector<2000x40xf32>
    %dot_general3A_40 = tpu.matmul %sub3A, %get3A_38, %dot_general3A_39 {dimension_numbers = #tpu.dot_dimension_numbers<[1], [0], [0], [1], [0, 0, 1, 1], [], []>, transpose_lhs_hint = false} : vector<2000x64xf32>, vector<64x40xf32>, vector<2000x40xf32> -> vector<2000x40xf32>
    %add3A_41 = arith.addf %add3A_35, %dot_general3A_40 : vector<2000x40xf32>
    %max3A = arith.constant 0.000000e+00 : f32
    %max3A_42 = vector.broadcast %max3A : f32 to vector<2000x40xf32>
    %max3A_43 = arith.maximumf %add3A_41, %max3A_42 : vector<2000x40xf32>
    %swap3A = arith.constant 0 : index
    %swap3A_44 = arith.constant 0 : index
    %swap3A_45 = vector.load %arg10[%swap3A, %swap3A_44] : memref<2000x40xf32, #tpu.memory_space<vmem>>, vector<2000x40xf32>
    tpu.vector_store %arg10[%swap3A, %swap3A_44], %max3A_43 {strides = array<i32>} : memref<2000x40xf32, #tpu.memory_space<vmem>>, vector<2000x40xf32>,
    return
  }
  func.func @transform_0(%arg0: i32) -> (i32, i32) {
    %c0_i32 = arith.constant 0 : i32
    %c0_i32_0 = arith.constant 0 : i32
    return %arg0, %c0_i32 : i32, i32
  }
  func.func @transform_1(%arg0: i32) -> (i32, i32) {
    %c0_i32 = arith.constant 0 : i32
    %c0_i32_0 = arith.constant 0 : i32
    return %arg0, %c0_i32 : i32, i32
  }
  func.func @transform_2(%arg0: i32) -> (i32, i32) {
    %add3A = arith.constant 5 : i32
    %add3A_0 = arith.addi %arg0, %add3A : i32
    %c0_i32 = arith.constant 0 : i32
    %c0_i32_1 = arith.constant 0 : i32
    return %add3A_0, %c0_i32 : i32, i32
  }
  func.func @transform_3(%arg0: i32) -> (i32, i32) {
    %c0_i32 = arith.constant 0 : i32
    %c0_i32_0 = arith.constant 0 : i32
    return %arg0, %c0_i32 : i32, i32
  }
  func.func @transform_4(%arg0: i32) -> (i32, i32) {
    %add3A = arith.constant 5 : i32
    %add3A_0 = arith.addi %arg0, %add3A : i32
    %c0_i32 = arith.constant 0 : i32
    %c0_i32_1 = arith.constant 0 : i32
    return %add3A_0, %c0_i32 : i32, i32
  }
  func.func @transform_5(%arg0: i32) -> (i32, i32) {
    %c0_i32 = arith.constant 0 : i32
    %c0_i32_0 = arith.constant 0 : i32
    return %arg0, %c0_i32 : i32, i32
  }
  func.func @transform_6(%arg0: i32) -> (i32, i32) {
    %c0_i32 = arith.constant 0 : i32
    %c0_i32_0 = arith.constant 0 : i32
    %c0_i32_1 = arith.constant 0 : i32
    return %c0_i32, %c0_i32_0 : i32, i32
  }
  func.func @transform_7(%arg0: i32) -> (i32, i32) {
    %c0_i32 = arith.constant 0 : i32
    %c0_i32_0 = arith.constant 0 : i32
    %c0_i32_1 = arith.constant 0 : i32
    return %c0_i32, %c0_i32_0 : i32, i32
  }
  func.func @transform_8(%arg0: i32) -> (i32, i32) {
    %c0_i32 = arith.constant 0 : i32
    %c0_i32_0 = arith.constant 0 : i32
    %c0_i32_1 = arith.constant 0 : i32
    return %c0_i32, %c0_i32_0 : i32, i32
  }
  func.func @transform_9(%arg0: i32) -> (i32, i32) {
    %c0_i32 = arith.constant 0 : i32
    %c0_i32_0 = arith.constant 0 : i32
    return %arg0, %c0_i32 : i32, i32
  }
}

</mosaic_0001>

<sc_bundles>
// kernel: kernel.16.cloned.1.call-start
scs
__scs_entry_jumppad:
0x0: {  	(pc) =	sbr.rel $0x88, $3  }
0x1: {  	(tag) =	ssettag $0x0;
	lr =	simm.s32 $0x1  }
0x2: {  	[smem:$0x3F9C] =	sst lr;
	_ =	strace $0xD0000000  }
0x3: {  	_ = 	snop  }
0x4: {  	_ = 	snop  }
0x5: {  	_ = 	snop  }
0x6: {  	_ = 	snop  }
0x7: {  	_ = 	snop  }
__scs_overlays_trampoline_lowered:
0x8: {  	[smem:$0x3FAB] =	sst s0  }
0x9: {  	[smem:$0x3FAC] =	sst s1  }
0xa: {  	[smem:$0x3FAD] =	sst s2  }
0xb: {  	[smem:$0x3FAE] =	sst s3  }
0xc: {  	[smem:$0x3FAF] =	sst s4  }
0xd: {  	[smem:$0x3FB0] =	sst s5  }
0xe: {  	[smem:$0x3FB1] =	sst s6  }
0xf: {  	[smem:$0x3FB2] =	sst s7  }
0x10: {  	[smem:$0x3FB3] =	sst s8  }
0x11: {  	[smem:$0x3FB4] =	sst s9;
	s0 =	simm.s32 @!p0 $0x0  }
0x12: {  	s1 =	sld [smem:$0x3F9A];
	s0 =	simm.s32 @p0 $0x1  }
0x13: {  	[smem:$0x3FB5] =	sst s0;
	s0 =	simm.s32 @!p1 $0x0  }
0x14: {  	s2 =	sld [smem:$0x3F99];
	s0 =	simm.s32 @p1 $0x1  }
0x15: {  	[smem:$0x3FB6] =	sst s0;
	s0 =	simm.s32 @!p2 $0x0  }
0x16: {  	s3 =	sld [smem:$0x3FDB];
	s0 =	simm.s32 @p2 $0x1  }
0x17: {  	s4 =	simm.s32 $0x1BF5;
	[smem:$0x3FB8] =	sst s0  }
0x18: {  	s0 =	sld [smem:$0x3F9B];
	_ =	swait.ge [sflag:s4], $0x0  }
0x19: {  	s7 =	sld [smem:$0x3F9C]  }
0x1a: {  	s8 =	sadd.s32 $0xFFFFE003, lr  }
0x1b: {  	s9 =	sadd.s32 $0xFFFFFEF7, lr;
	s5 =	simm.s32 $0xFFFFFFFF;
	p2 =	slt.u32 s8, $0xFFFFF086  }
0x1c: {  	p1 =	slt.u32 s9, $0xF7A;
	s5 =	simm.s32 @!p2 $0x0  }
0x1d: {  	s5 =	simm.s32 @p1 $0x1;
	p0 =	seq.s32 s7, s2  }
0x1e: {  	s7 =	smul.u32 @!p0 $0xF7A, s2;
	p2 =	seq.s32 @!p0 s5, $0x0  }
0x1f: {  	s9 =	smul.u32 $0xF7A, s1;
	s8 =	simm.s32 @!p0 $0x1BF5;
	p2 =	por !p2, p0  }
0x20: {  	[sflag:s8] =	ssyncset.s32 @!p0 $0xFFFFF086;
	s6 =	sadd.s32 @!p0 s3, s7;
	s7 =	simm.s32 @!p0 $0x108  }
0x21: {  	s3 =	sadd.s32 s3, s9;
	s6 =	sadd.s32 @!p0 $0x88, s6;
	s7 =	simm.s32 @p2 $0x1082  }
0x22: {  	[simem:s7], [sflag:s8] =	dma.local @!p0 [hbm:s6], $0xF7A  }
0x23: {  	s9 =	sor.u32 $0xD0000000, s2;
	s6 =	simm.s32 $0x108;
	_ =	swait.ge @!p0 [sflag:s8], $0x0  }
0x24: {  	s3 =	sadd.s32 $0x88, s3;
	s6 =	simm.s32 @!p1 $0x1082;
	[sflag:s4] =	ssyncset.s32 $0xFFFFF086  }
0x25: {  	[simem:s6], [sflag:s4] =	dma.local [hbm:s3], $0xF7A  }
0x26: {  	[smem:$0x3F9C] =	sst s1;
	(tag) =	ssettag s2;
	_ =	strace s9  }
0x27: {  	s1 =	sld [smem:$0x3FAC]  }
0x28: {  	s2 =	sld [smem:$0x3FAD]  }
0x29: {  	s4 =	sld [smem:$0x3FAF]  }
0x2a: {  	p0 =	seq.s32 s5, $0x0;
	s5 =	sld [smem:$0x3FB0]  }
0x2b: {  	s6 =	sld [smem:$0x3FB1]  }
0x2c: {  	s7 =	sld [smem:$0x3FB2]  }
0x2d: {  	s3 =	simm.s32 $0x108;
	s8 =	sld [smem:$0x3FB3]  }
0x2e: {  	s3 =	simm.s32 @!p0 $0x1082;
	s9 =	sld [smem:$0x3FB4]  }
0x2f: {  	lr =	sadd.s32 s0, s3;
	s0 =	sld [smem:$0x3FAB]  }
0x30: {  	s3 =	sld [smem:$0x3FAE]  }
0x31: {  	[smem:$0x3FB7] =	sst s10  }
0x32: {  	s10 =	sld [smem:$0x3FB5];
	_ =	sdelay $0x3  }
0x33: {  	p0 =	seq.s32 s10, $0x1;
	s10 =	sld [smem:$0x3FB7];
	_ =	sdelay $0x3  }
0x34: {  	[smem:$0x3FB7] =	sst s10  }
0x35: {  	s10 =	sld [smem:$0x3FB6];
	_ =	sdelay $0x3  }
0x36: {  	p1 =	seq.s32 s10, $0x1;
	s10 =	sld [smem:$0x3FB7];
	_ =	sdelay $0x3  }
0x37: {  	[smem:$0x3FB7] =	sst s10  }
0x38: {  	s10 =	sld [smem:$0x3FB8]  }
0x39: {  	_ = 	snop;
	(pc) =	sbr.ind lr, $3  }
0x3a: {  	_ = 	snop  }
0x3b: {  	_ = 	snop  }
0x3c: {  	p2 =	seq.s32 s10, $0x1;
	s10 =	sld [smem:$0x3FB7]  }
0x3d: {  	_ =	shalt  }
0x3e: {  	_ =	shalt  }
0x3f: {  	_ =	shalt  }
0x40: {  	_ =	shalt  }
0x41: {  	_ =	shalt  }
0x42: {  	_ =	shalt  }
0x43: {  	_ =	shalt  }
0x44: {  	_ =	shalt  }
0x45: {  	_ =	shalt  }
0x46: {  	_ =	shalt  }
0x47: {  	_ =	shalt  }
0x48: {  	_ =	shalt  }
0x49: {  	_ =	shalt  }
0x4a: {  	_ =	shalt  }
0x4b: {  	_ =	shalt  }
0x4c: {  	_ =	shalt  }
0x4d: {  	_ =	shalt  }
0x4e: {  	_ =	shalt  }
0x4f: {  	_ =	shalt  }
0x50: {  	_ =	shalt  }
0x51: {  	_ =	shalt  }
0x52: {  	_ =	shalt  }
0x53: {  	_ =	shalt  }
0x54: {  	_ =	shalt  }
0x55: {  	_ =	shalt  }
0x56: {  	_ =	shalt  }
0x57: {  	_ =	shalt  }
0x58: {  	_ =	shalt  }
0x59: {  	_ =	shalt  }
0x5a: {  	_ =	shalt  }
0x5b: {  	_ =	shalt  }
0x5c: {  	_ =	shalt  }
0x5d: {  	_ =	shalt  }
0x5e: {  	_ =	shalt  }
0x5f: {  	_ =	shalt  }
0x60: {  	_ =	shalt  }
0x61: {  	_ =	shalt  }
0x62: {  	_ =	shalt  }
0x63: {  	_ =	shalt  }
0x64: {  	_ =	shalt  }
0x65: {  	_ =	shalt  }
0x66: {  	_ =	shalt  }
0x67: {  	_ =	shalt  }
0x68: {  	_ =	shalt  }
0x69: {  	_ =	shalt  }
0x6a: {  	_ =	shalt  }
0x6b: {  	_ =	shalt  }
0x6c: {  	_ =	shalt  }
0x6d: {  	_ =	shalt  }
0x6e: {  	_ =	shalt  }
0x6f: {  	_ =	shalt  }
0x70: {  	_ =	shalt  }
0x71: {  	_ =	shalt  }
0x72: {  	_ =	shalt  }
0x73: {  	_ =	shalt  }
0x74: {  	_ =	shalt  }
0x75: {  	_ =	shalt  }
0x76: {  	_ =	shalt  }
0x77: {  	_ =	shalt  }
0x78: {  	_ =	shalt  }
0x79: {  	_ =	shalt  }
0x7a: {  	_ =	shalt  }
0x7b: {  	_ =	shalt  }
0x7c: {  	_ =	shalt  }
0x7d: {  	_ =	shalt  }
0x7e: {  	_ =	shalt  }
0x7f: {  	_ =	shalt  }
0x80: {  	_ =	shalt  }
0x81: {  	_ =	shalt  }
0x82: {  	_ =	shalt  }
0x83: {  	_ =	shalt  }
0x84: {  	_ =	shalt  }
0x85: {  	_ =	shalt  }
0x86: {  	_ =	shalt  }
0x87: {  	_ =	shalt  }
.Lfunc_end0:
.L_simem_size_0:
called_computation_lowered:
.L_overlay_start_0:
0x88: {  	s2 =	sld [smem:$0x3FD9]  }
0x89: {  	s3 =	sld [smem:$0x3FFE];
	_ =	sdelay $0x1  }
0x8a: {  	s1 =	srdreg.scid  }
0x8b: {  	s0 =	sand.u32 $0x1, s1  }
0x8c: {  	s17 =	sshll.u32 s0, $0xA;
	s2 =	sadd.s32 s3, s2  }
0x8d: {  	s2 =	sadd.s32 s2, s17  }
0x8e: {  	[smem:$0x3FC3] =	sst s2  }
0x8f: {  	_ = 	snop  }
0x90: {  	s2 =	sld [smem:$0x3FD0];
	(tm) =	ssettm $0x1  }
0x91: {  	s18 =	sld [smem:$0x3FFB];
	_ =	sdelay $0x3  }
0x92: {  	_ =	strace s18  }
0x93: {  	s3 =	sld [smem:$0x3FFC];
	_ =	sdelay $0x3  }
0x94: {  	_ =	strace s3  }
0x95: {  	s3 =	sld [smem:$0x3FFD];
	_ =	sdelay $0x3  }
0x96: {  	_ =	strace s3  }
0x97: {  	_ =	strace $0x8FFFFFFF  }
0x98: {  	s19 =	sld [smem:$0x3FDB];
	_ =	sdelay $0x1  }
0x99: {  	s4 =	simm.s32 $_scs_section_size  }
0x9a: {  	s5 =	simm.s32 $_size__tile_overlayer_lowered;
	s6 =	simm.s32 $_tile_overlayer_lowered  }
0x9b: {  	s22 =	simm.s32 $0x1BFF;
	s21 =	sshll.u32 s6, $0x1;
	s3 =	sadd.s32 s4, s19  }
0x9c: {  	s7 =	simm.s32 $0x0;
	s20 =	sshll.u32 s5, $0x1;
	s5 =	sadd.s32 s21, s3  }
0x9d: {  	[timem:s7], [sflag:s22] =	dma.local [hbm:s5], s20  }
0x9e: {  	_ =	swait.ge [sflag:s22], s20  }
0x9f: {  	s4 =	ssub.s32 $0x0, s20;
	[sflag:s22] =	ssyncset.done $0x0  }
0xa0: {  	[sflag:s22] =	ssyncadd.s32 s4;
	_ =	sdelay $0x1  }
0xa1: {  	s23 =	simm.s32 $0x1B8B  }
0xa2: {  	_ =	swait.ge [sflag:s23], $0x1  }
0xa3: {  	[sflag:s23] =	ssyncset.done $0x0  }
0xa4: {  	s25 =	simm.s32 $0x1B8E;
	s24 =	sld [smem:$0x3FFE];
	[sflag:s23] =	ssyncadd.s32 $0xFFFFFFFF  }
0xa5: {  	s26 =	simm.s32 $execute0_lowered;
	[smem:$0x3FD2] =	sst s25  }
0xa6: {  	s5 =	sshll.u32 s26, $0x1;
	_ =	strace $0x80000046;
	[dreg:$0x1] =	wrdreg $0xFFFFFFFF  }
0xa7: {  	s28 =	simm.s32 $_size_execute0_lowered;
	s3 =	sadd.s32 s3, s5;
	[dreg:$0x0] =	wrdreg $0x0  }
0xa8: {  	s5 =	sshll.u32 s28, $0x1;
	[dreg:$0x2] =	wrdreg s3  }
0xa9: {  	[dreg:$0x3] =	wrdreg s5  }
0xaa: {  	[dreg:$0x4] =	wrdreg $0xC0  }
0xab: {  	_ =	task [dreg:s7], $0x5FFFF  }
0xac: {  	[dreg:$0x1] =	wrdreg $0xFFFFFFFF  }
0xad: {  	[dreg:$0x0] =	wrdreg $0x60  }
0xae: {  	[dreg:$0x2] =	wrdreg s2  }
0xaf: {  	[dreg:$0x3] =	wrdreg s24  }
0xb0: {  	[dreg:$0x4] =	wrdreg $0x2C100  }
0xb1: {  	[dreg:$0x5] =	wrdreg $0x9  }
0xb2: {  	_ =	task.clear_ibuf [dreg:s7], $0x6FFFF;
	_ =	strace $0x90000046  }
0xb3: {  	s29 =	simm.s32 $0x9;
	_ =	strace $0x80000048  }
0xb4: {  	_ =	swait.ge [sflag:s29], $0x1  }
0xb5: {  	[sflag:s29] =	ssyncadd.s32 $0xFFFFFFFF  }
0xb6: {  	_ =	strace $0x90000048  }
0xb7: {  	_ =	sfence  }
0xb8: {  	s30 =	sld [smem:$0x0];
	_ =	sdelay $0x2  }
0xb9: {  	s31 =	sshll.u32 s1, $0xD;
	s1 =	sshrl.u32 s1, $0x2  }
0xba: {  	s3 =	sand.u32 $0x4000, s31;
	s1 =	sadd.s32 s1, s30  }
0xbb: {  	s0 =	sor.u32 s3, s0;
	s1 =	sshll.u32 s1, $0x11  }
0xbc: {  	s0 =	sor.u32 s1, s0  }
0xbd: {  	s0 =	sadd.s32 $0x8F2B, s0  }
0xbe: {  	[sflag:s0] =	ssyncadd.remote.s32 $0x1  }
0xbf: {  	_ =	sfence.sel $0xFFFF  }
0xc0: {  	[dreg:$0x0] =	wrdreg $0xFFFFFFFF;
	(pc) =	sbr.abs _section_cstart, $3  }
0xc1: {  	[dreg:$0x1] =	wrdreg $0xFFFFFFFF  }
0xc2: {  	_ =	task.clear_ibuf [dreg:s7], $0x2FFFF;
	_ =	strace $0x9FFFFFFF  }
0xc3: {  	(tm) =	ssettm $0x7FFFFFFF  }
tec
execute0_lowered:
.L_overlay_start_1:
0x0: {  	(tag) =	ssettag $0x1  }
0x1: {  	s7 =	rddreg [dreg:$0x0]  }
0x2: {  	s6 =	rddreg [dreg:$0x1]  }
0x3: {  	s2 =	rddreg [dreg:$0x2]  }
0x4: {  	s0 =	rddreg [dreg:$0x3]  }
0x5: {  	s4 =	srdreg.scid;
	s1 =	stileid.u32  }
0x6: {  	s3 =	simm.s32 $0x0;
	s13 =	simm.s32 $0x50;
	s14 =	simm.s32 $0x1  }
0x7: {  	s15 =	simm.s32 $0x0;
	s8 =	sand.u32 $0x1, s4;
	s9 =	smul.u32 $0x4E0, s1  }
0x8: {  	[smem:$0x7FF] =	sst s3;
	s4 =	sadd.s32 $0xFA00, s6;
	s5 =	sadd.s32 $0xF400, s6  }
0x9: {  	s11 =	smul.u32 $0x9C00, s1;
	s12 =	sshll.u32 s1, $0x1;
	s31 =	sshll.u32 s1, $0x6  }
0xa: {  	s10 =	smul.u32 $0x4E20, s8;
	_ =	strace $0x80000047;
	s29 =	ssub.s32 $0x2, s8  }
0xb: {  	s8 =	sor.u32 s8, s12;
	s12 =	simm.s32 $0x2710;
	s30 =	sshrl.u32 s29, $0x1  }
0xc: {  	s11 =	sshrl.u32 s11, $0x2;
	s8 =	smul.u32 $0x4E2, s8;
	s9 =	sadd.s32 s9, s10  }
0xd: {  	s10 =	ssub.s32 s29, s30;
	s11 =	sadd.s32 s11, s2;
	s9 =	sadd.s32 s9, s6  }
0xe: {  	s6 =	sor.u32 $0x1C02, s31;
	s7 =	sadd.s32 s7, s8;
	s8 =	sadd.s32 $0xFC00, s9  }
0xf: {  	s9 =	smax.u32 s10, $0x1;
	s10 =	sshrl.u32 s11, $0x3;
	s11 =	simm.s32 $0x2  }
.LBB2_1:
0x10: {  	[spmem:s10], [sflag:s6] =	dma.local [hbm:s5], $0x500  }
0x11: {  	_ =	swait.ge [sflag:s11], $0x500  }
0x12: {  	[sflag:s11] =	ssyncset.done $0x0  }
0x13: {  	[sflag:s11] =	ssyncadd.s32 $0xFFFFFB00  }
0x14: {  	[tilespmem:s12], [sflag:$0x2] =	stream.linear.gather [hbm4b:s4+s3], $0x500, $0x38;
	[tilespmem:$0x5320] =	vst v63  }
0x15: {  	_ =	swait.ge [sflag:s11], $0x500  }
0x16: {  	[sflag:s11] =	ssyncset.done $0x0  }
0x17: {  	[sflag:s11] =	ssyncadd.s32 $0xFFFFFB00  }
0x18: {  	[tilespmem:s3], [sflag:$0x2] =	stream.linear.gather [hbm4b:s7+s3], $0x2710, $0x38;
	[tilespmem:$0x5320] =	vst v63  }
0x19: {  	_ =	swait.ge [sflag:s11], $0x2710  }
0x1a: {  	[sflag:s11] =	ssyncset.done $0x0  }
0x1b: {  	[sflag:s11] =	ssyncadd.s32 $0xFFFFD8F0  }
0x1c: {  	s16 =	simm.s32 $0x0;
	[bflag:$0x0] =	sbarrier.arrive $0xFFFF  }
0x1d: {  	[spmem:s2] =	stream.indirect.scatter.add.f32 [tilespmem:s12], [sflag:$0x1], $0x10, s16, s13, $0xb8;
	[tilespmem:$0x5320] =	vst v63  }
0x1e: {  	s28 =	simm.s32 $0x50  }
0x1f: {  	[spmem:s2] =	stream.indirect.scatter.add.f32 [tilespmem:s12], [sflag:$0x1], $0x10, s28, s13, $0xb8;
	[tilespmem:$0x5320] =	vst v63  }
0x20: {  	s29 =	simm.s32 $0xA0  }
0x21: {  	[spmem:s2] =	stream.indirect.scatter.add.f32 [tilespmem:s12], [sflag:$0x1], $0x10, s29, s13, $0xb8;
	[tilespmem:$0x5320] =	vst v63  }
0x22: {  	s30 =	simm.s32 $0xF0  }
0x23: {  	[spmem:s2] =	stream.indirect.scatter.add.f32 [tilespmem:s12], [sflag:$0x1], $0x10, s30, s13, $0xb8;
	[tilespmem:$0x5320] =	vst v63  }
0x24: {  	s31 =	simm.s32 $0x140  }
0x25: {  	[spmem:s2] =	stream.indirect.scatter.add.f32 [tilespmem:s12], [sflag:$0x1], $0x10, s31, s13, $0xb8;
	[tilespmem:$0x5320] =	vst v63  }
0x26: {  	_ =	swait.ge [sflag:s14], $0x500  }
0x27: {  	[sflag:s14] =	ssyncset.done $0x0  }
0x28: {  	[sflag:s14] =	ssyncadd.s32 $0xFFFFFB00  }
0x29: {  	_ =	swait.ge [sflag:s14], $0x500  }
0x2a: {  	[sflag:s14] =	ssyncset.done $0x0  }
0x2b: {  	[sflag:s14] =	ssyncadd.s32 $0xFFFFFB00  }
0x2c: {  	_ =	swait.ge [sflag:s14], $0x500  }
0x2d: {  	[sflag:s14] =	ssyncset.done $0x0  }
0x2e: {  	[sflag:s14] =	ssyncadd.s32 $0xFFFFFB00  }
0x2f: {  	_ =	swait.ge [sflag:s14], $0x500  }
0x30: {  	[sflag:s14] =	ssyncset.done $0x0  }
0x31: {  	[sflag:s14] =	ssyncadd.s32 $0xFFFFFB00  }
0x32: {  	_ =	swait.ge [sflag:s14], $0x500  }
0x33: {  	s17 =	simm.s32 $0xC80;
	s16 =	simm.s32 $0x640;
	[sflag:s14] =	ssyncset.done $0x0  }
.LBB2_2:
0x34: {  	s18 =	sshra.s32 s16, $0x2  }
0x35: {  	[sflag:s14] =	ssyncadd.s32 $0xFFFFFB00;
	s16 =	smov.u32 s17;
	s19 =	sadd.s32 $0x640, s17  }
0x36: {  	[spmem:s2] =	stream.indirect.scatter.add.f32 [tilespmem:s12], [sflag:$0x1], $0x10, s18, s13, $0xb8;
	[tilespmem:$0x5320] =	vst v63  }
0x37: {  	p0 =	sne.s32 s17, $0x9600;
	s17 =	sadd.s32 $0x50, s18  }
0x38: {  	[spmem:s2] =	stream.indirect.scatter.add.f32 [tilespmem:s12], [sflag:$0x1], $0x10, s17, s13, $0xb8;
	[tilespmem:$0x5320] =	vst v63  }
0x39: {  	s17 =	sadd.s32 $0xA0, s18  }
0x3a: {  	[spmem:s2] =	stream.indirect.scatter.add.f32 [tilespmem:s12], [sflag:$0x1], $0x10, s17, s13, $0xb8;
	[tilespmem:$0x5320] =	vst v63  }
0x3b: {  	s17 =	sadd.s32 $0xF0, s18  }
0x3c: {  	[spmem:s2] =	stream.indirect.scatter.add.f32 [tilespmem:s12], [sflag:$0x1], $0x10, s17, s13, $0xb8;
	[tilespmem:$0x5320] =	vst v63  }
0x3d: {  	s17 =	sadd.s32 $0x140, s18  }
0x3e: {  	[spmem:s2] =	stream.indirect.scatter.add.f32 [tilespmem:s12], [sflag:$0x1], $0x10, s17, s13, $0xb8;
	[tilespmem:$0x5320] =	vst v63  }
0x3f: {  	_ =	swait.ge [sflag:s14], $0x500  }
0x40: {  	[sflag:s14] =	ssyncset.done $0x0  }
0x41: {  	[sflag:s14] =	ssyncadd.s32 $0xFFFFFB00  }
0x42: {  	_ =	swait.ge [sflag:s14], $0x500  }
0x43: {  	[sflag:s14] =	ssyncset.done $0x0  }
0x44: {  	[sflag:s14] =	ssyncadd.s32 $0xFFFFFB00  }
0x45: {  	_ =	swait.ge [sflag:s14], $0x500  }
0x46: {  	[sflag:s14] =	ssyncset.done $0x0  }
0x47: {  	[sflag:s14] =	ssyncadd.s32 $0xFFFFFB00  }
.Ltmp0:
0x48: {  	_ =	swait.ge [sflag:s14], $0x500;
	(pc) =	sbr.rel @p0 .LBB2_2-.Ltmp0, $4  }
0x49: {  	[sflag:s14] =	ssyncset.done $0x0  }
0x4a: {  	[sflag:s14] =	ssyncadd.s32 $0xFFFFFB00  }
0x4b: {  	_ =	swait.ge [sflag:s14], $0x500  }
0x4c: {  	s17 =	smov.u32 s19;
	[sflag:s14] =	ssyncset.done $0x0  }
0x4d: {  	s16 =	sshra.s32 s16, $0x2;
	[sflag:s14] =	ssyncadd.s32 $0xFFFFFB00  }
0x4e: {  	[spmem:s2] =	stream.indirect.scatter.add.f32 [tilespmem:s12], [sflag:$0x1], $0x10, s16, s13, $0xb8;
	[tilespmem:$0x5320] =	vst v63  }
0x4f: {  	s17 =	sadd.s32 $0x50, s16  }
0x50: {  	[spmem:s2] =	stream.indirect.scatter.add.f32 [tilespmem:s12], [sflag:$0x1], $0x10, s17, s13, $0xb8;
	[tilespmem:$0x5320] =	vst v63  }
0x51: {  	s30 =	sadd.s32 $0xA0, s16  }
0x52: {  	[spmem:s2] =	stream.indirect.scatter.add.f32 [tilespmem:s12], [sflag:$0x1], $0x10, s30, s13, $0xb8;
	[tilespmem:$0x5320] =	vst v63  }
0x53: {  	s31 =	sadd.s32 $0xF0, s16  }
0x54: {  	[spmem:s2] =	stream.indirect.scatter.add.f32 [tilespmem:s12], [sflag:$0x1], $0x10, s31, s13, $0xb8;
	[tilespmem:$0x5320] =	vst v63  }
0x55: {  	s16 =	sadd.s32 $0x140, s16  }
0x56: {  	[spmem:s2] =	stream.indirect.scatter.add.f32 [tilespmem:s12], [sflag:$0x1], $0x10, s16, s13, $0xb8;
	[tilespmem:$0x5320] =	vst v63  }
0x57: {  	_ =	swait.ge [sflag:s14], $0x500  }
0x58: {  	[sflag:s14] =	ssyncset.done $0x0  }
0x59: {  	[sflag:s14] =	ssyncadd.s32 $0xFFFFFB00  }
0x5a: {  	_ =	swait.ge [sflag:s14], $0x500  }
0x5b: {  	[sflag:s14] =	ssyncset.done $0x0  }
0x5c: {  	[sflag:s14] =	ssyncadd.s32 $0xFFFFFB00  }
0x5d: {  	_ =	swait.ge [sflag:s14], $0x500  }
0x5e: {  	[sflag:s14] =	ssyncset.done $0x0  }
0x5f: {  	[sflag:s14] =	ssyncadd.s32 $0xFFFFFB00  }
0x60: {  	_ =	swait.ge [sflag:s14], $0x500  }
0x61: {  	[sflag:s14] =	ssyncset.done $0x0  }
0x62: {  	[sflag:s14] =	ssyncadd.s32 $0xFFFFFB00  }
0x63: {  	_ =	swait.ge [sflag:s14], $0x500  }
0x64: {  	s15 =	sadd.s32 $0x1, s15;
	[sflag:s14] =	ssyncset.done $0x0  }
0x65: {  	p0 =	sne.s32 s15, s9;
	[sflag:s14] =	ssyncadd.s32 $0xFFFFFB00  }
.Ltmp1:
0x66: {  	[bflag:$0x0] =	sbarrier.arrive $0xFFFF;
	(pc) =	sbr.rel @p0 .LBB2_1-.Ltmp1, $4  }
0x67: {  	[hbm:s8], [sflag:s6] =	dma.local [spmem:s10], $0x500  }
0x68: {  	_ =	swait.ge [sflag:s11], $0x500  }
0x69: {  	[sflag:s11] =	ssyncset.done $0x0  }
0x6a: {  	[sflag:s11] =	ssyncadd.s32 $0xFFFFFB00  }
0x6b: {  	_ =	sfence.sel $0x180000  }
0x6c: {  	[bflag:$0x0] =	sbarrier.arrive $0xFFFF  }
0x6d: {  	p0 =	sne.s32 s1, $0x0;
	_ =	strace $0x90000047  }
0x6e: {  	s0 =	sadd.s32 @!p0 $0x100000, s0;
	[bflag:$0x2] =	sbarrier.arrive $0xFFFF  }
0x6f: {  	[sflag:s0] =	ssyncadd.tile.s32 @!p0 $0x1;
	_ =	shalt  }
.Lfunc_end2:
_tile_overlayer_lowered:
.L_overlay_start_2:
0x70: {  	(tag) =	ssettag $0x2  }
0x71: {  	s0 =	rddreg [dreg:$0x0];
	s2 =	stileid.u32  }
0x72: {  	s1 =	rddreg [dreg:$0x1];
	p0 =	sne.s32 s2, $0x0  }
0x73: {  	s3 =	rddreg [dreg:$0x2];
	[bflag:$0x3] =	sbarrier.arrive $0xFFFF;
	s2 =	simm.s32 @!p0 $0x1C02  }
0x74: {  	[timem:s3], [sflag:s2] =	dma.local @!p0 [hbm:s0], s1  }
0x75: {  	s0 =	simm.s32 @!p0 $0x2  }
0x76: {  	_ =	swait.ge @!p0 [sflag:s0], s1  }
0x77: {  	s1 =	ssub.s32 @!p0 $0x0, s1;
	[sflag:s0] =	ssyncset.done @!p0 $0x0  }
0x78: {  	[sflag:s0] =	ssyncadd.s32 @!p0 s1  }
0x79: {  	[bflag:$0x3] =	sbarrier.arrive $0xFFFF  }
0x7a: {  	_ =	shalt  }

// kernel: kernel.19.cloned.1.call-start
scs
__scs_entry_jumppad:
0x0: {  	(pc) =	sbr.rel $0x88, $3  }
0x1: {  	(tag) =	ssettag $0x0;
	lr =	simm.s32 $0x1  }
0x2: {  	[smem:$0x3F9C] =	sst lr;
	_ =	strace $0xD0000000  }
0x3: {  	_ = 	snop  }
0x4: {  	_ = 	snop  }
0x5: {  	_ = 	snop  }
0x6: {  	_ = 	snop  }
0x7: {  	_ = 	snop  }
__scs_overlays_trampoline_lowered:
0x8: {  	[smem:$0x3FAB] =	sst s0  }
0x9: {  	[smem:$0x3FAC] =	sst s1  }
0xa: {  	[smem:$0x3FAD] =	sst s2  }
0xb: {  	[smem:$0x3FAE] =	sst s3  }
0xc: {  	[smem:$0x3FAF] =	sst s4  }
0xd: {  	[smem:$0x3FB0] =	sst s5  }
0xe: {  	[smem:$0x3FB1] =	sst s6  }
0xf: {  	[smem:$0x3FB2] =	sst s7  }
0x10: {  	[smem:$0x3FB3] =	sst s8  }
0x11: {  	[smem:$0x3FB4] =	sst s9;
	s0 =	simm.s32 @!p0 $0x0  }
0x12: {  	s1 =	sld [smem:$0x3F9A];
	s0 =	simm.s32 @p0 $0x1  }
0x13: {  	[smem:$0x3FB5] =	sst s0;
	s0 =	simm.s32 @!p1 $0x0  }
0x14: {  	s2 =	sld [smem:$0x3F99];
	s0 =	simm.s32 @p1 $0x1  }
0x15: {  	[smem:$0x3FB6] =	sst s0;
	s0 =	simm.s32 @!p2 $0x0  }
0x16: {  	s3 =	sld [smem:$0x3FDB];
	s0 =	simm.s32 @p2 $0x1  }
0x17: {  	s4 =	simm.s32 $0x1BF5;
	[smem:$0x3FB8] =	sst s0  }
0x18: {  	s0 =	sld [smem:$0x3F9B];
	_ =	swait.ge [sflag:s4], $0x0  }
0x19: {  	s7 =	sld [smem:$0x3F9C]  }
0x1a: {  	s8 =	sadd.s32 $0xFFFFE003, lr  }
0x1b: {  	s9 =	sadd.s32 $0xFFFFFEF7, lr;
	s5 =	simm.s32 $0xFFFFFFFF;
	p2 =	slt.u32 s8, $0xFFFFF086  }
0x1c: {  	p1 =	slt.u32 s9, $0xF7A;
	s5 =	simm.s32 @!p2 $0x0  }
0x1d: {  	s5 =	simm.s32 @p1 $0x1;
	p0 =	seq.s32 s7, s2  }
0x1e: {  	s7 =	smul.u32 @!p0 $0xF7A, s2;
	p2 =	seq.s32 @!p0 s5, $0x0  }
0x1f: {  	s9 =	smul.u32 $0xF7A, s1;
	s8 =	simm.s32 @!p0 $0x1BF5;
	p2 =	por !p2, p0  }
0x20: {  	[sflag:s8] =	ssyncset.s32 @!p0 $0xFFFFF086;
	s6 =	sadd.s32 @!p0 s3, s7;
	s7 =	simm.s32 @!p0 $0x108  }
0x21: {  	s3 =	sadd.s32 s3, s9;
	s6 =	sadd.s32 @!p0 $0x88, s6;
	s7 =	simm.s32 @p2 $0x1082  }
0x22: {  	[simem:s7], [sflag:s8] =	dma.local @!p0 [hbm:s6], $0xF7A  }
0x23: {  	s9 =	sor.u32 $0xD0000000, s2;
	s6 =	simm.s32 $0x108;
	_ =	swait.ge @!p0 [sflag:s8], $0x0  }
0x24: {  	s3 =	sadd.s32 $0x88, s3;
	s6 =	simm.s32 @!p1 $0x1082;
	[sflag:s4] =	ssyncset.s32 $0xFFFFF086  }
0x25: {  	[simem:s6], [sflag:s4] =	dma.local [hbm:s3], $0xF7A  }
0x26: {  	[smem:$0x3F9C] =	sst s1;
	(tag) =	ssettag s2;
	_ =	strace s9  }
0x27: {  	s1 =	sld [smem:$0x3FAC]  }
0x28: {  	s2 =	sld [smem:$0x3FAD]  }
0x29: {  	s4 =	sld [smem:$0x3FAF]  }
0x2a: {  	p0 =	seq.s32 s5, $0x0;
	s5 =	sld [smem:$0x3FB0]  }
0x2b: {  	s6 =	sld [smem:$0x3FB1]  }
0x2c: {  	s7 =	sld [smem:$0x3FB2]  }
0x2d: {  	s3 =	simm.s32 $0x108;
	s8 =	sld [smem:$0x3FB3]  }
0x2e: {  	s3 =	simm.s32 @!p0 $0x1082;
	s9 =	sld [smem:$0x3FB4]  }
0x2f: {  	lr =	sadd.s32 s0, s3;
	s0 =	sld [smem:$0x3FAB]  }
0x30: {  	s3 =	sld [smem:$0x3FAE]  }
0x31: {  	[smem:$0x3FB7] =	sst s10  }
0x32: {  	s10 =	sld [smem:$0x3FB5];
	_ =	sdelay $0x3  }
0x33: {  	p0 =	seq.s32 s10, $0x1;
	s10 =	sld [smem:$0x3FB7];
	_ =	sdelay $0x3  }
0x34: {  	[smem:$0x3FB7] =	sst s10  }
0x35: {  	s10 =	sld [smem:$0x3FB6];
	_ =	sdelay $0x3  }
0x36: {  	p1 =	seq.s32 s10, $0x1;
	s10 =	sld [smem:$0x3FB7];
	_ =	sdelay $0x3  }
0x37: {  	[smem:$0x3FB7] =	sst s10  }
0x38: {  	s10 =	sld [smem:$0x3FB8]  }
0x39: {  	_ = 	snop;
	(pc) =	sbr.ind lr, $3  }
0x3a: {  	_ = 	snop  }
0x3b: {  	_ = 	snop  }
0x3c: {  	p2 =	seq.s32 s10, $0x1;
	s10 =	sld [smem:$0x3FB7]  }
0x3d: {  	_ =	shalt  }
0x3e: {  	_ =	shalt  }
0x3f: {  	_ =	shalt  }
0x40: {  	_ =	shalt  }
0x41: {  	_ =	shalt  }
0x42: {  	_ =	shalt  }
0x43: {  	_ =	shalt  }
0x44: {  	_ =	shalt  }
0x45: {  	_ =	shalt  }
0x46: {  	_ =	shalt  }
0x47: {  	_ =	shalt  }
0x48: {  	_ =	shalt  }
0x49: {  	_ =	shalt  }
0x4a: {  	_ =	shalt  }
0x4b: {  	_ =	shalt  }
0x4c: {  	_ =	shalt  }
0x4d: {  	_ =	shalt  }
0x4e: {  	_ =	shalt  }
0x4f: {  	_ =	shalt  }
0x50: {  	_ =	shalt  }
0x51: {  	_ =	shalt  }
0x52: {  	_ =	shalt  }
0x53: {  	_ =	shalt  }
0x54: {  	_ =	shalt  }
0x55: {  	_ =	shalt  }
0x56: {  	_ =	shalt  }
0x57: {  	_ =	shalt  }
0x58: {  	_ =	shalt  }
0x59: {  	_ =	shalt  }
0x5a: {  	_ =	shalt  }
0x5b: {  	_ =	shalt  }
0x5c: {  	_ =	shalt  }
0x5d: {  	_ =	shalt  }
0x5e: {  	_ =	shalt  }
0x5f: {  	_ =	shalt  }
0x60: {  	_ =	shalt  }
0x61: {  	_ =	shalt  }
0x62: {  	_ =	shalt  }
0x63: {  	_ =	shalt  }
0x64: {  	_ =	shalt  }
0x65: {  	_ =	shalt  }
0x66: {  	_ =	shalt  }
0x67: {  	_ =	shalt  }
0x68: {  	_ =	shalt  }
0x69: {  	_ =	shalt  }
0x6a: {  	_ =	shalt  }
0x6b: {  	_ =	shalt  }
0x6c: {  	_ =	shalt  }
0x6d: {  	_ =	shalt  }
0x6e: {  	_ =	shalt  }
0x6f: {  	_ =	shalt  }
0x70: {  	_ =	shalt  }
0x71: {  	_ =	shalt  }
0x72: {  	_ =	shalt  }
0x73: {  	_ =	shalt  }
0x74: {  	_ =	shalt  }
0x75: {  	_ =	shalt  }
0x76: {  	_ =	shalt  }
0x77: {  	_ =	shalt  }
0x78: {  	_ =	shalt  }
0x79: {  	_ =	shalt  }
0x7a: {  	_ =	shalt  }
0x7b: {  	_ =	shalt  }
0x7c: {  	_ =	shalt  }
0x7d: {  	_ =	shalt  }
0x7e: {  	_ =	shalt  }
0x7f: {  	_ =	shalt  }
0x80: {  	_ =	shalt  }
0x81: {  	_ =	shalt  }
0x82: {  	_ =	shalt  }
0x83: {  	_ =	shalt  }
0x84: {  	_ =	shalt  }
0x85: {  	_ =	shalt  }
0x86: {  	_ =	shalt  }
0x87: {  	_ =	shalt  }
.Lfunc_end0:
.L_simem_size_0:
called_computation.1_lowered:
.L_overlay_start_0:
0x88: {  	s2 =	sld [smem:$0x3FD9]  }
0x89: {  	s3 =	sld [smem:$0x3FFE];
	_ =	sdelay $0x1  }
0x8a: {  	s1 =	srdreg.scid  }
0x8b: {  	s0 =	sand.u32 $0x1, s1  }
0x8c: {  	s17 =	sshll.u32 s0, $0xA;
	s2 =	sadd.s32 s3, s2  }
0x8d: {  	s2 =	sadd.s32 s2, s17  }
0x8e: {  	[smem:$0x3FC3] =	sst s2  }
0x8f: {  	_ = 	snop  }
0x90: {  	s2 =	sld [smem:$0x3FD0];
	(tm) =	ssettm $0x1  }
0x91: {  	s18 =	sld [smem:$0x3FFB];
	_ =	sdelay $0x3  }
0x92: {  	_ =	strace s18  }
0x93: {  	s3 =	sld [smem:$0x3FFC];
	_ =	sdelay $0x3  }
0x94: {  	_ =	strace s3  }
0x95: {  	s3 =	sld [smem:$0x3FFD];
	_ =	sdelay $0x3  }
0x96: {  	_ =	strace s3  }
0x97: {  	_ =	strace $0x8FFFFFFF  }
0x98: {  	s19 =	sld [smem:$0x3FDB];
	_ =	sdelay $0x1  }
0x99: {  	s4 =	simm.s32 $_scs_section_size  }
0x9a: {  	s5 =	simm.s32 $_size__tile_overlayer_lowered;
	s6 =	simm.s32 $_tile_overlayer_lowered  }
0x9b: {  	s22 =	simm.s32 $0x1BFF;
	s21 =	sshll.u32 s6, $0x1;
	s3 =	sadd.s32 s4, s19  }
0x9c: {  	s7 =	simm.s32 $0x0;
	s20 =	sshll.u32 s5, $0x1;
	s5 =	sadd.s32 s21, s3  }
0x9d: {  	[timem:s7], [sflag:s22] =	dma.local [hbm:s5], s20  }
0x9e: {  	_ =	swait.ge [sflag:s22], s20  }
0x9f: {  	s4 =	ssub.s32 $0x0, s20;
	[sflag:s22] =	ssyncset.done $0x0  }
0xa0: {  	[sflag:s22] =	ssyncadd.s32 s4;
	_ =	sdelay $0x1  }
0xa1: {  	s23 =	simm.s32 $0x1B8B  }
0xa2: {  	_ =	swait.ge [sflag:s23], $0x1  }
0xa3: {  	[sflag:s23] =	ssyncset.done $0x0  }
0xa4: {  	s25 =	simm.s32 $0x1B8E;
	s24 =	sld [smem:$0x3FFE];
	[sflag:s23] =	ssyncadd.s32 $0xFFFFFFFF  }
0xa5: {  	s26 =	simm.s32 $execute0_lowered;
	[smem:$0x3FD2] =	sst s25  }
0xa6: {  	s5 =	sshll.u32 s26, $0x1;
	_ =	strace $0x80000049;
	[dreg:$0x1] =	wrdreg $0xFFFFFFFF  }
0xa7: {  	s28 =	simm.s32 $_size_execute0_lowered;
	s3 =	sadd.s32 s3, s5;
	[dreg:$0x0] =	wrdreg $0x0  }
0xa8: {  	s5 =	sshll.u32 s28, $0x1;
	[dreg:$0x2] =	wrdreg s3  }
0xa9: {  	[dreg:$0x3] =	wrdreg s5  }
0xaa: {  	[dreg:$0x4] =	wrdreg $0xC0  }
0xab: {  	_ =	task [dreg:s7], $0x5FFFF  }
0xac: {  	[dreg:$0x1] =	wrdreg $0xFFFFFFFF  }
0xad: {  	[dreg:$0x0] =	wrdreg $0x60  }
0xae: {  	[dreg:$0x2] =	wrdreg s24  }
0xaf: {  	[dreg:$0x3] =	wrdreg s2  }
0xb0: {  	[dreg:$0x4] =	wrdreg $0xB2200  }
0xb1: {  	[dreg:$0x5] =	wrdreg $0x9  }
0xb2: {  	_ =	task.clear_ibuf [dreg:s7], $0x6FFFF;
	_ =	strace $0x90000049  }
0xb3: {  	s29 =	simm.s32 $0x9;
	_ =	strace $0x8000004B  }
0xb4: {  	_ =	swait.ge [sflag:s29], $0x1  }
0xb5: {  	[sflag:s29] =	ssyncadd.s32 $0xFFFFFFFF  }
0xb6: {  	_ =	strace $0x9000004B  }
0xb7: {  	_ =	sfence  }
0xb8: {  	s30 =	sld [smem:$0x0];
	_ =	sdelay $0x2  }
0xb9: {  	s31 =	sshll.u32 s1, $0xD;
	s1 =	sshrl.u32 s1, $0x2  }
0xba: {  	s3 =	sand.u32 $0x4000, s31;
	s1 =	sadd.s32 s1, s30  }
0xbb: {  	s0 =	sor.u32 s3, s0;
	s1 =	sshll.u32 s1, $0x11  }
0xbc: {  	s0 =	sor.u32 s1, s0  }
0xbd: {  	s0 =	sadd.s32 $0x8F2B, s0  }
0xbe: {  	[sflag:s0] =	ssyncadd.remote.s32 $0x1  }
0xbf: {  	_ =	sfence.sel $0xFFFF  }
0xc0: {  	[dreg:$0x0] =	wrdreg $0xFFFFFFFF;
	(pc) =	sbr.abs _section_cstart, $3  }
0xc1: {  	[dreg:$0x1] =	wrdreg $0xFFFFFFFF  }
0xc2: {  	_ =	task.clear_ibuf [dreg:s7], $0x2FFFF;
	_ =	strace $0x9FFFFFFF  }
0xc3: {  	(tm) =	ssettm $0x7FFFFFFF  }
tec
execute0_lowered:
.L_overlay_start_1:
0x0: {  	(tag) =	ssettag $0x1  }
0x1: {  	s0 =	srdreg.scid;
	s1 =	rddreg [dreg:$0x0]  }
0x2: {  	s11 =	stileid.u32;
	s8 =	rddreg [dreg:$0x1];
	s12 =	simm.s32 $0x7  }
0x3: {  	s14 =	simm.s32 $0x28;
	s15 =	simm.s32 $0x4E20;
	s16 =	simm.s32 $0x6220  }
0x4: {  	s18 =	simm.s32 $0x7620;
	s20 =	simm.s32 $0x8A20;
	s22 =	simm.s32 $0x9E20  }
0x5: {  	s23 =	simm.s32 $0x1;
	s28 =	simm.s32 $0x4;
	s29 =	simm.s32 $0x5  }
0x6: {  	s31 =	simm.s32 $0x4D80;
	s13 =	simm.s32 $0x4DF8;
	s17 =	simm.s32 $0x0  }
0x7: {  	s0 =	sand.u32 $0x1, s0;
	s2 =	sshll.u32 s11, $0x1;
	s5 =	smul.u32 $0x2700, s11  }
0x8: {  	s4 =	sadd.s32 $0xF400, s1;
	s10 =	smul.u32 $0x4E000, s11;
	s26 =	sshll.u32 s11, $0x6  }
0x9: {  	s3 =	sor.u32 s0, s2;
	s2 =	rddreg [dreg:$0x2];
	s6 =	smul.u32 $0x27100, s0  }
0xa: {  	s0 =	ssub.s32 $0x2, s0;
	s9 =	smul.u32 $0x4E2, s3;
	s3 =	simm.s32 $0x0  }
0xb: {  	s24 =	sshrl.u32 s0, $0x1;
	s25 =	sshrl.u32 s10, $0x2;
	[smem:$0x7FF] =	sst s3  }
0xc: {  	s6 =	sadd.s32 s5, s6;
	s5 =	sadd.s32 $0x5D800, s1;
	s0 =	ssub.s32 s0, s24  }
0xd: {  	s30 =	sadd.s32 s25, s2;
	s24 =	simm.s32 $0x6;
	s25 =	simm.s32 $0x2  }
0xe: {  	_ =	strace $0x8000004A;
	s7 =	sadd.s32 s9, s1;
	s1 =	sadd.s32 s6, s1  }
0xf: {  	s6 =	sor.u32 $0x1C07, s26;
	s8 =	sadd.s32 s8, s9;
	s10 =	smax.u32 s0, $0x1  }
0x10: {  	s11 =	sshrl.u32 s30, $0x3;
	s26 =	simm.s32 $0x3;
	s0 =	simm.s32 $0x4DD0  }
0x11: {  	s7 =	sadd.s32 $0x5600, s7;
	s9 =	sadd.s32 $0x60000, s1;
	s1 =	simm.s32 $0x4DA8  }
.LBB2_1:
0x12: {  	[spmem:s11], [sflag:s6] =	dma.local [hbm:s5], $0x2800  }
0x13: {  	_ =	swait.ge [sflag:s12], $0x2800  }
0x14: {  	[sflag:s12] =	ssyncset.done $0x0  }
0x15: {  	[sflag:s12] =	ssyncadd.s32 $0xFFFFD800  }
0x16: {  	[tilespmem:s3], [sflag:$0x7] =	stream.linear.gather [hbm4b:s7+s3], $0x2710, $0x38;
	[tilespmem:$0x1EAA0] =	vst v63  }
0x17: {  	_ =	swait.ge [sflag:s12], $0x2710  }
0x18: {  	[sflag:s12] =	ssyncset.done $0x0  }
0x19: {  	s19 =	simm.s32 $0x2710;
	[sflag:s12] =	ssyncadd.s32 $0xFFFFD8F0  }
0x1a: {  	[tilespmem:s19], [sflag:$0x7] =	stream.linear.gather [hbm4b:s8+s3], $0x2710, $0x38;
	[tilespmem:$0x1EAA0] =	vst v63  }
0x1b: {  	_ =	swait.ge [sflag:s12], $0x2710  }
0x1c: {  	[sflag:s12] =	ssyncset.done $0x0  }
0x1d: {  	[sflag:s12] =	ssyncadd.s32 $0xFFFFD8F0  }
0x1e: {  	[bflag:$0x0] =	sbarrier.arrive $0xFFFF  }
0x1f: {  	[tilespmem:s15], [sflag:$0x1] =	stream.indirect.gather [hbm4b:s4+s14], $0x80, s3, s14, $0xb8;
	[tilespmem:$0x1EAA0] =	vst v63  }
0x20: {  	_ = 	snop  }
0x21: {  	[tilespmem:s16], [sflag:$0x2] =	stream.indirect.gather [hbm4b:s4+s14], $0x80, s14, s14, $0xb8;
	[tilespmem:$0x1EAA0] =	vst v63  }
0x22: {  	s21 =	simm.s32 $0x50  }
0x23: {  	[tilespmem:s18], [sflag:$0x3] =	stream.indirect.gather [hbm4b:s4+s14], $0x80, s21, s14, $0xb8;
	[tilespmem:$0x1EAA0] =	vst v63  }
0x24: {  	s30 =	simm.s32 $0x78  }
0x25: {  	[tilespmem:s20], [sflag:$0x4] =	stream.indirect.gather [hbm4b:s4+s14], $0x80, s30, s14, $0xb8;
	[tilespmem:$0x1EAA0] =	vst v63  }
0x26: {  	s21 =	simm.s32 $0xA0  }
0x27: {  	[tilespmem:s22], [sflag:$0x5] =	stream.indirect.gather [hbm4b:s4+s14], $0x80, s21, s14, $0xb8;
	[tilespmem:$0x1EAA0] =	vst v63  }
0x28: {  	_ =	swait.ge [sflag:s23], $0x1400  }
0x29: {  	[sflag:s23] =	ssyncset.done $0x0  }
0x2a: {  	s30 =	simm.s32 $0x2710;
	[sflag:s23] =	ssyncadd.s32 $0xFFFFEC00  }
0x2b: {  	[spmem:s2] =	stream.indirect.scatter.add.f32 [tilespmem:s15], [sflag:$0x6], $0x80, s30, s14, $0xb8;
	[tilespmem:$0x1EAA0] =	vst v63  }
0x2c: {  	_ =	swait.ge [sflag:s24], $0x1400  }
0x2d: {  	[sflag:s24] =	ssyncset.done $0x0  }
0x2e: {  	s21 =	simm.s32 $0xC8;
	[sflag:s24] =	ssyncadd.s32 $0xFFFFEC00  }
0x2f: {  	[tilespmem:s15], [sflag:$0x1] =	stream.indirect.gather [hbm4b:s4+s14], $0x80, s21, s14, $0xb8;
	[tilespmem:$0x1EAA0] =	vst v63  }
0x30: {  	_ =	swait.ge [sflag:s25], $0x1400  }
0x31: {  	[sflag:s25] =	ssyncset.done $0x0  }
0x32: {  	s30 =	simm.s32 $0x2738;
	[sflag:s25] =	ssyncadd.s32 $0xFFFFEC00  }
0x33: {  	[spmem:s2] =	stream.indirect.scatter.add.f32 [tilespmem:s16], [sflag:$0x6], $0x80, s30, s14, $0xb8;
	[tilespmem:$0x1EAA0] =	vst v63  }
0x34: {  	_ =	swait.ge [sflag:s24], $0x1400  }
0x35: {  	[sflag:s24] =	ssyncset.done $0x0  }
0x36: {  	s21 =	simm.s32 $0xF0;
	[sflag:s24] =	ssyncadd.s32 $0xFFFFEC00  }
0x37: {  	[tilespmem:s16], [sflag:$0x2] =	stream.indirect.gather [hbm4b:s4+s14], $0x80, s21, s14, $0xb8;
	[tilespmem:$0x1EAA0] =	vst v63  }
0x38: {  	_ =	swait.ge [sflag:s26], $0x1400  }
0x39: {  	[sflag:s26] =	ssyncset.done $0x0  }
0x3a: {  	s30 =	simm.s32 $0x2760;
	[sflag:s26] =	ssyncadd.s32 $0xFFFFEC00  }
0x3b: {  	[spmem:s2] =	stream.indirect.scatter.add.f32 [tilespmem:s18], [sflag:$0x6], $0x80, s30, s14, $0xb8;
	[tilespmem:$0x1EAA0] =	vst v63  }
0x3c: {  	_ =	swait.ge [sflag:s24], $0x1400  }
0x3d: {  	[sflag:s24] =	ssyncset.done $0x0  }
0x3e: {  	s21 =	simm.s32 $0x118;
	[sflag:s24] =	ssyncadd.s32 $0xFFFFEC00  }
0x3f: {  	[tilespmem:s18], [sflag:$0x3] =	stream.indirect.gather [hbm4b:s4+s14], $0x80, s21, s14, $0xb8;
	[tilespmem:$0x1EAA0] =	vst v63  }
0x40: {  	_ =	swait.ge [sflag:s28], $0x1400  }
0x41: {  	[sflag:s28] =	ssyncset.done $0x0  }
0x42: {  	s30 =	simm.s32 $0x2788;
	[sflag:s28] =	ssyncadd.s32 $0xFFFFEC00  }
0x43: {  	[spmem:s2] =	stream.indirect.scatter.add.f32 [tilespmem:s20], [sflag:$0x6], $0x80, s30, s14, $0xb8;
	[tilespmem:$0x1EAA0] =	vst v63  }
0x44: {  	_ =	swait.ge [sflag:s24], $0x1400  }
0x45: {  	[sflag:s24] =	ssyncset.done $0x0  }
0x46: {  	s21 =	simm.s32 $0x140;
	[sflag:s24] =	ssyncadd.s32 $0xFFFFEC00  }
0x47: {  	[tilespmem:s20], [sflag:$0x4] =	stream.indirect.gather [hbm4b:s4+s14], $0x80, s21, s14, $0xb8;
	[tilespmem:$0x1EAA0] =	vst v63  }
0x48: {  	_ =	swait.ge [sflag:s29], $0x1400  }
0x49: {  	[sflag:s29] =	ssyncset.done $0x0  }
0x4a: {  	s30 =	simm.s32 $0x27B0;
	[sflag:s29] =	ssyncadd.s32 $0xFFFFEC00  }
0x4b: {  	[spmem:s2] =	stream.indirect.scatter.add.f32 [tilespmem:s22], [sflag:$0x6], $0x80, s30, s14, $0xb8;
	[tilespmem:$0x1EAA0] =	vst v63  }
0x4c: {  	_ =	swait.ge [sflag:s24], $0x1400  }
0x4d: {  	[sflag:s24] =	ssyncset.done $0x0  }
0x4e: {  	s19 =	simm.s32 $0x320;
	s21 =	simm.s32 $0x168;
	[sflag:s24] =	ssyncadd.s32 $0xFFFFEC00  }
.LBB2_2:
0x4f: {  	[tilespmem:s22], [sflag:$0x5] =	stream.indirect.gather [hbm4b:s4+s14], $0x80, s21, s14, $0xb8;
	[tilespmem:$0x1EAA0] =	vst v63  }
0x50: {  	s21 =	smov.u32 s19  }
0x51: {  	p0 =	sne.s32 s19, $0x9600;
	s19 =	sadd.s32 $0x320, s19;
	_ =	swait.ge [sflag:s23], $0x1400  }
0x52: {  	s21 =	sshra.s32 s21, $0x2;
	[sflag:s23] =	ssyncset.done $0x0  }
0x53: {  	s30 =	sadd.s32 $0x2710, s21;
	[sflag:s23] =	ssyncadd.s32 $0xFFFFEC00  }
0x54: {  	[spmem:s2] =	stream.indirect.scatter.add.f32 [tilespmem:s15], [sflag:$0x6], $0x80, s30, s14, $0xb8;
	[tilespmem:$0x1EAA0] =	vst v63  }
0x55: {  	_ =	swait.ge [sflag:s24], $0x1400  }
0x56: {  	[sflag:s24] =	ssyncset.done $0x0  }
0x57: {  	s30 =	sadd.s32 $0xC8, s21;
	[sflag:s24] =	ssyncadd.s32 $0xFFFFEC00  }
0x58: {  	[tilespmem:s15], [sflag:$0x1] =	stream.indirect.gather [hbm4b:s4+s14], $0x80, s30, s14, $0xb8;
	[tilespmem:$0x1EAA0] =	vst v63  }
0x59: {  	_ =	swait.ge [sflag:s25], $0x1400  }
0x5a: {  	[sflag:s25] =	ssyncset.done $0x0  }
0x5b: {  	s30 =	sadd.s32 $0x2738, s21;
	[sflag:s25] =	ssyncadd.s32 $0xFFFFEC00  }
0x5c: {  	[spmem:s2] =	stream.indirect.scatter.add.f32 [tilespmem:s16], [sflag:$0x6], $0x80, s30, s14, $0xb8;
	[tilespmem:$0x1EAA0] =	vst v63  }
0x5d: {  	_ =	swait.ge [sflag:s24], $0x1400  }
0x5e: {  	[sflag:s24] =	ssyncset.done $0x0  }
0x5f: {  	s30 =	sadd.s32 $0xF0, s21;
	[sflag:s24] =	ssyncadd.s32 $0xFFFFEC00  }
0x60: {  	[tilespmem:s16], [sflag:$0x2] =	stream.indirect.gather [hbm4b:s4+s14], $0x80, s30, s14, $0xb8;
	[tilespmem:$0x1EAA0] =	vst v63  }
0x61: {  	_ =	swait.ge [sflag:s26], $0x1400  }
0x62: {  	[sflag:s26] =	ssyncset.done $0x0  }
0x63: {  	s30 =	sadd.s32 $0x2760, s21;
	[sflag:s26] =	ssyncadd.s32 $0xFFFFEC00  }
0x64: {  	[spmem:s2] =	stream.indirect.scatter.add.f32 [tilespmem:s18], [sflag:$0x6], $0x80, s30, s14, $0xb8;
	[tilespmem:$0x1EAA0] =	vst v63  }
0x65: {  	_ =	swait.ge [sflag:s24], $0x1400  }
0x66: {  	[sflag:s24] =	ssyncset.done $0x0  }
0x67: {  	s30 =	sadd.s32 $0x118, s21;
	[sflag:s24] =	ssyncadd.s32 $0xFFFFEC00  }
0x68: {  	[tilespmem:s18], [sflag:$0x3] =	stream.indirect.gather [hbm4b:s4+s14], $0x80, s30, s14, $0xb8;
	[tilespmem:$0x1EAA0] =	vst v63  }
0x69: {  	_ =	swait.ge [sflag:s28], $0x1400  }
0x6a: {  	[sflag:s28] =	ssyncset.done $0x0  }
0x6b: {  	s30 =	sadd.s32 $0x2788, s21;
	[sflag:s28] =	ssyncadd.s32 $0xFFFFEC00  }
0x6c: {  	[spmem:s2] =	stream.indirect.scatter.add.f32 [tilespmem:s20], [sflag:$0x6], $0x80, s30, s14, $0xb8;
	[tilespmem:$0x1EAA0] =	vst v63  }
0x6d: {  	_ =	swait.ge [sflag:s24], $0x1400  }
0x6e: {  	[sflag:s24] =	ssyncset.done $0x0  }
0x6f: {  	s30 =	sadd.s32 $0x140, s21;
	[sflag:s24] =	ssyncadd.s32 $0xFFFFEC00  }
0x70: {  	[tilespmem:s20], [sflag:$0x4] =	stream.indirect.gather [hbm4b:s4+s14], $0x80, s30, s14, $0xb8;
	[tilespmem:$0x1EAA0] =	vst v63  }
0x71: {  	_ =	swait.ge [sflag:s29], $0x1400  }
0x72: {  	[sflag:s29] =	ssyncset.done $0x0  }
.Ltmp0:
0x73: {  	s30 =	sadd.s32 $0x27B0, s21;
	[sflag:s29] =	ssyncadd.s32 $0xFFFFEC00;
	(pc) =	sbr.rel @p0 .LBB2_2-.Ltmp0, $4  }
0x74: {  	[spmem:s2] =	stream.indirect.scatter.add.f32 [tilespmem:s22], [sflag:$0x6], $0x80, s30, s14, $0xb8;
	[tilespmem:$0x1EAA0] =	vst v63  }
0x75: {  	_ =	swait.ge [sflag:s24], $0x1400  }
0x76: {  	[sflag:s24] =	ssyncset.done $0x0  }
0x77: {  	s21 =	sadd.s32 $0x168, s21;
	[sflag:s24] =	ssyncadd.s32 $0xFFFFEC00  }
0x78: {  	[tilespmem:s22], [sflag:$0x5] =	stream.indirect.gather [hbm4b:s4+s14], $0x80, s21, s14, $0xb8;
	[tilespmem:$0x1EAA0] =	vst v63  }
0x79: {  	_ =	swait.ge [sflag:s23], $0x1400  }
0x7a: {  	[sflag:s23] =	ssyncset.done $0x0  }
0x7b: {  	s19 =	simm.s32 $0x4D58;
	[sflag:s23] =	ssyncadd.s32 $0xFFFFEC00  }
0x7c: {  	[spmem:s2] =	stream.indirect.scatter.add.f32 [tilespmem:s15], [sflag:$0x6], $0x80, s19, s14, $0xb8;
	[tilespmem:$0x1EAA0] =	vst v63  }
0x7d: {  	_ =	swait.ge [sflag:s24], $0x1400  }
0x7e: {  	[sflag:s24] =	ssyncset.done $0x0  }
0x7f: {  	[sflag:s24] =	ssyncadd.s32 $0xFFFFEC00  }
0x80: {  	_ =	swait.ge [sflag:s25], $0x1400  }
0x81: {  	[sflag:s25] =	ssyncset.done $0x0  }
0x82: {  	[sflag:s25] =	ssyncadd.s32 $0xFFFFEC00  }
0x83: {  	[spmem:s2] =	stream.indirect.scatter.add.f32 [tilespmem:s16], [sflag:$0x6], $0x80, s31, s14, $0xb8;
	[tilespmem:$0x1EAA0] =	vst v63  }
0x84: {  	_ =	swait.ge [sflag:s24], $0x1400  }
0x85: {  	[sflag:s24] =	ssyncset.done $0x0  }
0x86: {  	[sflag:s24] =	ssyncadd.s32 $0xFFFFEC00  }
0x87: {  	_ =	swait.ge [sflag:s26], $0x1400  }
0x88: {  	[sflag:s26] =	ssyncset.done $0x0  }
0x89: {  	[sflag:s26] =	ssyncadd.s32 $0xFFFFEC00  }
0x8a: {  	[spmem:s2] =	stream.indirect.scatter.add.f32 [tilespmem:s18], [sflag:$0x6], $0x80, s1, s14, $0xb8;
	[tilespmem:$0x1EAA0] =	vst v63  }
0x8b: {  	_ =	swait.ge [sflag:s24], $0x1400  }
0x8c: {  	[sflag:s24] =	ssyncset.done $0x0  }
0x8d: {  	[sflag:s24] =	ssyncadd.s32 $0xFFFFEC00  }
0x8e: {  	_ =	swait.ge [sflag:s28], $0x1400  }
0x8f: {  	[sflag:s28] =	ssyncset.done $0x0  }
0x90: {  	[sflag:s28] =	ssyncadd.s32 $0xFFFFEC00  }
0x91: {  	[spmem:s2] =	stream.indirect.scatter.add.f32 [tilespmem:s20], [sflag:$0x6], $0x80, s0, s14, $0xb8;
	[tilespmem:$0x1EAA0] =	vst v63  }
0x92: {  	_ =	swait.ge [sflag:s24], $0x1400  }
0x93: {  	[sflag:s24] =	ssyncset.done $0x0  }
0x94: {  	[sflag:s24] =	ssyncadd.s32 $0xFFFFEC00  }
0x95: {  	_ =	swait.ge [sflag:s29], $0x1400  }
0x96: {  	[sflag:s29] =	ssyncset.done $0x0  }
0x97: {  	[sflag:s29] =	ssyncadd.s32 $0xFFFFEC00  }
0x98: {  	[spmem:s2] =	stream.indirect.scatter.add.f32 [tilespmem:s22], [sflag:$0x6], $0x80, s13, s14, $0xb8;
	[tilespmem:$0x1EAA0] =	vst v63  }
0x99: {  	_ =	swait.ge [sflag:s24], $0x1400  }
0x9a: {  	s17 =	sadd.s32 $0x1, s17;
	[sflag:s24] =	ssyncset.done $0x0  }
0x9b: {  	p0 =	sne.s32 s17, s10;
	[sflag:s24] =	ssyncadd.s32 $0xFFFFEC00  }
.Ltmp1:
0x9c: {  	[bflag:$0x0] =	sbarrier.arrive $0xFFFF;
	(pc) =	sbr.rel @p0 .LBB2_1-.Ltmp1, $4  }
0x9d: {  	[hbm:s9], [sflag:s6] =	dma.local [spmem:s11], $0x2800  }
0x9e: {  	_ =	swait.ge [sflag:s12], $0x2800  }
0x9f: {  	[sflag:s12] =	ssyncset.done $0x0  }
0xa0: {  	[sflag:s12] =	ssyncadd.s32 $0xFFFFD800  }
0xa1: {  	_ =	sfence.sel $0x180000  }
0xa2: {  	[bflag:$0x0] =	sbarrier.arrive $0xFFFF  }
0xa3: {  	_ =	strace $0x9000004A  }
0xa4: {  	s0 =	stileid.u32;
	[bflag:$0x2] =	sbarrier.arrive $0xFFFF  }
0xa5: {  	p0 =	sne.s32 s0, $0x0;
	s0 =	rddreg [dreg:$0x3]  }
0xa6: {  	s0 =	sadd.s32 @!p0 $0x100000, s0  }
0xa7: {  	[sflag:s0] =	ssyncadd.tile.s32 @!p0 $0x1;
	_ =	shalt  }
.Lfunc_end2:
_tile_overlayer_lowered:
.L_overlay_start_2:
0xa8: {  	(tag) =	ssettag $0x2  }
0xa9: {  	s0 =	rddreg [dreg:$0x0];
	s2 =	stileid.u32  }
0xaa: {  	s1 =	rddreg [dreg:$0x1];
	p0 =	sne.s32 s2, $0x0  }
0xab: {  	s3 =	rddreg [dreg:$0x2];
	[bflag:$0x3] =	sbarrier.arrive $0xFFFF;
	s2 =	simm.s32 @!p0 $0x1C07  }
0xac: {  	[timem:s3], [sflag:s2] =	dma.local @!p0 [hbm:s0], s1  }
0xad: {  	s0 =	simm.s32 @!p0 $0x7  }
0xae: {  	_ =	swait.ge @!p0 [sflag:s0], s1  }
0xaf: {  	s1 =	ssub.s32 @!p0 $0x0, s1;
	[sflag:s0] =	ssyncset.done @!p0 $0x0  }
0xb0: {  	[sflag:s0] =	ssyncadd.s32 @!p0 s1  }
0xb1: {  	[bflag:$0x3] =	sbarrier.arrive $0xFFFF  }
0xb2: {  	_ =	shalt  }

// kernel: kernel.22.cloned.1.call-start
scs
__scs_entry_jumppad:
0x0: {  	(pc) =	sbr.rel $0x88, $3  }
0x1: {  	(tag) =	ssettag $0x0;
	lr =	simm.s32 $0x1  }
0x2: {  	[smem:$0x3F9C] =	sst lr;
	_ =	strace $0xD0000000  }
0x3: {  	_ = 	snop  }
0x4: {  	_ = 	snop  }
0x5: {  	_ = 	snop  }
0x6: {  	_ = 	snop  }
0x7: {  	_ = 	snop  }
__scs_overlays_trampoline_lowered:
0x8: {  	[smem:$0x3FAB] =	sst s0  }
0x9: {  	[smem:$0x3FAC] =	sst s1  }
0xa: {  	[smem:$0x3FAD] =	sst s2  }
0xb: {  	[smem:$0x3FAE] =	sst s3  }
0xc: {  	[smem:$0x3FAF] =	sst s4  }
0xd: {  	[smem:$0x3FB0] =	sst s5  }
0xe: {  	[smem:$0x3FB1] =	sst s6  }
0xf: {  	[smem:$0x3FB2] =	sst s7  }
0x10: {  	[smem:$0x3FB3] =	sst s8  }
0x11: {  	[smem:$0x3FB4] =	sst s9;
	s0 =	simm.s32 @!p0 $0x0  }
0x12: {  	s1 =	sld [smem:$0x3F9A];
	s0 =	simm.s32 @p0 $0x1  }
0x13: {  	[smem:$0x3FB5] =	sst s0;
	s0 =	simm.s32 @!p1 $0x0  }
0x14: {  	s2 =	sld [smem:$0x3F99];
	s0 =	simm.s32 @p1 $0x1  }
0x15: {  	[smem:$0x3FB6] =	sst s0;
	s0 =	simm.s32 @!p2 $0x0  }
0x16: {  	s3 =	sld [smem:$0x3FDB];
	s0 =	simm.s32 @p2 $0x1  }
0x17: {  	s4 =	simm.s32 $0x1BF5;
	[smem:$0x3FB8] =	sst s0  }
0x18: {  	s0 =	sld [smem:$0x3F9B];
	_ =	swait.ge [sflag:s4], $0x0  }
0x19: {  	s7 =	sld [smem:$0x3F9C]  }
0x1a: {  	s8 =	sadd.s32 $0xFFFFE003, lr  }
0x1b: {  	s9 =	sadd.s32 $0xFFFFFEF7, lr;
	s5 =	simm.s32 $0xFFFFFFFF;
	p2 =	slt.u32 s8, $0xFFFFF086  }
0x1c: {  	p1 =	slt.u32 s9, $0xF7A;
	s5 =	simm.s32 @!p2 $0x0  }
0x1d: {  	s5 =	simm.s32 @p1 $0x1;
	p0 =	seq.s32 s7, s2  }
0x1e: {  	s7 =	smul.u32 @!p0 $0xF7A, s2;
	p2 =	seq.s32 @!p0 s5, $0x0  }
0x1f: {  	s9 =	smul.u32 $0xF7A, s1;
	s8 =	simm.s32 @!p0 $0x1BF5;
	p2 =	por !p2, p0  }
0x20: {  	[sflag:s8] =	ssyncset.s32 @!p0 $0xFFFFF086;
	s6 =	sadd.s32 @!p0 s3, s7;
	s7 =	simm.s32 @!p0 $0x108  }
0x21: {  	s3 =	sadd.s32 s3, s9;
	s6 =	sadd.s32 @!p0 $0x88, s6;
	s7 =	simm.s32 @p2 $0x1082  }
0x22: {  	[simem:s7], [sflag:s8] =	dma.local @!p0 [hbm:s6], $0xF7A  }
0x23: {  	s9 =	sor.u32 $0xD0000000, s2;
	s6 =	simm.s32 $0x108;
	_ =	swait.ge @!p0 [sflag:s8], $0x0  }
0x24: {  	s3 =	sadd.s32 $0x88, s3;
	s6 =	simm.s32 @!p1 $0x1082;
	[sflag:s4] =	ssyncset.s32 $0xFFFFF086  }
0x25: {  	[simem:s6], [sflag:s4] =	dma.local [hbm:s3], $0xF7A  }
0x26: {  	[smem:$0x3F9C] =	sst s1;
	(tag) =	ssettag s2;
	_ =	strace s9  }
0x27: {  	s1 =	sld [smem:$0x3FAC]  }
0x28: {  	s2 =	sld [smem:$0x3FAD]  }
0x29: {  	s4 =	sld [smem:$0x3FAF]  }
0x2a: {  	p0 =	seq.s32 s5, $0x0;
	s5 =	sld [smem:$0x3FB0]  }
0x2b: {  	s6 =	sld [smem:$0x3FB1]  }
0x2c: {  	s7 =	sld [smem:$0x3FB2]  }
0x2d: {  	s3 =	simm.s32 $0x108;
	s8 =	sld [smem:$0x3FB3]  }
0x2e: {  	s3 =	simm.s32 @!p0 $0x1082;
	s9 =	sld [smem:$0x3FB4]  }
0x2f: {  	lr =	sadd.s32 s0, s3;
	s0 =	sld [smem:$0x3FAB]  }
0x30: {  	s3 =	sld [smem:$0x3FAE]  }
0x31: {  	[smem:$0x3FB7] =	sst s10  }
0x32: {  	s10 =	sld [smem:$0x3FB5];
	_ =	sdelay $0x3  }
0x33: {  	p0 =	seq.s32 s10, $0x1;
	s10 =	sld [smem:$0x3FB7];
	_ =	sdelay $0x3  }
0x34: {  	[smem:$0x3FB7] =	sst s10  }
0x35: {  	s10 =	sld [smem:$0x3FB6];
	_ =	sdelay $0x3  }
0x36: {  	p1 =	seq.s32 s10, $0x1;
	s10 =	sld [smem:$0x3FB7];
	_ =	sdelay $0x3  }
0x37: {  	[smem:$0x3FB7] =	sst s10  }
0x38: {  	s10 =	sld [smem:$0x3FB8]  }
0x39: {  	_ = 	snop;
	(pc) =	sbr.ind lr, $3  }
0x3a: {  	_ = 	snop  }
0x3b: {  	_ = 	snop  }
0x3c: {  	p2 =	seq.s32 s10, $0x1;
	s10 =	sld [smem:$0x3FB7]  }
0x3d: {  	_ =	shalt  }
0x3e: {  	_ =	shalt  }
0x3f: {  	_ =	shalt  }
0x40: {  	_ =	shalt  }
0x41: {  	_ =	shalt  }
0x42: {  	_ =	shalt  }
0x43: {  	_ =	shalt  }
0x44: {  	_ =	shalt  }
0x45: {  	_ =	shalt  }
0x46: {  	_ =	shalt  }
0x47: {  	_ =	shalt  }
0x48: {  	_ =	shalt  }
0x49: {  	_ =	shalt  }
0x4a: {  	_ =	shalt  }
0x4b: {  	_ =	shalt  }
0x4c: {  	_ =	shalt  }
0x4d: {  	_ =	shalt  }
0x4e: {  	_ =	shalt  }
0x4f: {  	_ =	shalt  }
0x50: {  	_ =	shalt  }
0x51: {  	_ =	shalt  }
0x52: {  	_ =	shalt  }
0x53: {  	_ =	shalt  }
0x54: {  	_ =	shalt  }
0x55: {  	_ =	shalt  }
0x56: {  	_ =	shalt  }
0x57: {  	_ =	shalt  }
0x58: {  	_ =	shalt  }
0x59: {  	_ =	shalt  }
0x5a: {  	_ =	shalt  }
0x5b: {  	_ =	shalt  }
0x5c: {  	_ =	shalt  }
0x5d: {  	_ =	shalt  }
0x5e: {  	_ =	shalt  }
0x5f: {  	_ =	shalt  }
0x60: {  	_ =	shalt  }
0x61: {  	_ =	shalt  }
0x62: {  	_ =	shalt  }
0x63: {  	_ =	shalt  }
0x64: {  	_ =	shalt  }
0x65: {  	_ =	shalt  }
0x66: {  	_ =	shalt  }
0x67: {  	_ =	shalt  }
0x68: {  	_ =	shalt  }
0x69: {  	_ =	shalt  }
0x6a: {  	_ =	shalt  }
0x6b: {  	_ =	shalt  }
0x6c: {  	_ =	shalt  }
0x6d: {  	_ =	shalt  }
0x6e: {  	_ =	shalt  }
0x6f: {  	_ =	shalt  }
0x70: {  	_ =	shalt  }
0x71: {  	_ =	shalt  }
0x72: {  	_ =	shalt  }
0x73: {  	_ =	shalt  }
0x74: {  	_ =	shalt  }
0x75: {  	_ =	shalt  }
0x76: {  	_ =	shalt  }
0x77: {  	_ =	shalt  }
0x78: {  	_ =	shalt  }
0x79: {  	_ =	shalt  }
0x7a: {  	_ =	shalt  }
0x7b: {  	_ =	shalt  }
0x7c: {  	_ =	shalt  }
0x7d: {  	_ =	shalt  }
0x7e: {  	_ =	shalt  }
0x7f: {  	_ =	shalt  }
0x80: {  	_ =	shalt  }
0x81: {  	_ =	shalt  }
0x82: {  	_ =	shalt  }
0x83: {  	_ =	shalt  }
0x84: {  	_ =	shalt  }
0x85: {  	_ =	shalt  }
0x86: {  	_ =	shalt  }
0x87: {  	_ =	shalt  }
.Lfunc_end0:
.L_simem_size_0:
called_computation.2_lowered:
.L_overlay_start_0:
0x88: {  	s2 =	sld [smem:$0x3FD9]  }
0x89: {  	s3 =	sld [smem:$0x3FFE];
	_ =	sdelay $0x1  }
0x8a: {  	s1 =	srdreg.scid  }
0x8b: {  	s0 =	sand.u32 $0x1, s1  }
0x8c: {  	s17 =	sshll.u32 s0, $0xA;
	s2 =	sadd.s32 s3, s2  }
0x8d: {  	s2 =	sadd.s32 s2, s17  }
0x8e: {  	[smem:$0x3FC3] =	sst s2  }
0x8f: {  	_ = 	snop  }
0x90: {  	s2 =	sld [smem:$0x3FD0];
	(tm) =	ssettm $0x1  }
0x91: {  	s18 =	sld [smem:$0x3FFB];
	_ =	sdelay $0x3  }
0x92: {  	_ =	strace s18  }
0x93: {  	s3 =	sld [smem:$0x3FFC];
	_ =	sdelay $0x3  }
0x94: {  	_ =	strace s3  }
0x95: {  	s3 =	sld [smem:$0x3FFD];
	_ =	sdelay $0x3  }
0x96: {  	_ =	strace s3  }
0x97: {  	_ =	strace $0x8FFFFFFF  }
0x98: {  	s19 =	sld [smem:$0x3FDB];
	_ =	sdelay $0x1  }
0x99: {  	s4 =	simm.s32 $_scs_section_size  }
0x9a: {  	s5 =	simm.s32 $_size__tile_overlayer_lowered;
	s6 =	simm.s32 $_tile_overlayer_lowered  }
0x9b: {  	s22 =	simm.s32 $0x1BFF;
	s21 =	sshll.u32 s6, $0x1;
	s3 =	sadd.s32 s4, s19  }
0x9c: {  	s7 =	simm.s32 $0x0;
	s20 =	sshll.u32 s5, $0x1;
	s5 =	sadd.s32 s21, s3  }
0x9d: {  	[timem:s7], [sflag:s22] =	dma.local [hbm:s5], s20  }
0x9e: {  	_ =	swait.ge [sflag:s22], s20  }
0x9f: {  	s4 =	ssub.s32 $0x0, s20;
	[sflag:s22] =	ssyncset.done $0x0  }
0xa0: {  	[sflag:s22] =	ssyncadd.s32 s4;
	_ =	sdelay $0x1  }
0xa1: {  	s23 =	simm.s32 $0x1B8B  }
0xa2: {  	_ =	swait.ge [sflag:s23], $0x1  }
0xa3: {  	[sflag:s23] =	ssyncset.done $0x0  }
0xa4: {  	s25 =	simm.s32 $0x1B8E;
	s24 =	sld [smem:$0x3FFE];
	[sflag:s23] =	ssyncadd.s32 $0xFFFFFFFF  }
0xa5: {  	s26 =	simm.s32 $execute0_lowered;
	[smem:$0x3FD2] =	sst s25  }
0xa6: {  	s5 =	sshll.u32 s26, $0x1;
	_ =	strace $0x8000004C;
	[dreg:$0x1] =	wrdreg $0xFFFFFFFF  }
0xa7: {  	s28 =	simm.s32 $_size_execute0_lowered;
	s3 =	sadd.s32 s3, s5;
	[dreg:$0x0] =	wrdreg $0x0  }
0xa8: {  	s5 =	sshll.u32 s28, $0x1;
	[dreg:$0x2] =	wrdreg s3  }
0xa9: {  	[dreg:$0x3] =	wrdreg s5  }
0xaa: {  	[dreg:$0x4] =	wrdreg $0xC0  }
0xab: {  	_ =	task [dreg:s7], $0x5FFFF  }
0xac: {  	[dreg:$0x1] =	wrdreg $0xFFFFFFFF  }
0xad: {  	[dreg:$0x0] =	wrdreg $0x60  }
0xae: {  	[dreg:$0x2] =	wrdreg s24  }
0xaf: {  	[dreg:$0x3] =	wrdreg s2  }
0xb0: {  	[dreg:$0x4] =	wrdreg $0xB2200  }
0xb1: {  	[dreg:$0x5] =	wrdreg $0x9  }
0xb2: {  	_ =	task.clear_ibuf [dreg:s7], $0x6FFFF;
	_ =	strace $0x9000004C  }
0xb3: {  	s29 =	simm.s32 $0x9;
	_ =	strace $0x8000004E  }
0xb4: {  	_ =	swait.ge [sflag:s29], $0x1  }
0xb5: {  	[sflag:s29] =	ssyncadd.s32 $0xFFFFFFFF  }
0xb6: {  	_ =	strace $0x9000004E  }
0xb7: {  	_ =	sfence  }
0xb8: {  	s30 =	sld [smem:$0x0];
	_ =	sdelay $0x2  }
0xb9: {  	s31 =	sshll.u32 s1, $0xD;
	s1 =	sshrl.u32 s1, $0x2  }
0xba: {  	s3 =	sand.u32 $0x4000, s31;
	s1 =	sadd.s32 s1, s30  }
0xbb: {  	s0 =	sor.u32 s3, s0;
	s1 =	sshll.u32 s1, $0x11  }
0xbc: {  	s0 =	sor.u32 s1, s0  }
0xbd: {  	s0 =	sadd.s32 $0x8F2B, s0  }
0xbe: {  	[sflag:s0] =	ssyncadd.remote.s32 $0x1  }
0xbf: {  	_ =	sfence.sel $0xFFFF  }
0xc0: {  	[dreg:$0x0] =	wrdreg $0xFFFFFFFF;
	(pc) =	sbr.abs _section_cstart, $3  }
0xc1: {  	[dreg:$0x1] =	wrdreg $0xFFFFFFFF  }
0xc2: {  	_ =	task.clear_ibuf [dreg:s7], $0x2FFFF;
	_ =	strace $0x9FFFFFFF  }
0xc3: {  	(tm) =	ssettm $0x7FFFFFFF  }
tec
execute0_lowered:
.L_overlay_start_1:
0x0: {  	(tag) =	ssettag $0x1  }
0x1: {  	s0 =	srdreg.scid;
	s1 =	rddreg [dreg:$0x0]  }
0x2: {  	s11 =	stileid.u32;
	s8 =	rddreg [dreg:$0x1];
	s12 =	simm.s32 $0x7  }
0x3: {  	s14 =	simm.s32 $0x28;
	s15 =	simm.s32 $0x4E20;
	s16 =	simm.s32 $0x6220  }
0x4: {  	s18 =	simm.s32 $0x7620;
	s20 =	simm.s32 $0x8A20;
	s22 =	simm.s32 $0x9E20  }
0x5: {  	s23 =	simm.s32 $0x1;
	s28 =	simm.s32 $0x4;
	s29 =	simm.s32 $0x5  }
0x6: {  	s31 =	simm.s32 $0x4D80;
	s13 =	simm.s32 $0x4DF8;
	s17 =	simm.s32 $0x0  }
0x7: {  	s0 =	sand.u32 $0x1, s0;
	s2 =	sshll.u32 s11, $0x1;
	s5 =	smul.u32 $0x2700, s11  }
0x8: {  	s4 =	sadd.s32 $0xF400, s1;
	s10 =	smul.u32 $0x4E000, s11;
	s26 =	sshll.u32 s11, $0x6  }
0x9: {  	s3 =	sor.u32 s0, s2;
	s2 =	rddreg [dreg:$0x2];
	s6 =	smul.u32 $0x27100, s0  }
0xa: {  	s0 =	ssub.s32 $0x2, s0;
	s9 =	smul.u32 $0x4E2, s3;
	s3 =	simm.s32 $0x0  }
0xb: {  	s24 =	sshrl.u32 s0, $0x1;
	s25 =	sshrl.u32 s10, $0x2;
	[smem:$0x7FF] =	sst s3  }
0xc: {  	s6 =	sadd.s32 s5, s6;
	s5 =	sadd.s32 $0x5D800, s1;
	s0 =	ssub.s32 s0, s24  }
0xd: {  	s30 =	sadd.s32 s25, s2;
	s24 =	simm.s32 $0x6;
	s25 =	simm.s32 $0x2  }
0xe: {  	_ =	strace $0x8000004D;
	s7 =	sadd.s32 s9, s1;
	s1 =	sadd.s32 s6, s1  }
0xf: {  	s6 =	sor.u32 $0x1C07, s26;
	s8 =	sadd.s32 s8, s9;
	s10 =	smax.u32 s0, $0x1  }
0x10: {  	s11 =	sshrl.u32 s30, $0x3;
	s26 =	simm.s32 $0x3;
	s0 =	simm.s32 $0x4DD0  }
0x11: {  	s7 =	sadd.s32 $0x5600, s7;
	s9 =	sadd.s32 $0xAE200, s1;
	s1 =	simm.s32 $0x4DA8  }
.LBB2_1:
0x12: {  	[spmem:s11], [sflag:s6] =	dma.local [hbm:s5], $0x2800  }
0x13: {  	_ =	swait.ge [sflag:s12], $0x2800  }
0x14: {  	[sflag:s12] =	ssyncset.done $0x0  }
0x15: {  	[sflag:s12] =	ssyncadd.s32 $0xFFFFD800  }
0x16: {  	[tilespmem:s3], [sflag:$0x7] =	stream.linear.gather [hbm4b:s7+s3], $0x2710, $0x38;
	[tilespmem:$0x1EAA0] =	vst v63  }
0x17: {  	_ =	swait.ge [sflag:s12], $0x2710  }
0x18: {  	[sflag:s12] =	ssyncset.done $0x0  }
0x19: {  	s19 =	simm.s32 $0x2710;
	[sflag:s12] =	ssyncadd.s32 $0xFFFFD8F0  }
0x1a: {  	[tilespmem:s19], [sflag:$0x7] =	stream.linear.gather [hbm4b:s8+s3], $0x2710, $0x38;
	[tilespmem:$0x1EAA0] =	vst v63  }
0x1b: {  	_ =	swait.ge [sflag:s12], $0x2710  }
0x1c: {  	[sflag:s12] =	ssyncset.done $0x0  }
0x1d: {  	[sflag:s12] =	ssyncadd.s32 $0xFFFFD8F0  }
0x1e: {  	[bflag:$0x0] =	sbarrier.arrive $0xFFFF  }
0x1f: {  	[tilespmem:s15], [sflag:$0x1] =	stream.indirect.gather [hbm4b:s4+s14], $0x80, s3, s14, $0xb8;
	[tilespmem:$0x1EAA0] =	vst v63  }
0x20: {  	_ = 	snop  }
0x21: {  	[tilespmem:s16], [sflag:$0x2] =	stream.indirect.gather [hbm4b:s4+s14], $0x80, s14, s14, $0xb8;
	[tilespmem:$0x1EAA0] =	vst v63  }
0x22: {  	s21 =	simm.s32 $0x50  }
0x23: {  	[tilespmem:s18], [sflag:$0x3] =	stream.indirect.gather [hbm4b:s4+s14], $0x80, s21, s14, $0xb8;
	[tilespmem:$0x1EAA0] =	vst v63  }
0x24: {  	s30 =	simm.s32 $0x78  }
0x25: {  	[tilespmem:s20], [sflag:$0x4] =	stream.indirect.gather [hbm4b:s4+s14], $0x80, s30, s14, $0xb8;
	[tilespmem:$0x1EAA0] =	vst v63  }
0x26: {  	s21 =	simm.s32 $0xA0  }
0x27: {  	[tilespmem:s22], [sflag:$0x5] =	stream.indirect.gather [hbm4b:s4+s14], $0x80, s21, s14, $0xb8;
	[tilespmem:$0x1EAA0] =	vst v63  }
0x28: {  	_ =	swait.ge [sflag:s23], $0x1400  }
0x29: {  	[sflag:s23] =	ssyncset.done $0x0  }
0x2a: {  	s30 =	simm.s32 $0x2710;
	[sflag:s23] =	ssyncadd.s32 $0xFFFFEC00  }
0x2b: {  	[spmem:s2] =	stream.indirect.scatter.add.f32 [tilespmem:s15], [sflag:$0x6], $0x80, s30, s14, $0xb8;
	[tilespmem:$0x1EAA0] =	vst v63  }
0x2c: {  	_ =	swait.ge [sflag:s24], $0x1400  }
0x2d: {  	[sflag:s24] =	ssyncset.done $0x0  }
0x2e: {  	s21 =	simm.s32 $0xC8;
	[sflag:s24] =	ssyncadd.s32 $0xFFFFEC00  }
0x2f: {  	[tilespmem:s15], [sflag:$0x1] =	stream.indirect.gather [hbm4b:s4+s14], $0x80, s21, s14, $0xb8;
	[tilespmem:$0x1EAA0] =	vst v63  }
0x30: {  	_ =	swait.ge [sflag:s25], $0x1400  }
0x31: {  	[sflag:s25] =	ssyncset.done $0x0  }
0x32: {  	s30 =	simm.s32 $0x2738;
	[sflag:s25] =	ssyncadd.s32 $0xFFFFEC00  }
0x33: {  	[spmem:s2] =	stream.indirect.scatter.add.f32 [tilespmem:s16], [sflag:$0x6], $0x80, s30, s14, $0xb8;
	[tilespmem:$0x1EAA0] =	vst v63  }
0x34: {  	_ =	swait.ge [sflag:s24], $0x1400  }
0x35: {  	[sflag:s24] =	ssyncset.done $0x0  }
0x36: {  	s21 =	simm.s32 $0xF0;
	[sflag:s24] =	ssyncadd.s32 $0xFFFFEC00  }
0x37: {  	[tilespmem:s16], [sflag:$0x2] =	stream.indirect.gather [hbm4b:s4+s14], $0x80, s21, s14, $0xb8;
	[tilespmem:$0x1EAA0] =	vst v63  }
0x38: {  	_ =	swait.ge [sflag:s26], $0x1400  }
0x39: {  	[sflag:s26] =	ssyncset.done $0x0  }
0x3a: {  	s30 =	simm.s32 $0x2760;
	[sflag:s26] =	ssyncadd.s32 $0xFFFFEC00  }
0x3b: {  	[spmem:s2] =	stream.indirect.scatter.add.f32 [tilespmem:s18], [sflag:$0x6], $0x80, s30, s14, $0xb8;
	[tilespmem:$0x1EAA0] =	vst v63  }
0x3c: {  	_ =	swait.ge [sflag:s24], $0x1400  }
0x3d: {  	[sflag:s24] =	ssyncset.done $0x0  }
0x3e: {  	s21 =	simm.s32 $0x118;
	[sflag:s24] =	ssyncadd.s32 $0xFFFFEC00  }
0x3f: {  	[tilespmem:s18], [sflag:$0x3] =	stream.indirect.gather [hbm4b:s4+s14], $0x80, s21, s14, $0xb8;
	[tilespmem:$0x1EAA0] =	vst v63  }
0x40: {  	_ =	swait.ge [sflag:s28], $0x1400  }
0x41: {  	[sflag:s28] =	ssyncset.done $0x0  }
0x42: {  	s30 =	simm.s32 $0x2788;
	[sflag:s28] =	ssyncadd.s32 $0xFFFFEC00  }
0x43: {  	[spmem:s2] =	stream.indirect.scatter.add.f32 [tilespmem:s20], [sflag:$0x6], $0x80, s30, s14, $0xb8;
	[tilespmem:$0x1EAA0] =	vst v63  }
0x44: {  	_ =	swait.ge [sflag:s24], $0x1400  }
0x45: {  	[sflag:s24] =	ssyncset.done $0x0  }
0x46: {  	s21 =	simm.s32 $0x140;
	[sflag:s24] =	ssyncadd.s32 $0xFFFFEC00  }
0x47: {  	[tilespmem:s20], [sflag:$0x4] =	stream.indirect.gather [hbm4b:s4+s14], $0x80, s21, s14, $0xb8;
	[tilespmem:$0x1EAA0] =	vst v63  }
0x48: {  	_ =	swait.ge [sflag:s29], $0x1400  }
0x49: {  	[sflag:s29] =	ssyncset.done $0x0  }
0x4a: {  	s30 =	simm.s32 $0x27B0;
	[sflag:s29] =	ssyncadd.s32 $0xFFFFEC00  }
0x4b: {  	[spmem:s2] =	stream.indirect.scatter.add.f32 [tilespmem:s22], [sflag:$0x6], $0x80, s30, s14, $0xb8;
	[tilespmem:$0x1EAA0] =	vst v63  }
0x4c: {  	_ =	swait.ge [sflag:s24], $0x1400  }
0x4d: {  	[sflag:s24] =	ssyncset.done $0x0  }
0x4e: {  	s19 =	simm.s32 $0x320;
	s21 =	simm.s32 $0x168;
	[sflag:s24] =	ssyncadd.s32 $0xFFFFEC00  }
.LBB2_2:
0x4f: {  	[tilespmem:s22], [sflag:$0x5] =	stream.indirect.gather [hbm4b:s4+s14], $0x80, s21, s14, $0xb8;
	[tilespmem:$0x1EAA0] =	vst v63  }
0x50: {  	s21 =	smov.u32 s19  }
0x51: {  	p0 =	sne.s32 s19, $0x9600;
	s19 =	sadd.s32 $0x320, s19;
	_ =	swait.ge [sflag:s23], $0x1400  }
0x52: {  	s21 =	sshra.s32 s21, $0x2;
	[sflag:s23] =	ssyncset.done $0x0  }
0x53: {  	s30 =	sadd.s32 $0x2710, s21;
	[sflag:s23] =	ssyncadd.s32 $0xFFFFEC00  }
0x54: {  	[spmem:s2] =	stream.indirect.scatter.add.f32 [tilespmem:s15], [sflag:$0x6], $0x80, s30, s14, $0xb8;
	[tilespmem:$0x1EAA0] =	vst v63  }
0x55: {  	_ =	swait.ge [sflag:s24], $0x1400  }
0x56: {  	[sflag:s24] =	ssyncset.done $0x0  }
0x57: {  	s30 =	sadd.s32 $0xC8, s21;
	[sflag:s24] =	ssyncadd.s32 $0xFFFFEC00  }
0x58: {  	[tilespmem:s15], [sflag:$0x1] =	stream.indirect.gather [hbm4b:s4+s14], $0x80, s30, s14, $0xb8;
	[tilespmem:$0x1EAA0] =	vst v63  }
0x59: {  	_ =	swait.ge [sflag:s25], $0x1400  }
0x5a: {  	[sflag:s25] =	ssyncset.done $0x0  }
0x5b: {  	s30 =	sadd.s32 $0x2738, s21;
	[sflag:s25] =	ssyncadd.s32 $0xFFFFEC00  }
0x5c: {  	[spmem:s2] =	stream.indirect.scatter.add.f32 [tilespmem:s16], [sflag:$0x6], $0x80, s30, s14, $0xb8;
	[tilespmem:$0x1EAA0] =	vst v63  }
0x5d: {  	_ =	swait.ge [sflag:s24], $0x1400  }
0x5e: {  	[sflag:s24] =	ssyncset.done $0x0  }
0x5f: {  	s30 =	sadd.s32 $0xF0, s21;
	[sflag:s24] =	ssyncadd.s32 $0xFFFFEC00  }
0x60: {  	[tilespmem:s16], [sflag:$0x2] =	stream.indirect.gather [hbm4b:s4+s14], $0x80, s30, s14, $0xb8;
	[tilespmem:$0x1EAA0] =	vst v63  }
0x61: {  	_ =	swait.ge [sflag:s26], $0x1400  }
0x62: {  	[sflag:s26] =	ssyncset.done $0x0  }
0x63: {  	s30 =	sadd.s32 $0x2760, s21;
	[sflag:s26] =	ssyncadd.s32 $0xFFFFEC00  }
0x64: {  	[spmem:s2] =	stream.indirect.scatter.add.f32 [tilespmem:s18], [sflag:$0x6], $0x80, s30, s14, $0xb8;
	[tilespmem:$0x1EAA0] =	vst v63  }
0x65: {  	_ =	swait.ge [sflag:s24], $0x1400  }
0x66: {  	[sflag:s24] =	ssyncset.done $0x0  }
0x67: {  	s30 =	sadd.s32 $0x118, s21;
	[sflag:s24] =	ssyncadd.s32 $0xFFFFEC00  }
0x68: {  	[tilespmem:s18], [sflag:$0x3] =	stream.indirect.gather [hbm4b:s4+s14], $0x80, s30, s14, $0xb8;
	[tilespmem:$0x1EAA0] =	vst v63  }
0x69: {  	_ =	swait.ge [sflag:s28], $0x1400  }
0x6a: {  	[sflag:s28] =	ssyncset.done $0x0  }
0x6b: {  	s30 =	sadd.s32 $0x2788, s21;
	[sflag:s28] =	ssyncadd.s32 $0xFFFFEC00  }
0x6c: {  	[spmem:s2] =	stream.indirect.scatter.add.f32 [tilespmem:s20], [sflag:$0x6], $0x80, s30, s14, $0xb8;
	[tilespmem:$0x1EAA0] =	vst v63  }
0x6d: {  	_ =	swait.ge [sflag:s24], $0x1400  }
0x6e: {  	[sflag:s24] =	ssyncset.done $0x0  }
0x6f: {  	s30 =	sadd.s32 $0x140, s21;
	[sflag:s24] =	ssyncadd.s32 $0xFFFFEC00  }
0x70: {  	[tilespmem:s20], [sflag:$0x4] =	stream.indirect.gather [hbm4b:s4+s14], $0x80, s30, s14, $0xb8;
	[tilespmem:$0x1EAA0] =	vst v63  }
0x71: {  	_ =	swait.ge [sflag:s29], $0x1400  }
0x72: {  	[sflag:s29] =	ssyncset.done $0x0  }
.Ltmp0:
0x73: {  	s30 =	sadd.s32 $0x27B0, s21;
	[sflag:s29] =	ssyncadd.s32 $0xFFFFEC00;
	(pc) =	sbr.rel @p0 .LBB2_2-.Ltmp0, $4  }
0x74: {  	[spmem:s2] =	stream.indirect.scatter.add.f32 [tilespmem:s22], [sflag:$0x6], $0x80, s30, s14, $0xb8;
	[tilespmem:$0x1EAA0] =	vst v63  }
0x75: {  	_ =	swait.ge [sflag:s24], $0x1400  }
0x76: {  	[sflag:s24] =	ssyncset.done $0x0  }
0x77: {  	s21 =	sadd.s32 $0x168, s21;
	[sflag:s24] =	ssyncadd.s32 $0xFFFFEC00  }
0x78: {  	[tilespmem:s22], [sflag:$0x5] =	stream.indirect.gather [hbm4b:s4+s14], $0x80, s21, s14, $0xb8;
	[tilespmem:$0x1EAA0] =	vst v63  }
0x79: {  	_ =	swait.ge [sflag:s23], $0x1400  }
0x7a: {  	[sflag:s23] =	ssyncset.done $0x0  }
0x7b: {  	s19 =	simm.s32 $0x4D58;
	[sflag:s23] =	ssyncadd.s32 $0xFFFFEC00  }
0x7c: {  	[spmem:s2] =	stream.indirect.scatter.add.f32 [tilespmem:s15], [sflag:$0x6], $0x80, s19, s14, $0xb8;
	[tilespmem:$0x1EAA0] =	vst v63  }
0x7d: {  	_ =	swait.ge [sflag:s24], $0x1400  }
0x7e: {  	[sflag:s24] =	ssyncset.done $0x0  }
0x7f: {  	[sflag:s24] =	ssyncadd.s32 $0xFFFFEC00  }
0x80: {  	_ =	swait.ge [sflag:s25], $0x1400  }
0x81: {  	[sflag:s25] =	ssyncset.done $0x0  }
0x82: {  	[sflag:s25] =	ssyncadd.s32 $0xFFFFEC00  }
0x83: {  	[spmem:s2] =	stream.indirect.scatter.add.f32 [tilespmem:s16], [sflag:$0x6], $0x80, s31, s14, $0xb8;
	[tilespmem:$0x1EAA0] =	vst v63  }
0x84: {  	_ =	swait.ge [sflag:s24], $0x1400  }
0x85: {  	[sflag:s24] =	ssyncset.done $0x0  }
0x86: {  	[sflag:s24] =	ssyncadd.s32 $0xFFFFEC00  }
0x87: {  	_ =	swait.ge [sflag:s26], $0x1400  }
0x88: {  	[sflag:s26] =	ssyncset.done $0x0  }
0x89: {  	[sflag:s26] =	ssyncadd.s32 $0xFFFFEC00  }
0x8a: {  	[spmem:s2] =	stream.indirect.scatter.add.f32 [tilespmem:s18], [sflag:$0x6], $0x80, s1, s14, $0xb8;
	[tilespmem:$0x1EAA0] =	vst v63  }
0x8b: {  	_ =	swait.ge [sflag:s24], $0x1400  }
0x8c: {  	[sflag:s24] =	ssyncset.done $0x0  }
0x8d: {  	[sflag:s24] =	ssyncadd.s32 $0xFFFFEC00  }
0x8e: {  	_ =	swait.ge [sflag:s28], $0x1400  }
0x8f: {  	[sflag:s28] =	ssyncset.done $0x0  }
0x90: {  	[sflag:s28] =	ssyncadd.s32 $0xFFFFEC00  }
0x91: {  	[spmem:s2] =	stream.indirect.scatter.add.f32 [tilespmem:s20], [sflag:$0x6], $0x80, s0, s14, $0xb8;
	[tilespmem:$0x1EAA0] =	vst v63  }
0x92: {  	_ =	swait.ge [sflag:s24], $0x1400  }
0x93: {  	[sflag:s24] =	ssyncset.done $0x0  }
0x94: {  	[sflag:s24] =	ssyncadd.s32 $0xFFFFEC00  }
0x95: {  	_ =	swait.ge [sflag:s29], $0x1400  }
0x96: {  	[sflag:s29] =	ssyncset.done $0x0  }
0x97: {  	[sflag:s29] =	ssyncadd.s32 $0xFFFFEC00  }
0x98: {  	[spmem:s2] =	stream.indirect.scatter.add.f32 [tilespmem:s22], [sflag:$0x6], $0x80, s13, s14, $0xb8;
	[tilespmem:$0x1EAA0] =	vst v63  }
0x99: {  	_ =	swait.ge [sflag:s24], $0x1400  }
0x9a: {  	s17 =	sadd.s32 $0x1, s17;
	[sflag:s24] =	ssyncset.done $0x0  }
0x9b: {  	p0 =	sne.s32 s17, s10;
	[sflag:s24] =	ssyncadd.s32 $0xFFFFEC00  }
.Ltmp1:
0x9c: {  	[bflag:$0x0] =	sbarrier.arrive $0xFFFF;
	(pc) =	sbr.rel @p0 .LBB2_1-.Ltmp1, $4  }
0x9d: {  	[hbm:s9], [sflag:s6] =	dma.local [spmem:s11], $0x2800  }
0x9e: {  	_ =	swait.ge [sflag:s12], $0x2800  }
0x9f: {  	[sflag:s12] =	ssyncset.done $0x0  }
0xa0: {  	[sflag:s12] =	ssyncadd.s32 $0xFFFFD800  }
0xa1: {  	_ =	sfence.sel $0x180000  }
0xa2: {  	[bflag:$0x0] =	sbarrier.arrive $0xFFFF  }
0xa3: {  	_ =	strace $0x9000004D  }
0xa4: {  	s0 =	stileid.u32;
	[bflag:$0x2] =	sbarrier.arrive $0xFFFF  }
0xa5: {  	p0 =	sne.s32 s0, $0x0;
	s0 =	rddreg [dreg:$0x3]  }
0xa6: {  	s0 =	sadd.s32 @!p0 $0x100000, s0  }
0xa7: {  	[sflag:s0] =	ssyncadd.tile.s32 @!p0 $0x1;
	_ =	shalt  }
.Lfunc_end2:
_tile_overlayer_lowered:
.L_overlay_start_2:
0xa8: {  	(tag) =	ssettag $0x2  }
0xa9: {  	s0 =	rddreg [dreg:$0x0];
	s2 =	stileid.u32  }
0xaa: {  	s1 =	rddreg [dreg:$0x1];
	p0 =	sne.s32 s2, $0x0  }
0xab: {  	s3 =	rddreg [dreg:$0x2];
	[bflag:$0x3] =	sbarrier.arrive $0xFFFF;
	s2 =	simm.s32 @!p0 $0x1C07  }
0xac: {  	[timem:s3], [sflag:s2] =	dma.local @!p0 [hbm:s0], s1  }
0xad: {  	s0 =	simm.s32 @!p0 $0x7  }
0xae: {  	_ =	swait.ge @!p0 [sflag:s0], s1  }
0xaf: {  	s1 =	ssub.s32 @!p0 $0x0, s1;
	[sflag:s0] =	ssyncset.done @!p0 $0x0  }
0xb0: {  	[sflag:s0] =	ssyncadd.s32 @!p0 s1  }
0xb1: {  	[bflag:$0x3] =	sbarrier.arrive $0xFFFF  }
0xb2: {  	_ =	shalt  }

// kernel: kernel.25.cloned.1.call-start
scs
__scs_entry_jumppad:
0x0: {  	(pc) =	sbr.rel $0x88, $3  }
0x1: {  	(tag) =	ssettag $0x0;
	lr =	simm.s32 $0x1  }
0x2: {  	[smem:$0x3F9C] =	sst lr;
	_ =	strace $0xD0000000  }
0x3: {  	_ = 	snop  }
0x4: {  	_ = 	snop  }
0x5: {  	_ = 	snop  }
0x6: {  	_ = 	snop  }
0x7: {  	_ = 	snop  }
__scs_overlays_trampoline_lowered:
0x8: {  	[smem:$0x3FAB] =	sst s0  }
0x9: {  	[smem:$0x3FAC] =	sst s1  }
0xa: {  	[smem:$0x3FAD] =	sst s2  }
0xb: {  	[smem:$0x3FAE] =	sst s3  }
0xc: {  	[smem:$0x3FAF] =	sst s4  }
0xd: {  	[smem:$0x3FB0] =	sst s5  }
0xe: {  	[smem:$0x3FB1] =	sst s6  }
0xf: {  	[smem:$0x3FB2] =	sst s7  }
0x10: {  	[smem:$0x3FB3] =	sst s8  }
0x11: {  	[smem:$0x3FB4] =	sst s9;
	s0 =	simm.s32 @!p0 $0x0  }
0x12: {  	s1 =	sld [smem:$0x3F9A];
	s0 =	simm.s32 @p0 $0x1  }
0x13: {  	[smem:$0x3FB5] =	sst s0;
	s0 =	simm.s32 @!p1 $0x0  }
0x14: {  	s2 =	sld [smem:$0x3F99];
	s0 =	simm.s32 @p1 $0x1  }
0x15: {  	[smem:$0x3FB6] =	sst s0;
	s0 =	simm.s32 @!p2 $0x0  }
0x16: {  	s3 =	sld [smem:$0x3FDB];
	s0 =	simm.s32 @p2 $0x1  }
0x17: {  	s4 =	simm.s32 $0x1BF5;
	[smem:$0x3FB8] =	sst s0  }
0x18: {  	s0 =	sld [smem:$0x3F9B];
	_ =	swait.ge [sflag:s4], $0x0  }
0x19: {  	s7 =	sld [smem:$0x3F9C]  }
0x1a: {  	s8 =	sadd.s32 $0xFFFFE003, lr  }
0x1b: {  	s9 =	sadd.s32 $0xFFFFFEF7, lr;
	s5 =	simm.s32 $0xFFFFFFFF;
	p2 =	slt.u32 s8, $0xFFFFF086  }
0x1c: {  	p1 =	slt.u32 s9, $0xF7A;
	s5 =	simm.s32 @!p2 $0x0  }
0x1d: {  	s5 =	simm.s32 @p1 $0x1;
	p0 =	seq.s32 s7, s2  }
0x1e: {  	s7 =	smul.u32 @!p0 $0xF7A, s2;
	p2 =	seq.s32 @!p0 s5, $0x0  }
0x1f: {  	s9 =	smul.u32 $0xF7A, s1;
	s8 =	simm.s32 @!p0 $0x1BF5;
	p2 =	por !p2, p0  }
0x20: {  	[sflag:s8] =	ssyncset.s32 @!p0 $0xFFFFF086;
	s6 =	sadd.s32 @!p0 s3, s7;
	s7 =	simm.s32 @!p0 $0x108  }
0x21: {  	s3 =	sadd.s32 s3, s9;
	s6 =	sadd.s32 @!p0 $0x88, s6;
	s7 =	simm.s32 @p2 $0x1082  }
0x22: {  	[simem:s7], [sflag:s8] =	dma.local @!p0 [hbm:s6], $0xF7A  }
0x23: {  	s9 =	sor.u32 $0xD0000000, s2;
	s6 =	simm.s32 $0x108;
	_ =	swait.ge @!p0 [sflag:s8], $0x0  }
0x24: {  	s3 =	sadd.s32 $0x88, s3;
	s6 =	simm.s32 @!p1 $0x1082;
	[sflag:s4] =	ssyncset.s32 $0xFFFFF086  }
0x25: {  	[simem:s6], [sflag:s4] =	dma.local [hbm:s3], $0xF7A  }
0x26: {  	[smem:$0x3F9C] =	sst s1;
	(tag) =	ssettag s2;
	_ =	strace s9  }
0x27: {  	s1 =	sld [smem:$0x3FAC]  }
0x28: {  	s2 =	sld [smem:$0x3FAD]  }
0x29: {  	s4 =	sld [smem:$0x3FAF]  }
0x2a: {  	p0 =	seq.s32 s5, $0x0;
	s5 =	sld [smem:$0x3FB0]  }
0x2b: {  	s6 =	sld [smem:$0x3FB1]  }
0x2c: {  	s7 =	sld [smem:$0x3FB2]  }
0x2d: {  	s3 =	simm.s32 $0x108;
	s8 =	sld [smem:$0x3FB3]  }
0x2e: {  	s3 =	simm.s32 @!p0 $0x1082;
	s9 =	sld [smem:$0x3FB4]  }
0x2f: {  	lr =	sadd.s32 s0, s3;
	s0 =	sld [smem:$0x3FAB]  }
0x30: {  	s3 =	sld [smem:$0x3FAE]  }
0x31: {  	[smem:$0x3FB7] =	sst s10  }
0x32: {  	s10 =	sld [smem:$0x3FB5];
	_ =	sdelay $0x3  }
0x33: {  	p0 =	seq.s32 s10, $0x1;
	s10 =	sld [smem:$0x3FB7];
	_ =	sdelay $0x3  }
0x34: {  	[smem:$0x3FB7] =	sst s10  }
0x35: {  	s10 =	sld [smem:$0x3FB6];
	_ =	sdelay $0x3  }
0x36: {  	p1 =	seq.s32 s10, $0x1;
	s10 =	sld [smem:$0x3FB7];
	_ =	sdelay $0x3  }
0x37: {  	[smem:$0x3FB7] =	sst s10  }
0x38: {  	s10 =	sld [smem:$0x3FB8]  }
0x39: {  	_ = 	snop;
	(pc) =	sbr.ind lr, $3  }
0x3a: {  	_ = 	snop  }
0x3b: {  	_ = 	snop  }
0x3c: {  	p2 =	seq.s32 s10, $0x1;
	s10 =	sld [smem:$0x3FB7]  }
0x3d: {  	_ =	shalt  }
0x3e: {  	_ =	shalt  }
0x3f: {  	_ =	shalt  }
0x40: {  	_ =	shalt  }
0x41: {  	_ =	shalt  }
0x42: {  	_ =	shalt  }
0x43: {  	_ =	shalt  }
0x44: {  	_ =	shalt  }
0x45: {  	_ =	shalt  }
0x46: {  	_ =	shalt  }
0x47: {  	_ =	shalt  }
0x48: {  	_ =	shalt  }
0x49: {  	_ =	shalt  }
0x4a: {  	_ =	shalt  }
0x4b: {  	_ =	shalt  }
0x4c: {  	_ =	shalt  }
0x4d: {  	_ =	shalt  }
0x4e: {  	_ =	shalt  }
0x4f: {  	_ =	shalt  }
0x50: {  	_ =	shalt  }
0x51: {  	_ =	shalt  }
0x52: {  	_ =	shalt  }
0x53: {  	_ =	shalt  }
0x54: {  	_ =	shalt  }
0x55: {  	_ =	shalt  }
0x56: {  	_ =	shalt  }
0x57: {  	_ =	shalt  }
0x58: {  	_ =	shalt  }
0x59: {  	_ =	shalt  }
0x5a: {  	_ =	shalt  }
0x5b: {  	_ =	shalt  }
0x5c: {  	_ =	shalt  }
0x5d: {  	_ =	shalt  }
0x5e: {  	_ =	shalt  }
0x5f: {  	_ =	shalt  }
0x60: {  	_ =	shalt  }
0x61: {  	_ =	shalt  }
0x62: {  	_ =	shalt  }
0x63: {  	_ =	shalt  }
0x64: {  	_ =	shalt  }
0x65: {  	_ =	shalt  }
0x66: {  	_ =	shalt  }
0x67: {  	_ =	shalt  }
0x68: {  	_ =	shalt  }
0x69: {  	_ =	shalt  }
0x6a: {  	_ =	shalt  }
0x6b: {  	_ =	shalt  }
0x6c: {  	_ =	shalt  }
0x6d: {  	_ =	shalt  }
0x6e: {  	_ =	shalt  }
0x6f: {  	_ =	shalt  }
0x70: {  	_ =	shalt  }
0x71: {  	_ =	shalt  }
0x72: {  	_ =	shalt  }
0x73: {  	_ =	shalt  }
0x74: {  	_ =	shalt  }
0x75: {  	_ =	shalt  }
0x76: {  	_ =	shalt  }
0x77: {  	_ =	shalt  }
0x78: {  	_ =	shalt  }
0x79: {  	_ =	shalt  }
0x7a: {  	_ =	shalt  }
0x7b: {  	_ =	shalt  }
0x7c: {  	_ =	shalt  }
0x7d: {  	_ =	shalt  }
0x7e: {  	_ =	shalt  }
0x7f: {  	_ =	shalt  }
0x80: {  	_ =	shalt  }
0x81: {  	_ =	shalt  }
0x82: {  	_ =	shalt  }
0x83: {  	_ =	shalt  }
0x84: {  	_ =	shalt  }
0x85: {  	_ =	shalt  }
0x86: {  	_ =	shalt  }
0x87: {  	_ =	shalt  }
.Lfunc_end0:
.L_simem_size_0:
called_computation.3_lowered:
.L_overlay_start_0:
0x88: {  	s2 =	sld [smem:$0x3FD9]  }
0x89: {  	s3 =	sld [smem:$0x3FFE];
	_ =	sdelay $0x1  }
0x8a: {  	s1 =	srdreg.scid  }
0x8b: {  	s0 =	sand.u32 $0x1, s1  }
0x8c: {  	s17 =	sshll.u32 s0, $0xA;
	s2 =	sadd.s32 s3, s2  }
0x8d: {  	s2 =	sadd.s32 s2, s17  }
0x8e: {  	[smem:$0x3FC3] =	sst s2  }
0x8f: {  	_ = 	snop  }
0x90: {  	s2 =	sld [smem:$0x3FD0];
	(tm) =	ssettm $0x1  }
0x91: {  	s18 =	sld [smem:$0x3FFB];
	_ =	sdelay $0x3  }
0x92: {  	_ =	strace s18  }
0x93: {  	s3 =	sld [smem:$0x3FFC];
	_ =	sdelay $0x3  }
0x94: {  	_ =	strace s3  }
0x95: {  	s3 =	sld [smem:$0x3FFD];
	_ =	sdelay $0x3  }
0x96: {  	_ =	strace s3  }
0x97: {  	_ =	strace $0x8FFFFFFF  }
0x98: {  	s19 =	sld [smem:$0x3FDB];
	_ =	sdelay $0x1  }
0x99: {  	s4 =	simm.s32 $_scs_section_size  }
0x9a: {  	s5 =	simm.s32 $_size__tile_overlayer_lowered;
	s6 =	simm.s32 $_tile_overlayer_lowered  }
0x9b: {  	s22 =	simm.s32 $0x1BFF;
	s21 =	sshll.u32 s6, $0x1;
	s3 =	sadd.s32 s4, s19  }
0x9c: {  	s7 =	simm.s32 $0x0;
	s20 =	sshll.u32 s5, $0x1;
	s5 =	sadd.s32 s21, s3  }
0x9d: {  	[timem:s7], [sflag:s22] =	dma.local [hbm:s5], s20  }
0x9e: {  	_ =	swait.ge [sflag:s22], s20  }
0x9f: {  	s4 =	ssub.s32 $0x0, s20;
	[sflag:s22] =	ssyncset.done $0x0  }
0xa0: {  	[sflag:s22] =	ssyncadd.s32 s4;
	_ =	sdelay $0x1  }
0xa1: {  	s23 =	simm.s32 $0x1B8B  }
0xa2: {  	_ =	swait.ge [sflag:s23], $0x1  }
0xa3: {  	[sflag:s23] =	ssyncset.done $0x0  }
0xa4: {  	s25 =	simm.s32 $0x1B8E;
	s24 =	sld [smem:$0x3FFE];
	[sflag:s23] =	ssyncadd.s32 $0xFFFFFFFF  }
0xa5: {  	s26 =	simm.s32 $execute0_lowered;
	[smem:$0x3FD2] =	sst s25  }
0xa6: {  	s5 =	sshll.u32 s26, $0x1;
	_ =	strace $0x8000004F;
	[dreg:$0x1] =	wrdreg $0xFFFFFFFF  }
0xa7: {  	s28 =	simm.s32 $_size_execute0_lowered;
	s3 =	sadd.s32 s3, s5;
	[dreg:$0x0] =	wrdreg $0x0  }
0xa8: {  	s5 =	sshll.u32 s28, $0x1;
	[dreg:$0x2] =	wrdreg s3  }
0xa9: {  	[dreg:$0x3] =	wrdreg s5  }
0xaa: {  	[dreg:$0x4] =	wrdreg $0xC0  }
0xab: {  	_ =	task [dreg:s7], $0x5FFFF  }
0xac: {  	[dreg:$0x1] =	wrdreg $0xFFFFFFFF  }
0xad: {  	[dreg:$0x0] =	wrdreg $0x60  }
0xae: {  	[dreg:$0x2] =	wrdreg s24  }
0xaf: {  	[dreg:$0x3] =	wrdreg s2  }
0xb0: {  	[dreg:$0x4] =	wrdreg $0xB2200  }
0xb1: {  	[dreg:$0x5] =	wrdreg $0x9  }
0xb2: {  	_ =	task.clear_ibuf [dreg:s7], $0x6FFFF;
	_ =	strace $0x9000004F  }
0xb3: {  	s29 =	simm.s32 $0x9;
	_ =	strace $0x80000051  }
0xb4: {  	_ =	swait.ge [sflag:s29], $0x1  }
0xb5: {  	[sflag:s29] =	ssyncadd.s32 $0xFFFFFFFF  }
0xb6: {  	_ =	strace $0x90000051  }
0xb7: {  	_ =	sfence  }
0xb8: {  	s30 =	sld [smem:$0x0];
	_ =	sdelay $0x2  }
0xb9: {  	s31 =	sshll.u32 s1, $0xD;
	s1 =	sshrl.u32 s1, $0x2  }
0xba: {  	s3 =	sand.u32 $0x4000, s31;
	s1 =	sadd.s32 s1, s30  }
0xbb: {  	s0 =	sor.u32 s3, s0;
	s1 =	sshll.u32 s1, $0x11  }
0xbc: {  	s0 =	sor.u32 s1, s0  }
0xbd: {  	s0 =	sadd.s32 $0x8F2B, s0  }
0xbe: {  	[sflag:s0] =	ssyncadd.remote.s32 $0x1  }
0xbf: {  	_ =	sfence.sel $0xFFFF  }
0xc0: {  	[dreg:$0x0] =	wrdreg $0xFFFFFFFF;
	(pc) =	sbr.abs _section_cstart, $3  }
0xc1: {  	[dreg:$0x1] =	wrdreg $0xFFFFFFFF  }
0xc2: {  	_ =	task.clear_ibuf [dreg:s7], $0x2FFFF;
	_ =	strace $0x9FFFFFFF  }
0xc3: {  	(tm) =	ssettm $0x7FFFFFFF  }
tec
execute0_lowered:
.L_overlay_start_1:
0x0: {  	(tag) =	ssettag $0x1  }
0x1: {  	s0 =	srdreg.scid;
	s1 =	rddreg [dreg:$0x0]  }
0x2: {  	s11 =	stileid.u32;
	s8 =	rddreg [dreg:$0x1];
	s12 =	simm.s32 $0x7  }
0x3: {  	s14 =	simm.s32 $0x50;
	s15 =	simm.s32 $0x4E20;
	s16 =	simm.s32 $0x6220  }
0x4: {  	s18 =	simm.s32 $0x7620;
	s20 =	simm.s32 $0x8A20;
	s22 =	simm.s32 $0x9E20  }
0x5: {  	s23 =	simm.s32 $0x1;
	s28 =	simm.s32 $0x4;
	s29 =	simm.s32 $0x5  }
0x6: {  	s31 =	simm.s32 $0x4CE0;
	s13 =	simm.s32 $0x4DD0;
	s17 =	simm.s32 $0x0  }
0x7: {  	s0 =	sand.u32 $0x1, s0;
	s2 =	sshll.u32 s11, $0x1;
	s5 =	smul.u32 $0x1380, s11  }
0x8: {  	s4 =	sadd.s32 $0x5D800, s1;
	s10 =	smul.u32 $0x27000, s11;
	s26 =	sshll.u32 s11, $0x6  }
0x9: {  	s3 =	sor.u32 s0, s2;
	s2 =	rddreg [dreg:$0x2];
	s6 =	smul.u32 $0x13880, s0  }
0xa: {  	s0 =	ssub.s32 $0x2, s0;
	s9 =	smul.u32 $0x4E2, s3;
	s3 =	simm.s32 $0x0  }
0xb: {  	s24 =	sshrl.u32 s0, $0x1;
	s25 =	sshrl.u32 s10, $0x2;
	[smem:$0x7FF] =	sst s3  }
0xc: {  	s6 =	sadd.s32 s5, s6;
	s5 =	sadd.s32 $0x71200, s1;
	s0 =	ssub.s32 s0, s24  }
0xd: {  	s30 =	sadd.s32 s25, s2;
	s24 =	simm.s32 $0x6;
	s25 =	simm.s32 $0x2  }
0xe: {  	_ =	strace $0x80000050;
	s7 =	sadd.s32 s9, s1;
	s1 =	sadd.s32 s6, s1  }
0xf: {  	s6 =	sor.u32 $0x1C07, s26;
	s8 =	sadd.s32 s8, s9;
	s10 =	smax.u32 s0, $0x1  }
0x10: {  	s11 =	sshrl.u32 s30, $0x3;
	s26 =	simm.s32 $0x3;
	s0 =	simm.s32 $0x4D80  }
0x11: {  	s7 =	sadd.s32 $0x5600, s7;
	s9 =	sadd.s32 $0x72600, s1;
	s1 =	simm.s32 $0x4D30  }
.LBB2_1:
0x12: {  	[spmem:s11], [sflag:s6] =	dma.local [hbm:s5], $0x1400  }
0x13: {  	_ =	swait.ge [sflag:s12], $0x1400  }
0x14: {  	[sflag:s12] =	ssyncset.done $0x0  }
0x15: {  	[sflag:s12] =	ssyncadd.s32 $0xFFFFEC00  }
0x16: {  	[tilespmem:s3], [sflag:$0x7] =	stream.linear.gather [hbm4b:s7+s3], $0x2710, $0x38;
	[tilespmem:$0x14E60] =	vst v63  }
0x17: {  	_ =	swait.ge [sflag:s12], $0x2710  }
0x18: {  	[sflag:s12] =	ssyncset.done $0x0  }
0x19: {  	s19 =	simm.s32 $0x2710;
	[sflag:s12] =	ssyncadd.s32 $0xFFFFD8F0  }
0x1a: {  	[tilespmem:s19], [sflag:$0x7] =	stream.linear.gather [hbm4b:s8+s3], $0x2710, $0x38;
	[tilespmem:$0x14E60] =	vst v63  }
0x1b: {  	_ =	swait.ge [sflag:s12], $0x2710  }
0x1c: {  	[sflag:s12] =	ssyncset.done $0x0  }
0x1d: {  	[sflag:s12] =	ssyncadd.s32 $0xFFFFD8F0  }
0x1e: {  	[bflag:$0x0] =	sbarrier.arrive $0xFFFF  }
0x1f: {  	[tilespmem:s15], [sflag:$0x1] =	stream.indirect.gather [hbm4b:s4+s14], $0x40, s3, s14, $0xb8;
	[tilespmem:$0x14E60] =	vst v63  }
0x20: {  	_ = 	snop  }
0x21: {  	[tilespmem:s16], [sflag:$0x2] =	stream.indirect.gather [hbm4b:s4+s14], $0x40, s14, s14, $0xb8;
	[tilespmem:$0x14E60] =	vst v63  }
0x22: {  	s21 =	simm.s32 $0xA0  }
0x23: {  	[tilespmem:s18], [sflag:$0x3] =	stream.indirect.gather [hbm4b:s4+s14], $0x40, s21, s14, $0xb8;
	[tilespmem:$0x14E60] =	vst v63  }
0x24: {  	s30 =	simm.s32 $0xF0  }
0x25: {  	[tilespmem:s20], [sflag:$0x4] =	stream.indirect.gather [hbm4b:s4+s14], $0x40, s30, s14, $0xb8;
	[tilespmem:$0x14E60] =	vst v63  }
0x26: {  	s21 =	simm.s32 $0x140  }
0x27: {  	[tilespmem:s22], [sflag:$0x5] =	stream.indirect.gather [hbm4b:s4+s14], $0x40, s21, s14, $0xb8;
	[tilespmem:$0x14E60] =	vst v63  }
0x28: {  	_ =	swait.ge [sflag:s23], $0x1400  }
0x29: {  	[sflag:s23] =	ssyncset.done $0x0  }
0x2a: {  	s30 =	simm.s32 $0x2710;
	[sflag:s23] =	ssyncadd.s32 $0xFFFFEC00  }
0x2b: {  	[spmem:s2] =	stream.indirect.scatter.add.f32 [tilespmem:s15], [sflag:$0x6], $0x40, s30, s14, $0xb8;
	[tilespmem:$0x14E60] =	vst v63  }
0x2c: {  	_ =	swait.ge [sflag:s24], $0x1400  }
0x2d: {  	[sflag:s24] =	ssyncset.done $0x0  }
0x2e: {  	s21 =	simm.s32 $0x190;
	[sflag:s24] =	ssyncadd.s32 $0xFFFFEC00  }
0x2f: {  	[tilespmem:s15], [sflag:$0x1] =	stream.indirect.gather [hbm4b:s4+s14], $0x40, s21, s14, $0xb8;
	[tilespmem:$0x14E60] =	vst v63  }
0x30: {  	_ =	swait.ge [sflag:s25], $0x1400  }
0x31: {  	[sflag:s25] =	ssyncset.done $0x0  }
0x32: {  	s30 =	simm.s32 $0x2760;
	[sflag:s25] =	ssyncadd.s32 $0xFFFFEC00  }
0x33: {  	[spmem:s2] =	stream.indirect.scatter.add.f32 [tilespmem:s16], [sflag:$0x6], $0x40, s30, s14, $0xb8;
	[tilespmem:$0x14E60] =	vst v63  }
0x34: {  	_ =	swait.ge [sflag:s24], $0x1400  }
0x35: {  	[sflag:s24] =	ssyncset.done $0x0  }
0x36: {  	s21 =	simm.s32 $0x1E0;
	[sflag:s24] =	ssyncadd.s32 $0xFFFFEC00  }
0x37: {  	[tilespmem:s16], [sflag:$0x2] =	stream.indirect.gather [hbm4b:s4+s14], $0x40, s21, s14, $0xb8;
	[tilespmem:$0x14E60] =	vst v63  }
0x38: {  	_ =	swait.ge [sflag:s26], $0x1400  }
0x39: {  	[sflag:s26] =	ssyncset.done $0x0  }
0x3a: {  	s30 =	simm.s32 $0x27B0;
	[sflag:s26] =	ssyncadd.s32 $0xFFFFEC00  }
0x3b: {  	[spmem:s2] =	stream.indirect.scatter.add.f32 [tilespmem:s18], [sflag:$0x6], $0x40, s30, s14, $0xb8;
	[tilespmem:$0x14E60] =	vst v63  }
0x3c: {  	_ =	swait.ge [sflag:s24], $0x1400  }
0x3d: {  	[sflag:s24] =	ssyncset.done $0x0  }
0x3e: {  	s21 =	simm.s32 $0x230;
	[sflag:s24] =	ssyncadd.s32 $0xFFFFEC00  }
0x3f: {  	[tilespmem:s18], [sflag:$0x3] =	stream.indirect.gather [hbm4b:s4+s14], $0x40, s21, s14, $0xb8;
	[tilespmem:$0x14E60] =	vst v63  }
0x40: {  	_ =	swait.ge [sflag:s28], $0x1400  }
0x41: {  	[sflag:s28] =	ssyncset.done $0x0  }
0x42: {  	s30 =	simm.s32 $0x2800;
	[sflag:s28] =	ssyncadd.s32 $0xFFFFEC00  }
0x43: {  	[spmem:s2] =	stream.indirect.scatter.add.f32 [tilespmem:s20], [sflag:$0x6], $0x40, s30, s14, $0xb8;
	[tilespmem:$0x14E60] =	vst v63  }
0x44: {  	_ =	swait.ge [sflag:s24], $0x1400  }
0x45: {  	[sflag:s24] =	ssyncset.done $0x0  }
0x46: {  	s21 =	simm.s32 $0x280;
	[sflag:s24] =	ssyncadd.s32 $0xFFFFEC00  }
0x47: {  	[tilespmem:s20], [sflag:$0x4] =	stream.indirect.gather [hbm4b:s4+s14], $0x40, s21, s14, $0xb8;
	[tilespmem:$0x14E60] =	vst v63  }
0x48: {  	_ =	swait.ge [sflag:s29], $0x1400  }
0x49: {  	[sflag:s29] =	ssyncset.done $0x0  }
0x4a: {  	s30 =	simm.s32 $0x2850;
	[sflag:s29] =	ssyncadd.s32 $0xFFFFEC00  }
0x4b: {  	[spmem:s2] =	stream.indirect.scatter.add.f32 [tilespmem:s22], [sflag:$0x6], $0x40, s30, s14, $0xb8;
	[tilespmem:$0x14E60] =	vst v63  }
0x4c: {  	_ =	swait.ge [sflag:s24], $0x1400  }
0x4d: {  	[sflag:s24] =	ssyncset.done $0x0  }
0x4e: {  	s19 =	simm.s32 $0x640;
	s21 =	simm.s32 $0x2D0;
	[sflag:s24] =	ssyncadd.s32 $0xFFFFEC00  }
.LBB2_2:
0x4f: {  	[tilespmem:s22], [sflag:$0x5] =	stream.indirect.gather [hbm4b:s4+s14], $0x40, s21, s14, $0xb8;
	[tilespmem:$0x14E60] =	vst v63  }
0x50: {  	s21 =	smov.u32 s19  }
0x51: {  	p0 =	sne.s32 s19, $0x8FC0;
	s19 =	sadd.s32 $0x640, s19;
	_ =	swait.ge [sflag:s23], $0x1400  }
0x52: {  	s21 =	sshra.s32 s21, $0x2;
	[sflag:s23] =	ssyncset.done $0x0  }
0x53: {  	s30 =	sadd.s32 $0x2710, s21;
	[sflag:s23] =	ssyncadd.s32 $0xFFFFEC00  }
0x54: {  	[spmem:s2] =	stream.indirect.scatter.add.f32 [tilespmem:s15], [sflag:$0x6], $0x40, s30, s14, $0xb8;
	[tilespmem:$0x14E60] =	vst v63  }
0x55: {  	_ =	swait.ge [sflag:s24], $0x1400  }
0x56: {  	[sflag:s24] =	ssyncset.done $0x0  }
0x57: {  	s30 =	sadd.s32 $0x190, s21;
	[sflag:s24] =	ssyncadd.s32 $0xFFFFEC00  }
0x58: {  	[tilespmem:s15], [sflag:$0x1] =	stream.indirect.gather [hbm4b:s4+s14], $0x40, s30, s14, $0xb8;
	[tilespmem:$0x14E60] =	vst v63  }
0x59: {  	_ =	swait.ge [sflag:s25], $0x1400  }
0x5a: {  	[sflag:s25] =	ssyncset.done $0x0  }
0x5b: {  	s30 =	sadd.s32 $0x2760, s21;
	[sflag:s25] =	ssyncadd.s32 $0xFFFFEC00  }
0x5c: {  	[spmem:s2] =	stream.indirect.scatter.add.f32 [tilespmem:s16], [sflag:$0x6], $0x40, s30, s14, $0xb8;
	[tilespmem:$0x14E60] =	vst v63  }
0x5d: {  	_ =	swait.ge [sflag:s24], $0x1400  }
0x5e: {  	[sflag:s24] =	ssyncset.done $0x0  }
0x5f: {  	s30 =	sadd.s32 $0x1E0, s21;
	[sflag:s24] =	ssyncadd.s32 $0xFFFFEC00  }
0x60: {  	[tilespmem:s16], [sflag:$0x2] =	stream.indirect.gather [hbm4b:s4+s14], $0x40, s30, s14, $0xb8;
	[tilespmem:$0x14E60] =	vst v63  }
0x61: {  	_ =	swait.ge [sflag:s26], $0x1400  }
0x62: {  	[sflag:s26] =	ssyncset.done $0x0  }
0x63: {  	s30 =	sadd.s32 $0x27B0, s21;
	[sflag:s26] =	ssyncadd.s32 $0xFFFFEC00  }
0x64: {  	[spmem:s2] =	stream.indirect.scatter.add.f32 [tilespmem:s18], [sflag:$0x6], $0x40, s30, s14, $0xb8;
	[tilespmem:$0x14E60] =	vst v63  }
0x65: {  	_ =	swait.ge [sflag:s24], $0x1400  }
0x66: {  	[sflag:s24] =	ssyncset.done $0x0  }
0x67: {  	s30 =	sadd.s32 $0x230, s21;
	[sflag:s24] =	ssyncadd.s32 $0xFFFFEC00  }
0x68: {  	[tilespmem:s18], [sflag:$0x3] =	stream.indirect.gather [hbm4b:s4+s14], $0x40, s30, s14, $0xb8;
	[tilespmem:$0x14E60] =	vst v63  }
0x69: {  	_ =	swait.ge [sflag:s28], $0x1400  }
0x6a: {  	[sflag:s28] =	ssyncset.done $0x0  }
0x6b: {  	s30 =	sadd.s32 $0x2800, s21;
	[sflag:s28] =	ssyncadd.s32 $0xFFFFEC00  }
0x6c: {  	[spmem:s2] =	stream.indirect.scatter.add.f32 [tilespmem:s20], [sflag:$0x6], $0x40, s30, s14, $0xb8;
	[tilespmem:$0x14E60] =	vst v63  }
0x6d: {  	_ =	swait.ge [sflag:s24], $0x1400  }
0x6e: {  	[sflag:s24] =	ssyncset.done $0x0  }
0x6f: {  	s30 =	sadd.s32 $0x280, s21;
	[sflag:s24] =	ssyncadd.s32 $0xFFFFEC00  }
0x70: {  	[tilespmem:s20], [sflag:$0x4] =	stream.indirect.gather [hbm4b:s4+s14], $0x40, s30, s14, $0xb8;
	[tilespmem:$0x14E60] =	vst v63  }
0x71: {  	_ =	swait.ge [sflag:s29], $0x1400  }
0x72: {  	[sflag:s29] =	ssyncset.done $0x0  }
.Ltmp0:
0x73: {  	s30 =	sadd.s32 $0x2850, s21;
	[sflag:s29] =	ssyncadd.s32 $0xFFFFEC00;
	(pc) =	sbr.rel @p0 .LBB2_2-.Ltmp0, $4  }
0x74: {  	[spmem:s2] =	stream.indirect.scatter.add.f32 [tilespmem:s22], [sflag:$0x6], $0x40, s30, s14, $0xb8;
	[tilespmem:$0x14E60] =	vst v63  }
0x75: {  	_ =	swait.ge [sflag:s24], $0x1400  }
0x76: {  	[sflag:s24] =	ssyncset.done $0x0  }
0x77: {  	s21 =	sadd.s32 $0x2D0, s21;
	[sflag:s24] =	ssyncadd.s32 $0xFFFFEC00  }
0x78: {  	[tilespmem:s22], [sflag:$0x5] =	stream.indirect.gather [hbm4b:s4+s14], $0x40, s21, s14, $0xb8;
	[tilespmem:$0x14E60] =	vst v63  }
0x79: {  	_ =	swait.ge [sflag:s23], $0x1400  }
0x7a: {  	[sflag:s23] =	ssyncset.done $0x0  }
0x7b: {  	s19 =	simm.s32 $0x4C90;
	[sflag:s23] =	ssyncadd.s32 $0xFFFFEC00  }
0x7c: {  	[spmem:s2] =	stream.indirect.scatter.add.f32 [tilespmem:s15], [sflag:$0x6], $0x40, s19, s14, $0xb8;
	[tilespmem:$0x14E60] =	vst v63  }
0x7d: {  	_ =	swait.ge [sflag:s24], $0x1400  }
0x7e: {  	[sflag:s24] =	ssyncset.done $0x0  }
0x7f: {  	[sflag:s24] =	ssyncadd.s32 $0xFFFFEC00  }
0x80: {  	_ =	swait.ge [sflag:s25], $0x1400  }
0x81: {  	[sflag:s25] =	ssyncset.done $0x0  }
0x82: {  	[sflag:s25] =	ssyncadd.s32 $0xFFFFEC00  }
0x83: {  	[spmem:s2] =	stream.indirect.scatter.add.f32 [tilespmem:s16], [sflag:$0x6], $0x40, s31, s14, $0xb8;
	[tilespmem:$0x14E60] =	vst v63  }
0x84: {  	_ =	swait.ge [sflag:s24], $0x1400  }
0x85: {  	[sflag:s24] =	ssyncset.done $0x0  }
0x86: {  	[sflag:s24] =	ssyncadd.s32 $0xFFFFEC00  }
0x87: {  	_ =	swait.ge [sflag:s26], $0x1400  }
0x88: {  	[sflag:s26] =	ssyncset.done $0x0  }
0x89: {  	[sflag:s26] =	ssyncadd.s32 $0xFFFFEC00  }
0x8a: {  	[spmem:s2] =	stream.indirect.scatter.add.f32 [tilespmem:s18], [sflag:$0x6], $0x40, s1, s14, $0xb8;
	[tilespmem:$0x14E60] =	vst v63  }
0x8b: {  	_ =	swait.ge [sflag:s24], $0x1400  }
0x8c: {  	[sflag:s24] =	ssyncset.done $0x0  }
0x8d: {  	[sflag:s24] =	ssyncadd.s32 $0xFFFFEC00  }
0x8e: {  	_ =	swait.ge [sflag:s28], $0x1400  }
0x8f: {  	[sflag:s28] =	ssyncset.done $0x0  }
0x90: {  	[sflag:s28] =	ssyncadd.s32 $0xFFFFEC00  }
0x91: {  	[spmem:s2] =	stream.indirect.scatter.add.f32 [tilespmem:s20], [sflag:$0x6], $0x40, s0, s14, $0xb8;
	[tilespmem:$0x14E60] =	vst v63  }
0x92: {  	_ =	swait.ge [sflag:s24], $0x1400  }
0x93: {  	[sflag:s24] =	ssyncset.done $0x0  }
0x94: {  	[sflag:s24] =	ssyncadd.s32 $0xFFFFEC00  }
0x95: {  	_ =	swait.ge [sflag:s29], $0x1400  }
0x96: {  	[sflag:s29] =	ssyncset.done $0x0  }
0x97: {  	[sflag:s29] =	ssyncadd.s32 $0xFFFFEC00  }
0x98: {  	[spmem:s2] =	stream.indirect.scatter.add.f32 [tilespmem:s22], [sflag:$0x6], $0x40, s13, s14, $0xb8;
	[tilespmem:$0x14E60] =	vst v63  }
0x99: {  	_ =	swait.ge [sflag:s24], $0x1400  }
0x9a: {  	s17 =	sadd.s32 $0x1, s17;
	[sflag:s24] =	ssyncset.done $0x0  }
0x9b: {  	p0 =	sne.s32 s17, s10;
	[sflag:s24] =	ssyncadd.s32 $0xFFFFEC00  }
.Ltmp1:
0x9c: {  	[bflag:$0x0] =	sbarrier.arrive $0xFFFF;
	(pc) =	sbr.rel @p0 .LBB2_1-.Ltmp1, $4  }
0x9d: {  	[hbm:s9], [sflag:s6] =	dma.local [spmem:s11], $0x1400  }
0x9e: {  	_ =	swait.ge [sflag:s12], $0x1400  }
0x9f: {  	[sflag:s12] =	ssyncset.done $0x0  }
0xa0: {  	[sflag:s12] =	ssyncadd.s32 $0xFFFFEC00  }
0xa1: {  	_ =	sfence.sel $0x180000  }
0xa2: {  	[bflag:$0x0] =	sbarrier.arrive $0xFFFF  }
0xa3: {  	_ =	strace $0x90000050  }
0xa4: {  	s0 =	stileid.u32;
	[bflag:$0x2] =	sbarrier.arrive $0xFFFF  }
0xa5: {  	p0 =	sne.s32 s0, $0x0;
	s0 =	rddreg [dreg:$0x3]  }
0xa6: {  	s0 =	sadd.s32 @!p0 $0x100000, s0  }
0xa7: {  	[sflag:s0] =	ssyncadd.tile.s32 @!p0 $0x1;
	_ =	shalt  }
.Lfunc_end2:
_tile_overlayer_lowered:
.L_overlay_start_2:
0xa8: {  	(tag) =	ssettag $0x2  }
0xa9: {  	s0 =	rddreg [dreg:$0x0];
	s2 =	stileid.u32  }
0xaa: {  	s1 =	rddreg [dreg:$0x1];
	p0 =	sne.s32 s2, $0x0  }
0xab: {  	s3 =	rddreg [dreg:$0x2];
	[bflag:$0x3] =	sbarrier.arrive $0xFFFF;
	s2 =	simm.s32 @!p0 $0x1C07  }
0xac: {  	[timem:s3], [sflag:s2] =	dma.local @!p0 [hbm:s0], s1  }
0xad: {  	s0 =	simm.s32 @!p0 $0x7  }
0xae: {  	_ =	swait.ge @!p0 [sflag:s0], s1  }
0xaf: {  	s1 =	ssub.s32 @!p0 $0x0, s1;
	[sflag:s0] =	ssyncset.done @!p0 $0x0  }
0xb0: {  	[sflag:s0] =	ssyncadd.s32 @!p0 s1  }
0xb1: {  	[bflag:$0x3] =	sbarrier.arrive $0xFFFF  }
0xb2: {  	_ =	shalt  }

// kernel: kernel.28.cloned.1.call-start
scs
__scs_entry_jumppad:
0x0: {  	(pc) =	sbr.rel $0x88, $3  }
0x1: {  	(tag) =	ssettag $0x0;
	lr =	simm.s32 $0x1  }
0x2: {  	[smem:$0x3F9C] =	sst lr;
	_ =	strace $0xD0000000  }
0x3: {  	_ = 	snop  }
0x4: {  	_ = 	snop  }
0x5: {  	_ = 	snop  }
0x6: {  	_ = 	snop  }
0x7: {  	_ = 	snop  }
__scs_overlays_trampoline_lowered:
0x8: {  	[smem:$0x3FAB] =	sst s0  }
0x9: {  	[smem:$0x3FAC] =	sst s1  }
0xa: {  	[smem:$0x3FAD] =	sst s2  }
0xb: {  	[smem:$0x3FAE] =	sst s3  }
0xc: {  	[smem:$0x3FAF] =	sst s4  }
0xd: {  	[smem:$0x3FB0] =	sst s5  }
0xe: {  	[smem:$0x3FB1] =	sst s6  }
0xf: {  	[smem:$0x3FB2] =	sst s7  }
0x10: {  	[smem:$0x3FB3] =	sst s8  }
0x11: {  	[smem:$0x3FB4] =	sst s9;
	s0 =	simm.s32 @!p0 $0x0  }
0x12: {  	s1 =	sld [smem:$0x3F9A];
	s0 =	simm.s32 @p0 $0x1  }
0x13: {  	[smem:$0x3FB5] =	sst s0;
	s0 =	simm.s32 @!p1 $0x0  }
0x14: {  	s2 =	sld [smem:$0x3F99];
	s0 =	simm.s32 @p1 $0x1  }
0x15: {  	[smem:$0x3FB6] =	sst s0;
	s0 =	simm.s32 @!p2 $0x0  }
0x16: {  	s3 =	sld [smem:$0x3FDB];
	s0 =	simm.s32 @p2 $0x1  }
0x17: {  	s4 =	simm.s32 $0x1BF5;
	[smem:$0x3FB8] =	sst s0  }
0x18: {  	s0 =	sld [smem:$0x3F9B];
	_ =	swait.ge [sflag:s4], $0x0  }
0x19: {  	s7 =	sld [smem:$0x3F9C]  }
0x1a: {  	s8 =	sadd.s32 $0xFFFFE003, lr  }
0x1b: {  	s9 =	sadd.s32 $0xFFFFFEF7, lr;
	s5 =	simm.s32 $0xFFFFFFFF;
	p2 =	slt.u32 s8, $0xFFFFF086  }
0x1c: {  	p1 =	slt.u32 s9, $0xF7A;
	s5 =	simm.s32 @!p2 $0x0  }
0x1d: {  	s5 =	simm.s32 @p1 $0x1;
	p0 =	seq.s32 s7, s2  }
0x1e: {  	s7 =	smul.u32 @!p0 $0xF7A, s2;
	p2 =	seq.s32 @!p0 s5, $0x0  }
0x1f: {  	s9 =	smul.u32 $0xF7A, s1;
	s8 =	simm.s32 @!p0 $0x1BF5;
	p2 =	por !p2, p0  }
0x20: {  	[sflag:s8] =	ssyncset.s32 @!p0 $0xFFFFF086;
	s6 =	sadd.s32 @!p0 s3, s7;
	s7 =	simm.s32 @!p0 $0x108  }
0x21: {  	s3 =	sadd.s32 s3, s9;
	s6 =	sadd.s32 @!p0 $0x88, s6;
	s7 =	simm.s32 @p2 $0x1082  }
0x22: {  	[simem:s7], [sflag:s8] =	dma.local @!p0 [hbm:s6], $0xF7A  }
0x23: {  	s9 =	sor.u32 $0xD0000000, s2;
	s6 =	simm.s32 $0x108;
	_ =	swait.ge @!p0 [sflag:s8], $0x0  }
0x24: {  	s3 =	sadd.s32 $0x88, s3;
	s6 =	simm.s32 @!p1 $0x1082;
	[sflag:s4] =	ssyncset.s32 $0xFFFFF086  }
0x25: {  	[simem:s6], [sflag:s4] =	dma.local [hbm:s3], $0xF7A  }
0x26: {  	[smem:$0x3F9C] =	sst s1;
	(tag) =	ssettag s2;
	_ =	strace s9  }
0x27: {  	s1 =	sld [smem:$0x3FAC]  }
0x28: {  	s2 =	sld [smem:$0x3FAD]  }
0x29: {  	s4 =	sld [smem:$0x3FAF]  }
0x2a: {  	p0 =	seq.s32 s5, $0x0;
	s5 =	sld [smem:$0x3FB0]  }
0x2b: {  	s6 =	sld [smem:$0x3FB1]  }
0x2c: {  	s7 =	sld [smem:$0x3FB2]  }
0x2d: {  	s3 =	simm.s32 $0x108;
	s8 =	sld [smem:$0x3FB3]  }
0x2e: {  	s3 =	simm.s32 @!p0 $0x1082;
	s9 =	sld [smem:$0x3FB4]  }
0x2f: {  	lr =	sadd.s32 s0, s3;
	s0 =	sld [smem:$0x3FAB]  }
0x30: {  	s3 =	sld [smem:$0x3FAE]  }
0x31: {  	[smem:$0x3FB7] =	sst s10  }
0x32: {  	s10 =	sld [smem:$0x3FB5];
	_ =	sdelay $0x3  }
0x33: {  	p0 =	seq.s32 s10, $0x1;
	s10 =	sld [smem:$0x3FB7];
	_ =	sdelay $0x3  }
0x34: {  	[smem:$0x3FB7] =	sst s10  }
0x35: {  	s10 =	sld [smem:$0x3FB6];
	_ =	sdelay $0x3  }
0x36: {  	p1 =	seq.s32 s10, $0x1;
	s10 =	sld [smem:$0x3FB7];
	_ =	sdelay $0x3  }
0x37: {  	[smem:$0x3FB7] =	sst s10  }
0x38: {  	s10 =	sld [smem:$0x3FB8]  }
0x39: {  	_ = 	snop;
	(pc) =	sbr.ind lr, $3  }
0x3a: {  	_ = 	snop  }
0x3b: {  	_ = 	snop  }
0x3c: {  	p2 =	seq.s32 s10, $0x1;
	s10 =	sld [smem:$0x3FB7]  }
0x3d: {  	_ =	shalt  }
0x3e: {  	_ =	shalt  }
0x3f: {  	_ =	shalt  }
0x40: {  	_ =	shalt  }
0x41: {  	_ =	shalt  }
0x42: {  	_ =	shalt  }
0x43: {  	_ =	shalt  }
0x44: {  	_ =	shalt  }
0x45: {  	_ =	shalt  }
0x46: {  	_ =	shalt  }
0x47: {  	_ =	shalt  }
0x48: {  	_ =	shalt  }
0x49: {  	_ =	shalt  }
0x4a: {  	_ =	shalt  }
0x4b: {  	_ =	shalt  }
0x4c: {  	_ =	shalt  }
0x4d: {  	_ =	shalt  }
0x4e: {  	_ =	shalt  }
0x4f: {  	_ =	shalt  }
0x50: {  	_ =	shalt  }
0x51: {  	_ =	shalt  }
0x52: {  	_ =	shalt  }
0x53: {  	_ =	shalt  }
0x54: {  	_ =	shalt  }
0x55: {  	_ =	shalt  }
0x56: {  	_ =	shalt  }
0x57: {  	_ =	shalt  }
0x58: {  	_ =	shalt  }
0x59: {  	_ =	shalt  }
0x5a: {  	_ =	shalt  }
0x5b: {  	_ =	shalt  }
0x5c: {  	_ =	shalt  }
0x5d: {  	_ =	shalt  }
0x5e: {  	_ =	shalt  }
0x5f: {  	_ =	shalt  }
0x60: {  	_ =	shalt  }
0x61: {  	_ =	shalt  }
0x62: {  	_ =	shalt  }
0x63: {  	_ =	shalt  }
0x64: {  	_ =	shalt  }
0x65: {  	_ =	shalt  }
0x66: {  	_ =	shalt  }
0x67: {  	_ =	shalt  }
0x68: {  	_ =	shalt  }
0x69: {  	_ =	shalt  }
0x6a: {  	_ =	shalt  }
0x6b: {  	_ =	shalt  }
0x6c: {  	_ =	shalt  }
0x6d: {  	_ =	shalt  }
0x6e: {  	_ =	shalt  }
0x6f: {  	_ =	shalt  }
0x70: {  	_ =	shalt  }
0x71: {  	_ =	shalt  }
0x72: {  	_ =	shalt  }
0x73: {  	_ =	shalt  }
0x74: {  	_ =	shalt  }
0x75: {  	_ =	shalt  }
0x76: {  	_ =	shalt  }
0x77: {  	_ =	shalt  }
0x78: {  	_ =	shalt  }
0x79: {  	_ =	shalt  }
0x7a: {  	_ =	shalt  }
0x7b: {  	_ =	shalt  }
0x7c: {  	_ =	shalt  }
0x7d: {  	_ =	shalt  }
0x7e: {  	_ =	shalt  }
0x7f: {  	_ =	shalt  }
0x80: {  	_ =	shalt  }
0x81: {  	_ =	shalt  }
0x82: {  	_ =	shalt  }
0x83: {  	_ =	shalt  }
0x84: {  	_ =	shalt  }
0x85: {  	_ =	shalt  }
0x86: {  	_ =	shalt  }
0x87: {  	_ =	shalt  }
.Lfunc_end0:
.L_simem_size_0:
called_computation.4_lowered:
.L_overlay_start_0:
0x88: {  	s2 =	sld [smem:$0x3FD9]  }
0x89: {  	s3 =	sld [smem:$0x3FFE];
	_ =	sdelay $0x1  }
0x8a: {  	s1 =	srdreg.scid  }
0x8b: {  	s0 =	sand.u32 $0x1, s1  }
0x8c: {  	s17 =	sshll.u32 s0, $0xA;
	s2 =	sadd.s32 s3, s2  }
0x8d: {  	s2 =	sadd.s32 s2, s17  }
0x8e: {  	[smem:$0x3FC3] =	sst s2  }
0x8f: {  	_ = 	snop  }
0x90: {  	s2 =	sld [smem:$0x3FD0];
	(tm) =	ssettm $0x1  }
0x91: {  	s18 =	sld [smem:$0x3FFB];
	_ =	sdelay $0x3  }
0x92: {  	_ =	strace s18  }
0x93: {  	s3 =	sld [smem:$0x3FFC];
	_ =	sdelay $0x3  }
0x94: {  	_ =	strace s3  }
0x95: {  	s3 =	sld [smem:$0x3FFD];
	_ =	sdelay $0x3  }
0x96: {  	_ =	strace s3  }
0x97: {  	_ =	strace $0x8FFFFFFF  }
0x98: {  	s19 =	sld [smem:$0x3FDB];
	_ =	sdelay $0x1  }
0x99: {  	s4 =	simm.s32 $_scs_section_size  }
0x9a: {  	s5 =	simm.s32 $_size__tile_overlayer_lowered;
	s6 =	simm.s32 $_tile_overlayer_lowered  }
0x9b: {  	s22 =	simm.s32 $0x1BFF;
	s21 =	sshll.u32 s6, $0x1;
	s3 =	sadd.s32 s4, s19  }
0x9c: {  	s7 =	simm.s32 $0x0;
	s20 =	sshll.u32 s5, $0x1;
	s5 =	sadd.s32 s21, s3  }
0x9d: {  	[timem:s7], [sflag:s22] =	dma.local [hbm:s5], s20  }
0x9e: {  	_ =	swait.ge [sflag:s22], s20  }
0x9f: {  	s4 =	ssub.s32 $0x0, s20;
	[sflag:s22] =	ssyncset.done $0x0  }
0xa0: {  	[sflag:s22] =	ssyncadd.s32 s4;
	_ =	sdelay $0x1  }
0xa1: {  	s23 =	simm.s32 $0x1B8B  }
0xa2: {  	_ =	swait.ge [sflag:s23], $0x1  }
0xa3: {  	[sflag:s23] =	ssyncset.done $0x0  }
0xa4: {  	s25 =	simm.s32 $0x1B8E;
	s24 =	sld [smem:$0x3FFE];
	[sflag:s23] =	ssyncadd.s32 $0xFFFFFFFF  }
0xa5: {  	s26 =	simm.s32 $execute0_lowered;
	[smem:$0x3FD2] =	sst s25  }
0xa6: {  	s5 =	sshll.u32 s26, $0x1;
	_ =	strace $0x80000052;
	[dreg:$0x1] =	wrdreg $0xFFFFFFFF  }
0xa7: {  	s28 =	simm.s32 $_size_execute0_lowered;
	s3 =	sadd.s32 s3, s5;
	[dreg:$0x0] =	wrdreg $0x0  }
0xa8: {  	s5 =	sshll.u32 s28, $0x1;
	[dreg:$0x2] =	wrdreg s3  }
0xa9: {  	[dreg:$0x3] =	wrdreg s5  }
0xaa: {  	[dreg:$0x4] =	wrdreg $0xC0  }
0xab: {  	_ =	task [dreg:s7], $0x5FFFF  }
0xac: {  	[dreg:$0x1] =	wrdreg $0xFFFFFFFF  }
0xad: {  	[dreg:$0x0] =	wrdreg $0x60  }
0xae: {  	[dreg:$0x2] =	wrdreg s24  }
0xaf: {  	[dreg:$0x3] =	wrdreg s2  }
0xb0: {  	[dreg:$0x4] =	wrdreg $0xB2200  }
0xb1: {  	[dreg:$0x5] =	wrdreg $0x9  }
0xb2: {  	_ =	task.clear_ibuf [dreg:s7], $0x6FFFF;
	_ =	strace $0x90000052  }
0xb3: {  	s29 =	simm.s32 $0x9;
	_ =	strace $0x80000054  }
0xb4: {  	_ =	swait.ge [sflag:s29], $0x1  }
0xb5: {  	[sflag:s29] =	ssyncadd.s32 $0xFFFFFFFF  }
0xb6: {  	_ =	strace $0x90000054  }
0xb7: {  	_ =	sfence  }
0xb8: {  	s30 =	sld [smem:$0x0];
	_ =	sdelay $0x2  }
0xb9: {  	s31 =	sshll.u32 s1, $0xD;
	s1 =	sshrl.u32 s1, $0x2  }
0xba: {  	s3 =	sand.u32 $0x4000, s31;
	s1 =	sadd.s32 s1, s30  }
0xbb: {  	s0 =	sor.u32 s3, s0;
	s1 =	sshll.u32 s1, $0x11  }
0xbc: {  	s0 =	sor.u32 s1, s0  }
0xbd: {  	s0 =	sadd.s32 $0x8F2B, s0  }
0xbe: {  	[sflag:s0] =	ssyncadd.remote.s32 $0x1  }
0xbf: {  	_ =	sfence.sel $0xFFFF  }
0xc0: {  	[dreg:$0x0] =	wrdreg $0xFFFFFFFF;
	(pc) =	sbr.abs _section_cstart, $3  }
0xc1: {  	[dreg:$0x1] =	wrdreg $0xFFFFFFFF  }
0xc2: {  	_ =	task.clear_ibuf [dreg:s7], $0x2FFFF;
	_ =	strace $0x9FFFFFFF  }
0xc3: {  	(tm) =	ssettm $0x7FFFFFFF  }
tec
execute0_lowered:
.L_overlay_start_1:
0x0: {  	(tag) =	ssettag $0x1  }
0x1: {  	s0 =	srdreg.scid;
	s1 =	rddreg [dreg:$0x0]  }
0x2: {  	s11 =	stileid.u32;
	s8 =	rddreg [dreg:$0x1];
	s12 =	simm.s32 $0x7  }
0x3: {  	s14 =	simm.s32 $0x50;
	s15 =	simm.s32 $0x4E20;
	s16 =	simm.s32 $0x6220  }
0x4: {  	s18 =	simm.s32 $0x7620;
	s20 =	simm.s32 $0x8A20;
	s22 =	simm.s32 $0x9E20  }
0x5: {  	s23 =	simm.s32 $0x1;
	s28 =	simm.s32 $0x4;
	s29 =	simm.s32 $0x5  }
0x6: {  	s31 =	simm.s32 $0x4CE0;
	s13 =	simm.s32 $0x4DD0;
	s17 =	simm.s32 $0x0  }
0x7: {  	s0 =	sand.u32 $0x1, s0;
	s2 =	sshll.u32 s11, $0x1;
	s5 =	smul.u32 $0x1380, s11  }
0x8: {  	s4 =	sadd.s32 $0x36600, s1;
	s10 =	smul.u32 $0x27000, s11;
	s26 =	sshll.u32 s11, $0x6  }
0x9: {  	s3 =	sor.u32 s0, s2;
	s2 =	rddreg [dreg:$0x2];
	s6 =	smul.u32 $0x13880, s0  }
0xa: {  	s0 =	ssub.s32 $0x2, s0;
	s9 =	smul.u32 $0x4E2, s3;
	s3 =	simm.s32 $0x0  }
0xb: {  	s24 =	sshrl.u32 s0, $0x1;
	s25 =	sshrl.u32 s10, $0x2;
	[smem:$0x7FF] =	sst s3  }
0xc: {  	s6 =	sadd.s32 s5, s6;
	s5 =	sadd.s32 $0x71200, s1;
	s0 =	ssub.s32 s0, s24  }
0xd: {  	s30 =	sadd.s32 s25, s2;
	s24 =	simm.s32 $0x6;
	s25 =	simm.s32 $0x2  }
0xe: {  	_ =	strace $0x80000053;
	s7 =	sadd.s32 s9, s1;
	s1 =	sadd.s32 s6, s1  }
0xf: {  	s6 =	sor.u32 $0x1C07, s26;
	s8 =	sadd.s32 s8, s9;
	s10 =	smax.u32 s0, $0x1  }
0x10: {  	s11 =	sshrl.u32 s30, $0x3;
	s26 =	simm.s32 $0x3;
	s0 =	simm.s32 $0x4D80  }
0x11: {  	s7 =	sadd.s32 $0x5600, s7;
	s9 =	sadd.s32 $0xC0800, s1;
	s1 =	simm.s32 $0x4D30  }
.LBB2_1:
0x12: {  	[spmem:s11], [sflag:s6] =	dma.local [hbm:s5], $0x1400  }
0x13: {  	_ =	swait.ge [sflag:s12], $0x1400  }
0x14: {  	[sflag:s12] =	ssyncset.done $0x0  }
0x15: {  	[sflag:s12] =	ssyncadd.s32 $0xFFFFEC00  }
0x16: {  	[tilespmem:s3], [sflag:$0x7] =	stream.linear.gather [hbm4b:s7+s3], $0x2710, $0x38;
	[tilespmem:$0x14E60] =	vst v63  }
0x17: {  	_ =	swait.ge [sflag:s12], $0x2710  }
0x18: {  	[sflag:s12] =	ssyncset.done $0x0  }
0x19: {  	s19 =	simm.s32 $0x2710;
	[sflag:s12] =	ssyncadd.s32 $0xFFFFD8F0  }
0x1a: {  	[tilespmem:s19], [sflag:$0x7] =	stream.linear.gather [hbm4b:s8+s3], $0x2710, $0x38;
	[tilespmem:$0x14E60] =	vst v63  }
0x1b: {  	_ =	swait.ge [sflag:s12], $0x2710  }
0x1c: {  	[sflag:s12] =	ssyncset.done $0x0  }
0x1d: {  	[sflag:s12] =	ssyncadd.s32 $0xFFFFD8F0  }
0x1e: {  	[bflag:$0x0] =	sbarrier.arrive $0xFFFF  }
0x1f: {  	[tilespmem:s15], [sflag:$0x1] =	stream.indirect.gather [hbm4b:s4+s14], $0x40, s3, s14, $0xb8;
	[tilespmem:$0x14E60] =	vst v63  }
0x20: {  	_ = 	snop  }
0x21: {  	[tilespmem:s16], [sflag:$0x2] =	stream.indirect.gather [hbm4b:s4+s14], $0x40, s14, s14, $0xb8;
	[tilespmem:$0x14E60] =	vst v63  }
0x22: {  	s21 =	simm.s32 $0xA0  }
0x23: {  	[tilespmem:s18], [sflag:$0x3] =	stream.indirect.gather [hbm4b:s4+s14], $0x40, s21, s14, $0xb8;
	[tilespmem:$0x14E60] =	vst v63  }
0x24: {  	s30 =	simm.s32 $0xF0  }
0x25: {  	[tilespmem:s20], [sflag:$0x4] =	stream.indirect.gather [hbm4b:s4+s14], $0x40, s30, s14, $0xb8;
	[tilespmem:$0x14E60] =	vst v63  }
0x26: {  	s21 =	simm.s32 $0x140  }
0x27: {  	[tilespmem:s22], [sflag:$0x5] =	stream.indirect.gather [hbm4b:s4+s14], $0x40, s21, s14, $0xb8;
	[tilespmem:$0x14E60] =	vst v63  }
0x28: {  	_ =	swait.ge [sflag:s23], $0x1400  }
0x29: {  	[sflag:s23] =	ssyncset.done $0x0  }
0x2a: {  	s30 =	simm.s32 $0x2710;
	[sflag:s23] =	ssyncadd.s32 $0xFFFFEC00  }
0x2b: {  	[spmem:s2] =	stream.indirect.scatter.add.f32 [tilespmem:s15], [sflag:$0x6], $0x40, s30, s14, $0xb8;
	[tilespmem:$0x14E60] =	vst v63  }
0x2c: {  	_ =	swait.ge [sflag:s24], $0x1400  }
0x2d: {  	[sflag:s24] =	ssyncset.done $0x0  }
0x2e: {  	s21 =	simm.s32 $0x190;
	[sflag:s24] =	ssyncadd.s32 $0xFFFFEC00  }
0x2f: {  	[tilespmem:s15], [sflag:$0x1] =	stream.indirect.gather [hbm4b:s4+s14], $0x40, s21, s14, $0xb8;
	[tilespmem:$0x14E60] =	vst v63  }
0x30: {  	_ =	swait.ge [sflag:s25], $0x1400  }
0x31: {  	[sflag:s25] =	ssyncset.done $0x0  }
0x32: {  	s30 =	simm.s32 $0x2760;
	[sflag:s25] =	ssyncadd.s32 $0xFFFFEC00  }
0x33: {  	[spmem:s2] =	stream.indirect.scatter.add.f32 [tilespmem:s16], [sflag:$0x6], $0x40, s30, s14, $0xb8;
	[tilespmem:$0x14E60] =	vst v63  }
0x34: {  	_ =	swait.ge [sflag:s24], $0x1400  }
0x35: {  	[sflag:s24] =	ssyncset.done $0x0  }
0x36: {  	s21 =	simm.s32 $0x1E0;
	[sflag:s24] =	ssyncadd.s32 $0xFFFFEC00  }
0x37: {  	[tilespmem:s16], [sflag:$0x2] =	stream.indirect.gather [hbm4b:s4+s14], $0x40, s21, s14, $0xb8;
	[tilespmem:$0x14E60] =	vst v63  }
0x38: {  	_ =	swait.ge [sflag:s26], $0x1400  }
0x39: {  	[sflag:s26] =	ssyncset.done $0x0  }
0x3a: {  	s30 =	simm.s32 $0x27B0;
	[sflag:s26] =	ssyncadd.s32 $0xFFFFEC00  }
0x3b: {  	[spmem:s2] =	stream.indirect.scatter.add.f32 [tilespmem:s18], [sflag:$0x6], $0x40, s30, s14, $0xb8;
	[tilespmem:$0x14E60] =	vst v63  }
0x3c: {  	_ =	swait.ge [sflag:s24], $0x1400  }
0x3d: {  	[sflag:s24] =	ssyncset.done $0x0  }
0x3e: {  	s21 =	simm.s32 $0x230;
	[sflag:s24] =	ssyncadd.s32 $0xFFFFEC00  }
0x3f: {  	[tilespmem:s18], [sflag:$0x3] =	stream.indirect.gather [hbm4b:s4+s14], $0x40, s21, s14, $0xb8;
	[tilespmem:$0x14E60] =	vst v63  }
0x40: {  	_ =	swait.ge [sflag:s28], $0x1400  }
0x41: {  	[sflag:s28] =	ssyncset.done $0x0  }
0x42: {  	s30 =	simm.s32 $0x2800;
	[sflag:s28] =	ssyncadd.s32 $0xFFFFEC00  }
0x43: {  	[spmem:s2] =	stream.indirect.scatter.add.f32 [tilespmem:s20], [sflag:$0x6], $0x40, s30, s14, $0xb8;
	[tilespmem:$0x14E60] =	vst v63  }
0x44: {  	_ =	swait.ge [sflag:s24], $0x1400  }
0x45: {  	[sflag:s24] =	ssyncset.done $0x0  }
0x46: {  	s21 =	simm.s32 $0x280;
	[sflag:s24] =	ssyncadd.s32 $0xFFFFEC00  }
0x47: {  	[tilespmem:s20], [sflag:$0x4] =	stream.indirect.gather [hbm4b:s4+s14], $0x40, s21, s14, $0xb8;
	[tilespmem:$0x14E60] =	vst v63  }
0x48: {  	_ =	swait.ge [sflag:s29], $0x1400  }
0x49: {  	[sflag:s29] =	ssyncset.done $0x0  }
0x4a: {  	s30 =	simm.s32 $0x2850;
	[sflag:s29] =	ssyncadd.s32 $0xFFFFEC00  }
0x4b: {  	[spmem:s2] =	stream.indirect.scatter.add.f32 [tilespmem:s22], [sflag:$0x6], $0x40, s30, s14, $0xb8;
	[tilespmem:$0x14E60] =	vst v63  }
0x4c: {  	_ =	swait.ge [sflag:s24], $0x1400  }
0x4d: {  	[sflag:s24] =	ssyncset.done $0x0  }
0x4e: {  	s19 =	simm.s32 $0x640;
	s21 =	simm.s32 $0x2D0;
	[sflag:s24] =	ssyncadd.s32 $0xFFFFEC00  }
.LBB2_2:
0x4f: {  	[tilespmem:s22], [sflag:$0x5] =	stream.indirect.gather [hbm4b:s4+s14], $0x40, s21, s14, $0xb8;
	[tilespmem:$0x14E60] =	vst v63  }
0x50: {  	s21 =	smov.u32 s19  }
0x51: {  	p0 =	sne.s32 s19, $0x8FC0;
	s19 =	sadd.s32 $0x640, s19;
	_ =	swait.ge [sflag:s23], $0x1400  }
0x52: {  	s21 =	sshra.s32 s21, $0x2;
	[sflag:s23] =	ssyncset.done $0x0  }
0x53: {  	s30 =	sadd.s32 $0x2710, s21;
	[sflag:s23] =	ssyncadd.s32 $0xFFFFEC00  }
0x54: {  	[spmem:s2] =	stream.indirect.scatter.add.f32 [tilespmem:s15], [sflag:$0x6], $0x40, s30, s14, $0xb8;
	[tilespmem:$0x14E60] =	vst v63  }
0x55: {  	_ =	swait.ge [sflag:s24], $0x1400  }
0x56: {  	[sflag:s24] =	ssyncset.done $0x0  }
0x57: {  	s30 =	sadd.s32 $0x190, s21;
	[sflag:s24] =	ssyncadd.s32 $0xFFFFEC00  }
0x58: {  	[tilespmem:s15], [sflag:$0x1] =	stream.indirect.gather [hbm4b:s4+s14], $0x40, s30, s14, $0xb8;
	[tilespmem:$0x14E60] =	vst v63  }
0x59: {  	_ =	swait.ge [sflag:s25], $0x1400  }
0x5a: {  	[sflag:s25] =	ssyncset.done $0x0  }
0x5b: {  	s30 =	sadd.s32 $0x2760, s21;
	[sflag:s25] =	ssyncadd.s32 $0xFFFFEC00  }
0x5c: {  	[spmem:s2] =	stream.indirect.scatter.add.f32 [tilespmem:s16], [sflag:$0x6], $0x40, s30, s14, $0xb8;
	[tilespmem:$0x14E60] =	vst v63  }
0x5d: {  	_ =	swait.ge [sflag:s24], $0x1400  }
0x5e: {  	[sflag:s24] =	ssyncset.done $0x0  }
0x5f: {  	s30 =	sadd.s32 $0x1E0, s21;
	[sflag:s24] =	ssyncadd.s32 $0xFFFFEC00  }
0x60: {  	[tilespmem:s16], [sflag:$0x2] =	stream.indirect.gather [hbm4b:s4+s14], $0x40, s30, s14, $0xb8;
	[tilespmem:$0x14E60] =	vst v63  }
0x61: {  	_ =	swait.ge [sflag:s26], $0x1400  }
0x62: {  	[sflag:s26] =	ssyncset.done $0x0  }
0x63: {  	s30 =	sadd.s32 $0x27B0, s21;
	[sflag:s26] =	ssyncadd.s32 $0xFFFFEC00  }
0x64: {  	[spmem:s2] =	stream.indirect.scatter.add.f32 [tilespmem:s18], [sflag:$0x6], $0x40, s30, s14, $0xb8;
	[tilespmem:$0x14E60] =	vst v63  }
0x65: {  	_ =	swait.ge [sflag:s24], $0x1400  }
0x66: {  	[sflag:s24] =	ssyncset.done $0x0  }
0x67: {  	s30 =	sadd.s32 $0x230, s21;
	[sflag:s24] =	ssyncadd.s32 $0xFFFFEC00  }
0x68: {  	[tilespmem:s18], [sflag:$0x3] =	stream.indirect.gather [hbm4b:s4+s14], $0x40, s30, s14, $0xb8;
	[tilespmem:$0x14E60] =	vst v63  }
0x69: {  	_ =	swait.ge [sflag:s28], $0x1400  }
0x6a: {  	[sflag:s28] =	ssyncset.done $0x0  }
0x6b: {  	s30 =	sadd.s32 $0x2800, s21;
	[sflag:s28] =	ssyncadd.s32 $0xFFFFEC00  }
0x6c: {  	[spmem:s2] =	stream.indirect.scatter.add.f32 [tilespmem:s20], [sflag:$0x6], $0x40, s30, s14, $0xb8;
	[tilespmem:$0x14E60] =	vst v63  }
0x6d: {  	_ =	swait.ge [sflag:s24], $0x1400  }
0x6e: {  	[sflag:s24] =	ssyncset.done $0x0  }
0x6f: {  	s30 =	sadd.s32 $0x280, s21;
	[sflag:s24] =	ssyncadd.s32 $0xFFFFEC00  }
0x70: {  	[tilespmem:s20], [sflag:$0x4] =	stream.indirect.gather [hbm4b:s4+s14], $0x40, s30, s14, $0xb8;
	[tilespmem:$0x14E60] =	vst v63  }
0x71: {  	_ =	swait.ge [sflag:s29], $0x1400  }
0x72: {  	[sflag:s29] =	ssyncset.done $0x0  }
.Ltmp0:
0x73: {  	s30 =	sadd.s32 $0x2850, s21;
	[sflag:s29] =	ssyncadd.s32 $0xFFFFEC00;
	(pc) =	sbr.rel @p0 .LBB2_2-.Ltmp0, $4  }
0x74: {  	[spmem:s2] =	stream.indirect.scatter.add.f32 [tilespmem:s22], [sflag:$0x6], $0x40, s30, s14, $0xb8;
	[tilespmem:$0x14E60] =	vst v63  }
0x75: {  	_ =	swait.ge [sflag:s24], $0x1400  }
0x76: {  	[sflag:s24] =	ssyncset.done $0x0  }
0x77: {  	s21 =	sadd.s32 $0x2D0, s21;
	[sflag:s24] =	ssyncadd.s32 $0xFFFFEC00  }
0x78: {  	[tilespmem:s22], [sflag:$0x5] =	stream.indirect.gather [hbm4b:s4+s14], $0x40, s21, s14, $0xb8;
	[tilespmem:$0x14E60] =	vst v63  }
0x79: {  	_ =	swait.ge [sflag:s23], $0x1400  }
0x7a: {  	[sflag:s23] =	ssyncset.done $0x0  }
0x7b: {  	s19 =	simm.s32 $0x4C90;
	[sflag:s23] =	ssyncadd.s32 $0xFFFFEC00  }
0x7c: {  	[spmem:s2] =	stream.indirect.scatter.add.f32 [tilespmem:s15], [sflag:$0x6], $0x40, s19, s14, $0xb8;
	[tilespmem:$0x14E60] =	vst v63  }
0x7d: {  	_ =	swait.ge [sflag:s24], $0x1400  }
0x7e: {  	[sflag:s24] =	ssyncset.done $0x0  }
0x7f: {  	[sflag:s24] =	ssyncadd.s32 $0xFFFFEC00  }
0x80: {  	_ =	swait.ge [sflag:s25], $0x1400  }
0x81: {  	[sflag:s25] =	ssyncset.done $0x0  }
0x82: {  	[sflag:s25] =	ssyncadd.s32 $0xFFFFEC00  }
0x83: {  	[spmem:s2] =	stream.indirect.scatter.add.f32 [tilespmem:s16], [sflag:$0x6], $0x40, s31, s14, $0xb8;
	[tilespmem:$0x14E60] =	vst v63  }
0x84: {  	_ =	swait.ge [sflag:s24], $0x1400  }
0x85: {  	[sflag:s24] =	ssyncset.done $0x0  }
0x86: {  	[sflag:s24] =	ssyncadd.s32 $0xFFFFEC00  }
0x87: {  	_ =	swait.ge [sflag:s26], $0x1400  }
0x88: {  	[sflag:s26] =	ssyncset.done $0x0  }
0x89: {  	[sflag:s26] =	ssyncadd.s32 $0xFFFFEC00  }
0x8a: {  	[spmem:s2] =	stream.indirect.scatter.add.f32 [tilespmem:s18], [sflag:$0x6], $0x40, s1, s14, $0xb8;
	[tilespmem:$0x14E60] =	vst v63  }
0x8b: {  	_ =	swait.ge [sflag:s24], $0x1400  }
0x8c: {  	[sflag:s24] =	ssyncset.done $0x0  }
0x8d: {  	[sflag:s24] =	ssyncadd.s32 $0xFFFFEC00  }
0x8e: {  	_ =	swait.ge [sflag:s28], $0x1400  }
0x8f: {  	[sflag:s28] =	ssyncset.done $0x0  }
0x90: {  	[sflag:s28] =	ssyncadd.s32 $0xFFFFEC00  }
0x91: {  	[spmem:s2] =	stream.indirect.scatter.add.f32 [tilespmem:s20], [sflag:$0x6], $0x40, s0, s14, $0xb8;
	[tilespmem:$0x14E60] =	vst v63  }
0x92: {  	_ =	swait.ge [sflag:s24], $0x1400  }
0x93: {  	[sflag:s24] =	ssyncset.done $0x0  }
0x94: {  	[sflag:s24] =	ssyncadd.s32 $0xFFFFEC00  }
0x95: {  	_ =	swait.ge [sflag:s29], $0x1400  }
0x96: {  	[sflag:s29] =	ssyncset.done $0x0  }
0x97: {  	[sflag:s29] =	ssyncadd.s32 $0xFFFFEC00  }
0x98: {  	[spmem:s2] =	stream.indirect.scatter.add.f32 [tilespmem:s22], [sflag:$0x6], $0x40, s13, s14, $0xb8;
	[tilespmem:$0x14E60] =	vst v63  }
0x99: {  	_ =	swait.ge [sflag:s24], $0x1400  }
0x9a: {  	s17 =	sadd.s32 $0x1, s17;
	[sflag:s24] =	ssyncset.done $0x0  }
0x9b: {  	p0 =	sne.s32 s17, s10;
	[sflag:s24] =	ssyncadd.s32 $0xFFFFEC00  }
.Ltmp1:
0x9c: {  	[bflag:$0x0] =	sbarrier.arrive $0xFFFF;
	(pc) =	sbr.rel @p0 .LBB2_1-.Ltmp1, $4  }
0x9d: {  	[hbm:s9], [sflag:s6] =	dma.local [spmem:s11], $0x1400  }
0x9e: {  	_ =	swait.ge [sflag:s12], $0x1400  }
0x9f: {  	[sflag:s12] =	ssyncset.done $0x0  }
0xa0: {  	[sflag:s12] =	ssyncadd.s32 $0xFFFFEC00  }
0xa1: {  	_ =	sfence.sel $0x180000  }
0xa2: {  	[bflag:$0x0] =	sbarrier.arrive $0xFFFF  }
0xa3: {  	_ =	strace $0x90000053  }
0xa4: {  	s0 =	stileid.u32;
	[bflag:$0x2] =	sbarrier.arrive $0xFFFF  }
0xa5: {  	p0 =	sne.s32 s0, $0x0;
	s0 =	rddreg [dreg:$0x3]  }
0xa6: {  	s0 =	sadd.s32 @!p0 $0x100000, s0  }
0xa7: {  	[sflag:s0] =	ssyncadd.tile.s32 @!p0 $0x1;
	_ =	shalt  }
.Lfunc_end2:
_tile_overlayer_lowered:
.L_overlay_start_2:
0xa8: {  	(tag) =	ssettag $0x2  }
0xa9: {  	s0 =	rddreg [dreg:$0x0];
	s2 =	stileid.u32  }
0xaa: {  	s1 =	rddreg [dreg:$0x1];
	p0 =	sne.s32 s2, $0x0  }
0xab: {  	s3 =	rddreg [dreg:$0x2];
	[bflag:$0x3] =	sbarrier.arrive $0xFFFF;
	s2 =	simm.s32 @!p0 $0x1C07  }
0xac: {  	[timem:s3], [sflag:s2] =	dma.local @!p0 [hbm:s0], s1  }
0xad: {  	s0 =	simm.s32 @!p0 $0x7  }
0xae: {  	_ =	swait.ge @!p0 [sflag:s0], s1  }
0xaf: {  	s1 =	ssub.s32 @!p0 $0x0, s1;
	[sflag:s0] =	ssyncset.done @!p0 $0x0  }
0xb0: {  	[sflag:s0] =	ssyncadd.s32 @!p0 s1  }
0xb1: {  	[bflag:$0x3] =	sbarrier.arrive $0xFFFF  }
0xb2: {  	_ =	shalt  }

// kernel: kernel.31.cloned.1.call-start
scs
__scs_entry_jumppad:
0x0: {  	(pc) =	sbr.rel $0x88, $3  }
0x1: {  	(tag) =	ssettag $0x0;
	lr =	simm.s32 $0x1  }
0x2: {  	[smem:$0x3F9C] =	sst lr;
	_ =	strace $0xD0000000  }
0x3: {  	_ = 	snop  }
0x4: {  	_ = 	snop  }
0x5: {  	_ = 	snop  }
0x6: {  	_ = 	snop  }
0x7: {  	_ = 	snop  }
__scs_overlays_trampoline_lowered:
0x8: {  	[smem:$0x3FAB] =	sst s0  }
0x9: {  	[smem:$0x3FAC] =	sst s1  }
0xa: {  	[smem:$0x3FAD] =	sst s2  }
0xb: {  	[smem:$0x3FAE] =	sst s3  }
0xc: {  	[smem:$0x3FAF] =	sst s4  }
0xd: {  	[smem:$0x3FB0] =	sst s5  }
0xe: {  	[smem:$0x3FB1] =	sst s6  }
0xf: {  	[smem:$0x3FB2] =	sst s7  }
0x10: {  	[smem:$0x3FB3] =	sst s8  }
0x11: {  	[smem:$0x3FB4] =	sst s9;
	s0 =	simm.s32 @!p0 $0x0  }
0x12: {  	s1 =	sld [smem:$0x3F9A];
	s0 =	simm.s32 @p0 $0x1  }
0x13: {  	[smem:$0x3FB5] =	sst s0;
	s0 =	simm.s32 @!p1 $0x0  }
0x14: {  	s2 =	sld [smem:$0x3F99];
	s0 =	simm.s32 @p1 $0x1  }
0x15: {  	[smem:$0x3FB6] =	sst s0;
	s0 =	simm.s32 @!p2 $0x0  }
0x16: {  	s3 =	sld [smem:$0x3FDB];
	s0 =	simm.s32 @p2 $0x1  }
0x17: {  	s4 =	simm.s32 $0x1BF5;
	[smem:$0x3FB8] =	sst s0  }
0x18: {  	s0 =	sld [smem:$0x3F9B];
	_ =	swait.ge [sflag:s4], $0x0  }
0x19: {  	s7 =	sld [smem:$0x3F9C]  }
0x1a: {  	s8 =	sadd.s32 $0xFFFFE003, lr  }
0x1b: {  	s9 =	sadd.s32 $0xFFFFFEF7, lr;
	s5 =	simm.s32 $0xFFFFFFFF;
	p2 =	slt.u32 s8, $0xFFFFF086  }
0x1c: {  	p1 =	slt.u32 s9, $0xF7A;
	s5 =	simm.s32 @!p2 $0x0  }
0x1d: {  	s5 =	simm.s32 @p1 $0x1;
	p0 =	seq.s32 s7, s2  }
0x1e: {  	s7 =	smul.u32 @!p0 $0xF7A, s2;
	p2 =	seq.s32 @!p0 s5, $0x0  }
0x1f: {  	s9 =	smul.u32 $0xF7A, s1;
	s8 =	simm.s32 @!p0 $0x1BF5;
	p2 =	por !p2, p0  }
0x20: {  	[sflag:s8] =	ssyncset.s32 @!p0 $0xFFFFF086;
	s6 =	sadd.s32 @!p0 s3, s7;
	s7 =	simm.s32 @!p0 $0x108  }
0x21: {  	s3 =	sadd.s32 s3, s9;
	s6 =	sadd.s32 @!p0 $0x88, s6;
	s7 =	simm.s32 @p2 $0x1082  }
0x22: {  	[simem:s7], [sflag:s8] =	dma.local @!p0 [hbm:s6], $0xF7A  }
0x23: {  	s9 =	sor.u32 $0xD0000000, s2;
	s6 =	simm.s32 $0x108;
	_ =	swait.ge @!p0 [sflag:s8], $0x0  }
0x24: {  	s3 =	sadd.s32 $0x88, s3;
	s6 =	simm.s32 @!p1 $0x1082;
	[sflag:s4] =	ssyncset.s32 $0xFFFFF086  }
0x25: {  	[simem:s6], [sflag:s4] =	dma.local [hbm:s3], $0xF7A  }
0x26: {  	[smem:$0x3F9C] =	sst s1;
	(tag) =	ssettag s2;
	_ =	strace s9  }
0x27: {  	s1 =	sld [smem:$0x3FAC]  }
0x28: {  	s2 =	sld [smem:$0x3FAD]  }
0x29: {  	s4 =	sld [smem:$0x3FAF]  }
0x2a: {  	p0 =	seq.s32 s5, $0x0;
	s5 =	sld [smem:$0x3FB0]  }
0x2b: {  	s6 =	sld [smem:$0x3FB1]  }
0x2c: {  	s7 =	sld [smem:$0x3FB2]  }
0x2d: {  	s3 =	simm.s32 $0x108;
	s8 =	sld [smem:$0x3FB3]  }
0x2e: {  	s3 =	simm.s32 @!p0 $0x1082;
	s9 =	sld [smem:$0x3FB4]  }
0x2f: {  	lr =	sadd.s32 s0, s3;
	s0 =	sld [smem:$0x3FAB]  }
0x30: {  	s3 =	sld [smem:$0x3FAE]  }
0x31: {  	[smem:$0x3FB7] =	sst s10  }
0x32: {  	s10 =	sld [smem:$0x3FB5];
	_ =	sdelay $0x3  }
0x33: {  	p0 =	seq.s32 s10, $0x1;
	s10 =	sld [smem:$0x3FB7];
	_ =	sdelay $0x3  }
0x34: {  	[smem:$0x3FB7] =	sst s10  }
0x35: {  	s10 =	sld [smem:$0x3FB6];
	_ =	sdelay $0x3  }
0x36: {  	p1 =	seq.s32 s10, $0x1;
	s10 =	sld [smem:$0x3FB7];
	_ =	sdelay $0x3  }
0x37: {  	[smem:$0x3FB7] =	sst s10  }
0x38: {  	s10 =	sld [smem:$0x3FB8]  }
0x39: {  	_ = 	snop;
	(pc) =	sbr.ind lr, $3  }
0x3a: {  	_ = 	snop  }
0x3b: {  	_ = 	snop  }
0x3c: {  	p2 =	seq.s32 s10, $0x1;
	s10 =	sld [smem:$0x3FB7]  }
0x3d: {  	_ =	shalt  }
0x3e: {  	_ =	shalt  }
0x3f: {  	_ =	shalt  }
0x40: {  	_ =	shalt  }
0x41: {  	_ =	shalt  }
0x42: {  	_ =	shalt  }
0x43: {  	_ =	shalt  }
0x44: {  	_ =	shalt  }
0x45: {  	_ =	shalt  }
0x46: {  	_ =	shalt  }
0x47: {  	_ =	shalt  }
0x48: {  	_ =	shalt  }
0x49: {  	_ =	shalt  }
0x4a: {  	_ =	shalt  }
0x4b: {  	_ =	shalt  }
0x4c: {  	_ =	shalt  }
0x4d: {  	_ =	shalt  }
0x4e: {  	_ =	shalt  }
0x4f: {  	_ =	shalt  }
0x50: {  	_ =	shalt  }
0x51: {  	_ =	shalt  }
0x52: {  	_ =	shalt  }
0x53: {  	_ =	shalt  }
0x54: {  	_ =	shalt  }
0x55: {  	_ =	shalt  }
0x56: {  	_ =	shalt  }
0x57: {  	_ =	shalt  }
0x58: {  	_ =	shalt  }
0x59: {  	_ =	shalt  }
0x5a: {  	_ =	shalt  }
0x5b: {  	_ =	shalt  }
0x5c: {  	_ =	shalt  }
0x5d: {  	_ =	shalt  }
0x5e: {  	_ =	shalt  }
0x5f: {  	_ =	shalt  }
0x60: {  	_ =	shalt  }
0x61: {  	_ =	shalt  }
0x62: {  	_ =	shalt  }
0x63: {  	_ =	shalt  }
0x64: {  	_ =	shalt  }
0x65: {  	_ =	shalt  }
0x66: {  	_ =	shalt  }
0x67: {  	_ =	shalt  }
0x68: {  	_ =	shalt  }
0x69: {  	_ =	shalt  }
0x6a: {  	_ =	shalt  }
0x6b: {  	_ =	shalt  }
0x6c: {  	_ =	shalt  }
0x6d: {  	_ =	shalt  }
0x6e: {  	_ =	shalt  }
0x6f: {  	_ =	shalt  }
0x70: {  	_ =	shalt  }
0x71: {  	_ =	shalt  }
0x72: {  	_ =	shalt  }
0x73: {  	_ =	shalt  }
0x74: {  	_ =	shalt  }
0x75: {  	_ =	shalt  }
0x76: {  	_ =	shalt  }
0x77: {  	_ =	shalt  }
0x78: {  	_ =	shalt  }
0x79: {  	_ =	shalt  }
0x7a: {  	_ =	shalt  }
0x7b: {  	_ =	shalt  }
0x7c: {  	_ =	shalt  }
0x7d: {  	_ =	shalt  }
0x7e: {  	_ =	shalt  }
0x7f: {  	_ =	shalt  }
0x80: {  	_ =	shalt  }
0x81: {  	_ =	shalt  }
0x82: {  	_ =	shalt  }
0x83: {  	_ =	shalt  }
0x84: {  	_ =	shalt  }
0x85: {  	_ =	shalt  }
0x86: {  	_ =	shalt  }
0x87: {  	_ =	shalt  }
.Lfunc_end0:
.L_simem_size_0:
called_computation.5_lowered:
.L_overlay_start_0:
0x88: {  	s2 =	sld [smem:$0x3FD9]  }
0x89: {  	s3 =	sld [smem:$0x3FFE];
	_ =	sdelay $0x1  }
0x8a: {  	s1 =	srdreg.scid  }
0x8b: {  	s0 =	sand.u32 $0x1, s1  }
0x8c: {  	s17 =	sshll.u32 s0, $0xA;
	s2 =	sadd.s32 s3, s2  }
0x8d: {  	s2 =	sadd.s32 s2, s17  }
0x8e: {  	[smem:$0x3FC3] =	sst s2  }
0x8f: {  	_ = 	snop  }
0x90: {  	s2 =	sld [smem:$0x3FD0];
	(tm) =	ssettm $0x1  }
0x91: {  	s18 =	sld [smem:$0x3FFB];
	_ =	sdelay $0x3  }
0x92: {  	_ =	strace s18  }
0x93: {  	s3 =	sld [smem:$0x3FFC];
	_ =	sdelay $0x3  }
0x94: {  	_ =	strace s3  }
0x95: {  	s3 =	sld [smem:$0x3FFD];
	_ =	sdelay $0x3  }
0x96: {  	_ =	strace s3  }
0x97: {  	_ =	strace $0x8FFFFFFF  }
0x98: {  	s19 =	sld [smem:$0x3FDB];
	_ =	sdelay $0x1  }
0x99: {  	s4 =	simm.s32 $_scs_section_size  }
0x9a: {  	s5 =	simm.s32 $_size__tile_overlayer_lowered;
	s6 =	simm.s32 $_tile_overlayer_lowered  }
0x9b: {  	s22 =	simm.s32 $0x1BFF;
	s21 =	sshll.u32 s6, $0x1;
	s3 =	sadd.s32 s4, s19  }
0x9c: {  	s7 =	simm.s32 $0x0;
	s20 =	sshll.u32 s5, $0x1;
	s5 =	sadd.s32 s21, s3  }
0x9d: {  	[timem:s7], [sflag:s22] =	dma.local [hbm:s5], s20  }
0x9e: {  	_ =	swait.ge [sflag:s22], s20  }
0x9f: {  	s4 =	ssub.s32 $0x0, s20;
	[sflag:s22] =	ssyncset.done $0x0  }
0xa0: {  	[sflag:s22] =	ssyncadd.s32 s4;
	_ =	sdelay $0x1  }
0xa1: {  	s23 =	simm.s32 $0x1B8B  }
0xa2: {  	_ =	swait.ge [sflag:s23], $0x1  }
0xa3: {  	[sflag:s23] =	ssyncset.done $0x0  }
0xa4: {  	s25 =	simm.s32 $0x1B8E;
	s24 =	sld [smem:$0x3FFE];
	[sflag:s23] =	ssyncadd.s32 $0xFFFFFFFF  }
0xa5: {  	s26 =	simm.s32 $execute0_lowered;
	[smem:$0x3FD2] =	sst s25  }
0xa6: {  	s5 =	sshll.u32 s26, $0x1;
	_ =	strace $0x80000055;
	[dreg:$0x1] =	wrdreg $0xFFFFFFFF  }
0xa7: {  	s28 =	simm.s32 $_size_execute0_lowered;
	s3 =	sadd.s32 s3, s5;
	[dreg:$0x0] =	wrdreg $0x0  }
0xa8: {  	s5 =	sshll.u32 s28, $0x1;
	[dreg:$0x2] =	wrdreg s3  }
0xa9: {  	[dreg:$0x3] =	wrdreg s5  }
0xaa: {  	[dreg:$0x4] =	wrdreg $0xC0  }
0xab: {  	_ =	task [dreg:s7], $0x5FFFF  }
0xac: {  	[dreg:$0x1] =	wrdreg $0xFFFFFFFF  }
0xad: {  	[dreg:$0x0] =	wrdreg $0x60  }
0xae: {  	[dreg:$0x2] =	wrdreg s24  }
0xaf: {  	[dreg:$0x3] =	wrdreg s2  }
0xb0: {  	[dreg:$0x4] =	wrdreg $0xB2200  }
0xb1: {  	[dreg:$0x5] =	wrdreg $0x9  }
0xb2: {  	_ =	task.clear_ibuf [dreg:s7], $0x6FFFF;
	_ =	strace $0x90000055  }
0xb3: {  	s29 =	simm.s32 $0x9;
	_ =	strace $0x80000057  }
0xb4: {  	_ =	swait.ge [sflag:s29], $0x1  }
0xb5: {  	[sflag:s29] =	ssyncadd.s32 $0xFFFFFFFF  }
0xb6: {  	_ =	strace $0x90000057  }
0xb7: {  	_ =	sfence  }
0xb8: {  	s30 =	sld [smem:$0x0];
	_ =	sdelay $0x2  }
0xb9: {  	s31 =	sshll.u32 s1, $0xD;
	s1 =	sshrl.u32 s1, $0x2  }
0xba: {  	s3 =	sand.u32 $0x4000, s31;
	s1 =	sadd.s32 s1, s30  }
0xbb: {  	s0 =	sor.u32 s3, s0;
	s1 =	sshll.u32 s1, $0x11  }
0xbc: {  	s0 =	sor.u32 s1, s0  }
0xbd: {  	s0 =	sadd.s32 $0x8F2B, s0  }
0xbe: {  	[sflag:s0] =	ssyncadd.remote.s32 $0x1  }
0xbf: {  	_ =	sfence.sel $0xFFFF  }
0xc0: {  	[dreg:$0x0] =	wrdreg $0xFFFFFFFF;
	(pc) =	sbr.abs _section_cstart, $3  }
0xc1: {  	[dreg:$0x1] =	wrdreg $0xFFFFFFFF  }
0xc2: {  	_ =	task.clear_ibuf [dreg:s7], $0x2FFFF;
	_ =	strace $0x9FFFFFFF  }
0xc3: {  	(tm) =	ssettm $0x7FFFFFFF  }
tec
execute0_lowered:
.L_overlay_start_1:
0x0: {  	(tag) =	ssettag $0x1  }
0x1: {  	s0 =	srdreg.scid;
	s1 =	rddreg [dreg:$0x0]  }
0x2: {  	s11 =	stileid.u32;
	s8 =	rddreg [dreg:$0x1];
	s12 =	simm.s32 $0x7  }
0x3: {  	s14 =	simm.s32 $0x50;
	s15 =	simm.s32 $0x4E20;
	s16 =	simm.s32 $0x6220  }
0x4: {  	s18 =	simm.s32 $0x7620;
	s20 =	simm.s32 $0x8A20;
	s22 =	simm.s32 $0x9E20  }
0x5: {  	s23 =	simm.s32 $0x1;
	s28 =	simm.s32 $0x4;
	s29 =	simm.s32 $0x5  }
0x6: {  	s31 =	simm.s32 $0x4CE0;
	s13 =	simm.s32 $0x4DD0;
	s17 =	simm.s32 $0x0  }
0x7: {  	s0 =	sand.u32 $0x1, s0;
	s2 =	sshll.u32 s11, $0x1;
	s5 =	smul.u32 $0x1380, s11  }
0x8: {  	s4 =	sadd.s32 $0x36600, s1;
	s10 =	smul.u32 $0x27000, s11;
	s26 =	sshll.u32 s11, $0x6  }
0x9: {  	s3 =	sor.u32 s0, s2;
	s2 =	rddreg [dreg:$0x2];
	s6 =	smul.u32 $0x13880, s0  }
0xa: {  	s0 =	ssub.s32 $0x2, s0;
	s9 =	smul.u32 $0x4E2, s3;
	s3 =	simm.s32 $0x0  }
0xb: {  	s24 =	sshrl.u32 s0, $0x1;
	s25 =	sshrl.u32 s10, $0x2;
	[smem:$0x7FF] =	sst s3  }
0xc: {  	s6 =	sadd.s32 s5, s6;
	s5 =	sadd.s32 $0x71200, s1;
	s0 =	ssub.s32 s0, s24  }
0xd: {  	s30 =	sadd.s32 s25, s2;
	s24 =	simm.s32 $0x6;
	s25 =	simm.s32 $0x2  }
0xe: {  	_ =	strace $0x80000056;
	s7 =	sadd.s32 s9, s1;
	s1 =	sadd.s32 s6, s1  }
0xf: {  	s6 =	sor.u32 $0x1C07, s26;
	s8 =	sadd.s32 s8, s9;
	s10 =	smax.u32 s0, $0x1  }
0x10: {  	s11 =	sshrl.u32 s30, $0x3;
	s26 =	simm.s32 $0x3;
	s0 =	simm.s32 $0x4D80  }
0x11: {  	s7 =	sadd.s32 $0x5600, s7;
	s9 =	sadd.s32 $0x72600, s1;
	s1 =	simm.s32 $0x4D30  }
.LBB2_1:
0x12: {  	[spmem:s11], [sflag:s6] =	dma.local [hbm:s5], $0x1400  }
0x13: {  	_ =	swait.ge [sflag:s12], $0x1400  }
0x14: {  	[sflag:s12] =	ssyncset.done $0x0  }
0x15: {  	[sflag:s12] =	ssyncadd.s32 $0xFFFFEC00  }
0x16: {  	[tilespmem:s3], [sflag:$0x7] =	stream.linear.gather [hbm4b:s7+s3], $0x2710, $0x38;
	[tilespmem:$0x14E60] =	vst v63  }
0x17: {  	_ =	swait.ge [sflag:s12], $0x2710  }
0x18: {  	[sflag:s12] =	ssyncset.done $0x0  }
0x19: {  	s19 =	simm.s32 $0x2710;
	[sflag:s12] =	ssyncadd.s32 $0xFFFFD8F0  }
0x1a: {  	[tilespmem:s19], [sflag:$0x7] =	stream.linear.gather [hbm4b:s8+s3], $0x2710, $0x38;
	[tilespmem:$0x14E60] =	vst v63  }
0x1b: {  	_ =	swait.ge [sflag:s12], $0x2710  }
0x1c: {  	[sflag:s12] =	ssyncset.done $0x0  }
0x1d: {  	[sflag:s12] =	ssyncadd.s32 $0xFFFFD8F0  }
0x1e: {  	[bflag:$0x0] =	sbarrier.arrive $0xFFFF  }
0x1f: {  	[tilespmem:s15], [sflag:$0x1] =	stream.indirect.gather [hbm4b:s4+s14], $0x40, s3, s14, $0xb8;
	[tilespmem:$0x14E60] =	vst v63  }
0x20: {  	_ = 	snop  }
0x21: {  	[tilespmem:s16], [sflag:$0x2] =	stream.indirect.gather [hbm4b:s4+s14], $0x40, s14, s14, $0xb8;
	[tilespmem:$0x14E60] =	vst v63  }
0x22: {  	s21 =	simm.s32 $0xA0  }
0x23: {  	[tilespmem:s18], [sflag:$0x3] =	stream.indirect.gather [hbm4b:s4+s14], $0x40, s21, s14, $0xb8;
	[tilespmem:$0x14E60] =	vst v63  }
0x24: {  	s30 =	simm.s32 $0xF0  }
0x25: {  	[tilespmem:s20], [sflag:$0x4] =	stream.indirect.gather [hbm4b:s4+s14], $0x40, s30, s14, $0xb8;
	[tilespmem:$0x14E60] =	vst v63  }
0x26: {  	s21 =	simm.s32 $0x140  }
0x27: {  	[tilespmem:s22], [sflag:$0x5] =	stream.indirect.gather [hbm4b:s4+s14], $0x40, s21, s14, $0xb8;
	[tilespmem:$0x14E60] =	vst v63  }
0x28: {  	_ =	swait.ge [sflag:s23], $0x1400  }
0x29: {  	[sflag:s23] =	ssyncset.done $0x0  }
0x2a: {  	s30 =	simm.s32 $0x2710;
	[sflag:s23] =	ssyncadd.s32 $0xFFFFEC00  }
0x2b: {  	[spmem:s2] =	stream.indirect.scatter.add.f32 [tilespmem:s15], [sflag:$0x6], $0x40, s30, s14, $0xb8;
	[tilespmem:$0x14E60] =	vst v63  }
0x2c: {  	_ =	swait.ge [sflag:s24], $0x1400  }
0x2d: {  	[sflag:s24] =	ssyncset.done $0x0  }
0x2e: {  	s21 =	simm.s32 $0x190;
	[sflag:s24] =	ssyncadd.s32 $0xFFFFEC00  }
0x2f: {  	[tilespmem:s15], [sflag:$0x1] =	stream.indirect.gather [hbm4b:s4+s14], $0x40, s21, s14, $0xb8;
	[tilespmem:$0x14E60] =	vst v63  }
0x30: {  	_ =	swait.ge [sflag:s25], $0x1400  }
0x31: {  	[sflag:s25] =	ssyncset.done $0x0  }
0x32: {  	s30 =	simm.s32 $0x2760;
	[sflag:s25] =	ssyncadd.s32 $0xFFFFEC00  }
0x33: {  	[spmem:s2] =	stream.indirect.scatter.add.f32 [tilespmem:s16], [sflag:$0x6], $0x40, s30, s14, $0xb8;
	[tilespmem:$0x14E60] =	vst v63  }
0x34: {  	_ =	swait.ge [sflag:s24], $0x1400  }
0x35: {  	[sflag:s24] =	ssyncset.done $0x0  }
0x36: {  	s21 =	simm.s32 $0x1E0;
	[sflag:s24] =	ssyncadd.s32 $0xFFFFEC00  }
0x37: {  	[tilespmem:s16], [sflag:$0x2] =	stream.indirect.gather [hbm4b:s4+s14], $0x40, s21, s14, $0xb8;
	[tilespmem:$0x14E60] =	vst v63  }
0x38: {  	_ =	swait.ge [sflag:s26], $0x1400  }
0x39: {  	[sflag:s26] =	ssyncset.done $0x0  }
0x3a: {  	s30 =	simm.s32 $0x27B0;
	[sflag:s26] =	ssyncadd.s32 $0xFFFFEC00  }
0x3b: {  	[spmem:s2] =	stream.indirect.scatter.add.f32 [tilespmem:s18], [sflag:$0x6], $0x40, s30, s14, $0xb8;
	[tilespmem:$0x14E60] =	vst v63  }
0x3c: {  	_ =	swait.ge [sflag:s24], $0x1400  }
0x3d: {  	[sflag:s24] =	ssyncset.done $0x0  }
0x3e: {  	s21 =	simm.s32 $0x230;
	[sflag:s24] =	ssyncadd.s32 $0xFFFFEC00  }
0x3f: {  	[tilespmem:s18], [sflag:$0x3] =	stream.indirect.gather [hbm4b:s4+s14], $0x40, s21, s14, $0xb8;
	[tilespmem:$0x14E60] =	vst v63  }
0x40: {  	_ =	swait.ge [sflag:s28], $0x1400  }
0x41: {  	[sflag:s28] =	ssyncset.done $0x0  }
0x42: {  	s30 =	simm.s32 $0x2800;
	[sflag:s28] =	ssyncadd.s32 $0xFFFFEC00  }
0x43: {  	[spmem:s2] =	stream.indirect.scatter.add.f32 [tilespmem:s20], [sflag:$0x6], $0x40, s30, s14, $0xb8;
	[tilespmem:$0x14E60] =	vst v63  }
0x44: {  	_ =	swait.ge [sflag:s24], $0x1400  }
0x45: {  	[sflag:s24] =	ssyncset.done $0x0  }
0x46: {  	s21 =	simm.s32 $0x280;
	[sflag:s24] =	ssyncadd.s32 $0xFFFFEC00  }
0x47: {  	[tilespmem:s20], [sflag:$0x4] =	stream.indirect.gather [hbm4b:s4+s14], $0x40, s21, s14, $0xb8;
	[tilespmem:$0x14E60] =	vst v63  }
0x48: {  	_ =	swait.ge [sflag:s29], $0x1400  }
0x49: {  	[sflag:s29] =	ssyncset.done $0x0  }
0x4a: {  	s30 =	simm.s32 $0x2850;
	[sflag:s29] =	ssyncadd.s32 $0xFFFFEC00  }
0x4b: {  	[spmem:s2] =	stream.indirect.scatter.add.f32 [tilespmem:s22], [sflag:$0x6], $0x40, s30, s14, $0xb8;
	[tilespmem:$0x14E60] =	vst v63  }
0x4c: {  	_ =	swait.ge [sflag:s24], $0x1400  }
0x4d: {  	[sflag:s24] =	ssyncset.done $0x0  }
0x4e: {  	s19 =	simm.s32 $0x640;
	s21 =	simm.s32 $0x2D0;
	[sflag:s24] =	ssyncadd.s32 $0xFFFFEC00  }
.LBB2_2:
0x4f: {  	[tilespmem:s22], [sflag:$0x5] =	stream.indirect.gather [hbm4b:s4+s14], $0x40, s21, s14, $0xb8;
	[tilespmem:$0x14E60] =	vst v63  }
0x50: {  	s21 =	smov.u32 s19  }
0x51: {  	p0 =	sne.s32 s19, $0x8FC0;
	s19 =	sadd.s32 $0x640, s19;
	_ =	swait.ge [sflag:s23], $0x1400  }
0x52: {  	s21 =	sshra.s32 s21, $0x2;
	[sflag:s23] =	ssyncset.done $0x0  }
0x53: {  	s30 =	sadd.s32 $0x2710, s21;
	[sflag:s23] =	ssyncadd.s32 $0xFFFFEC00  }
0x54: {  	[spmem:s2] =	stream.indirect.scatter.add.f32 [tilespmem:s15], [sflag:$0x6], $0x40, s30, s14, $0xb8;
	[tilespmem:$0x14E60] =	vst v63  }
0x55: {  	_ =	swait.ge [sflag:s24], $0x1400  }
0x56: {  	[sflag:s24] =	ssyncset.done $0x0  }
0x57: {  	s30 =	sadd.s32 $0x190, s21;
	[sflag:s24] =	ssyncadd.s32 $0xFFFFEC00  }
0x58: {  	[tilespmem:s15], [sflag:$0x1] =	stream.indirect.gather [hbm4b:s4+s14], $0x40, s30, s14, $0xb8;
	[tilespmem:$0x14E60] =	vst v63  }
0x59: {  	_ =	swait.ge [sflag:s25], $0x1400  }
0x5a: {  	[sflag:s25] =	ssyncset.done $0x0  }
0x5b: {  	s30 =	sadd.s32 $0x2760, s21;
	[sflag:s25] =	ssyncadd.s32 $0xFFFFEC00  }
0x5c: {  	[spmem:s2] =	stream.indirect.scatter.add.f32 [tilespmem:s16], [sflag:$0x6], $0x40, s30, s14, $0xb8;
	[tilespmem:$0x14E60] =	vst v63  }
0x5d: {  	_ =	swait.ge [sflag:s24], $0x1400  }
0x5e: {  	[sflag:s24] =	ssyncset.done $0x0  }
0x5f: {  	s30 =	sadd.s32 $0x1E0, s21;
	[sflag:s24] =	ssyncadd.s32 $0xFFFFEC00  }
0x60: {  	[tilespmem:s16], [sflag:$0x2] =	stream.indirect.gather [hbm4b:s4+s14], $0x40, s30, s14, $0xb8;
	[tilespmem:$0x14E60] =	vst v63  }
0x61: {  	_ =	swait.ge [sflag:s26], $0x1400  }
0x62: {  	[sflag:s26] =	ssyncset.done $0x0  }
0x63: {  	s30 =	sadd.s32 $0x27B0, s21;
	[sflag:s26] =	ssyncadd.s32 $0xFFFFEC00  }
0x64: {  	[spmem:s2] =	stream.indirect.scatter.add.f32 [tilespmem:s18], [sflag:$0x6], $0x40, s30, s14, $0xb8;
	[tilespmem:$0x14E60] =	vst v63  }
0x65: {  	_ =	swait.ge [sflag:s24], $0x1400  }
0x66: {  	[sflag:s24] =	ssyncset.done $0x0  }
0x67: {  	s30 =	sadd.s32 $0x230, s21;
	[sflag:s24] =	ssyncadd.s32 $0xFFFFEC00  }
0x68: {  	[tilespmem:s18], [sflag:$0x3] =	stream.indirect.gather [hbm4b:s4+s14], $0x40, s30, s14, $0xb8;
	[tilespmem:$0x14E60] =	vst v63  }
0x69: {  	_ =	swait.ge [sflag:s28], $0x1400  }
0x6a: {  	[sflag:s28] =	ssyncset.done $0x0  }
0x6b: {  	s30 =	sadd.s32 $0x2800, s21;
	[sflag:s28] =	ssyncadd.s32 $0xFFFFEC00  }
0x6c: {  	[spmem:s2] =	stream.indirect.scatter.add.f32 [tilespmem:s20], [sflag:$0x6], $0x40, s30, s14, $0xb8;
	[tilespmem:$0x14E60] =	vst v63  }
0x6d: {  	_ =	swait.ge [sflag:s24], $0x1400  }
0x6e: {  	[sflag:s24] =	ssyncset.done $0x0  }
0x6f: {  	s30 =	sadd.s32 $0x280, s21;
	[sflag:s24] =	ssyncadd.s32 $0xFFFFEC00  }
0x70: {  	[tilespmem:s20], [sflag:$0x4] =	stream.indirect.gather [hbm4b:s4+s14], $0x40, s30, s14, $0xb8;
	[tilespmem:$0x14E60] =	vst v63  }
0x71: {  	_ =	swait.ge [sflag:s29], $0x1400  }
0x72: {  	[sflag:s29] =	ssyncset.done $0x0  }
.Ltmp0:
0x73: {  	s30 =	sadd.s32 $0x2850, s21;
	[sflag:s29] =	ssyncadd.s32 $0xFFFFEC00;
	(pc) =	sbr.rel @p0 .LBB2_2-.Ltmp0, $4  }
0x74: {  	[spmem:s2] =	stream.indirect.scatter.add.f32 [tilespmem:s22], [sflag:$0x6], $0x40, s30, s14, $0xb8;
	[tilespmem:$0x14E60] =	vst v63  }
0x75: {  	_ =	swait.ge [sflag:s24], $0x1400  }
0x76: {  	[sflag:s24] =	ssyncset.done $0x0  }
0x77: {  	s21 =	sadd.s32 $0x2D0, s21;
	[sflag:s24] =	ssyncadd.s32 $0xFFFFEC00  }
0x78: {  	[tilespmem:s22], [sflag:$0x5] =	stream.indirect.gather [hbm4b:s4+s14], $0x40, s21, s14, $0xb8;
	[tilespmem:$0x14E60] =	vst v63  }
0x79: {  	_ =	swait.ge [sflag:s23], $0x1400  }
0x7a: {  	[sflag:s23] =	ssyncset.done $0x0  }
0x7b: {  	s19 =	simm.s32 $0x4C90;
	[sflag:s23] =	ssyncadd.s32 $0xFFFFEC00  }
0x7c: {  	[spmem:s2] =	stream.indirect.scatter.add.f32 [tilespmem:s15], [sflag:$0x6], $0x40, s19, s14, $0xb8;
	[tilespmem:$0x14E60] =	vst v63  }
0x7d: {  	_ =	swait.ge [sflag:s24], $0x1400  }
0x7e: {  	[sflag:s24] =	ssyncset.done $0x0  }
0x7f: {  	[sflag:s24] =	ssyncadd.s32 $0xFFFFEC00  }
0x80: {  	_ =	swait.ge [sflag:s25], $0x1400  }
0x81: {  	[sflag:s25] =	ssyncset.done $0x0  }
0x82: {  	[sflag:s25] =	ssyncadd.s32 $0xFFFFEC00  }
0x83: {  	[spmem:s2] =	stream.indirect.scatter.add.f32 [tilespmem:s16], [sflag:$0x6], $0x40, s31, s14, $0xb8;
	[tilespmem:$0x14E60] =	vst v63  }
0x84: {  	_ =	swait.ge [sflag:s24], $0x1400  }
0x85: {  	[sflag:s24] =	ssyncset.done $0x0  }
0x86: {  	[sflag:s24] =	ssyncadd.s32 $0xFFFFEC00  }
0x87: {  	_ =	swait.ge [sflag:s26], $0x1400  }
0x88: {  	[sflag:s26] =	ssyncset.done $0x0  }
0x89: {  	[sflag:s26] =	ssyncadd.s32 $0xFFFFEC00  }
0x8a: {  	[spmem:s2] =	stream.indirect.scatter.add.f32 [tilespmem:s18], [sflag:$0x6], $0x40, s1, s14, $0xb8;
	[tilespmem:$0x14E60] =	vst v63  }
0x8b: {  	_ =	swait.ge [sflag:s24], $0x1400  }
0x8c: {  	[sflag:s24] =	ssyncset.done $0x0  }
0x8d: {  	[sflag:s24] =	ssyncadd.s32 $0xFFFFEC00  }
0x8e: {  	_ =	swait.ge [sflag:s28], $0x1400  }
0x8f: {  	[sflag:s28] =	ssyncset.done $0x0  }
0x90: {  	[sflag:s28] =	ssyncadd.s32 $0xFFFFEC00  }
0x91: {  	[spmem:s2] =	stream.indirect.scatter.add.f32 [tilespmem:s20], [sflag:$0x6], $0x40, s0, s14, $0xb8;
	[tilespmem:$0x14E60] =	vst v63  }
0x92: {  	_ =	swait.ge [sflag:s24], $0x1400  }
0x93: {  	[sflag:s24] =	ssyncset.done $0x0  }
0x94: {  	[sflag:s24] =	ssyncadd.s32 $0xFFFFEC00  }
0x95: {  	_ =	swait.ge [sflag:s29], $0x1400  }
0x96: {  	[sflag:s29] =	ssyncset.done $0x0  }
0x97: {  	[sflag:s29] =	ssyncadd.s32 $0xFFFFEC00  }
0x98: {  	[spmem:s2] =	stream.indirect.scatter.add.f32 [tilespmem:s22], [sflag:$0x6], $0x40, s13, s14, $0xb8;
	[tilespmem:$0x14E60] =	vst v63  }
0x99: {  	_ =	swait.ge [sflag:s24], $0x1400  }
0x9a: {  	s17 =	sadd.s32 $0x1, s17;
	[sflag:s24] =	ssyncset.done $0x0  }
0x9b: {  	p0 =	sne.s32 s17, s10;
	[sflag:s24] =	ssyncadd.s32 $0xFFFFEC00  }
.Ltmp1:
0x9c: {  	[bflag:$0x0] =	sbarrier.arrive $0xFFFF;
	(pc) =	sbr.rel @p0 .LBB2_1-.Ltmp1, $4  }
0x9d: {  	[hbm:s9], [sflag:s6] =	dma.local [spmem:s11], $0x1400  }
0x9e: {  	_ =	swait.ge [sflag:s12], $0x1400  }
0x9f: {  	[sflag:s12] =	ssyncset.done $0x0  }
0xa0: {  	[sflag:s12] =	ssyncadd.s32 $0xFFFFEC00  }
0xa1: {  	_ =	sfence.sel $0x180000  }
0xa2: {  	[bflag:$0x0] =	sbarrier.arrive $0xFFFF  }
0xa3: {  	_ =	strace $0x90000056  }
0xa4: {  	s0 =	stileid.u32;
	[bflag:$0x2] =	sbarrier.arrive $0xFFFF  }
0xa5: {  	p0 =	sne.s32 s0, $0x0;
	s0 =	rddreg [dreg:$0x3]  }
0xa6: {  	s0 =	sadd.s32 @!p0 $0x100000, s0  }
0xa7: {  	[sflag:s0] =	ssyncadd.tile.s32 @!p0 $0x1;
	_ =	shalt  }
.Lfunc_end2:
_tile_overlayer_lowered:
.L_overlay_start_2:
0xa8: {  	(tag) =	ssettag $0x2  }
0xa9: {  	s0 =	rddreg [dreg:$0x0];
	s2 =	stileid.u32  }
0xaa: {  	s1 =	rddreg [dreg:$0x1];
	p0 =	sne.s32 s2, $0x0  }
0xab: {  	s3 =	rddreg [dreg:$0x2];
	[bflag:$0x3] =	sbarrier.arrive $0xFFFF;
	s2 =	simm.s32 @!p0 $0x1C07  }
0xac: {  	[timem:s3], [sflag:s2] =	dma.local @!p0 [hbm:s0], s1  }
0xad: {  	s0 =	simm.s32 @!p0 $0x7  }
0xae: {  	_ =	swait.ge @!p0 [sflag:s0], s1  }
0xaf: {  	s1 =	ssub.s32 @!p0 $0x0, s1;
	[sflag:s0] =	ssyncset.done @!p0 $0x0  }
0xb0: {  	[sflag:s0] =	ssyncadd.s32 @!p0 s1  }
0xb1: {  	[bflag:$0x3] =	sbarrier.arrive $0xFFFF  }
0xb2: {  	_ =	shalt  }

// kernel: kernel.34.cloned.1.call-start
scs
__scs_entry_jumppad:
0x0: {  	(pc) =	sbr.rel $0x88, $3  }
0x1: {  	(tag) =	ssettag $0x0;
	lr =	simm.s32 $0x1  }
0x2: {  	[smem:$0x3F9C] =	sst lr;
	_ =	strace $0xD0000000  }
0x3: {  	_ = 	snop  }
0x4: {  	_ = 	snop  }
0x5: {  	_ = 	snop  }
0x6: {  	_ = 	snop  }
0x7: {  	_ = 	snop  }
__scs_overlays_trampoline_lowered:
0x8: {  	[smem:$0x3FAB] =	sst s0  }
0x9: {  	[smem:$0x3FAC] =	sst s1  }
0xa: {  	[smem:$0x3FAD] =	sst s2  }
0xb: {  	[smem:$0x3FAE] =	sst s3  }
0xc: {  	[smem:$0x3FAF] =	sst s4  }
0xd: {  	[smem:$0x3FB0] =	sst s5  }
0xe: {  	[smem:$0x3FB1] =	sst s6  }
0xf: {  	[smem:$0x3FB2] =	sst s7  }
0x10: {  	[smem:$0x3FB3] =	sst s8  }
0x11: {  	[smem:$0x3FB4] =	sst s9;
	s0 =	simm.s32 @!p0 $0x0  }
0x12: {  	s1 =	sld [smem:$0x3F9A];
	s0 =	simm.s32 @p0 $0x1  }
0x13: {  	[smem:$0x3FB5] =	sst s0;
	s0 =	simm.s32 @!p1 $0x0  }
0x14: {  	s2 =	sld [smem:$0x3F99];
	s0 =	simm.s32 @p1 $0x1  }
0x15: {  	[smem:$0x3FB6] =	sst s0;
	s0 =	simm.s32 @!p2 $0x0  }
0x16: {  	s3 =	sld [smem:$0x3FDB];
	s0 =	simm.s32 @p2 $0x1  }
0x17: {  	s4 =	simm.s32 $0x1BF5;
	[smem:$0x3FB8] =	sst s0  }
0x18: {  	s0 =	sld [smem:$0x3F9B];
	_ =	swait.ge [sflag:s4], $0x0  }
0x19: {  	s7 =	sld [smem:$0x3F9C]  }
0x1a: {  	s8 =	sadd.s32 $0xFFFFE003, lr  }
0x1b: {  	s9 =	sadd.s32 $0xFFFFFEF7, lr;
	s5 =	simm.s32 $0xFFFFFFFF;
	p2 =	slt.u32 s8, $0xFFFFF086  }
0x1c: {  	p1 =	slt.u32 s9, $0xF7A;
	s5 =	simm.s32 @!p2 $0x0  }
0x1d: {  	s5 =	simm.s32 @p1 $0x1;
	p0 =	seq.s32 s7, s2  }
0x1e: {  	s7 =	smul.u32 @!p0 $0xF7A, s2;
	p2 =	seq.s32 @!p0 s5, $0x0  }
0x1f: {  	s9 =	smul.u32 $0xF7A, s1;
	s8 =	simm.s32 @!p0 $0x1BF5;
	p2 =	por !p2, p0  }
0x20: {  	[sflag:s8] =	ssyncset.s32 @!p0 $0xFFFFF086;
	s6 =	sadd.s32 @!p0 s3, s7;
	s7 =	simm.s32 @!p0 $0x108  }
0x21: {  	s3 =	sadd.s32 s3, s9;
	s6 =	sadd.s32 @!p0 $0x88, s6;
	s7 =	simm.s32 @p2 $0x1082  }
0x22: {  	[simem:s7], [sflag:s8] =	dma.local @!p0 [hbm:s6], $0xF7A  }
0x23: {  	s9 =	sor.u32 $0xD0000000, s2;
	s6 =	simm.s32 $0x108;
	_ =	swait.ge @!p0 [sflag:s8], $0x0  }
0x24: {  	s3 =	sadd.s32 $0x88, s3;
	s6 =	simm.s32 @!p1 $0x1082;
	[sflag:s4] =	ssyncset.s32 $0xFFFFF086  }
0x25: {  	[simem:s6], [sflag:s4] =	dma.local [hbm:s3], $0xF7A  }
0x26: {  	[smem:$0x3F9C] =	sst s1;
	(tag) =	ssettag s2;
	_ =	strace s9  }
0x27: {  	s1 =	sld [smem:$0x3FAC]  }
0x28: {  	s2 =	sld [smem:$0x3FAD]  }
0x29: {  	s4 =	sld [smem:$0x3FAF]  }
0x2a: {  	p0 =	seq.s32 s5, $0x0;
	s5 =	sld [smem:$0x3FB0]  }
0x2b: {  	s6 =	sld [smem:$0x3FB1]  }
0x2c: {  	s7 =	sld [smem:$0x3FB2]  }
0x2d: {  	s3 =	simm.s32 $0x108;
	s8 =	sld [smem:$0x3FB3]  }
0x2e: {  	s3 =	simm.s32 @!p0 $0x1082;
	s9 =	sld [smem:$0x3FB4]  }
0x2f: {  	lr =	sadd.s32 s0, s3;
	s0 =	sld [smem:$0x3FAB]  }
0x30: {  	s3 =	sld [smem:$0x3FAE]  }
0x31: {  	[smem:$0x3FB7] =	sst s10  }
0x32: {  	s10 =	sld [smem:$0x3FB5];
	_ =	sdelay $0x3  }
0x33: {  	p0 =	seq.s32 s10, $0x1;
	s10 =	sld [smem:$0x3FB7];
	_ =	sdelay $0x3  }
0x34: {  	[smem:$0x3FB7] =	sst s10  }
0x35: {  	s10 =	sld [smem:$0x3FB6];
	_ =	sdelay $0x3  }
0x36: {  	p1 =	seq.s32 s10, $0x1;
	s10 =	sld [smem:$0x3FB7];
	_ =	sdelay $0x3  }
0x37: {  	[smem:$0x3FB7] =	sst s10  }
0x38: {  	s10 =	sld [smem:$0x3FB8]  }
0x39: {  	_ = 	snop;
	(pc) =	sbr.ind lr, $3  }
0x3a: {  	_ = 	snop  }
0x3b: {  	_ = 	snop  }
0x3c: {  	p2 =	seq.s32 s10, $0x1;
	s10 =	sld [smem:$0x3FB7]  }
0x3d: {  	_ =	shalt  }
0x3e: {  	_ =	shalt  }
0x3f: {  	_ =	shalt  }
0x40: {  	_ =	shalt  }
0x41: {  	_ =	shalt  }
0x42: {  	_ =	shalt  }
0x43: {  	_ =	shalt  }
0x44: {  	_ =	shalt  }
0x45: {  	_ =	shalt  }
0x46: {  	_ =	shalt  }
0x47: {  	_ =	shalt  }
0x48: {  	_ =	shalt  }
0x49: {  	_ =	shalt  }
0x4a: {  	_ =	shalt  }
0x4b: {  	_ =	shalt  }
0x4c: {  	_ =	shalt  }
0x4d: {  	_ =	shalt  }
0x4e: {  	_ =	shalt  }
0x4f: {  	_ =	shalt  }
0x50: {  	_ =	shalt  }
0x51: {  	_ =	shalt  }
0x52: {  	_ =	shalt  }
0x53: {  	_ =	shalt  }
0x54: {  	_ =	shalt  }
0x55: {  	_ =	shalt  }
0x56: {  	_ =	shalt  }
0x57: {  	_ =	shalt  }
0x58: {  	_ =	shalt  }
0x59: {  	_ =	shalt  }
0x5a: {  	_ =	shalt  }
0x5b: {  	_ =	shalt  }
0x5c: {  	_ =	shalt  }
0x5d: {  	_ =	shalt  }
0x5e: {  	_ =	shalt  }
0x5f: {  	_ =	shalt  }
0x60: {  	_ =	shalt  }
0x61: {  	_ =	shalt  }
0x62: {  	_ =	shalt  }
0x63: {  	_ =	shalt  }
0x64: {  	_ =	shalt  }
0x65: {  	_ =	shalt  }
0x66: {  	_ =	shalt  }
0x67: {  	_ =	shalt  }
0x68: {  	_ =	shalt  }
0x69: {  	_ =	shalt  }
0x6a: {  	_ =	shalt  }
0x6b: {  	_ =	shalt  }
0x6c: {  	_ =	shalt  }
0x6d: {  	_ =	shalt  }
0x6e: {  	_ =	shalt  }
0x6f: {  	_ =	shalt  }
0x70: {  	_ =	shalt  }
0x71: {  	_ =	shalt  }
0x72: {  	_ =	shalt  }
0x73: {  	_ =	shalt  }
0x74: {  	_ =	shalt  }
0x75: {  	_ =	shalt  }
0x76: {  	_ =	shalt  }
0x77: {  	_ =	shalt  }
0x78: {  	_ =	shalt  }
0x79: {  	_ =	shalt  }
0x7a: {  	_ =	shalt  }
0x7b: {  	_ =	shalt  }
0x7c: {  	_ =	shalt  }
0x7d: {  	_ =	shalt  }
0x7e: {  	_ =	shalt  }
0x7f: {  	_ =	shalt  }
0x80: {  	_ =	shalt  }
0x81: {  	_ =	shalt  }
0x82: {  	_ =	shalt  }
0x83: {  	_ =	shalt  }
0x84: {  	_ =	shalt  }
0x85: {  	_ =	shalt  }
0x86: {  	_ =	shalt  }
0x87: {  	_ =	shalt  }
.Lfunc_end0:
.L_simem_size_0:
called_computation.6_lowered:
.L_overlay_start_0:
0x88: {  	s2 =	sld [smem:$0x3FD9]  }
0x89: {  	s3 =	sld [smem:$0x3FFE];
	_ =	sdelay $0x1  }
0x8a: {  	s1 =	srdreg.scid  }
0x8b: {  	s0 =	sand.u32 $0x1, s1  }
0x8c: {  	s17 =	sshll.u32 s0, $0xA;
	s2 =	sadd.s32 s3, s2  }
0x8d: {  	s2 =	sadd.s32 s2, s17  }
0x8e: {  	[smem:$0x3FC3] =	sst s2  }
0x8f: {  	_ = 	snop  }
0x90: {  	s2 =	sld [smem:$0x3FD0];
	(tm) =	ssettm $0x1  }
0x91: {  	s18 =	sld [smem:$0x3FFB];
	_ =	sdelay $0x3  }
0x92: {  	_ =	strace s18  }
0x93: {  	s3 =	sld [smem:$0x3FFC];
	_ =	sdelay $0x3  }
0x94: {  	_ =	strace s3  }
0x95: {  	s3 =	sld [smem:$0x3FFD];
	_ =	sdelay $0x3  }
0x96: {  	_ =	strace s3  }
0x97: {  	_ =	strace $0x8FFFFFFF  }
0x98: {  	s19 =	sld [smem:$0x3FDB];
	_ =	sdelay $0x1  }
0x99: {  	s4 =	simm.s32 $_scs_section_size  }
0x9a: {  	s5 =	simm.s32 $_size__tile_overlayer_lowered;
	s6 =	simm.s32 $_tile_overlayer_lowered  }
0x9b: {  	s22 =	simm.s32 $0x1BFF;
	s21 =	sshll.u32 s6, $0x1;
	s3 =	sadd.s32 s4, s19  }
0x9c: {  	s7 =	simm.s32 $0x0;
	s20 =	sshll.u32 s5, $0x1;
	s5 =	sadd.s32 s21, s3  }
0x9d: {  	[timem:s7], [sflag:s22] =	dma.local [hbm:s5], s20  }
0x9e: {  	_ =	swait.ge [sflag:s22], s20  }
0x9f: {  	s4 =	ssub.s32 $0x0, s20;
	[sflag:s22] =	ssyncset.done $0x0  }
0xa0: {  	[sflag:s22] =	ssyncadd.s32 s4;
	_ =	sdelay $0x1  }
0xa1: {  	s23 =	simm.s32 $0x1B8B  }
0xa2: {  	_ =	swait.ge [sflag:s23], $0x1  }
0xa3: {  	[sflag:s23] =	ssyncset.done $0x0  }
0xa4: {  	s25 =	simm.s32 $0x1B8E;
	s24 =	sld [smem:$0x3FFE];
	[sflag:s23] =	ssyncadd.s32 $0xFFFFFFFF  }
0xa5: {  	s26 =	simm.s32 $execute0_lowered;
	[smem:$0x3FD2] =	sst s25  }
0xa6: {  	s5 =	sshll.u32 s26, $0x1;
	_ =	strace $0x80000058;
	[dreg:$0x1] =	wrdreg $0xFFFFFFFF  }
0xa7: {  	s28 =	simm.s32 $_size_execute0_lowered;
	s3 =	sadd.s32 s3, s5;
	[dreg:$0x0] =	wrdreg $0x0  }
0xa8: {  	s5 =	sshll.u32 s28, $0x1;
	[dreg:$0x2] =	wrdreg s3  }
0xa9: {  	[dreg:$0x3] =	wrdreg s5  }
0xaa: {  	[dreg:$0x4] =	wrdreg $0xC0  }
0xab: {  	_ =	task [dreg:s7], $0x5FFFF  }
0xac: {  	[dreg:$0x1] =	wrdreg $0xFFFFFFFF  }
0xad: {  	[dreg:$0x0] =	wrdreg $0x60  }
0xae: {  	[dreg:$0x2] =	wrdreg s24  }
0xaf: {  	[dreg:$0x3] =	wrdreg s2  }
0xb0: {  	[dreg:$0x4] =	wrdreg $0xB2200  }
0xb1: {  	[dreg:$0x5] =	wrdreg $0x9  }
0xb2: {  	_ =	task.clear_ibuf [dreg:s7], $0x6FFFF;
	_ =	strace $0x90000058  }
0xb3: {  	s29 =	simm.s32 $0x9;
	_ =	strace $0x8000005A  }
0xb4: {  	_ =	swait.ge [sflag:s29], $0x1  }
0xb5: {  	[sflag:s29] =	ssyncadd.s32 $0xFFFFFFFF  }
0xb6: {  	_ =	strace $0x9000005A  }
0xb7: {  	_ =	sfence  }
0xb8: {  	s30 =	sld [smem:$0x0];
	_ =	sdelay $0x2  }
0xb9: {  	s31 =	sshll.u32 s1, $0xD;
	s1 =	sshrl.u32 s1, $0x2  }
0xba: {  	s3 =	sand.u32 $0x4000, s31;
	s1 =	sadd.s32 s1, s30  }
0xbb: {  	s0 =	sor.u32 s3, s0;
	s1 =	sshll.u32 s1, $0x11  }
0xbc: {  	s0 =	sor.u32 s1, s0  }
0xbd: {  	s0 =	sadd.s32 $0x8F2B, s0  }
0xbe: {  	[sflag:s0] =	ssyncadd.remote.s32 $0x1  }
0xbf: {  	_ =	sfence.sel $0xFFFF  }
0xc0: {  	[dreg:$0x0] =	wrdreg $0xFFFFFFFF;
	(pc) =	sbr.abs _section_cstart, $3  }
0xc1: {  	[dreg:$0x1] =	wrdreg $0xFFFFFFFF  }
0xc2: {  	_ =	task.clear_ibuf [dreg:s7], $0x2FFFF;
	_ =	strace $0x9FFFFFFF  }
0xc3: {  	(tm) =	ssettm $0x7FFFFFFF  }
tec
execute0_lowered:
.L_overlay_start_1:
0x0: {  	(tag) =	ssettag $0x1  }
0x1: {  	s0 =	srdreg.scid;
	s1 =	rddreg [dreg:$0x0]  }
0x2: {  	s11 =	stileid.u32;
	s8 =	rddreg [dreg:$0x1];
	s12 =	simm.s32 $0x7  }
0x3: {  	s14 =	simm.s32 $0x50;
	s15 =	simm.s32 $0x4E20;
	s16 =	simm.s32 $0x6220  }
0x4: {  	s18 =	simm.s32 $0x7620;
	s20 =	simm.s32 $0x8A20;
	s22 =	simm.s32 $0x9E20  }
0x5: {  	s23 =	simm.s32 $0x1;
	s28 =	simm.s32 $0x4;
	s29 =	simm.s32 $0x5  }
0x6: {  	s31 =	simm.s32 $0x4CE0;
	s13 =	simm.s32 $0x4DD0;
	s17 =	simm.s32 $0x0  }
0x7: {  	s0 =	sand.u32 $0x1, s0;
	s2 =	sshll.u32 s11, $0x1;
	s5 =	smul.u32 $0x1380, s11  }
0x8: {  	s4 =	sadd.s32 $0x36600, s1;
	s10 =	smul.u32 $0x27000, s11;
	s26 =	sshll.u32 s11, $0x6  }
0x9: {  	s3 =	sor.u32 s0, s2;
	s2 =	rddreg [dreg:$0x2];
	s6 =	smul.u32 $0x13880, s0  }
0xa: {  	s0 =	ssub.s32 $0x2, s0;
	s9 =	smul.u32 $0x4E2, s3;
	s3 =	simm.s32 $0x0  }
0xb: {  	s24 =	sshrl.u32 s0, $0x1;
	s25 =	sshrl.u32 s10, $0x2;
	[smem:$0x7FF] =	sst s3  }
0xc: {  	s6 =	sadd.s32 s5, s6;
	s5 =	sadd.s32 $0x71200, s1;
	s0 =	ssub.s32 s0, s24  }
0xd: {  	s30 =	sadd.s32 s25, s2;
	s24 =	simm.s32 $0x6;
	s25 =	simm.s32 $0x2  }
0xe: {  	_ =	strace $0x80000059;
	s7 =	sadd.s32 s9, s1;
	s1 =	sadd.s32 s6, s1  }
0xf: {  	s6 =	sor.u32 $0x1C07, s26;
	s8 =	sadd.s32 s8, s9;
	s10 =	smax.u32 s0, $0x1  }
0x10: {  	s11 =	sshrl.u32 s30, $0x3;
	s26 =	simm.s32 $0x3;
	s0 =	simm.s32 $0x4D80  }
0x11: {  	s7 =	sadd.s32 $0x5600, s7;
	s9 =	sadd.s32 $0xC0800, s1;
	s1 =	simm.s32 $0x4D30  }
.LBB2_1:
0x12: {  	[spmem:s11], [sflag:s6] =	dma.local [hbm:s5], $0x1400  }
0x13: {  	_ =	swait.ge [sflag:s12], $0x1400  }
0x14: {  	[sflag:s12] =	ssyncset.done $0x0  }
0x15: {  	[sflag:s12] =	ssyncadd.s32 $0xFFFFEC00  }
0x16: {  	[tilespmem:s3], [sflag:$0x7] =	stream.linear.gather [hbm4b:s7+s3], $0x2710, $0x38;
	[tilespmem:$0x14E60] =	vst v63  }
0x17: {  	_ =	swait.ge [sflag:s12], $0x2710  }
0x18: {  	[sflag:s12] =	ssyncset.done $0x0  }
0x19: {  	s19 =	simm.s32 $0x2710;
	[sflag:s12] =	ssyncadd.s32 $0xFFFFD8F0  }
0x1a: {  	[tilespmem:s19], [sflag:$0x7] =	stream.linear.gather [hbm4b:s8+s3], $0x2710, $0x38;
	[tilespmem:$0x14E60] =	vst v63  }
0x1b: {  	_ =	swait.ge [sflag:s12], $0x2710  }
0x1c: {  	[sflag:s12] =	ssyncset.done $0x0  }
0x1d: {  	[sflag:s12] =	ssyncadd.s32 $0xFFFFD8F0  }
0x1e: {  	[bflag:$0x0] =	sbarrier.arrive $0xFFFF  }
0x1f: {  	[tilespmem:s15], [sflag:$0x1] =	stream.indirect.gather [hbm4b:s4+s14], $0x40, s3, s14, $0xb8;
	[tilespmem:$0x14E60] =	vst v63  }
0x20: {  	_ = 	snop  }
0x21: {  	[tilespmem:s16], [sflag:$0x2] =	stream.indirect.gather [hbm4b:s4+s14], $0x40, s14, s14, $0xb8;
	[tilespmem:$0x14E60] =	vst v63  }
0x22: {  	s21 =	simm.s32 $0xA0  }
0x23: {  	[tilespmem:s18], [sflag:$0x3] =	stream.indirect.gather [hbm4b:s4+s14], $0x40, s21, s14, $0xb8;
	[tilespmem:$0x14E60] =	vst v63  }
0x24: {  	s30 =	simm.s32 $0xF0  }
0x25: {  	[tilespmem:s20], [sflag:$0x4] =	stream.indirect.gather [hbm4b:s4+s14], $0x40, s30, s14, $0xb8;
	[tilespmem:$0x14E60] =	vst v63  }
0x26: {  	s21 =	simm.s32 $0x140  }
0x27: {  	[tilespmem:s22], [sflag:$0x5] =	stream.indirect.gather [hbm4b:s4+s14], $0x40, s21, s14, $0xb8;
	[tilespmem:$0x14E60] =	vst v63  }
0x28: {  	_ =	swait.ge [sflag:s23], $0x1400  }
0x29: {  	[sflag:s23] =	ssyncset.done $0x0  }
0x2a: {  	s30 =	simm.s32 $0x2710;
	[sflag:s23] =	ssyncadd.s32 $0xFFFFEC00  }
0x2b: {  	[spmem:s2] =	stream.indirect.scatter.add.f32 [tilespmem:s15], [sflag:$0x6], $0x40, s30, s14, $0xb8;
	[tilespmem:$0x14E60] =	vst v63  }
0x2c: {  	_ =	swait.ge [sflag:s24], $0x1400  }
0x2d: {  	[sflag:s24] =	ssyncset.done $0x0  }
0x2e: {  	s21 =	simm.s32 $0x190;
	[sflag:s24] =	ssyncadd.s32 $0xFFFFEC00  }
0x2f: {  	[tilespmem:s15], [sflag:$0x1] =	stream.indirect.gather [hbm4b:s4+s14], $0x40, s21, s14, $0xb8;
	[tilespmem:$0x14E60] =	vst v63  }
0x30: {  	_ =	swait.ge [sflag:s25], $0x1400  }
0x31: {  	[sflag:s25] =	ssyncset.done $0x0  }
0x32: {  	s30 =	simm.s32 $0x2760;
	[sflag:s25] =	ssyncadd.s32 $0xFFFFEC00  }
0x33: {  	[spmem:s2] =	stream.indirect.scatter.add.f32 [tilespmem:s16], [sflag:$0x6], $0x40, s30, s14, $0xb8;
	[tilespmem:$0x14E60] =	vst v63  }
0x34: {  	_ =	swait.ge [sflag:s24], $0x1400  }
0x35: {  	[sflag:s24] =	ssyncset.done $0x0  }
0x36: {  	s21 =	simm.s32 $0x1E0;
	[sflag:s24] =	ssyncadd.s32 $0xFFFFEC00  }
0x37: {  	[tilespmem:s16], [sflag:$0x2] =	stream.indirect.gather [hbm4b:s4+s14], $0x40, s21, s14, $0xb8;
	[tilespmem:$0x14E60] =	vst v63  }
0x38: {  	_ =	swait.ge [sflag:s26], $0x1400  }
0x39: {  	[sflag:s26] =	ssyncset.done $0x0  }
0x3a: {  	s30 =	simm.s32 $0x27B0;
	[sflag:s26] =	ssyncadd.s32 $0xFFFFEC00  }
0x3b: {  	[spmem:s2] =	stream.indirect.scatter.add.f32 [tilespmem:s18], [sflag:$0x6], $0x40, s30, s14, $0xb8;
	[tilespmem:$0x14E60] =	vst v63  }
0x3c: {  	_ =	swait.ge [sflag:s24], $0x1400  }
0x3d: {  	[sflag:s24] =	ssyncset.done $0x0  }
0x3e: {  	s21 =	simm.s32 $0x230;
	[sflag:s24] =	ssyncadd.s32 $0xFFFFEC00  }
0x3f: {  	[tilespmem:s18], [sflag:$0x3] =	stream.indirect.gather [hbm4b:s4+s14], $0x40, s21, s14, $0xb8;
	[tilespmem:$0x14E60] =	vst v63  }
0x40: {  	_ =	swait.ge [sflag:s28], $0x1400  }
0x41: {  	[sflag:s28] =	ssyncset.done $0x0  }
0x42: {  	s30 =	simm.s32 $0x2800;
	[sflag:s28] =	ssyncadd.s32 $0xFFFFEC00  }
0x43: {  	[spmem:s2] =	stream.indirect.scatter.add.f32 [tilespmem:s20], [sflag:$0x6], $0x40, s30, s14, $0xb8;
	[tilespmem:$0x14E60] =	vst v63  }
0x44: {  	_ =	swait.ge [sflag:s24], $0x1400  }
0x45: {  	[sflag:s24] =	ssyncset.done $0x0  }
0x46: {  	s21 =	simm.s32 $0x280;
	[sflag:s24] =	ssyncadd.s32 $0xFFFFEC00  }
0x47: {  	[tilespmem:s20], [sflag:$0x4] =	stream.indirect.gather [hbm4b:s4+s14], $0x40, s21, s14, $0xb8;
	[tilespmem:$0x14E60] =	vst v63  }
0x48: {  	_ =	swait.ge [sflag:s29], $0x1400  }
0x49: {  	[sflag:s29] =	ssyncset.done $0x0  }
0x4a: {  	s30 =	simm.s32 $0x2850;
	[sflag:s29] =	ssyncadd.s32 $0xFFFFEC00  }
0x4b: {  	[spmem:s2] =	stream.indirect.scatter.add.f32 [tilespmem:s22], [sflag:$0x6], $0x40, s30, s14, $0xb8;
	[tilespmem:$0x14E60] =	vst v63  }
0x4c: {  	_ =	swait.ge [sflag:s24], $0x1400  }
0x4d: {  	[sflag:s24] =	ssyncset.done $0x0  }
0x4e: {  	s19 =	simm.s32 $0x640;
	s21 =	simm.s32 $0x2D0;
	[sflag:s24] =	ssyncadd.s32 $0xFFFFEC00  }
.LBB2_2:
0x4f: {  	[tilespmem:s22], [sflag:$0x5] =	stream.indirect.gather [hbm4b:s4+s14], $0x40, s21, s14, $0xb8;
	[tilespmem:$0x14E60] =	vst v63  }
0x50: {  	s21 =	smov.u32 s19  }
0x51: {  	p0 =	sne.s32 s19, $0x8FC0;
	s19 =	sadd.s32 $0x640, s19;
	_ =	swait.ge [sflag:s23], $0x1400  }
0x52: {  	s21 =	sshra.s32 s21, $0x2;
	[sflag:s23] =	ssyncset.done $0x0  }
0x53: {  	s30 =	sadd.s32 $0x2710, s21;
	[sflag:s23] =	ssyncadd.s32 $0xFFFFEC00  }
0x54: {  	[spmem:s2] =	stream.indirect.scatter.add.f32 [tilespmem:s15], [sflag:$0x6], $0x40, s30, s14, $0xb8;
	[tilespmem:$0x14E60] =	vst v63  }
0x55: {  	_ =	swait.ge [sflag:s24], $0x1400  }
0x56: {  	[sflag:s24] =	ssyncset.done $0x0  }
0x57: {  	s30 =	sadd.s32 $0x190, s21;
	[sflag:s24] =	ssyncadd.s32 $0xFFFFEC00  }
0x58: {  	[tilespmem:s15], [sflag:$0x1] =	stream.indirect.gather [hbm4b:s4+s14], $0x40, s30, s14, $0xb8;
	[tilespmem:$0x14E60] =	vst v63  }
0x59: {  	_ =	swait.ge [sflag:s25], $0x1400  }
0x5a: {  	[sflag:s25] =	ssyncset.done $0x0  }
0x5b: {  	s30 =	sadd.s32 $0x2760, s21;
	[sflag:s25] =	ssyncadd.s32 $0xFFFFEC00  }
0x5c: {  	[spmem:s2] =	stream.indirect.scatter.add.f32 [tilespmem:s16], [sflag:$0x6], $0x40, s30, s14, $0xb8;
	[tilespmem:$0x14E60] =	vst v63  }
0x5d: {  	_ =	swait.ge [sflag:s24], $0x1400  }
0x5e: {  	[sflag:s24] =	ssyncset.done $0x0  }
0x5f: {  	s30 =	sadd.s32 $0x1E0, s21;
	[sflag:s24] =	ssyncadd.s32 $0xFFFFEC00  }
0x60: {  	[tilespmem:s16], [sflag:$0x2] =	stream.indirect.gather [hbm4b:s4+s14], $0x40, s30, s14, $0xb8;
	[tilespmem:$0x14E60] =	vst v63  }
0x61: {  	_ =	swait.ge [sflag:s26], $0x1400  }
0x62: {  	[sflag:s26] =	ssyncset.done $0x0  }
0x63: {  	s30 =	sadd.s32 $0x27B0, s21;
	[sflag:s26] =	ssyncadd.s32 $0xFFFFEC00  }
0x64: {  	[spmem:s2] =	stream.indirect.scatter.add.f32 [tilespmem:s18], [sflag:$0x6], $0x40, s30, s14, $0xb8;
	[tilespmem:$0x14E60] =	vst v63  }
0x65: {  	_ =	swait.ge [sflag:s24], $0x1400  }
0x66: {  	[sflag:s24] =	ssyncset.done $0x0  }
0x67: {  	s30 =	sadd.s32 $0x230, s21;
	[sflag:s24] =	ssyncadd.s32 $0xFFFFEC00  }
0x68: {  	[tilespmem:s18], [sflag:$0x3] =	stream.indirect.gather [hbm4b:s4+s14], $0x40, s30, s14, $0xb8;
	[tilespmem:$0x14E60] =	vst v63  }
0x69: {  	_ =	swait.ge [sflag:s28], $0x1400  }
0x6a: {  	[sflag:s28] =	ssyncset.done $0x0  }
0x6b: {  	s30 =	sadd.s32 $0x2800, s21;
	[sflag:s28] =	ssyncadd.s32 $0xFFFFEC00  }
0x6c: {  	[spmem:s2] =	stream.indirect.scatter.add.f32 [tilespmem:s20], [sflag:$0x6], $0x40, s30, s14, $0xb8;
	[tilespmem:$0x14E60] =	vst v63  }
0x6d: {  	_ =	swait.ge [sflag:s24], $0x1400  }
0x6e: {  	[sflag:s24] =	ssyncset.done $0x0  }
0x6f: {  	s30 =	sadd.s32 $0x280, s21;
	[sflag:s24] =	ssyncadd.s32 $0xFFFFEC00  }
0x70: {  	[tilespmem:s20], [sflag:$0x4] =	stream.indirect.gather [hbm4b:s4+s14], $0x40, s30, s14, $0xb8;
	[tilespmem:$0x14E60] =	vst v63  }
0x71: {  	_ =	swait.ge [sflag:s29], $0x1400  }
0x72: {  	[sflag:s29] =	ssyncset.done $0x0  }
.Ltmp0:
0x73: {  	s30 =	sadd.s32 $0x2850, s21;
	[sflag:s29] =	ssyncadd.s32 $0xFFFFEC00;
	(pc) =	sbr.rel @p0 .LBB2_2-.Ltmp0, $4  }
0x74: {  	[spmem:s2] =	stream.indirect.scatter.add.f32 [tilespmem:s22], [sflag:$0x6], $0x40, s30, s14, $0xb8;
	[tilespmem:$0x14E60] =	vst v63  }
0x75: {  	_ =	swait.ge [sflag:s24], $0x1400  }
0x76: {  	[sflag:s24] =	ssyncset.done $0x0  }
0x77: {  	s21 =	sadd.s32 $0x2D0, s21;
	[sflag:s24] =	ssyncadd.s32 $0xFFFFEC00  }
0x78: {  	[tilespmem:s22], [sflag:$0x5] =	stream.indirect.gather [hbm4b:s4+s14], $0x40, s21, s14, $0xb8;
	[tilespmem:$0x14E60] =	vst v63  }
0x79: {  	_ =	swait.ge [sflag:s23], $0x1400  }
0x7a: {  	[sflag:s23] =	ssyncset.done $0x0  }
0x7b: {  	s19 =	simm.s32 $0x4C90;
	[sflag:s23] =	ssyncadd.s32 $0xFFFFEC00  }
0x7c: {  	[spmem:s2] =	stream.indirect.scatter.add.f32 [tilespmem:s15], [sflag:$0x6], $0x40, s19, s14, $0xb8;
	[tilespmem:$0x14E60] =	vst v63  }
0x7d: {  	_ =	swait.ge [sflag:s24], $0x1400  }
0x7e: {  	[sflag:s24] =	ssyncset.done $0x0  }
0x7f: {  	[sflag:s24] =	ssyncadd.s32 $0xFFFFEC00  }
0x80: {  	_ =	swait.ge [sflag:s25], $0x1400  }
0x81: {  	[sflag:s25] =	ssyncset.done $0x0  }
0x82: {  	[sflag:s25] =	ssyncadd.s32 $0xFFFFEC00  }
0x83: {  	[spmem:s2] =	stream.indirect.scatter.add.f32 [tilespmem:s16], [sflag:$0x6], $0x40, s31, s14, $0xb8;
	[tilespmem:$0x14E60] =	vst v63  }
0x84: {  	_ =	swait.ge [sflag:s24], $0x1400  }
0x85: {  	[sflag:s24] =	ssyncset.done $0x0  }
0x86: {  	[sflag:s24] =	ssyncadd.s32 $0xFFFFEC00  }
0x87: {  	_ =	swait.ge [sflag:s26], $0x1400  }
0x88: {  	[sflag:s26] =	ssyncset.done $0x0  }
0x89: {  	[sflag:s26] =	ssyncadd.s32 $0xFFFFEC00  }
0x8a: {  	[spmem:s2] =	stream.indirect.scatter.add.f32 [tilespmem:s18], [sflag:$0x6], $0x40, s1, s14, $0xb8;
	[tilespmem:$0x14E60] =	vst v63  }
0x8b: {  	_ =	swait.ge [sflag:s24], $0x1400  }
0x8c: {  	[sflag:s24] =	ssyncset.done $0x0  }
0x8d: {  	[sflag:s24] =	ssyncadd.s32 $0xFFFFEC00  }
0x8e: {  	_ =	swait.ge [sflag:s28], $0x1400  }
0x8f: {  	[sflag:s28] =	ssyncset.done $0x0  }
0x90: {  	[sflag:s28] =	ssyncadd.s32 $0xFFFFEC00  }
0x91: {  	[spmem:s2] =	stream.indirect.scatter.add.f32 [tilespmem:s20], [sflag:$0x6], $0x40, s0, s14, $0xb8;
	[tilespmem:$0x14E60] =	vst v63  }
0x92: {  	_ =	swait.ge [sflag:s24], $0x1400  }
0x93: {  	[sflag:s24] =	ssyncset.done $0x0  }
0x94: {  	[sflag:s24] =	ssyncadd.s32 $0xFFFFEC00  }
0x95: {  	_ =	swait.ge [sflag:s29], $0x1400  }
0x96: {  	[sflag:s29] =	ssyncset.done $0x0  }
0x97: {  	[sflag:s29] =	ssyncadd.s32 $0xFFFFEC00  }
0x98: {  	[spmem:s2] =	stream.indirect.scatter.add.f32 [tilespmem:s22], [sflag:$0x6], $0x40, s13, s14, $0xb8;
	[tilespmem:$0x14E60] =	vst v63  }
0x99: {  	_ =	swait.ge [sflag:s24], $0x1400  }
0x9a: {  	s17 =	sadd.s32 $0x1, s17;
	[sflag:s24] =	ssyncset.done $0x0  }
0x9b: {  	p0 =	sne.s32 s17, s10;
	[sflag:s24] =	ssyncadd.s32 $0xFFFFEC00  }
.Ltmp1:
0x9c: {  	[bflag:$0x0] =	sbarrier.arrive $0xFFFF;
	(pc) =	sbr.rel @p0 .LBB2_1-.Ltmp1, $4  }
0x9d: {  	[hbm:s9], [sflag:s6] =	dma.local [spmem:s11], $0x1400  }
0x9e: {  	_ =	swait.ge [sflag:s12], $0x1400  }
0x9f: {  	[sflag:s12] =	ssyncset.done $0x0  }
0xa0: {  	[sflag:s12] =	ssyncadd.s32 $0xFFFFEC00  }
0xa1: {  	_ =	sfence.sel $0x180000  }
0xa2: {  	[bflag:$0x0] =	sbarrier.arrive $0xFFFF  }
0xa3: {  	_ =	strace $0x90000059  }
0xa4: {  	s0 =	stileid.u32;
	[bflag:$0x2] =	sbarrier.arrive $0xFFFF  }
0xa5: {  	p0 =	sne.s32 s0, $0x0;
	s0 =	rddreg [dreg:$0x3]  }
0xa6: {  	s0 =	sadd.s32 @!p0 $0x100000, s0  }
0xa7: {  	[sflag:s0] =	ssyncadd.tile.s32 @!p0 $0x1;
	_ =	shalt  }
.Lfunc_end2:
_tile_overlayer_lowered:
.L_overlay_start_2:
0xa8: {  	(tag) =	ssettag $0x2  }
0xa9: {  	s0 =	rddreg [dreg:$0x0];
	s2 =	stileid.u32  }
0xaa: {  	s1 =	rddreg [dreg:$0x1];
	p0 =	sne.s32 s2, $0x0  }
0xab: {  	s3 =	rddreg [dreg:$0x2];
	[bflag:$0x3] =	sbarrier.arrive $0xFFFF;
	s2 =	simm.s32 @!p0 $0x1C07  }
0xac: {  	[timem:s3], [sflag:s2] =	dma.local @!p0 [hbm:s0], s1  }
0xad: {  	s0 =	simm.s32 @!p0 $0x7  }
0xae: {  	_ =	swait.ge @!p0 [sflag:s0], s1  }
0xaf: {  	s1 =	ssub.s32 @!p0 $0x0, s1;
	[sflag:s0] =	ssyncset.done @!p0 $0x0  }
0xb0: {  	[sflag:s0] =	ssyncadd.s32 @!p0 s1  }
0xb1: {  	[bflag:$0x3] =	sbarrier.arrive $0xFFFF  }
0xb2: {  	_ =	shalt  }

</sc_bundles>
